<compile_context>
chip_gen: v7x
topology: tpu7x:2x2x1
jax: 0.10.2.dev20260603
libtpu: 0.0.44.dev20260713+nightly
codegen_flags: <defaults>
</compile_context>

<pallas_src>
import functools

import jax
import jax.numpy as jnp
from jax import lax
from jax.experimental import pallas as pl
from jax.experimental.pallas import tpu as pltpu
from jax.experimental.pallas import tpu_sc as plsc

N = 10000
D = 128
E = 320000

NPAD = 10240
NC = 2
NS = 16
NW = NC * NS
C = 80
NBUF = 4
BLK = 3
ETOT = E + N
K4 = BLK * (-(-ETOT // (NW * C * NBUF * BLK)))
EPAD = NW * C * NBUF * K4
ROWS_PER_TILE = NPAD // NS



def _sc_edge_body(h_hbm, as_hbm, ad_hbm, src_hbm, dst_hbm,
                  acc_out, s_out,
                  *scr):
    bufs = [scr[6 * b:6 * b + 6] for b in range(NBUF)]
    zbuf = scr[6 * NBUF]
    acc_sh = scr[6 * NBUF + 1]
    s_sh = scr[6 * NBUF + 2]
    sem_g = scr[6 * NBUF + 3:6 * NBUF + 3 + NBUF]
    sem_s = scr[6 * NBUF + 3 + NBUF:6 * NBUF + 3 + 2 * NBUF]
    sem_e = scr[6 * NBUF + 3 + 2 * NBUF:6 * NBUF + 3 + 3 * NBUF]

    c = lax.axis_index("c")
    sid = lax.axis_index("s")
    w = sid * NC + c

    rows0 = bufs[0][5]

    def _zrow(i, carry):
        for f in range(D // 16):
            rows0[i, pl.ds(f * 16, 16)] = jnp.zeros((16,), jnp.float32)
        return carry
    lax.fori_loop(0, C, _zrow, 0)

    def _zb(i, carry):
        zbuf[pl.ds(i * 16, 16)] = jnp.zeros((16,), jnp.float32)
        return carry
    lax.fori_loop(0, ROWS_PER_TILE // 16, _zb, 0)

    base = sid * ROWS_PER_TILE
    for j in range(ROWS_PER_TILE // C):
        pltpu.sync_copy(rows0, acc_sh.at[pl.ds(base + j * C, C)])
    pltpu.sync_copy(zbuf, s_sh.at[pl.ds(base, ROWS_PER_TILE)])

    plsc.subcore_barrier()

    def _drain(b):
        srcb, dstb, asv, adv, evals, rows = bufs[b]
        pltpu.make_async_copy(rows, acc_sh.at[dstb.at[0]], sem_s[b]).wait()
        pltpu.make_async_copy(evals, s_sh.at[dstb.at[0]], sem_e[b]).wait()

    def _launch(b, j):
        srcb, dstb, asv, adv, evals, rows = bufs[b]
        jj = lax.rem(j, BLK)

        @pl.when(jj == 0)
        def _():
            blk = lax.div(j, BLK)
            pltpu.sync_copy(src_hbm.at[w, b, blk], srcb)
            pltpu.sync_copy(dst_hbm.at[w, b, blk], dstb)

        pltpu.async_copy(h_hbm.at[srcb.at[jj]], rows, sem_g[b])
        pltpu.async_copy(as_hbm.at[srcb.at[jj]], asv, sem_g[b])
        pltpu.async_copy(ad_hbm.at[dstb.at[jj]], adv, sem_g[b])

    def _wait_gathers(b, j):
        srcb, dstb, asv, adv, evals, rows = bufs[b]
        jj = lax.rem(j, BLK)
        pltpu.make_async_copy(h_hbm.at[srcb.at[jj]], rows, sem_g[b]).wait()
        pltpu.make_async_copy(as_hbm.at[srcb.at[jj]], asv, sem_g[b]).wait()
        pltpu.make_async_copy(ad_hbm.at[dstb.at[jj]], adv, sem_g[b]).wait()

    def _process(b, j):
        srcb, dstb, asv, adv, evals, rows = bufs[b]
        jj = lax.rem(j, BLK)
        for g in range(C // 16):
            z = asv[pl.ds(g * 16, 16)] + adv[pl.ds(g * 16, 16)]
            alpha = jnp.where(z > 0, z, 0.2 * z)
            evals[pl.ds(g * 16, 16)] = jnp.exp(alpha)

        @plsc.parallel_loop(0, C, 1, unroll=8)
        def _scale(e):
            evb = plsc.load_gather(evals, [jnp.broadcast_to(e, (16,))])
            for f in range(D // 16):
                rows[e, pl.ds(f * 16, 16)] = rows[e, pl.ds(f * 16, 16)] * evb

        pltpu.async_copy(evals, s_sh.at[dstb.at[jj]], sem_e[b], add=True)
        pltpu.async_copy(rows, acc_sh.at[dstb.at[jj]], sem_s[b], add=True)

    _launch(0, 0)
    _launch(1, 0)

    def _iter(kk, carry):
        for b in range(NBUF):
            _wait_gathers(b, kk)
            _process(b, kk)
            bb = (b + 2) % NBUF
            if b < 2:
                @pl.when(kk > 0)
                def _():
                    _drain(bb)
                _launch(bb, kk)
            else:
                @pl.when(kk + 1 < K4)
                def _():
                    _drain(bb)
                    _launch(bb, kk + 1)
        return carry

    lax.fori_loop(0, K4, _iter, 0)
    for b in range(NBUF):
        _drain(b)

    plsc.subcore_barrier()

    for j in range(ROWS_PER_TILE // C):
        buf = bufs[j % 2][5]
        pltpu.sync_copy(acc_sh.at[pl.ds(base + j * C, C)], buf)
        pltpu.sync_copy(buf, acc_out.at[c, pl.ds(base + j * C, C)])
    pltpu.sync_copy(s_sh.at[pl.ds(base, ROWS_PER_TILE)], zbuf)
    pltpu.sync_copy(zbuf, s_out.at[c, pl.ds(base, ROWS_PER_TILE)])


@jax.jit
def _sc_edge(h, as1, ad1, src, dst):
    mesh = plsc.VectorSubcoreMesh(core_axis_name="c", subcore_axis_name="s")
    buf = lambda: [
        pltpu.VMEM((BLK, C), jnp.int32),
        pltpu.VMEM((BLK, C), jnp.int32),
        pltpu.VMEM((C,), jnp.float32),
        pltpu.VMEM((C,), jnp.float32),
        pltpu.VMEM((C,), jnp.float32),
        pltpu.VMEM((C, D), jnp.float32),
    ]
    fn = pl.kernel(
        _sc_edge_body,
        mesh=mesh,
        compiler_params=pltpu.CompilerParams(needs_layout_passes=False),
        out_type=(
            jax.ShapeDtypeStruct((NC, NPAD, D), jnp.float32),
            jax.ShapeDtypeStruct((NC, NPAD), jnp.float32),
        ),
        scratch_types=buf() + buf() + buf() + buf() + [
            pltpu.VMEM((ROWS_PER_TILE,), jnp.float32),
            pltpu.VMEM_SHARED((NPAD, D), jnp.float32),
            pltpu.VMEM_SHARED((NPAD,), jnp.float32),
        ] + [pltpu.SemaphoreType.DMA] * (3 * NBUF),
    )
    return fn(h, as1, ad1, src, dst)



def _tc_front_body(x_ref, w_ref, a_ref, h_ref, as_ref, ad_ref):
    h = jnp.dot(x_ref[...], w_ref[...], preferred_element_type=jnp.float32)
    h_ref[...] = h
    asad = lax.dot_general(
        a_ref[...], h, (((1,), (1,)), ((), ())),
        preferred_element_type=jnp.float32)
    as_ref[...] = asad[0]
    ad_ref[...] = asad[1]


def _tc_mid_body(acc_ref, s_ref, b_ref, g_ref, be_ref, rm_ref, rv_ref,
                 w_ref, a_ref, h_ref, as_ref, ad_ref):
    s = s_ref[0] + s_ref[1] + 1e-16
    agg = (acc_ref[0] + acc_ref[1]) / s[:, None] + b_ref[...]
    xb = (agg - rm_ref[...]) * (g_ref[...] * lax.rsqrt(rv_ref[...] + 1e-5))
    xb = xb + be_ref[...]
    x = jnp.maximum(xb, 0.0)
    h = jnp.dot(x, w_ref[...], preferred_element_type=jnp.float32)
    h_ref[...] = h
    asad = lax.dot_general(
        a_ref[...], h, (((1,), (1,)), ((), ())),
        preferred_element_type=jnp.float32)
    as_ref[...] = asad[0]
    ad_ref[...] = asad[1]


def _tc_final_body(acc_ref, s_ref, b_ref, out_ref):
    s = s_ref[0] + s_ref[1] + 1e-16
    out_ref[...] = (acc_ref[0] + acc_ref[1]) / s[:, None] + b_ref[...]


_HS_OUT = (jax.ShapeDtypeStruct((NPAD, D), jnp.float32),
           jax.ShapeDtypeStruct((NPAD,), jnp.float32),
           jax.ShapeDtypeStruct((NPAD,), jnp.float32))

_tc_front = pl.pallas_call(_tc_front_body, out_shape=_HS_OUT)
_tc_mid = pl.pallas_call(_tc_mid_body, out_shape=_HS_OUT)
_tc_final = pl.pallas_call(
    _tc_final_body, out_shape=jax.ShapeDtypeStruct((NPAD, D), jnp.float32))



def kernel(x, edge_index, W0, a_s0, a_d0, b0, W1, a_s1, a_d1, b1,
           W2, a_s2, a_d2, b2, g0, beta0, rm0, rv0, g1, beta1, rm1, rv1):
    ei = edge_index.astype(jnp.int32)
    loop_idx = jnp.arange(N, dtype=jnp.int32)
    npadex = EPAD - ETOT
    pad_i = jnp.arange(npadex, dtype=jnp.int32)
    pad_src = N + ((pad_i + 64) % 128)
    pad_dst = N + (pad_i % 128)
    src = jnp.concatenate([ei[0], loop_idx, pad_src]).reshape(
        NW, NBUF, K4 // BLK, BLK, C)
    dst = jnp.concatenate([ei[1], loop_idx, pad_dst]).reshape(
        NW, NBUF, K4 // BLK, BLK, C)

    x_pad = jnp.pad(x, ((0, NPAD - N), (0, 0)))

    def amat(a_s, a_d):
        return jnp.zeros((8, D), jnp.float32).at[0].set(a_s).at[1].set(a_d)

    A0, A1, A2 = amat(a_s0, a_d0), amat(a_s1, a_d1), amat(a_s2, a_d2)
    r2 = lambda v: v.reshape(1, D)

    h, as1, ad1 = _tc_front(x_pad, W0, A0)
    acc, sden = _sc_edge(h, as1, ad1, src, dst)
    h, as1, ad1 = _tc_mid(acc, sden, r2(b0), r2(g0), r2(beta0), r2(rm0),
                          r2(rv0), W1, A1)
    acc, sden = _sc_edge(h, as1, ad1, src, dst)
    h, as1, ad1 = _tc_mid(acc, sden, r2(b1), r2(g1), r2(beta1), r2(rm1),
                          r2(rv1), W2, A2)
    acc, sden = _sc_edge(h, as1, ad1, src, dst)
    out = _tc_final(acc, sden, r2(b2))
    return out[:N]

# --- scband reference (transcript-rebuilt; emitter-appended) ---
"""Pipeline reference for scband-gat-4346506904233 (READ-ONLY COPY).

The authoritative reference and input builder live on the scoring server;
editing this copy changes nothing except your own understanding.
"""

import jax, jax.numpy as jnp
import numpy as np

N = 10000
E = 320000
D = 128

def _glorot(key, shape, scale=0.1):
    return jax.random.normal(key, shape, dtype=jnp.float32) * scale

def gat_conv(x, src, dst, W, a_s, a_d, b, n):
    # PyG-style GATConv, heads=1, concat=True, negative_slope=0.2
    h = x @ W
    alpha_src = h @ a_s
    alpha_dst = h @ a_d
    alpha = jax.nn.leaky_relu(alpha_src[src] + alpha_dst[dst], negative_slope=0.2)
    m = jax.ops.segment_max(alpha, dst, num_segments=n)
    m = jnp.where(jnp.isneginf(m), 0.0, m)
    e = jnp.exp(alpha - m[dst])
    s = jax.ops.segment_sum(e, dst, num_segments=n)
    coef = e / (s[dst] + 1e-16)
    out = jax.ops.segment_sum(coef[:, None] * h[src], dst, num_segments=n)
    return out + b

def bn_eval(x, g, beta, rm, rv):
    return (x - rm) / jnp.sqrt(rv + 1e-5) * g + beta

def setup_inputs(seed: int = 0) -> dict:
    key = jax.random.key(seed)
    ks = jax.random.split(key, 16)
    inp = {}
    inp['x'] = jax.random.normal(ks[0], (N, D), dtype=jnp.float32)
    inp['edge_index'] = jax.random.randint(ks[1], (2, E), 0, N, dtype=jnp.int64)
    # GATConv params (3 layers, all 128->128)
    for i in range(3):
        inp[f'W{i}'] = _glorot(ks[2 + 4 * i], (D, D))
        inp[f'a_s{i}'] = _glorot(ks[3 + 4 * i], (D,))
        inp[f'a_d{i}'] = _glorot(ks[4 + 4 * i], (D,))
        inp[f'b{i}'] = jnp.zeros((D,), dtype=jnp.float32)
    # BatchNorm params/buffers (2 bns)
    for i in range(2):
        inp[f'g{i}'] = jnp.ones((D,), dtype=jnp.float32)
        inp[f'beta{i}'] = jnp.zeros((D,), dtype=jnp.float32)
        inp[f'rm{i}'] = jnp.zeros((D,), dtype=jnp.float32)
        inp[f'rv{i}'] = jnp.ones((D,), dtype=jnp.float32)
    return inp

def reference(x, edge_index, W0, a_s0, a_d0, b0, W1, a_s1, a_d1, b1, W2, a_s2, a_d2, b2, g0, beta0, rm0, rv0, g1, beta1, rm1, rv1):
    # add self loops (PyG GATConv default add_self_loops=True)
    loop = jnp.arange(N, dtype=edge_index.dtype)
    src = jnp.concatenate([edge_index[0], loop])
    dst = jnp.concatenate([edge_index[1], loop])
    h = gat_conv(x, src, dst, W0, a_s0, a_d0, b0, N)
    h = jax.nn.relu(bn_eval(h, g0, beta0, rm0, rv0))
    h = gat_conv(h, src, dst, W1, a_s1, a_d1, b1, N)
    h = jax.nn.relu(bn_eval(h, g1, beta1, rm1, rv1))
    out = gat_conv(h, src, dst, W2, a_s2, a_d2, b2, N)
    return out

if __name__ == "__main__":
    import jax
    _d = setup_inputs()
    print(jax.jit(kernel)(*tuple(_d.values())))

</pallas_src>

<mosaic_0001>
#map = affine_map<(d0, d1) -> (0, 0)>
#map1 = affine_map<(d0, d1) -> (0)>
#map2 = affine_map<(d0, d1) -> (0, 0, 0, 0, 0)>
#map3 = affine_map<(d0, d1) -> (0, 0, 0)>
module attributes {stable_mosaic.version = 14 : i64} {
  func.func @_sc_edge_body(%arg0: i32, %arg1: i32, %arg2: memref<10240x128xf32, #tpu.memory_space<hbm>>, %arg3: memref<10240xf32, #tpu.memory_space<hbm>>, %arg4: memref<10240xf32, #tpu.memory_space<hbm>>, %arg5: memref<32x4x11x3x80xi32, #tpu.memory_space<hbm>>, %arg6: memref<32x4x11x3x80xi32, #tpu.memory_space<hbm>>, %arg7: memref<2x10240x128xf32, #tpu.memory_space<hbm>>, %arg8: memref<2x10240xf32, #tpu.memory_space<hbm>>, %arg9: memref<3x80xi32, #tpu.memory_space<vmem>>, %arg10: memref<3x80xi32, #tpu.memory_space<vmem>>, %arg11: memref<80xf32, #tpu.memory_space<vmem>>, %arg12: memref<80xf32, #tpu.memory_space<vmem>>, %arg13: memref<80xf32, #tpu.memory_space<vmem>>, %arg14: memref<80x128xf32, #tpu.memory_space<vmem>>, %arg15: memref<3x80xi32, #tpu.memory_space<vmem>>, %arg16: memref<3x80xi32, #tpu.memory_space<vmem>>, %arg17: memref<80xf32, #tpu.memory_space<vmem>>, %arg18: memref<80xf32, #tpu.memory_space<vmem>>, %arg19: memref<80xf32, #tpu.memory_space<vmem>>, %arg20: memref<80x128xf32, #tpu.memory_space<vmem>>, %arg21: memref<3x80xi32, #tpu.memory_space<vmem>>, %arg22: memref<3x80xi32, #tpu.memory_space<vmem>>, %arg23: memref<80xf32, #tpu.memory_space<vmem>>, %arg24: memref<80xf32, #tpu.memory_space<vmem>>, %arg25: memref<80xf32, #tpu.memory_space<vmem>>, %arg26: memref<80x128xf32, #tpu.memory_space<vmem>>, %arg27: memref<3x80xi32, #tpu.memory_space<vmem>>, %arg28: memref<3x80xi32, #tpu.memory_space<vmem>>, %arg29: memref<80xf32, #tpu.memory_space<vmem>>, %arg30: memref<80xf32, #tpu.memory_space<vmem>>, %arg31: memref<80xf32, #tpu.memory_space<vmem>>, %arg32: memref<80x128xf32, #tpu.memory_space<vmem>>, %arg33: memref<640xf32, #tpu.memory_space<vmem>>, %arg34: memref<10240x128xf32, #tpu.memory_space<vmem_shared>>, %arg35: memref<10240xf32, #tpu.memory_space<vmem_shared>>, %arg36: memref<!tpu.dma_semaphore, #tpu.memory_space<semaphore_mem>>, %arg37: memref<!tpu.dma_semaphore, #tpu.memory_space<semaphore_mem>>, %arg38: memref<!tpu.dma_semaphore, #tpu.memory_space<semaphore_mem>>, %arg39: memref<!tpu.dma_semaphore, #tpu.memory_space<semaphore_mem>>, %arg40: memref<!tpu.dma_semaphore, #tpu.memory_space<semaphore_mem>>, %arg41: memref<!tpu.dma_semaphore, #tpu.memory_space<semaphore_mem>>, %arg42: memref<!tpu.dma_semaphore, #tpu.memory_space<semaphore_mem>>, %arg43: memref<!tpu.dma_semaphore, #tpu.memory_space<semaphore_mem>>, %arg44: memref<!tpu.dma_semaphore, #tpu.memory_space<semaphore_mem>>, %arg45: memref<!tpu.dma_semaphore, #tpu.memory_space<semaphore_mem>>, %arg46: memref<!tpu.dma_semaphore, #tpu.memory_space<semaphore_mem>>, %arg47: memref<!tpu.dma_semaphore, #tpu.memory_space<semaphore_mem>>) attributes {dimension_semantics = [#tpu.dimension_semantics<core_parallel>, #tpu.dimension_semantics<subcore_parallel>], iteration_bounds = array<i64: 2, 16>, scalar_prefetch = 0 : i64, scratch_operands = 39 : i64, tpu.core_type = #tpu.core_type<sc_vector_subcore>, window_params = [{transform_indices = #map}, {transform_indices = #map1}, {transform_indices = #map1}, {transform_indices = #map2}, {transform_indices = #map2}, {transform_indices = #map3}, {transform_indices = #map}]} {
    %mul3A = arith.constant 2 : i32
    %mul3A_0 = arith.muli %arg1, %mul3A : i32
    %add3A = arith.addi %mul3A_0, %arg0 : i32
    %scan3A = arith.constant 0 : i32
    %scan3A_1 = arith.constant 0 : i32
    %scan3A_2 = arith.constant 80 : i32
    %scan3A_3 = arith.addi %scan3A_1, %scan3A_2 : i32
    %scan3A_4 = arith.constant 1 : i32
    scf.for %scan3A_163 = %scan3A_1 to %scan3A_3 step %scan3A_4  : i32 {
      %broadcast_in_dim3A = arith.constant 0.000000e+00 : f32
      %broadcast_in_dim3A_164 = vector.broadcast %broadcast_in_dim3A : f32 to vector<16xf32>
      %swap3A = arith.index_cast %scan3A_163 : i32 to index
      %swap3A_165 = arith.constant 0 : index
      %swap3A_166 = tpu.vector_load %arg14[%swap3A, %swap3A_165] {strides = array<i32>} : memref<80x128xf32, #tpu.memory_space<vmem>>, vector<16xf32>,
      tpu.vector_store %arg14[%swap3A, %swap3A_165], %broadcast_in_dim3A_164 {strides = array<i32>} : memref<80x128xf32, #tpu.memory_space<vmem>>, vector<16xf32>,
      %broadcast_in_dim3A_167 = arith.constant 0.000000e+00 : f32
      %broadcast_in_dim3A_168 = vector.broadcast %broadcast_in_dim3A_167 : f32 to vector<16xf32>
      %swap3A_169 = arith.index_cast %scan3A_163 : i32 to index
      %swap3A_170 = arith.constant 16 : index
      %swap3A_171 = tpu.vector_load %arg14[%swap3A_169, %swap3A_170] {strides = array<i32>} : memref<80x128xf32, #tpu.memory_space<vmem>>, vector<16xf32>,
      tpu.vector_store %arg14[%swap3A_169, %swap3A_170], %broadcast_in_dim3A_168 {strides = array<i32>} : memref<80x128xf32, #tpu.memory_space<vmem>>, vector<16xf32>,
      %broadcast_in_dim3A_172 = arith.constant 0.000000e+00 : f32
      %broadcast_in_dim3A_173 = vector.broadcast %broadcast_in_dim3A_172 : f32 to vector<16xf32>
      %swap3A_174 = arith.index_cast %scan3A_163 : i32 to index
      %swap3A_175 = arith.constant 32 : index
      %swap3A_176 = tpu.vector_load %arg14[%swap3A_174, %swap3A_175] {strides = array<i32>} : memref<80x128xf32, #tpu.memory_space<vmem>>, vector<16xf32>,
      tpu.vector_store %arg14[%swap3A_174, %swap3A_175], %broadcast_in_dim3A_173 {strides = array<i32>} : memref<80x128xf32, #tpu.memory_space<vmem>>, vector<16xf32>,
      %broadcast_in_dim3A_177 = arith.constant 0.000000e+00 : f32
      %broadcast_in_dim3A_178 = vector.broadcast %broadcast_in_dim3A_177 : f32 to vector<16xf32>
      %swap3A_179 = arith.index_cast %scan3A_163 : i32 to index
      %swap3A_180 = arith.constant 48 : index
      %swap3A_181 = tpu.vector_load %arg14[%swap3A_179, %swap3A_180] {strides = array<i32>} : memref<80x128xf32, #tpu.memory_space<vmem>>, vector<16xf32>,
      tpu.vector_store %arg14[%swap3A_179, %swap3A_180], %broadcast_in_dim3A_178 {strides = array<i32>} : memref<80x128xf32, #tpu.memory_space<vmem>>, vector<16xf32>,
      %broadcast_in_dim3A_182 = arith.constant 0.000000e+00 : f32
      %broadcast_in_dim3A_183 = vector.broadcast %broadcast_in_dim3A_182 : f32 to vector<16xf32>
      %swap3A_184 = arith.index_cast %scan3A_163 : i32 to index
      %swap3A_185 = arith.constant 64 : index
      %swap3A_186 = tpu.vector_load %arg14[%swap3A_184, %swap3A_185] {strides = array<i32>} : memref<80x128xf32, #tpu.memory_space<vmem>>, vector<16xf32>,
      tpu.vector_store %arg14[%swap3A_184, %swap3A_185], %broadcast_in_dim3A_183 {strides = array<i32>} : memref<80x128xf32, #tpu.memory_space<vmem>>, vector<16xf32>,
      %broadcast_in_dim3A_187 = arith.constant 0.000000e+00 : f32
      %broadcast_in_dim3A_188 = vector.broadcast %broadcast_in_dim3A_187 : f32 to vector<16xf32>
      %swap3A_189 = arith.index_cast %scan3A_163 : i32 to index
      %swap3A_190 = arith.constant 80 : index
      %swap3A_191 = tpu.vector_load %arg14[%swap3A_189, %swap3A_190] {strides = array<i32>} : memref<80x128xf32, #tpu.memory_space<vmem>>, vector<16xf32>,
      tpu.vector_store %arg14[%swap3A_189, %swap3A_190], %broadcast_in_dim3A_188 {strides = array<i32>} : memref<80x128xf32, #tpu.memory_space<vmem>>, vector<16xf32>,
      %broadcast_in_dim3A_192 = arith.constant 0.000000e+00 : f32
      %broadcast_in_dim3A_193 = vector.broadcast %broadcast_in_dim3A_192 : f32 to vector<16xf32>
      %swap3A_194 = arith.index_cast %scan3A_163 : i32 to index
      %swap3A_195 = arith.constant 96 : index
      %swap3A_196 = tpu.vector_load %arg14[%swap3A_194, %swap3A_195] {strides = array<i32>} : memref<80x128xf32, #tpu.memory_space<vmem>>, vector<16xf32>,
      tpu.vector_store %arg14[%swap3A_194, %swap3A_195], %broadcast_in_dim3A_193 {strides = array<i32>} : memref<80x128xf32, #tpu.memory_space<vmem>>, vector<16xf32>,
      %broadcast_in_dim3A_197 = arith.constant 0.000000e+00 : f32
      %broadcast_in_dim3A_198 = vector.broadcast %broadcast_in_dim3A_197 : f32 to vector<16xf32>
      %swap3A_199 = arith.index_cast %scan3A_163 : i32 to index
      %swap3A_200 = arith.constant 112 : index
      %swap3A_201 = tpu.vector_load %arg14[%swap3A_199, %swap3A_200] {strides = array<i32>} : memref<80x128xf32, #tpu.memory_space<vmem>>, vector<16xf32>,
      tpu.vector_store %arg14[%swap3A_199, %swap3A_200], %broadcast_in_dim3A_198 {strides = array<i32>} : memref<80x128xf32, #tpu.memory_space<vmem>>, vector<16xf32>,
    }
    %scan3A_5 = arith.constant 80 : i32
    %scan3A_6 = arith.constant 0 : i32
    %scan3A_7 = arith.constant 0 : i32
    %scan3A_8 = arith.constant 40 : i32
    %scan3A_9 = arith.addi %scan3A_7, %scan3A_8 : i32
    %scan3A_10 = arith.constant 1 : i32
    scf.for %scan3A_163 = %scan3A_7 to %scan3A_9 step %scan3A_10  : i32 {
      %broadcast_in_dim3A = arith.constant 0.000000e+00 : f32
      %broadcast_in_dim3A_164 = vector.broadcast %broadcast_in_dim3A : f32 to vector<16xf32>
      %mul3A_165 = arith.constant 16 : i32
      %mul3A_166 = arith.muli %scan3A_163, %mul3A_165 : i32
      %swap3A = arith.index_cast %mul3A_166 : i32 to index
      %swap3A_167 = tpu.vector_load %arg33[%swap3A] {strides = array<i32>} : memref<640xf32, #tpu.memory_space<vmem>>, vector<16xf32>,
      tpu.vector_store %arg33[%swap3A], %broadcast_in_dim3A_164 {strides = array<i32>} : memref<640xf32, #tpu.memory_space<vmem>>, vector<16xf32>,
    }
    %scan3A_11 = arith.constant 40 : i32
    %mul3A_12 = arith.constant 640 : i32
    %mul3A_13 = arith.muli %arg1, %mul3A_12 : i32
    %add3A_14 = arith.constant 0 : i32
    %add3A_15 = arith.addi %mul3A_13, %add3A_14 : i32
    "tpu.region"() ({
      %run_scoped3A = tpu.sem_alloc : memref<!tpu.dma_semaphore, #tpu.memory_space<semaphore_mem>>
      %dma_start3A_163 = arith.constant 0 : i32
      %dma_start3A_164 = tpu.memref_slice %arg34[%add3A_15, %dma_start3A_163] : memref<10240x128xf32, #tpu.memory_space<vmem_shared>> -> memref<80x128xf32, #tpu.memory_space<vmem_shared>>
      %dma_start3A_165 = arith.constant 0 : i32
      %dma_start3A_166 = tpu.memref_slice %arg34[%add3A_15, %dma_start3A_165] : memref<10240x128xf32, #tpu.memory_space<vmem_shared>> -> memref<80x128xf32, #tpu.memory_space<vmem_shared>>
      tpu.enqueue_dma source(%arg14 : memref<80x128xf32, #tpu.memory_space<vmem>>) target(%dma_start3A_166 : memref<80x128xf32, #tpu.memory_space<vmem_shared>>) target_semaphore(%run_scoped3A : memref<!tpu.dma_semaphore, #tpu.memory_space<semaphore_mem>>)
      %dma_wait3A_167 = arith.constant 0 : i32
      %dma_wait3A_168 = tpu.memref_slice %arg34[%add3A_15, %dma_wait3A_167] : memref<10240x128xf32, #tpu.memory_space<vmem_shared>> -> memref<80x128xf32, #tpu.memory_space<vmem_shared>>
      %dma_wait3A_169 = arith.constant 0 : i32
      %dma_wait3A_170 = tpu.memref_slice %arg34[%add3A_15, %dma_wait3A_169] : memref<10240x128xf32, #tpu.memory_space<vmem_shared>> -> memref<80x128xf32, #tpu.memory_space<vmem_shared>>
      tpu.wait_dma2 semaphore(%run_scoped3A : memref<!tpu.dma_semaphore, #tpu.memory_space<semaphore_mem>>) src(%arg14 : memref<80x128xf32, #tpu.memory_space<vmem>>) dst(%dma_wait3A_170 : memref<80x128xf32, #tpu.memory_space<vmem_shared>>)
      tpu.yield
    }) : () -> ()
    %add3A_16 = arith.constant 80 : i32
    %add3A_17 = arith.addi %mul3A_13, %add3A_16 : i32
    "tpu.region"() ({
      %run_scoped3A = tpu.sem_alloc : memref<!tpu.dma_semaphore, #tpu.memory_space<semaphore_mem>>
      %dma_start3A_163 = arith.constant 0 : i32
      %dma_start3A_164 = tpu.memref_slice %arg34[%add3A_17, %dma_start3A_163] : memref<10240x128xf32, #tpu.memory_space<vmem_shared>> -> memref<80x128xf32, #tpu.memory_space<vmem_shared>>
      %dma_start3A_165 = arith.constant 0 : i32
      %dma_start3A_166 = tpu.memref_slice %arg34[%add3A_17, %dma_start3A_165] : memref<10240x128xf32, #tpu.memory_space<vmem_shared>> -> memref<80x128xf32, #tpu.memory_space<vmem_shared>>
      tpu.enqueue_dma source(%arg14 : memref<80x128xf32, #tpu.memory_space<vmem>>) target(%dma_start3A_166 : memref<80x128xf32, #tpu.memory_space<vmem_shared>>) target_semaphore(%run_scoped3A : memref<!tpu.dma_semaphore, #tpu.memory_space<semaphore_mem>>)
      %dma_wait3A_167 = arith.constant 0 : i32
      %dma_wait3A_168 = tpu.memref_slice %arg34[%add3A_17, %dma_wait3A_167] : memref<10240x128xf32, #tpu.memory_space<vmem_shared>> -> memref<80x128xf32, #tpu.memory_space<vmem_shared>>
      %dma_wait3A_169 = arith.constant 0 : i32
      %dma_wait3A_170 = tpu.memref_slice %arg34[%add3A_17, %dma_wait3A_169] : memref<10240x128xf32, #tpu.memory_space<vmem_shared>> -> memref<80x128xf32, #tpu.memory_space<vmem_shared>>
      tpu.wait_dma2 semaphore(%run_scoped3A : memref<!tpu.dma_semaphore, #tpu.memory_space<semaphore_mem>>) src(%arg14 : memref<80x128xf32, #tpu.memory_space<vmem>>) dst(%dma_wait3A_170 : memref<80x128xf32, #tpu.memory_space<vmem_shared>>)
      tpu.yield
    }) : () -> ()
    %add3A_18 = arith.constant 160 : i32
    %add3A_19 = arith.addi %mul3A_13, %add3A_18 : i32
    "tpu.region"() ({
      %run_scoped3A = tpu.sem_alloc : memref<!tpu.dma_semaphore, #tpu.memory_space<semaphore_mem>>
      %dma_start3A_163 = arith.constant 0 : i32
      %dma_start3A_164 = tpu.memref_slice %arg34[%add3A_19, %dma_start3A_163] : memref<10240x128xf32, #tpu.memory_space<vmem_shared>> -> memref<80x128xf32, #tpu.memory_space<vmem_shared>>
      %dma_start3A_165 = arith.constant 0 : i32
      %dma_start3A_166 = tpu.memref_slice %arg34[%add3A_19, %dma_start3A_165] : memref<10240x128xf32, #tpu.memory_space<vmem_shared>> -> memref<80x128xf32, #tpu.memory_space<vmem_shared>>
      tpu.enqueue_dma source(%arg14 : memref<80x128xf32, #tpu.memory_space<vmem>>) target(%dma_start3A_166 : memref<80x128xf32, #tpu.memory_space<vmem_shared>>) target_semaphore(%run_scoped3A : memref<!tpu.dma_semaphore, #tpu.memory_space<semaphore_mem>>)
      %dma_wait3A_167 = arith.constant 0 : i32
      %dma_wait3A_168 = tpu.memref_slice %arg34[%add3A_19, %dma_wait3A_167] : memref<10240x128xf32, #tpu.memory_space<vmem_shared>> -> memref<80x128xf32, #tpu.memory_space<vmem_shared>>
      %dma_wait3A_169 = arith.constant 0 : i32
      %dma_wait3A_170 = tpu.memref_slice %arg34[%add3A_19, %dma_wait3A_169] : memref<10240x128xf32, #tpu.memory_space<vmem_shared>> -> memref<80x128xf32, #tpu.memory_space<vmem_shared>>
      tpu.wait_dma2 semaphore(%run_scoped3A : memref<!tpu.dma_semaphore, #tpu.memory_space<semaphore_mem>>) src(%arg14 : memref<80x128xf32, #tpu.memory_space<vmem>>) dst(%dma_wait3A_170 : memref<80x128xf32, #tpu.memory_space<vmem_shared>>)
      tpu.yield
    }) : () -> ()
    %add3A_20 = arith.constant 240 : i32
    %add3A_21 = arith.addi %mul3A_13, %add3A_20 : i32
    "tpu.region"() ({
      %run_scoped3A = tpu.sem_alloc : memref<!tpu.dma_semaphore, #tpu.memory_space<semaphore_mem>>
      %dma_start3A_163 = arith.constant 0 : i32
      %dma_start3A_164 = tpu.memref_slice %arg34[%add3A_21, %dma_start3A_163] : memref<10240x128xf32, #tpu.memory_space<vmem_shared>> -> memref<80x128xf32, #tpu.memory_space<vmem_shared>>
      %dma_start3A_165 = arith.constant 0 : i32
      %dma_start3A_166 = tpu.memref_slice %arg34[%add3A_21, %dma_start3A_165] : memref<10240x128xf32, #tpu.memory_space<vmem_shared>> -> memref<80x128xf32, #tpu.memory_space<vmem_shared>>
      tpu.enqueue_dma source(%arg14 : memref<80x128xf32, #tpu.memory_space<vmem>>) target(%dma_start3A_166 : memref<80x128xf32, #tpu.memory_space<vmem_shared>>) target_semaphore(%run_scoped3A : memref<!tpu.dma_semaphore, #tpu.memory_space<semaphore_mem>>)
      %dma_wait3A_167 = arith.constant 0 : i32
      %dma_wait3A_168 = tpu.memref_slice %arg34[%add3A_21, %dma_wait3A_167] : memref<10240x128xf32, #tpu.memory_space<vmem_shared>> -> memref<80x128xf32, #tpu.memory_space<vmem_shared>>
      %dma_wait3A_169 = arith.constant 0 : i32
      %dma_wait3A_170 = tpu.memref_slice %arg34[%add3A_21, %dma_wait3A_169] : memref<10240x128xf32, #tpu.memory_space<vmem_shared>> -> memref<80x128xf32, #tpu.memory_space<vmem_shared>>
      tpu.wait_dma2 semaphore(%run_scoped3A : memref<!tpu.dma_semaphore, #tpu.memory_space<semaphore_mem>>) src(%arg14 : memref<80x128xf32, #tpu.memory_space<vmem>>) dst(%dma_wait3A_170 : memref<80x128xf32, #tpu.memory_space<vmem_shared>>)
      tpu.yield
    }) : () -> ()
    %add3A_22 = arith.constant 320 : i32
    %add3A_23 = arith.addi %mul3A_13, %add3A_22 : i32
    "tpu.region"() ({
      %run_scoped3A = tpu.sem_alloc : memref<!tpu.dma_semaphore, #tpu.memory_space<semaphore_mem>>
      %dma_start3A_163 = arith.constant 0 : i32
      %dma_start3A_164 = tpu.memref_slice %arg34[%add3A_23, %dma_start3A_163] : memref<10240x128xf32, #tpu.memory_space<vmem_shared>> -> memref<80x128xf32, #tpu.memory_space<vmem_shared>>
      %dma_start3A_165 = arith.constant 0 : i32
      %dma_start3A_166 = tpu.memref_slice %arg34[%add3A_23, %dma_start3A_165] : memref<10240x128xf32, #tpu.memory_space<vmem_shared>> -> memref<80x128xf32, #tpu.memory_space<vmem_shared>>
      tpu.enqueue_dma source(%arg14 : memref<80x128xf32, #tpu.memory_space<vmem>>) target(%dma_start3A_166 : memref<80x128xf32, #tpu.memory_space<vmem_shared>>) target_semaphore(%run_scoped3A : memref<!tpu.dma_semaphore, #tpu.memory_space<semaphore_mem>>)
      %dma_wait3A_167 = arith.constant 0 : i32
      %dma_wait3A_168 = tpu.memref_slice %arg34[%add3A_23, %dma_wait3A_167] : memref<10240x128xf32, #tpu.memory_space<vmem_shared>> -> memref<80x128xf32, #tpu.memory_space<vmem_shared>>
      %dma_wait3A_169 = arith.constant 0 : i32
      %dma_wait3A_170 = tpu.memref_slice %arg34[%add3A_23, %dma_wait3A_169] : memref<10240x128xf32, #tpu.memory_space<vmem_shared>> -> memref<80x128xf32, #tpu.memory_space<vmem_shared>>
      tpu.wait_dma2 semaphore(%run_scoped3A : memref<!tpu.dma_semaphore, #tpu.memory_space<semaphore_mem>>) src(%arg14 : memref<80x128xf32, #tpu.memory_space<vmem>>) dst(%dma_wait3A_170 : memref<80x128xf32, #tpu.memory_space<vmem_shared>>)
      tpu.yield
    }) : () -> ()
    %add3A_24 = arith.constant 400 : i32
    %add3A_25 = arith.addi %mul3A_13, %add3A_24 : i32
    "tpu.region"() ({
      %run_scoped3A = tpu.sem_alloc : memref<!tpu.dma_semaphore, #tpu.memory_space<semaphore_mem>>
      %dma_start3A_163 = arith.constant 0 : i32
      %dma_start3A_164 = tpu.memref_slice %arg34[%add3A_25, %dma_start3A_163] : memref<10240x128xf32, #tpu.memory_space<vmem_shared>> -> memref<80x128xf32, #tpu.memory_space<vmem_shared>>
      %dma_start3A_165 = arith.constant 0 : i32
      %dma_start3A_166 = tpu.memref_slice %arg34[%add3A_25, %dma_start3A_165] : memref<10240x128xf32, #tpu.memory_space<vmem_shared>> -> memref<80x128xf32, #tpu.memory_space<vmem_shared>>
      tpu.enqueue_dma source(%arg14 : memref<80x128xf32, #tpu.memory_space<vmem>>) target(%dma_start3A_166 : memref<80x128xf32, #tpu.memory_space<vmem_shared>>) target_semaphore(%run_scoped3A : memref<!tpu.dma_semaphore, #tpu.memory_space<semaphore_mem>>)
      %dma_wait3A_167 = arith.constant 0 : i32
      %dma_wait3A_168 = tpu.memref_slice %arg34[%add3A_25, %dma_wait3A_167] : memref<10240x128xf32, #tpu.memory_space<vmem_shared>> -> memref<80x128xf32, #tpu.memory_space<vmem_shared>>
      %dma_wait3A_169 = arith.constant 0 : i32
      %dma_wait3A_170 = tpu.memref_slice %arg34[%add3A_25, %dma_wait3A_169] : memref<10240x128xf32, #tpu.memory_space<vmem_shared>> -> memref<80x128xf32, #tpu.memory_space<vmem_shared>>
      tpu.wait_dma2 semaphore(%run_scoped3A : memref<!tpu.dma_semaphore, #tpu.memory_space<semaphore_mem>>) src(%arg14 : memref<80x128xf32, #tpu.memory_space<vmem>>) dst(%dma_wait3A_170 : memref<80x128xf32, #tpu.memory_space<vmem_shared>>)
      tpu.yield
    }) : () -> ()
    %add3A_26 = arith.constant 480 : i32
    %add3A_27 = arith.addi %mul3A_13, %add3A_26 : i32
    "tpu.region"() ({
      %run_scoped3A = tpu.sem_alloc : memref<!tpu.dma_semaphore, #tpu.memory_space<semaphore_mem>>
      %dma_start3A_163 = arith.constant 0 : i32
      %dma_start3A_164 = tpu.memref_slice %arg34[%add3A_27, %dma_start3A_163] : memref<10240x128xf32, #tpu.memory_space<vmem_shared>> -> memref<80x128xf32, #tpu.memory_space<vmem_shared>>
      %dma_start3A_165 = arith.constant 0 : i32
      %dma_start3A_166 = tpu.memref_slice %arg34[%add3A_27, %dma_start3A_165] : memref<10240x128xf32, #tpu.memory_space<vmem_shared>> -> memref<80x128xf32, #tpu.memory_space<vmem_shared>>
      tpu.enqueue_dma source(%arg14 : memref<80x128xf32, #tpu.memory_space<vmem>>) target(%dma_start3A_166 : memref<80x128xf32, #tpu.memory_space<vmem_shared>>) target_semaphore(%run_scoped3A : memref<!tpu.dma_semaphore, #tpu.memory_space<semaphore_mem>>)
      %dma_wait3A_167 = arith.constant 0 : i32
      %dma_wait3A_168 = tpu.memref_slice %arg34[%add3A_27, %dma_wait3A_167] : memref<10240x128xf32, #tpu.memory_space<vmem_shared>> -> memref<80x128xf32, #tpu.memory_space<vmem_shared>>
      %dma_wait3A_169 = arith.constant 0 : i32
      %dma_wait3A_170 = tpu.memref_slice %arg34[%add3A_27, %dma_wait3A_169] : memref<10240x128xf32, #tpu.memory_space<vmem_shared>> -> memref<80x128xf32, #tpu.memory_space<vmem_shared>>
      tpu.wait_dma2 semaphore(%run_scoped3A : memref<!tpu.dma_semaphore, #tpu.memory_space<semaphore_mem>>) src(%arg14 : memref<80x128xf32, #tpu.memory_space<vmem>>) dst(%dma_wait3A_170 : memref<80x128xf32, #tpu.memory_space<vmem_shared>>)
      tpu.yield
    }) : () -> ()
    %add3A_28 = arith.constant 560 : i32
    %add3A_29 = arith.addi %mul3A_13, %add3A_28 : i32
    "tpu.region"() ({
      %run_scoped3A = tpu.sem_alloc : memref<!tpu.dma_semaphore, #tpu.memory_space<semaphore_mem>>
      %dma_start3A_163 = arith.constant 0 : i32
      %dma_start3A_164 = tpu.memref_slice %arg34[%add3A_29, %dma_start3A_163] : memref<10240x128xf32, #tpu.memory_space<vmem_shared>> -> memref<80x128xf32, #tpu.memory_space<vmem_shared>>
      %dma_start3A_165 = arith.constant 0 : i32
      %dma_start3A_166 = tpu.memref_slice %arg34[%add3A_29, %dma_start3A_165] : memref<10240x128xf32, #tpu.memory_space<vmem_shared>> -> memref<80x128xf32, #tpu.memory_space<vmem_shared>>
      tpu.enqueue_dma source(%arg14 : memref<80x128xf32, #tpu.memory_space<vmem>>) target(%dma_start3A_166 : memref<80x128xf32, #tpu.memory_space<vmem_shared>>) target_semaphore(%run_scoped3A : memref<!tpu.dma_semaphore, #tpu.memory_space<semaphore_mem>>)
      %dma_wait3A_167 = arith.constant 0 : i32
      %dma_wait3A_168 = tpu.memref_slice %arg34[%add3A_29, %dma_wait3A_167] : memref<10240x128xf32, #tpu.memory_space<vmem_shared>> -> memref<80x128xf32, #tpu.memory_space<vmem_shared>>
      %dma_wait3A_169 = arith.constant 0 : i32
      %dma_wait3A_170 = tpu.memref_slice %arg34[%add3A_29, %dma_wait3A_169] : memref<10240x128xf32, #tpu.memory_space<vmem_shared>> -> memref<80x128xf32, #tpu.memory_space<vmem_shared>>
      tpu.wait_dma2 semaphore(%run_scoped3A : memref<!tpu.dma_semaphore, #tpu.memory_space<semaphore_mem>>) src(%arg14 : memref<80x128xf32, #tpu.memory_space<vmem>>) dst(%dma_wait3A_170 : memref<80x128xf32, #tpu.memory_space<vmem_shared>>)
      tpu.yield
    }) : () -> ()
    "tpu.region"() ({
      %run_scoped3A = tpu.sem_alloc : memref<!tpu.dma_semaphore, #tpu.memory_space<semaphore_mem>>
      %dma_start3A_163 = tpu.memref_slice %arg35[%mul3A_13] : memref<10240xf32, #tpu.memory_space<vmem_shared>> -> memref<640xf32, #tpu.memory_space<vmem_shared>>
      %dma_start3A_164 = tpu.memref_slice %arg35[%mul3A_13] : memref<10240xf32, #tpu.memory_space<vmem_shared>> -> memref<640xf32, #tpu.memory_space<vmem_shared>>
      tpu.enqueue_dma source(%arg33 : memref<640xf32, #tpu.memory_space<vmem>>) target(%dma_start3A_164 : memref<640xf32, #tpu.memory_space<vmem_shared>>) target_semaphore(%run_scoped3A : memref<!tpu.dma_semaphore, #tpu.memory_space<semaphore_mem>>)
      %dma_wait3A_165 = tpu.memref_slice %arg35[%mul3A_13] : memref<10240xf32, #tpu.memory_space<vmem_shared>> -> memref<640xf32, #tpu.memory_space<vmem_shared>>
      %dma_wait3A_166 = tpu.memref_slice %arg35[%mul3A_13] : memref<10240xf32, #tpu.memory_space<vmem_shared>> -> memref<640xf32, #tpu.memory_space<vmem_shared>>
      tpu.wait_dma2 semaphore(%run_scoped3A : memref<!tpu.dma_semaphore, #tpu.memory_space<semaphore_mem>>) src(%arg33 : memref<640xf32, #tpu.memory_space<vmem>>) dst(%dma_wait3A_166 : memref<640xf32, #tpu.memory_space<vmem_shared>>)
      tpu.yield
    }) : () -> ()
    %barrier3A = arith.constant 0 : index
    tpu.barrier barrier_id(%barrier3A)
    %rem3A = arith.constant 0 : i32
    %rem3A_30 = arith.constant 3 : i32
    %rem3A_31 = arith.remsi %rem3A, %rem3A_30 : i32
    %eq3A = arith.constant 0 : i32
    %eq3A_32 = arith.cmpi eq, %rem3A_31, %eq3A : i32
    %convert_element_type3A = arith.extui %eq3A_32 : i1 to i32
    %cond3A = arith.constant 0 : i32
    %cond3A_33 = arith.cmpi ne, %convert_element_type3A, %cond3A : i32
    scf.if %cond3A_33 {
      %div3A = arith.constant 0 : i32
      %div3A_163 = arith.constant 3 : i32
      %div3A_164 = arith.divsi %div3A, %div3A_163 : i32
      %run_scoped3A = arith.constant 0 : i32
      "tpu.region"() ({
        %run_scoped3A_166 = tpu.sem_alloc : memref<!tpu.dma_semaphore, #tpu.memory_space<semaphore_mem>>
        %dma_start3A_167 = arith.constant 0 : i32
        %dma_start3A_168 = arith.constant 0 : i32
        %dma_start3A_169 = tpu.memref_slice %arg5[%add3A, %run_scoped3A, %div3A_164, %dma_start3A_167, %dma_start3A_168] : memref<32x4x11x3x80xi32, #tpu.memory_space<hbm>> -> memref<1x1x1x3x80xi32, #tpu.memory_space<hbm>>
        %dma_start3A_170 = tpu.memref_squeeze %dma_start3A_169 : memref<1x1x1x3x80xi32, #tpu.memory_space<hbm>> -> memref<3x80xi32, #tpu.memory_space<hbm>>
        %dma_start3A_171 = arith.constant 0 : i32
        %dma_start3A_172 = arith.constant 0 : i32
        %dma_start3A_173 = tpu.memref_slice %arg5[%add3A, %run_scoped3A, %div3A_164, %dma_start3A_171, %dma_start3A_172] : memref<32x4x11x3x80xi32, #tpu.memory_space<hbm>> -> memref<1x1x1x3x80xi32, #tpu.memory_space<hbm>>
        %dma_start3A_174 = tpu.memref_squeeze %dma_start3A_173 : memref<1x1x1x3x80xi32, #tpu.memory_space<hbm>> -> memref<3x80xi32, #tpu.memory_space<hbm>>
        tpu.enqueue_dma source(%dma_start3A_174 : memref<3x80xi32, #tpu.memory_space<hbm>>) target(%arg9 : memref<3x80xi32, #tpu.memory_space<vmem>>) target_semaphore(%run_scoped3A_166 : memref<!tpu.dma_semaphore, #tpu.memory_space<semaphore_mem>>)
        %dma_wait3A_175 = arith.constant 0 : i32
        %dma_wait3A_176 = arith.constant 0 : i32
        %dma_wait3A_177 = tpu.memref_slice %arg5[%add3A, %run_scoped3A, %div3A_164, %dma_wait3A_175, %dma_wait3A_176] : memref<32x4x11x3x80xi32, #tpu.memory_space<hbm>> -> memref<1x1x1x3x80xi32, #tpu.memory_space<hbm>>
        %dma_wait3A_178 = tpu.memref_squeeze %dma_wait3A_177 : memref<1x1x1x3x80xi32, #tpu.memory_space<hbm>> -> memref<3x80xi32, #tpu.memory_space<hbm>>
        %dma_wait3A_179 = arith.constant 0 : i32
        %dma_wait3A_180 = arith.constant 0 : i32
        %dma_wait3A_181 = tpu.memref_slice %arg5[%add3A, %run_scoped3A, %div3A_164, %dma_wait3A_179, %dma_wait3A_180] : memref<32x4x11x3x80xi32, #tpu.memory_space<hbm>> -> memref<1x1x1x3x80xi32, #tpu.memory_space<hbm>>
        %dma_wait3A_182 = tpu.memref_squeeze %dma_wait3A_181 : memref<1x1x1x3x80xi32, #tpu.memory_space<hbm>> -> memref<3x80xi32, #tpu.memory_space<hbm>>
        tpu.wait_dma2 semaphore(%run_scoped3A_166 : memref<!tpu.dma_semaphore, #tpu.memory_space<semaphore_mem>>) src(%dma_wait3A_182 : memref<3x80xi32, #tpu.memory_space<hbm>>) dst(%arg9 : memref<3x80xi32, #tpu.memory_space<vmem>>)
        tpu.yield
      }) : () -> ()
      %run_scoped3A_165 = arith.constant 0 : i32
      "tpu.region"() ({
        %run_scoped3A_166 = tpu.sem_alloc : memref<!tpu.dma_semaphore, #tpu.memory_space<semaphore_mem>>
        %dma_start3A_167 = arith.constant 0 : i32
        %dma_start3A_168 = arith.constant 0 : i32
        %dma_start3A_169 = tpu.memref_slice %arg6[%add3A, %run_scoped3A_165, %div3A_164, %dma_start3A_167, %dma_start3A_168] : memref<32x4x11x3x80xi32, #tpu.memory_space<hbm>> -> memref<1x1x1x3x80xi32, #tpu.memory_space<hbm>>
        %dma_start3A_170 = tpu.memref_squeeze %dma_start3A_169 : memref<1x1x1x3x80xi32, #tpu.memory_space<hbm>> -> memref<3x80xi32, #tpu.memory_space<hbm>>
        %dma_start3A_171 = arith.constant 0 : i32
        %dma_start3A_172 = arith.constant 0 : i32
        %dma_start3A_173 = tpu.memref_slice %arg6[%add3A, %run_scoped3A_165, %div3A_164, %dma_start3A_171, %dma_start3A_172] : memref<32x4x11x3x80xi32, #tpu.memory_space<hbm>> -> memref<1x1x1x3x80xi32, #tpu.memory_space<hbm>>
        %dma_start3A_174 = tpu.memref_squeeze %dma_start3A_173 : memref<1x1x1x3x80xi32, #tpu.memory_space<hbm>> -> memref<3x80xi32, #tpu.memory_space<hbm>>
        tpu.enqueue_dma source(%dma_start3A_174 : memref<3x80xi32, #tpu.memory_space<hbm>>) target(%arg10 : memref<3x80xi32, #tpu.memory_space<vmem>>) target_semaphore(%run_scoped3A_166 : memref<!tpu.dma_semaphore, #tpu.memory_space<semaphore_mem>>)
        %dma_wait3A_175 = arith.constant 0 : i32
        %dma_wait3A_176 = arith.constant 0 : i32
        %dma_wait3A_177 = tpu.memref_slice %arg6[%add3A, %run_scoped3A_165, %div3A_164, %dma_wait3A_175, %dma_wait3A_176] : memref<32x4x11x3x80xi32, #tpu.memory_space<hbm>> -> memref<1x1x1x3x80xi32, #tpu.memory_space<hbm>>
        %dma_wait3A_178 = tpu.memref_squeeze %dma_wait3A_177 : memref<1x1x1x3x80xi32, #tpu.memory_space<hbm>> -> memref<3x80xi32, #tpu.memory_space<hbm>>
        %dma_wait3A_179 = arith.constant 0 : i32
        %dma_wait3A_180 = arith.constant 0 : i32
        %dma_wait3A_181 = tpu.memref_slice %arg6[%add3A, %run_scoped3A_165, %div3A_164, %dma_wait3A_179, %dma_wait3A_180] : memref<32x4x11x3x80xi32, #tpu.memory_space<hbm>> -> memref<1x1x1x3x80xi32, #tpu.memory_space<hbm>>
        %dma_wait3A_182 = tpu.memref_squeeze %dma_wait3A_181 : memref<1x1x1x3x80xi32, #tpu.memory_space<hbm>> -> memref<3x80xi32, #tpu.memory_space<hbm>>
        tpu.wait_dma2 semaphore(%run_scoped3A_166 : memref<!tpu.dma_semaphore, #tpu.memory_space<semaphore_mem>>) src(%dma_wait3A_182 : memref<3x80xi32, #tpu.memory_space<hbm>>) dst(%arg10 : memref<3x80xi32, #tpu.memory_space<vmem>>)
        tpu.yield
      }) : () -> ()
    } else {
    }
    %dma_start3A = arith.constant 0 : i32
    %dma_start3A_34 = tpu.memref_slice %arg9[%rem3A_31, %dma_start3A] : memref<3x80xi32, #tpu.memory_space<vmem>> -> memref<1x80xi32, #tpu.memory_space<vmem>>
    %dma_start3A_35 = tpu.memref_squeeze %dma_start3A_34 : memref<1x80xi32, #tpu.memory_space<vmem>> -> memref<80xi32, #tpu.memory_space<vmem>>
    %dma_start3A_36 = arith.constant 0 : i32
    %dma_start3A_37 = arith.constant 0 : i32
    %dma_start3A_38 = tpu.memref_slice %arg2[%dma_start3A_36, %dma_start3A_37] : memref<10240x128xf32, #tpu.memory_space<hbm>> -> memref<10240x128xf32, #tpu.memory_space<hbm>>
    tpu.enqueue_indirect_dma source(%dma_start3A_38 : memref<10240x128xf32, #tpu.memory_space<hbm>>) target(%arg14 : memref<80x128xf32, #tpu.memory_space<vmem>>) offsets(%dma_start3A_35 : memref<80xi32, #tpu.memory_space<vmem>>) semaphore(%arg36 : memref<!tpu.dma_semaphore, #tpu.memory_space<semaphore_mem>>)
    %dma_start3A_39 = arith.constant 0 : i32
    %dma_start3A_40 = tpu.memref_slice %arg9[%rem3A_31, %dma_start3A_39] : memref<3x80xi32, #tpu.memory_space<vmem>> -> memref<1x80xi32, #tpu.memory_space<vmem>>
    %dma_start3A_41 = tpu.memref_squeeze %dma_start3A_40 : memref<1x80xi32, #tpu.memory_space<vmem>> -> memref<80xi32, #tpu.memory_space<vmem>>
    %dma_start3A_42 = arith.constant 0 : i32
    %dma_start3A_43 = tpu.memref_slice %arg3[%dma_start3A_42] : memref<10240xf32, #tpu.memory_space<hbm>> -> memref<10240xf32, #tpu.memory_space<hbm>>
    tpu.enqueue_indirect_dma source(%dma_start3A_43 : memref<10240xf32, #tpu.memory_space<hbm>>) target(%arg11 : memref<80xf32, #tpu.memory_space<vmem>>) offsets(%dma_start3A_41 : memref<80xi32, #tpu.memory_space<vmem>>) semaphore(%arg36 : memref<!tpu.dma_semaphore, #tpu.memory_space<semaphore_mem>>)
    %dma_start3A_44 = arith.constant 0 : i32
    %dma_start3A_45 = tpu.memref_slice %arg10[%rem3A_31, %dma_start3A_44] : memref<3x80xi32, #tpu.memory_space<vmem>> -> memref<1x80xi32, #tpu.memory_space<vmem>>
    %dma_start3A_46 = tpu.memref_squeeze %dma_start3A_45 : memref<1x80xi32, #tpu.memory_space<vmem>> -> memref<80xi32, #tpu.memory_space<vmem>>
    %dma_start3A_47 = arith.constant 0 : i32
    %dma_start3A_48 = tpu.memref_slice %arg4[%dma_start3A_47] : memref<10240xf32, #tpu.memory_space<hbm>> -> memref<10240xf32, #tpu.memory_space<hbm>>
    tpu.enqueue_indirect_dma source(%dma_start3A_48 : memref<10240xf32, #tpu.memory_space<hbm>>) target(%arg12 : memref<80xf32, #tpu.memory_space<vmem>>) offsets(%dma_start3A_46 : memref<80xi32, #tpu.memory_space<vmem>>) semaphore(%arg36 : memref<!tpu.dma_semaphore, #tpu.memory_space<semaphore_mem>>)
    %rem3A_49 = arith.constant 0 : i32
    %rem3A_50 = arith.constant 3 : i32
    %rem3A_51 = arith.remsi %rem3A_49, %rem3A_50 : i32
    %eq3A_52 = arith.constant 0 : i32
    %eq3A_53 = arith.cmpi eq, %rem3A_51, %eq3A_52 : i32
    %convert_element_type3A_54 = arith.extui %eq3A_53 : i1 to i32
    %cond3A_55 = arith.constant 0 : i32
    %cond3A_56 = arith.cmpi ne, %convert_element_type3A_54, %cond3A_55 : i32
    scf.if %cond3A_56 {
      %div3A = arith.constant 0 : i32
      %div3A_163 = arith.constant 3 : i32
      %div3A_164 = arith.divsi %div3A, %div3A_163 : i32
      %run_scoped3A = arith.constant 1 : i32
      "tpu.region"() ({
        %run_scoped3A_166 = tpu.sem_alloc : memref<!tpu.dma_semaphore, #tpu.memory_space<semaphore_mem>>
        %dma_start3A_167 = arith.constant 0 : i32
        %dma_start3A_168 = arith.constant 0 : i32
        %dma_start3A_169 = tpu.memref_slice %arg5[%add3A, %run_scoped3A, %div3A_164, %dma_start3A_167, %dma_start3A_168] : memref<32x4x11x3x80xi32, #tpu.memory_space<hbm>> -> memref<1x1x1x3x80xi32, #tpu.memory_space<hbm>>
        %dma_start3A_170 = tpu.memref_squeeze %dma_start3A_169 : memref<1x1x1x3x80xi32, #tpu.memory_space<hbm>> -> memref<3x80xi32, #tpu.memory_space<hbm>>
        %dma_start3A_171 = arith.constant 0 : i32
        %dma_start3A_172 = arith.constant 0 : i32
        %dma_start3A_173 = tpu.memref_slice %arg5[%add3A, %run_scoped3A, %div3A_164, %dma_start3A_171, %dma_start3A_172] : memref<32x4x11x3x80xi32, #tpu.memory_space<hbm>> -> memref<1x1x1x3x80xi32, #tpu.memory_space<hbm>>
        %dma_start3A_174 = tpu.memref_squeeze %dma_start3A_173 : memref<1x1x1x3x80xi32, #tpu.memory_space<hbm>> -> memref<3x80xi32, #tpu.memory_space<hbm>>
        tpu.enqueue_dma source(%dma_start3A_174 : memref<3x80xi32, #tpu.memory_space<hbm>>) target(%arg15 : memref<3x80xi32, #tpu.memory_space<vmem>>) target_semaphore(%run_scoped3A_166 : memref<!tpu.dma_semaphore, #tpu.memory_space<semaphore_mem>>)
        %dma_wait3A_175 = arith.constant 0 : i32
        %dma_wait3A_176 = arith.constant 0 : i32
        %dma_wait3A_177 = tpu.memref_slice %arg5[%add3A, %run_scoped3A, %div3A_164, %dma_wait3A_175, %dma_wait3A_176] : memref<32x4x11x3x80xi32, #tpu.memory_space<hbm>> -> memref<1x1x1x3x80xi32, #tpu.memory_space<hbm>>
        %dma_wait3A_178 = tpu.memref_squeeze %dma_wait3A_177 : memref<1x1x1x3x80xi32, #tpu.memory_space<hbm>> -> memref<3x80xi32, #tpu.memory_space<hbm>>
        %dma_wait3A_179 = arith.constant 0 : i32
        %dma_wait3A_180 = arith.constant 0 : i32
        %dma_wait3A_181 = tpu.memref_slice %arg5[%add3A, %run_scoped3A, %div3A_164, %dma_wait3A_179, %dma_wait3A_180] : memref<32x4x11x3x80xi32, #tpu.memory_space<hbm>> -> memref<1x1x1x3x80xi32, #tpu.memory_space<hbm>>
        %dma_wait3A_182 = tpu.memref_squeeze %dma_wait3A_181 : memref<1x1x1x3x80xi32, #tpu.memory_space<hbm>> -> memref<3x80xi32, #tpu.memory_space<hbm>>
        tpu.wait_dma2 semaphore(%run_scoped3A_166 : memref<!tpu.dma_semaphore, #tpu.memory_space<semaphore_mem>>) src(%dma_wait3A_182 : memref<3x80xi32, #tpu.memory_space<hbm>>) dst(%arg15 : memref<3x80xi32, #tpu.memory_space<vmem>>)
        tpu.yield
      }) : () -> ()
      %run_scoped3A_165 = arith.constant 1 : i32
      "tpu.region"() ({
        %run_scoped3A_166 = tpu.sem_alloc : memref<!tpu.dma_semaphore, #tpu.memory_space<semaphore_mem>>
        %dma_start3A_167 = arith.constant 0 : i32
        %dma_start3A_168 = arith.constant 0 : i32
        %dma_start3A_169 = tpu.memref_slice %arg6[%add3A, %run_scoped3A_165, %div3A_164, %dma_start3A_167, %dma_start3A_168] : memref<32x4x11x3x80xi32, #tpu.memory_space<hbm>> -> memref<1x1x1x3x80xi32, #tpu.memory_space<hbm>>
        %dma_start3A_170 = tpu.memref_squeeze %dma_start3A_169 : memref<1x1x1x3x80xi32, #tpu.memory_space<hbm>> -> memref<3x80xi32, #tpu.memory_space<hbm>>
        %dma_start3A_171 = arith.constant 0 : i32
        %dma_start3A_172 = arith.constant 0 : i32
        %dma_start3A_173 = tpu.memref_slice %arg6[%add3A, %run_scoped3A_165, %div3A_164, %dma_start3A_171, %dma_start3A_172] : memref<32x4x11x3x80xi32, #tpu.memory_space<hbm>> -> memref<1x1x1x3x80xi32, #tpu.memory_space<hbm>>
        %dma_start3A_174 = tpu.memref_squeeze %dma_start3A_173 : memref<1x1x1x3x80xi32, #tpu.memory_space<hbm>> -> memref<3x80xi32, #tpu.memory_space<hbm>>
        tpu.enqueue_dma source(%dma_start3A_174 : memref<3x80xi32, #tpu.memory_space<hbm>>) target(%arg16 : memref<3x80xi32, #tpu.memory_space<vmem>>) target_semaphore(%run_scoped3A_166 : memref<!tpu.dma_semaphore, #tpu.memory_space<semaphore_mem>>)
        %dma_wait3A_175 = arith.constant 0 : i32
        %dma_wait3A_176 = arith.constant 0 : i32
        %dma_wait3A_177 = tpu.memref_slice %arg6[%add3A, %run_scoped3A_165, %div3A_164, %dma_wait3A_175, %dma_wait3A_176] : memref<32x4x11x3x80xi32, #tpu.memory_space<hbm>> -> memref<1x1x1x3x80xi32, #tpu.memory_space<hbm>>
        %dma_wait3A_178 = tpu.memref_squeeze %dma_wait3A_177 : memref<1x1x1x3x80xi32, #tpu.memory_space<hbm>> -> memref<3x80xi32, #tpu.memory_space<hbm>>
        %dma_wait3A_179 = arith.constant 0 : i32
        %dma_wait3A_180 = arith.constant 0 : i32
        %dma_wait3A_181 = tpu.memref_slice %arg6[%add3A, %run_scoped3A_165, %div3A_164, %dma_wait3A_179, %dma_wait3A_180] : memref<32x4x11x3x80xi32, #tpu.memory_space<hbm>> -> memref<1x1x1x3x80xi32, #tpu.memory_space<hbm>>
        %dma_wait3A_182 = tpu.memref_squeeze %dma_wait3A_181 : memref<1x1x1x3x80xi32, #tpu.memory_space<hbm>> -> memref<3x80xi32, #tpu.memory_space<hbm>>
        tpu.wait_dma2 semaphore(%run_scoped3A_166 : memref<!tpu.dma_semaphore, #tpu.memory_space<semaphore_mem>>) src(%dma_wait3A_182 : memref<3x80xi32, #tpu.memory_space<hbm>>) dst(%arg16 : memref<3x80xi32, #tpu.memory_space<vmem>>)
        tpu.yield
      }) : () -> ()
    } else {
    }
    %dma_start3A_57 = arith.constant 0 : i32
    %dma_start3A_58 = tpu.memref_slice %arg15[%rem3A_51, %dma_start3A_57] : memref<3x80xi32, #tpu.memory_space<vmem>> -> memref<1x80xi32, #tpu.memory_space<vmem>>
    %dma_start3A_59 = tpu.memref_squeeze %dma_start3A_58 : memref<1x80xi32, #tpu.memory_space<vmem>> -> memref<80xi32, #tpu.memory_space<vmem>>
    %dma_start3A_60 = arith.constant 0 : i32
    %dma_start3A_61 = arith.constant 0 : i32
    %dma_start3A_62 = tpu.memref_slice %arg2[%dma_start3A_60, %dma_start3A_61] : memref<10240x128xf32, #tpu.memory_space<hbm>> -> memref<10240x128xf32, #tpu.memory_space<hbm>>
    tpu.enqueue_indirect_dma source(%dma_start3A_62 : memref<10240x128xf32, #tpu.memory_space<hbm>>) target(%arg20 : memref<80x128xf32, #tpu.memory_space<vmem>>) offsets(%dma_start3A_59 : memref<80xi32, #tpu.memory_space<vmem>>) semaphore(%arg37 : memref<!tpu.dma_semaphore, #tpu.memory_space<semaphore_mem>>)
    %dma_start3A_63 = arith.constant 0 : i32
    %dma_start3A_64 = tpu.memref_slice %arg15[%rem3A_51, %dma_start3A_63] : memref<3x80xi32, #tpu.memory_space<vmem>> -> memref<1x80xi32, #tpu.memory_space<vmem>>
    %dma_start3A_65 = tpu.memref_squeeze %dma_start3A_64 : memref<1x80xi32, #tpu.memory_space<vmem>> -> memref<80xi32, #tpu.memory_space<vmem>>
    %dma_start3A_66 = arith.constant 0 : i32
    %dma_start3A_67 = tpu.memref_slice %arg3[%dma_start3A_66] : memref<10240xf32, #tpu.memory_space<hbm>> -> memref<10240xf32, #tpu.memory_space<hbm>>
    tpu.enqueue_indirect_dma source(%dma_start3A_67 : memref<10240xf32, #tpu.memory_space<hbm>>) target(%arg17 : memref<80xf32, #tpu.memory_space<vmem>>) offsets(%dma_start3A_65 : memref<80xi32, #tpu.memory_space<vmem>>) semaphore(%arg37 : memref<!tpu.dma_semaphore, #tpu.memory_space<semaphore_mem>>)
    %dma_start3A_68 = arith.constant 0 : i32
    %dma_start3A_69 = tpu.memref_slice %arg16[%rem3A_51, %dma_start3A_68] : memref<3x80xi32, #tpu.memory_space<vmem>> -> memref<1x80xi32, #tpu.memory_space<vmem>>
    %dma_start3A_70 = tpu.memref_squeeze %dma_start3A_69 : memref<1x80xi32, #tpu.memory_space<vmem>> -> memref<80xi32, #tpu.memory_space<vmem>>
    %dma_start3A_71 = arith.constant 0 : i32
    %dma_start3A_72 = tpu.memref_slice %arg4[%dma_start3A_71] : memref<10240xf32, #tpu.memory_space<hbm>> -> memref<10240xf32, #tpu.memory_space<hbm>>
    tpu.enqueue_indirect_dma source(%dma_start3A_72 : memref<10240xf32, #tpu.memory_space<hbm>>) target(%arg18 : memref<80xf32, #tpu.memory_space<vmem>>) offsets(%dma_start3A_70 : memref<80xi32, #tpu.memory_space<vmem>>) semaphore(%arg37 : memref<!tpu.dma_semaphore, #tpu.memory_space<semaphore_mem>>)
    %scan3A_73 = arith.constant 0 : i32
    %scan3A_74 = arith.constant 0 : i32
    %scan3A_75 = arith.constant 33 : i32
    %scan3A_76 = arith.addi %scan3A_74, %scan3A_75 : i32
    %scan3A_77 = arith.constant 1 : i32
    scf.for %scan3A_163 = %scan3A_74 to %scan3A_76 step %scan3A_77  : i32 {
      %rem3A_164 = arith.constant 3 : i32
      %rem3A_165 = arith.remsi %scan3A_163, %rem3A_164 : i32
      %dma_wait3A_166 = arith.constant 0 : i32
      %dma_wait3A_167 = tpu.memref_slice %arg9[%rem3A_165, %dma_wait3A_166] : memref<3x80xi32, #tpu.memory_space<vmem>> -> memref<1x80xi32, #tpu.memory_space<vmem>>
      %dma_wait3A_168 = tpu.memref_squeeze %dma_wait3A_167 : memref<1x80xi32, #tpu.memory_space<vmem>> -> memref<80xi32, #tpu.memory_space<vmem>>
      %dma_wait3A_169 = arith.constant 0 : i32
      %dma_wait3A_170 = arith.constant 0 : i32
      %dma_wait3A_171 = tpu.memref_slice %arg2[%dma_wait3A_169, %dma_wait3A_170] : memref<10240x128xf32, #tpu.memory_space<hbm>> -> memref<10240x128xf32, #tpu.memory_space<hbm>>
      tpu.wait_indirect_dma semaphore(%arg36 : memref<!tpu.dma_semaphore, #tpu.memory_space<semaphore_mem>>) src(%dma_wait3A_171 : memref<10240x128xf32, #tpu.memory_space<hbm>>) dst(%arg14 : memref<80x128xf32, #tpu.memory_space<vmem>>)
      %dma_wait3A_172 = arith.constant 0 : i32
      %dma_wait3A_173 = tpu.memref_slice %arg9[%rem3A_165, %dma_wait3A_172] : memref<3x80xi32, #tpu.memory_space<vmem>> -> memref<1x80xi32, #tpu.memory_space<vmem>>
      %dma_wait3A_174 = tpu.memref_squeeze %dma_wait3A_173 : memref<1x80xi32, #tpu.memory_space<vmem>> -> memref<80xi32, #tpu.memory_space<vmem>>
      %dma_wait3A_175 = arith.constant 0 : i32
      %dma_wait3A_176 = tpu.memref_slice %arg3[%dma_wait3A_175] : memref<10240xf32, #tpu.memory_space<hbm>> -> memref<10240xf32, #tpu.memory_space<hbm>>
      tpu.wait_indirect_dma semaphore(%arg36 : memref<!tpu.dma_semaphore, #tpu.memory_space<semaphore_mem>>) src(%dma_wait3A_176 : memref<10240xf32, #tpu.memory_space<hbm>>) dst(%arg11 : memref<80xf32, #tpu.memory_space<vmem>>)
      %dma_wait3A_177 = arith.constant 0 : i32
      %dma_wait3A_178 = tpu.memref_slice %arg10[%rem3A_165, %dma_wait3A_177] : memref<3x80xi32, #tpu.memory_space<vmem>> -> memref<1x80xi32, #tpu.memory_space<vmem>>
      %dma_wait3A_179 = tpu.memref_squeeze %dma_wait3A_178 : memref<1x80xi32, #tpu.memory_space<vmem>> -> memref<80xi32, #tpu.memory_space<vmem>>
      %dma_wait3A_180 = arith.constant 0 : i32
      %dma_wait3A_181 = tpu.memref_slice %arg4[%dma_wait3A_180] : memref<10240xf32, #tpu.memory_space<hbm>> -> memref<10240xf32, #tpu.memory_space<hbm>>
      tpu.wait_indirect_dma semaphore(%arg36 : memref<!tpu.dma_semaphore, #tpu.memory_space<semaphore_mem>>) src(%dma_wait3A_181 : memref<10240xf32, #tpu.memory_space<hbm>>) dst(%arg12 : memref<80xf32, #tpu.memory_space<vmem>>)
      %rem3A_182 = arith.constant 3 : i32
      %rem3A_183 = arith.remsi %scan3A_163, %rem3A_182 : i32
      %get3A = arith.constant 0 : index
      %get3A_184 = tpu.vector_load %arg11[%get3A] {strides = array<i32>} : memref<80xf32, #tpu.memory_space<vmem>>, vector<16xf32>,
      %get3A_185 = arith.constant 0 : index
      %get3A_186 = tpu.vector_load %arg12[%get3A_185] {strides = array<i32>} : memref<80xf32, #tpu.memory_space<vmem>>, vector<16xf32>,
      %add3A_187 = arith.addf %get3A_184, %get3A_186 : vector<16xf32>
      %gt3A = arith.constant 0.000000e+00 : f32
      %gt3A_188 = vector.broadcast %gt3A : f32 to vector<16xf32>
      %gt3A_189 = arith.cmpf ogt, %add3A_187, %gt3A_188 : vector<16xf32>
      %mul3A_190 = arith.constant 2.000000e-01 : f32
      %mul3A_191 = vector.broadcast %mul3A_190 : f32 to vector<16xf32>
      %mul3A_192 = arith.mulf %mul3A_191, %add3A_187 : vector<16xf32>
      %select_n3A = arith.select %gt3A_189, %add3A_187, %mul3A_192 : vector<16xi1>, vector<16xf32>
      %exp3A = math.exp %select_n3A : vector<16xf32>
      %swap3A = arith.constant 0 : index
      %swap3A_193 = tpu.vector_load %arg13[%swap3A] {strides = array<i32>} : memref<80xf32, #tpu.memory_space<vmem>>, vector<16xf32>,
      tpu.vector_store %arg13[%swap3A], %exp3A {strides = array<i32>} : memref<80xf32, #tpu.memory_space<vmem>>, vector<16xf32>,
      %get3A_194 = arith.constant 16 : index
      %get3A_195 = tpu.vector_load %arg11[%get3A_194] {strides = array<i32>} : memref<80xf32, #tpu.memory_space<vmem>>, vector<16xf32>,
      %get3A_196 = arith.constant 16 : index
      %get3A_197 = tpu.vector_load %arg12[%get3A_196] {strides = array<i32>} : memref<80xf32, #tpu.memory_space<vmem>>, vector<16xf32>,
      %add3A_198 = arith.addf %get3A_195, %get3A_197 : vector<16xf32>
      %gt3A_199 = arith.constant 0.000000e+00 : f32
      %gt3A_200 = vector.broadcast %gt3A_199 : f32 to vector<16xf32>
      %gt3A_201 = arith.cmpf ogt, %add3A_198, %gt3A_200 : vector<16xf32>
      %mul3A_202 = arith.constant 2.000000e-01 : f32
      %mul3A_203 = vector.broadcast %mul3A_202 : f32 to vector<16xf32>
      %mul3A_204 = arith.mulf %mul3A_203, %add3A_198 : vector<16xf32>
      %select_n3A_205 = arith.select %gt3A_201, %add3A_198, %mul3A_204 : vector<16xi1>, vector<16xf32>
      %exp3A_206 = math.exp %select_n3A_205 : vector<16xf32>
      %swap3A_207 = arith.constant 16 : index
      %swap3A_208 = tpu.vector_load %arg13[%swap3A_207] {strides = array<i32>} : memref<80xf32, #tpu.memory_space<vmem>>, vector<16xf32>,
      tpu.vector_store %arg13[%swap3A_207], %exp3A_206 {strides = array<i32>} : memref<80xf32, #tpu.memory_space<vmem>>, vector<16xf32>,
      %get3A_209 = arith.constant 32 : index
      %get3A_210 = tpu.vector_load %arg11[%get3A_209] {strides = array<i32>} : memref<80xf32, #tpu.memory_space<vmem>>, vector<16xf32>,
      %get3A_211 = arith.constant 32 : index
      %get3A_212 = tpu.vector_load %arg12[%get3A_211] {strides = array<i32>} : memref<80xf32, #tpu.memory_space<vmem>>, vector<16xf32>,
      %add3A_213 = arith.addf %get3A_210, %get3A_212 : vector<16xf32>
      %gt3A_214 = arith.constant 0.000000e+00 : f32
      %gt3A_215 = vector.broadcast %gt3A_214 : f32 to vector<16xf32>
      %gt3A_216 = arith.cmpf ogt, %add3A_213, %gt3A_215 : vector<16xf32>
      %mul3A_217 = arith.constant 2.000000e-01 : f32
      %mul3A_218 = vector.broadcast %mul3A_217 : f32 to vector<16xf32>
      %mul3A_219 = arith.mulf %mul3A_218, %add3A_213 : vector<16xf32>
      %select_n3A_220 = arith.select %gt3A_216, %add3A_213, %mul3A_219 : vector<16xi1>, vector<16xf32>
      %exp3A_221 = math.exp %select_n3A_220 : vector<16xf32>
      %swap3A_222 = arith.constant 32 : index
      %swap3A_223 = tpu.vector_load %arg13[%swap3A_222] {strides = array<i32>} : memref<80xf32, #tpu.memory_space<vmem>>, vector<16xf32>,
      tpu.vector_store %arg13[%swap3A_222], %exp3A_221 {strides = array<i32>} : memref<80xf32, #tpu.memory_space<vmem>>, vector<16xf32>,
      %get3A_224 = arith.constant 48 : index
      %get3A_225 = tpu.vector_load %arg11[%get3A_224] {strides = array<i32>} : memref<80xf32, #tpu.memory_space<vmem>>, vector<16xf32>,
      %get3A_226 = arith.constant 48 : index
      %get3A_227 = tpu.vector_load %arg12[%get3A_226] {strides = array<i32>} : memref<80xf32, #tpu.memory_space<vmem>>, vector<16xf32>,
      %add3A_228 = arith.addf %get3A_225, %get3A_227 : vector<16xf32>
      %gt3A_229 = arith.constant 0.000000e+00 : f32
      %gt3A_230 = vector.broadcast %gt3A_229 : f32 to vector<16xf32>
      %gt3A_231 = arith.cmpf ogt, %add3A_228, %gt3A_230 : vector<16xf32>
      %mul3A_232 = arith.constant 2.000000e-01 : f32
      %mul3A_233 = vector.broadcast %mul3A_232 : f32 to vector<16xf32>
      %mul3A_234 = arith.mulf %mul3A_233, %add3A_228 : vector<16xf32>
      %select_n3A_235 = arith.select %gt3A_231, %add3A_228, %mul3A_234 : vector<16xi1>, vector<16xf32>
      %exp3A_236 = math.exp %select_n3A_235 : vector<16xf32>
      %swap3A_237 = arith.constant 48 : index
      %swap3A_238 = tpu.vector_load %arg13[%swap3A_237] {strides = array<i32>} : memref<80xf32, #tpu.memory_space<vmem>>, vector<16xf32>,
      tpu.vector_store %arg13[%swap3A_237], %exp3A_236 {strides = array<i32>} : memref<80xf32, #tpu.memory_space<vmem>>, vector<16xf32>,
      %get3A_239 = arith.constant 64 : index
      %get3A_240 = tpu.vector_load %arg11[%get3A_239] {strides = array<i32>} : memref<80xf32, #tpu.memory_space<vmem>>, vector<16xf32>,
      %get3A_241 = arith.constant 64 : index
      %get3A_242 = tpu.vector_load %arg12[%get3A_241] {strides = array<i32>} : memref<80xf32, #tpu.memory_space<vmem>>, vector<16xf32>,
      %add3A_243 = arith.addf %get3A_240, %get3A_242 : vector<16xf32>
      %gt3A_244 = arith.constant 0.000000e+00 : f32
      %gt3A_245 = vector.broadcast %gt3A_244 : f32 to vector<16xf32>
      %gt3A_246 = arith.cmpf ogt, %add3A_243, %gt3A_245 : vector<16xf32>
      %mul3A_247 = arith.constant 2.000000e-01 : f32
      %mul3A_248 = vector.broadcast %mul3A_247 : f32 to vector<16xf32>
      %mul3A_249 = arith.mulf %mul3A_248, %add3A_243 : vector<16xf32>
      %select_n3A_250 = arith.select %gt3A_246, %add3A_243, %mul3A_249 : vector<16xi1>, vector<16xf32>
      %exp3A_251 = math.exp %select_n3A_250 : vector<16xf32>
      %swap3A_252 = arith.constant 64 : index
      %swap3A_253 = tpu.vector_load %arg13[%swap3A_252] {strides = array<i32>} : memref<80xf32, #tpu.memory_space<vmem>>, vector<16xf32>,
      tpu.vector_store %arg13[%swap3A_252], %exp3A_251 {strides = array<i32>} : memref<80xf32, #tpu.memory_space<vmem>>, vector<16xf32>,
      %parallel_loop3A = arith.constant 0 : i32
      %parallel_loop3A_254 = arith.constant 80 : i32
      %parallel_loop3A_255 = arith.constant 1 : i32
      scf.for %parallel_loop3A_663 = %parallel_loop3A to %parallel_loop3A_254 step %parallel_loop3A_255  : i32 {
        %parallel_loop3A_664 = vector.broadcast %parallel_loop3A_663 : i32 to vector<16xi32>
        %parallel_loop3A_665 = tpu.vector_load_idx %arg13[%parallel_loop3A_664] : memref<80xf32, #tpu.memory_space<vmem>>[vector<16xi32>], vector<16xf32>,
        %parallel_loop3A_666 = arith.index_cast %parallel_loop3A_663 : i32 to index
        %parallel_loop3A_667 = arith.constant 0 : index
        %parallel_loop3A_668 = tpu.vector_load %arg14[%parallel_loop3A_666, %parallel_loop3A_667] {strides = array<i32>} : memref<80x128xf32, #tpu.memory_space<vmem>>, vector<16xf32>,
        %parallel_loop3A_669 = arith.mulf %parallel_loop3A_668, %parallel_loop3A_665 : vector<16xf32>
        %parallel_loop3A_670 = arith.index_cast %parallel_loop3A_663 : i32 to index
        %parallel_loop3A_671 = arith.constant 0 : index
        %parallel_loop3A_672 = tpu.vector_load %arg14[%parallel_loop3A_670, %parallel_loop3A_671] {strides = array<i32>} : memref<80x128xf32, #tpu.memory_space<vmem>>, vector<16xf32>,
        tpu.vector_store %arg14[%parallel_loop3A_670, %parallel_loop3A_671], %parallel_loop3A_669 {strides = array<i32>} : memref<80x128xf32, #tpu.memory_space<vmem>>, vector<16xf32>,
        %parallel_loop3A_673 = arith.index_cast %parallel_loop3A_663 : i32 to index
        %parallel_loop3A_674 = arith.constant 16 : index
        %parallel_loop3A_675 = tpu.vector_load %arg14[%parallel_loop3A_673, %parallel_loop3A_674] {strides = array<i32>} : memref<80x128xf32, #tpu.memory_space<vmem>>, vector<16xf32>,
        %parallel_loop3A_676 = arith.mulf %parallel_loop3A_675, %parallel_loop3A_665 : vector<16xf32>
        %parallel_loop3A_677 = arith.index_cast %parallel_loop3A_663 : i32 to index
        %parallel_loop3A_678 = arith.constant 16 : index
        %parallel_loop3A_679 = tpu.vector_load %arg14[%parallel_loop3A_677, %parallel_loop3A_678] {strides = array<i32>} : memref<80x128xf32, #tpu.memory_space<vmem>>, vector<16xf32>,
        tpu.vector_store %arg14[%parallel_loop3A_677, %parallel_loop3A_678], %parallel_loop3A_676 {strides = array<i32>} : memref<80x128xf32, #tpu.memory_space<vmem>>, vector<16xf32>,
        %parallel_loop3A_680 = arith.index_cast %parallel_loop3A_663 : i32 to index
        %parallel_loop3A_681 = arith.constant 32 : index
        %parallel_loop3A_682 = tpu.vector_load %arg14[%parallel_loop3A_680, %parallel_loop3A_681] {strides = array<i32>} : memref<80x128xf32, #tpu.memory_space<vmem>>, vector<16xf32>,
        %parallel_loop3A_683 = arith.mulf %parallel_loop3A_682, %parallel_loop3A_665 : vector<16xf32>
        %parallel_loop3A_684 = arith.index_cast %parallel_loop3A_663 : i32 to index
        %parallel_loop3A_685 = arith.constant 32 : index
        %parallel_loop3A_686 = tpu.vector_load %arg14[%parallel_loop3A_684, %parallel_loop3A_685] {strides = array<i32>} : memref<80x128xf32, #tpu.memory_space<vmem>>, vector<16xf32>,
        tpu.vector_store %arg14[%parallel_loop3A_684, %parallel_loop3A_685], %parallel_loop3A_683 {strides = array<i32>} : memref<80x128xf32, #tpu.memory_space<vmem>>, vector<16xf32>,
        %parallel_loop3A_687 = arith.index_cast %parallel_loop3A_663 : i32 to index
        %parallel_loop3A_688 = arith.constant 48 : index
        %parallel_loop3A_689 = tpu.vector_load %arg14[%parallel_loop3A_687, %parallel_loop3A_688] {strides = array<i32>} : memref<80x128xf32, #tpu.memory_space<vmem>>, vector<16xf32>,
        %parallel_loop3A_690 = arith.mulf %parallel_loop3A_689, %parallel_loop3A_665 : vector<16xf32>
        %parallel_loop3A_691 = arith.index_cast %parallel_loop3A_663 : i32 to index
        %parallel_loop3A_692 = arith.constant 48 : index
        %parallel_loop3A_693 = tpu.vector_load %arg14[%parallel_loop3A_691, %parallel_loop3A_692] {strides = array<i32>} : memref<80x128xf32, #tpu.memory_space<vmem>>, vector<16xf32>,
        tpu.vector_store %arg14[%parallel_loop3A_691, %parallel_loop3A_692], %parallel_loop3A_690 {strides = array<i32>} : memref<80x128xf32, #tpu.memory_space<vmem>>, vector<16xf32>,
        %parallel_loop3A_694 = arith.index_cast %parallel_loop3A_663 : i32 to index
        %parallel_loop3A_695 = arith.constant 64 : index
        %parallel_loop3A_696 = tpu.vector_load %arg14[%parallel_loop3A_694, %parallel_loop3A_695] {strides = array<i32>} : memref<80x128xf32, #tpu.memory_space<vmem>>, vector<16xf32>,
        %parallel_loop3A_697 = arith.mulf %parallel_loop3A_696, %parallel_loop3A_665 : vector<16xf32>
        %parallel_loop3A_698 = arith.index_cast %parallel_loop3A_663 : i32 to index
        %parallel_loop3A_699 = arith.constant 64 : index
        %parallel_loop3A_700 = tpu.vector_load %arg14[%parallel_loop3A_698, %parallel_loop3A_699] {strides = array<i32>} : memref<80x128xf32, #tpu.memory_space<vmem>>, vector<16xf32>,
        tpu.vector_store %arg14[%parallel_loop3A_698, %parallel_loop3A_699], %parallel_loop3A_697 {strides = array<i32>} : memref<80x128xf32, #tpu.memory_space<vmem>>, vector<16xf32>,
        %parallel_loop3A_701 = arith.index_cast %parallel_loop3A_663 : i32 to index
        %parallel_loop3A_702 = arith.constant 80 : index
        %parallel_loop3A_703 = tpu.vector_load %arg14[%parallel_loop3A_701, %parallel_loop3A_702] {strides = array<i32>} : memref<80x128xf32, #tpu.memory_space<vmem>>, vector<16xf32>,
        %parallel_loop3A_704 = arith.mulf %parallel_loop3A_703, %parallel_loop3A_665 : vector<16xf32>
        %parallel_loop3A_705 = arith.index_cast %parallel_loop3A_663 : i32 to index
        %parallel_loop3A_706 = arith.constant 80 : index
        %parallel_loop3A_707 = tpu.vector_load %arg14[%parallel_loop3A_705, %parallel_loop3A_706] {strides = array<i32>} : memref<80x128xf32, #tpu.memory_space<vmem>>, vector<16xf32>,
        tpu.vector_store %arg14[%parallel_loop3A_705, %parallel_loop3A_706], %parallel_loop3A_704 {strides = array<i32>} : memref<80x128xf32, #tpu.memory_space<vmem>>, vector<16xf32>,
        %parallel_loop3A_708 = arith.index_cast %parallel_loop3A_663 : i32 to index
        %parallel_loop3A_709 = arith.constant 96 : index
        %parallel_loop3A_710 = tpu.vector_load %arg14[%parallel_loop3A_708, %parallel_loop3A_709] {strides = array<i32>} : memref<80x128xf32, #tpu.memory_space<vmem>>, vector<16xf32>,
        %parallel_loop3A_711 = arith.mulf %parallel_loop3A_710, %parallel_loop3A_665 : vector<16xf32>
        %parallel_loop3A_712 = arith.index_cast %parallel_loop3A_663 : i32 to index
        %parallel_loop3A_713 = arith.constant 96 : index
        %parallel_loop3A_714 = tpu.vector_load %arg14[%parallel_loop3A_712, %parallel_loop3A_713] {strides = array<i32>} : memref<80x128xf32, #tpu.memory_space<vmem>>, vector<16xf32>,
        tpu.vector_store %arg14[%parallel_loop3A_712, %parallel_loop3A_713], %parallel_loop3A_711 {strides = array<i32>} : memref<80x128xf32, #tpu.memory_space<vmem>>, vector<16xf32>,
        %parallel_loop3A_715 = arith.index_cast %parallel_loop3A_663 : i32 to index
        %parallel_loop3A_716 = arith.constant 112 : index
        %parallel_loop3A_717 = tpu.vector_load %arg14[%parallel_loop3A_715, %parallel_loop3A_716] {strides = array<i32>} : memref<80x128xf32, #tpu.memory_space<vmem>>, vector<16xf32>,
        %parallel_loop3A_718 = arith.mulf %parallel_loop3A_717, %parallel_loop3A_665 : vector<16xf32>
        %parallel_loop3A_719 = arith.index_cast %parallel_loop3A_663 : i32 to index
        %parallel_loop3A_720 = arith.constant 112 : index
        %parallel_loop3A_721 = tpu.vector_load %arg14[%parallel_loop3A_719, %parallel_loop3A_720] {strides = array<i32>} : memref<80x128xf32, #tpu.memory_space<vmem>>, vector<16xf32>,
        tpu.vector_store %arg14[%parallel_loop3A_719, %parallel_loop3A_720], %parallel_loop3A_718 {strides = array<i32>} : memref<80x128xf32, #tpu.memory_space<vmem>>, vector<16xf32>,
      } {sc.loop_unroll_factor = 8 : i64, sc.parallel_access}
      %dma_start3A_256 = arith.constant 0 : i32
      %dma_start3A_257 = tpu.memref_slice %arg10[%rem3A_183, %dma_start3A_256] : memref<3x80xi32, #tpu.memory_space<vmem>> -> memref<1x80xi32, #tpu.memory_space<vmem>>
      %dma_start3A_258 = tpu.memref_squeeze %dma_start3A_257 : memref<1x80xi32, #tpu.memory_space<vmem>> -> memref<80xi32, #tpu.memory_space<vmem>>
      %dma_start3A_259 = arith.constant 0 : i32
      %dma_start3A_260 = tpu.memref_slice %arg35[%dma_start3A_259] : memref<10240xf32, #tpu.memory_space<vmem_shared>> -> memref<10240xf32, #tpu.memory_space<vmem_shared>>
      tpu.enqueue_indirect_dma source(%arg13 : memref<80xf32, #tpu.memory_space<vmem>>) target(%dma_start3A_260 : memref<10240xf32, #tpu.memory_space<vmem_shared>>) offsets(%dma_start3A_258 : memref<80xi32, #tpu.memory_space<vmem>>) semaphore(%arg44 : memref<!tpu.dma_semaphore, #tpu.memory_space<semaphore_mem>>) {add = true}
      %dma_start3A_261 = arith.constant 0 : i32
      %dma_start3A_262 = tpu.memref_slice %arg10[%rem3A_183, %dma_start3A_261] : memref<3x80xi32, #tpu.memory_space<vmem>> -> memref<1x80xi32, #tpu.memory_space<vmem>>
      %dma_start3A_263 = tpu.memref_squeeze %dma_start3A_262 : memref<1x80xi32, #tpu.memory_space<vmem>> -> memref<80xi32, #tpu.memory_space<vmem>>
      %dma_start3A_264 = arith.constant 0 : i32
      %dma_start3A_265 = arith.constant 0 : i32
      %dma_start3A_266 = tpu.memref_slice %arg34[%dma_start3A_264, %dma_start3A_265] : memref<10240x128xf32, #tpu.memory_space<vmem_shared>> -> memref<10240x128xf32, #tpu.memory_space<vmem_shared>>
      tpu.enqueue_indirect_dma source(%arg14 : memref<80x128xf32, #tpu.memory_space<vmem>>) target(%dma_start3A_266 : memref<10240x128xf32, #tpu.memory_space<vmem_shared>>) offsets(%dma_start3A_263 : memref<80xi32, #tpu.memory_space<vmem>>) semaphore(%arg40 : memref<!tpu.dma_semaphore, #tpu.memory_space<semaphore_mem>>) {add = true}
      %gt3A_267 = arith.constant 0 : i32
      %gt3A_268 = arith.cmpi sgt, %scan3A_163, %gt3A_267 : i32
      %convert_element_type3A_269 = arith.extui %gt3A_268 : i1 to i32
      %cond3A_270 = arith.constant 0 : i32
      %cond3A_271 = arith.cmpi ne, %convert_element_type3A_269, %cond3A_270 : i32
      scf.if %cond3A_271 {
        %dma_wait3A_663 = arith.constant 0 : i32
        %dma_wait3A_664 = arith.constant 0 : i32
        %dma_wait3A_665 = tpu.memref_slice %arg22[%dma_wait3A_663, %dma_wait3A_664] : memref<3x80xi32, #tpu.memory_space<vmem>> -> memref<1x80xi32, #tpu.memory_space<vmem>>
        %dma_wait3A_666 = tpu.memref_squeeze %dma_wait3A_665 : memref<1x80xi32, #tpu.memory_space<vmem>> -> memref<80xi32, #tpu.memory_space<vmem>>
        %dma_wait3A_667 = arith.constant 0 : i32
        %dma_wait3A_668 = arith.constant 0 : i32
        %dma_wait3A_669 = tpu.memref_slice %arg34[%dma_wait3A_667, %dma_wait3A_668] : memref<10240x128xf32, #tpu.memory_space<vmem_shared>> -> memref<10240x128xf32, #tpu.memory_space<vmem_shared>>
        tpu.wait_indirect_dma semaphore(%arg42 : memref<!tpu.dma_semaphore, #tpu.memory_space<semaphore_mem>>) src(%arg26 : memref<80x128xf32, #tpu.memory_space<vmem>>) dst(%dma_wait3A_669 : memref<10240x128xf32, #tpu.memory_space<vmem_shared>>)
        %dma_wait3A_670 = arith.constant 0 : i32
        %dma_wait3A_671 = arith.constant 0 : i32
        %dma_wait3A_672 = tpu.memref_slice %arg22[%dma_wait3A_670, %dma_wait3A_671] : memref<3x80xi32, #tpu.memory_space<vmem>> -> memref<1x80xi32, #tpu.memory_space<vmem>>
        %dma_wait3A_673 = tpu.memref_squeeze %dma_wait3A_672 : memref<1x80xi32, #tpu.memory_space<vmem>> -> memref<80xi32, #tpu.memory_space<vmem>>
        %dma_wait3A_674 = arith.constant 0 : i32
        %dma_wait3A_675 = tpu.memref_slice %arg35[%dma_wait3A_674] : memref<10240xf32, #tpu.memory_space<vmem_shared>> -> memref<10240xf32, #tpu.memory_space<vmem_shared>>
        tpu.wait_indirect_dma semaphore(%arg46 : memref<!tpu.dma_semaphore, #tpu.memory_space<semaphore_mem>>) src(%arg25 : memref<80xf32, #tpu.memory_space<vmem>>) dst(%dma_wait3A_675 : memref<10240xf32, #tpu.memory_space<vmem_shared>>)
      } else {
      }
      %rem3A_272 = arith.constant 3 : i32
      %rem3A_273 = arith.remsi %scan3A_163, %rem3A_272 : i32
      %eq3A_274 = arith.constant 0 : i32
      %eq3A_275 = arith.cmpi eq, %rem3A_273, %eq3A_274 : i32
      %convert_element_type3A_276 = arith.extui %eq3A_275 : i1 to i32
      %cond3A_277 = arith.constant 0 : i32
      %cond3A_278 = arith.cmpi ne, %convert_element_type3A_276, %cond3A_277 : i32
      scf.if %cond3A_278 {
        %div3A = arith.constant 3 : i32
        %div3A_663 = arith.divsi %scan3A_163, %div3A : i32
        %run_scoped3A = arith.constant 2 : i32
        "tpu.region"() ({
          %run_scoped3A_665 = tpu.sem_alloc : memref<!tpu.dma_semaphore, #tpu.memory_space<semaphore_mem>>
          %dma_start3A_666 = arith.constant 0 : i32
          %dma_start3A_667 = arith.constant 0 : i32
          %dma_start3A_668 = tpu.memref_slice %arg5[%add3A, %run_scoped3A, %div3A_663, %dma_start3A_666, %dma_start3A_667] : memref<32x4x11x3x80xi32, #tpu.memory_space<hbm>> -> memref<1x1x1x3x80xi32, #tpu.memory_space<hbm>>
          %dma_start3A_669 = tpu.memref_squeeze %dma_start3A_668 : memref<1x1x1x3x80xi32, #tpu.memory_space<hbm>> -> memref<3x80xi32, #tpu.memory_space<hbm>>
          %dma_start3A_670 = arith.constant 0 : i32
          %dma_start3A_671 = arith.constant 0 : i32
          %dma_start3A_672 = tpu.memref_slice %arg5[%add3A, %run_scoped3A, %div3A_663, %dma_start3A_670, %dma_start3A_671] : memref<32x4x11x3x80xi32, #tpu.memory_space<hbm>> -> memref<1x1x1x3x80xi32, #tpu.memory_space<hbm>>
          %dma_start3A_673 = tpu.memref_squeeze %dma_start3A_672 : memref<1x1x1x3x80xi32, #tpu.memory_space<hbm>> -> memref<3x80xi32, #tpu.memory_space<hbm>>
          tpu.enqueue_dma source(%dma_start3A_673 : memref<3x80xi32, #tpu.memory_space<hbm>>) target(%arg21 : memref<3x80xi32, #tpu.memory_space<vmem>>) target_semaphore(%run_scoped3A_665 : memref<!tpu.dma_semaphore, #tpu.memory_space<semaphore_mem>>)
          %dma_wait3A_674 = arith.constant 0 : i32
          %dma_wait3A_675 = arith.constant 0 : i32
          %dma_wait3A_676 = tpu.memref_slice %arg5[%add3A, %run_scoped3A, %div3A_663, %dma_wait3A_674, %dma_wait3A_675] : memref<32x4x11x3x80xi32, #tpu.memory_space<hbm>> -> memref<1x1x1x3x80xi32, #tpu.memory_space<hbm>>
          %dma_wait3A_677 = tpu.memref_squeeze %dma_wait3A_676 : memref<1x1x1x3x80xi32, #tpu.memory_space<hbm>> -> memref<3x80xi32, #tpu.memory_space<hbm>>
          %dma_wait3A_678 = arith.constant 0 : i32
          %dma_wait3A_679 = arith.constant 0 : i32
          %dma_wait3A_680 = tpu.memref_slice %arg5[%add3A, %run_scoped3A, %div3A_663, %dma_wait3A_678, %dma_wait3A_679] : memref<32x4x11x3x80xi32, #tpu.memory_space<hbm>> -> memref<1x1x1x3x80xi32, #tpu.memory_space<hbm>>
          %dma_wait3A_681 = tpu.memref_squeeze %dma_wait3A_680 : memref<1x1x1x3x80xi32, #tpu.memory_space<hbm>> -> memref<3x80xi32, #tpu.memory_space<hbm>>
          tpu.wait_dma2 semaphore(%run_scoped3A_665 : memref<!tpu.dma_semaphore, #tpu.memory_space<semaphore_mem>>) src(%dma_wait3A_681 : memref<3x80xi32, #tpu.memory_space<hbm>>) dst(%arg21 : memref<3x80xi32, #tpu.memory_space<vmem>>)
          tpu.yield
        }) : () -> ()
        %run_scoped3A_664 = arith.constant 2 : i32
        "tpu.region"() ({
          %run_scoped3A_665 = tpu.sem_alloc : memref<!tpu.dma_semaphore, #tpu.memory_space<semaphore_mem>>
          %dma_start3A_666 = arith.constant 0 : i32
          %dma_start3A_667 = arith.constant 0 : i32
          %dma_start3A_668 = tpu.memref_slice %arg6[%add3A, %run_scoped3A_664, %div3A_663, %dma_start3A_666, %dma_start3A_667] : memref<32x4x11x3x80xi32, #tpu.memory_space<hbm>> -> memref<1x1x1x3x80xi32, #tpu.memory_space<hbm>>
          %dma_start3A_669 = tpu.memref_squeeze %dma_start3A_668 : memref<1x1x1x3x80xi32, #tpu.memory_space<hbm>> -> memref<3x80xi32, #tpu.memory_space<hbm>>
          %dma_start3A_670 = arith.constant 0 : i32
          %dma_start3A_671 = arith.constant 0 : i32
          %dma_start3A_672 = tpu.memref_slice %arg6[%add3A, %run_scoped3A_664, %div3A_663, %dma_start3A_670, %dma_start3A_671] : memref<32x4x11x3x80xi32, #tpu.memory_space<hbm>> -> memref<1x1x1x3x80xi32, #tpu.memory_space<hbm>>
          %dma_start3A_673 = tpu.memref_squeeze %dma_start3A_672 : memref<1x1x1x3x80xi32, #tpu.memory_space<hbm>> -> memref<3x80xi32, #tpu.memory_space<hbm>>
          tpu.enqueue_dma source(%dma_start3A_673 : memref<3x80xi32, #tpu.memory_space<hbm>>) target(%arg22 : memref<3x80xi32, #tpu.memory_space<vmem>>) target_semaphore(%run_scoped3A_665 : memref<!tpu.dma_semaphore, #tpu.memory_space<semaphore_mem>>)
          %dma_wait3A_674 = arith.constant 0 : i32
          %dma_wait3A_675 = arith.constant 0 : i32
          %dma_wait3A_676 = tpu.memref_slice %arg6[%add3A, %run_scoped3A_664, %div3A_663, %dma_wait3A_674, %dma_wait3A_675] : memref<32x4x11x3x80xi32, #tpu.memory_space<hbm>> -> memref<1x1x1x3x80xi32, #tpu.memory_space<hbm>>
          %dma_wait3A_677 = tpu.memref_squeeze %dma_wait3A_676 : memref<1x1x1x3x80xi32, #tpu.memory_space<hbm>> -> memref<3x80xi32, #tpu.memory_space<hbm>>
          %dma_wait3A_678 = arith.constant 0 : i32
          %dma_wait3A_679 = arith.constant 0 : i32
          %dma_wait3A_680 = tpu.memref_slice %arg6[%add3A, %run_scoped3A_664, %div3A_663, %dma_wait3A_678, %dma_wait3A_679] : memref<32x4x11x3x80xi32, #tpu.memory_space<hbm>> -> memref<1x1x1x3x80xi32, #tpu.memory_space<hbm>>
          %dma_wait3A_681 = tpu.memref_squeeze %dma_wait3A_680 : memref<1x1x1x3x80xi32, #tpu.memory_space<hbm>> -> memref<3x80xi32, #tpu.memory_space<hbm>>
          tpu.wait_dma2 semaphore(%run_scoped3A_665 : memref<!tpu.dma_semaphore, #tpu.memory_space<semaphore_mem>>) src(%dma_wait3A_681 : memref<3x80xi32, #tpu.memory_space<hbm>>) dst(%arg22 : memref<3x80xi32, #tpu.memory_space<vmem>>)
          tpu.yield
        }) : () -> ()
      } else {
      }
      %dma_start3A_279 = arith.constant 0 : i32
      %dma_start3A_280 = tpu.memref_slice %arg21[%rem3A_273, %dma_start3A_279] : memref<3x80xi32, #tpu.memory_space<vmem>> -> memref<1x80xi32, #tpu.memory_space<vmem>>
      %dma_start3A_281 = tpu.memref_squeeze %dma_start3A_280 : memref<1x80xi32, #tpu.memory_space<vmem>> -> memref<80xi32, #tpu.memory_space<vmem>>
      %dma_start3A_282 = arith.constant 0 : i32
      %dma_start3A_283 = arith.constant 0 : i32
      %dma_start3A_284 = tpu.memref_slice %arg2[%dma_start3A_282, %dma_start3A_283] : memref<10240x128xf32, #tpu.memory_space<hbm>> -> memref<10240x128xf32, #tpu.memory_space<hbm>>
      tpu.enqueue_indirect_dma source(%dma_start3A_284 : memref<10240x128xf32, #tpu.memory_space<hbm>>) target(%arg26 : memref<80x128xf32, #tpu.memory_space<vmem>>) offsets(%dma_start3A_281 : memref<80xi32, #tpu.memory_space<vmem>>) semaphore(%arg38 : memref<!tpu.dma_semaphore, #tpu.memory_space<semaphore_mem>>)
      %dma_start3A_285 = arith.constant 0 : i32
      %dma_start3A_286 = tpu.memref_slice %arg21[%rem3A_273, %dma_start3A_285] : memref<3x80xi32, #tpu.memory_space<vmem>> -> memref<1x80xi32, #tpu.memory_space<vmem>>
      %dma_start3A_287 = tpu.memref_squeeze %dma_start3A_286 : memref<1x80xi32, #tpu.memory_space<vmem>> -> memref<80xi32, #tpu.memory_space<vmem>>
      %dma_start3A_288 = arith.constant 0 : i32
      %dma_start3A_289 = tpu.memref_slice %arg3[%dma_start3A_288] : memref<10240xf32, #tpu.memory_space<hbm>> -> memref<10240xf32, #tpu.memory_space<hbm>>
      tpu.enqueue_indirect_dma source(%dma_start3A_289 : memref<10240xf32, #tpu.memory_space<hbm>>) target(%arg23 : memref<80xf32, #tpu.memory_space<vmem>>) offsets(%dma_start3A_287 : memref<80xi32, #tpu.memory_space<vmem>>) semaphore(%arg38 : memref<!tpu.dma_semaphore, #tpu.memory_space<semaphore_mem>>)
      %dma_start3A_290 = arith.constant 0 : i32
      %dma_start3A_291 = tpu.memref_slice %arg22[%rem3A_273, %dma_start3A_290] : memref<3x80xi32, #tpu.memory_space<vmem>> -> memref<1x80xi32, #tpu.memory_space<vmem>>
      %dma_start3A_292 = tpu.memref_squeeze %dma_start3A_291 : memref<1x80xi32, #tpu.memory_space<vmem>> -> memref<80xi32, #tpu.memory_space<vmem>>
      %dma_start3A_293 = arith.constant 0 : i32
      %dma_start3A_294 = tpu.memref_slice %arg4[%dma_start3A_293] : memref<10240xf32, #tpu.memory_space<hbm>> -> memref<10240xf32, #tpu.memory_space<hbm>>
      tpu.enqueue_indirect_dma source(%dma_start3A_294 : memref<10240xf32, #tpu.memory_space<hbm>>) target(%arg24 : memref<80xf32, #tpu.memory_space<vmem>>) offsets(%dma_start3A_292 : memref<80xi32, #tpu.memory_space<vmem>>) semaphore(%arg38 : memref<!tpu.dma_semaphore, #tpu.memory_space<semaphore_mem>>)
      %rem3A_295 = arith.constant 3 : i32
      %rem3A_296 = arith.remsi %scan3A_163, %rem3A_295 : i32
      %dma_wait3A_297 = arith.constant 0 : i32
      %dma_wait3A_298 = tpu.memref_slice %arg15[%rem3A_296, %dma_wait3A_297] : memref<3x80xi32, #tpu.memory_space<vmem>> -> memref<1x80xi32, #tpu.memory_space<vmem>>
      %dma_wait3A_299 = tpu.memref_squeeze %dma_wait3A_298 : memref<1x80xi32, #tpu.memory_space<vmem>> -> memref<80xi32, #tpu.memory_space<vmem>>
      %dma_wait3A_300 = arith.constant 0 : i32
      %dma_wait3A_301 = arith.constant 0 : i32
      %dma_wait3A_302 = tpu.memref_slice %arg2[%dma_wait3A_300, %dma_wait3A_301] : memref<10240x128xf32, #tpu.memory_space<hbm>> -> memref<10240x128xf32, #tpu.memory_space<hbm>>
      tpu.wait_indirect_dma semaphore(%arg37 : memref<!tpu.dma_semaphore, #tpu.memory_space<semaphore_mem>>) src(%dma_wait3A_302 : memref<10240x128xf32, #tpu.memory_space<hbm>>) dst(%arg20 : memref<80x128xf32, #tpu.memory_space<vmem>>)
      %dma_wait3A_303 = arith.constant 0 : i32
      %dma_wait3A_304 = tpu.memref_slice %arg15[%rem3A_296, %dma_wait3A_303] : memref<3x80xi32, #tpu.memory_space<vmem>> -> memref<1x80xi32, #tpu.memory_space<vmem>>
      %dma_wait3A_305 = tpu.memref_squeeze %dma_wait3A_304 : memref<1x80xi32, #tpu.memory_space<vmem>> -> memref<80xi32, #tpu.memory_space<vmem>>
      %dma_wait3A_306 = arith.constant 0 : i32
      %dma_wait3A_307 = tpu.memref_slice %arg3[%dma_wait3A_306] : memref<10240xf32, #tpu.memory_space<hbm>> -> memref<10240xf32, #tpu.memory_space<hbm>>
      tpu.wait_indirect_dma semaphore(%arg37 : memref<!tpu.dma_semaphore, #tpu.memory_space<semaphore_mem>>) src(%dma_wait3A_307 : memref<10240xf32, #tpu.memory_space<hbm>>) dst(%arg17 : memref<80xf32, #tpu.memory_space<vmem>>)
      %dma_wait3A_308 = arith.constant 0 : i32
      %dma_wait3A_309 = tpu.memref_slice %arg16[%rem3A_296, %dma_wait3A_308] : memref<3x80xi32, #tpu.memory_space<vmem>> -> memref<1x80xi32, #tpu.memory_space<vmem>>
      %dma_wait3A_310 = tpu.memref_squeeze %dma_wait3A_309 : memref<1x80xi32, #tpu.memory_space<vmem>> -> memref<80xi32, #tpu.memory_space<vmem>>
      %dma_wait3A_311 = arith.constant 0 : i32
      %dma_wait3A_312 = tpu.memref_slice %arg4[%dma_wait3A_311] : memref<10240xf32, #tpu.memory_space<hbm>> -> memref<10240xf32, #tpu.memory_space<hbm>>
      tpu.wait_indirect_dma semaphore(%arg37 : memref<!tpu.dma_semaphore, #tpu.memory_space<semaphore_mem>>) src(%dma_wait3A_312 : memref<10240xf32, #tpu.memory_space<hbm>>) dst(%arg18 : memref<80xf32, #tpu.memory_space<vmem>>)
      %rem3A_313 = arith.constant 3 : i32
      %rem3A_314 = arith.remsi %scan3A_163, %rem3A_313 : i32
      %get3A_315 = arith.constant 0 : index
      %get3A_316 = tpu.vector_load %arg17[%get3A_315] {strides = array<i32>} : memref<80xf32, #tpu.memory_space<vmem>>, vector<16xf32>,
      %get3A_317 = arith.constant 0 : index
      %get3A_318 = tpu.vector_load %arg18[%get3A_317] {strides = array<i32>} : memref<80xf32, #tpu.memory_space<vmem>>, vector<16xf32>,
      %add3A_319 = arith.addf %get3A_316, %get3A_318 : vector<16xf32>
      %gt3A_320 = arith.constant 0.000000e+00 : f32
      %gt3A_321 = vector.broadcast %gt3A_320 : f32 to vector<16xf32>
      %gt3A_322 = arith.cmpf ogt, %add3A_319, %gt3A_321 : vector<16xf32>
      %mul3A_323 = arith.constant 2.000000e-01 : f32
      %mul3A_324 = vector.broadcast %mul3A_323 : f32 to vector<16xf32>
      %mul3A_325 = arith.mulf %mul3A_324, %add3A_319 : vector<16xf32>
      %select_n3A_326 = arith.select %gt3A_322, %add3A_319, %mul3A_325 : vector<16xi1>, vector<16xf32>
      %exp3A_327 = math.exp %select_n3A_326 : vector<16xf32>
      %swap3A_328 = arith.constant 0 : index
      %swap3A_329 = tpu.vector_load %arg19[%swap3A_328] {strides = array<i32>} : memref<80xf32, #tpu.memory_space<vmem>>, vector<16xf32>,
      tpu.vector_store %arg19[%swap3A_328], %exp3A_327 {strides = array<i32>} : memref<80xf32, #tpu.memory_space<vmem>>, vector<16xf32>,
      %get3A_330 = arith.constant 16 : index
      %get3A_331 = tpu.vector_load %arg17[%get3A_330] {strides = array<i32>} : memref<80xf32, #tpu.memory_space<vmem>>, vector<16xf32>,
      %get3A_332 = arith.constant 16 : index
      %get3A_333 = tpu.vector_load %arg18[%get3A_332] {strides = array<i32>} : memref<80xf32, #tpu.memory_space<vmem>>, vector<16xf32>,
      %add3A_334 = arith.addf %get3A_331, %get3A_333 : vector<16xf32>
      %gt3A_335 = arith.constant 0.000000e+00 : f32
      %gt3A_336 = vector.broadcast %gt3A_335 : f32 to vector<16xf32>
      %gt3A_337 = arith.cmpf ogt, %add3A_334, %gt3A_336 : vector<16xf32>
      %mul3A_338 = arith.constant 2.000000e-01 : f32
      %mul3A_339 = vector.broadcast %mul3A_338 : f32 to vector<16xf32>
      %mul3A_340 = arith.mulf %mul3A_339, %add3A_334 : vector<16xf32>
      %select_n3A_341 = arith.select %gt3A_337, %add3A_334, %mul3A_340 : vector<16xi1>, vector<16xf32>
      %exp3A_342 = math.exp %select_n3A_341 : vector<16xf32>
      %swap3A_343 = arith.constant 16 : index
      %swap3A_344 = tpu.vector_load %arg19[%swap3A_343] {strides = array<i32>} : memref<80xf32, #tpu.memory_space<vmem>>, vector<16xf32>,
      tpu.vector_store %arg19[%swap3A_343], %exp3A_342 {strides = array<i32>} : memref<80xf32, #tpu.memory_space<vmem>>, vector<16xf32>,
      %get3A_345 = arith.constant 32 : index
      %get3A_346 = tpu.vector_load %arg17[%get3A_345] {strides = array<i32>} : memref<80xf32, #tpu.memory_space<vmem>>, vector<16xf32>,
      %get3A_347 = arith.constant 32 : index
      %get3A_348 = tpu.vector_load %arg18[%get3A_347] {strides = array<i32>} : memref<80xf32, #tpu.memory_space<vmem>>, vector<16xf32>,
      %add3A_349 = arith.addf %get3A_346, %get3A_348 : vector<16xf32>
      %gt3A_350 = arith.constant 0.000000e+00 : f32
      %gt3A_351 = vector.broadcast %gt3A_350 : f32 to vector<16xf32>
      %gt3A_352 = arith.cmpf ogt, %add3A_349, %gt3A_351 : vector<16xf32>
      %mul3A_353 = arith.constant 2.000000e-01 : f32
      %mul3A_354 = vector.broadcast %mul3A_353 : f32 to vector<16xf32>
      %mul3A_355 = arith.mulf %mul3A_354, %add3A_349 : vector<16xf32>
      %select_n3A_356 = arith.select %gt3A_352, %add3A_349, %mul3A_355 : vector<16xi1>, vector<16xf32>
      %exp3A_357 = math.exp %select_n3A_356 : vector<16xf32>
      %swap3A_358 = arith.constant 32 : index
      %swap3A_359 = tpu.vector_load %arg19[%swap3A_358] {strides = array<i32>} : memref<80xf32, #tpu.memory_space<vmem>>, vector<16xf32>,
      tpu.vector_store %arg19[%swap3A_358], %exp3A_357 {strides = array<i32>} : memref<80xf32, #tpu.memory_space<vmem>>, vector<16xf32>,
      %get3A_360 = arith.constant 48 : index
      %get3A_361 = tpu.vector_load %arg17[%get3A_360] {strides = array<i32>} : memref<80xf32, #tpu.memory_space<vmem>>, vector<16xf32>,
      %get3A_362 = arith.constant 48 : index
      %get3A_363 = tpu.vector_load %arg18[%get3A_362] {strides = array<i32>} : memref<80xf32, #tpu.memory_space<vmem>>, vector<16xf32>,
      %add3A_364 = arith.addf %get3A_361, %get3A_363 : vector<16xf32>
      %gt3A_365 = arith.constant 0.000000e+00 : f32
      %gt3A_366 = vector.broadcast %gt3A_365 : f32 to vector<16xf32>
      %gt3A_367 = arith.cmpf ogt, %add3A_364, %gt3A_366 : vector<16xf32>
      %mul3A_368 = arith.constant 2.000000e-01 : f32
      %mul3A_369 = vector.broadcast %mul3A_368 : f32 to vector<16xf32>
      %mul3A_370 = arith.mulf %mul3A_369, %add3A_364 : vector<16xf32>
      %select_n3A_371 = arith.select %gt3A_367, %add3A_364, %mul3A_370 : vector<16xi1>, vector<16xf32>
      %exp3A_372 = math.exp %select_n3A_371 : vector<16xf32>
      %swap3A_373 = arith.constant 48 : index
      %swap3A_374 = tpu.vector_load %arg19[%swap3A_373] {strides = array<i32>} : memref<80xf32, #tpu.memory_space<vmem>>, vector<16xf32>,
      tpu.vector_store %arg19[%swap3A_373], %exp3A_372 {strides = array<i32>} : memref<80xf32, #tpu.memory_space<vmem>>, vector<16xf32>,
      %get3A_375 = arith.constant 64 : index
      %get3A_376 = tpu.vector_load %arg17[%get3A_375] {strides = array<i32>} : memref<80xf32, #tpu.memory_space<vmem>>, vector<16xf32>,
      %get3A_377 = arith.constant 64 : index
      %get3A_378 = tpu.vector_load %arg18[%get3A_377] {strides = array<i32>} : memref<80xf32, #tpu.memory_space<vmem>>, vector<16xf32>,
      %add3A_379 = arith.addf %get3A_376, %get3A_378 : vector<16xf32>
      %gt3A_380 = arith.constant 0.000000e+00 : f32
      %gt3A_381 = vector.broadcast %gt3A_380 : f32 to vector<16xf32>
      %gt3A_382 = arith.cmpf ogt, %add3A_379, %gt3A_381 : vector<16xf32>
      %mul3A_383 = arith.constant 2.000000e-01 : f32
      %mul3A_384 = vector.broadcast %mul3A_383 : f32 to vector<16xf32>
      %mul3A_385 = arith.mulf %mul3A_384, %add3A_379 : vector<16xf32>
      %select_n3A_386 = arith.select %gt3A_382, %add3A_379, %mul3A_385 : vector<16xi1>, vector<16xf32>
      %exp3A_387 = math.exp %select_n3A_386 : vector<16xf32>
      %swap3A_388 = arith.constant 64 : index
      %swap3A_389 = tpu.vector_load %arg19[%swap3A_388] {strides = array<i32>} : memref<80xf32, #tpu.memory_space<vmem>>, vector<16xf32>,
      tpu.vector_store %arg19[%swap3A_388], %exp3A_387 {strides = array<i32>} : memref<80xf32, #tpu.memory_space<vmem>>, vector<16xf32>,
      %parallel_loop3A_390 = arith.constant 0 : i32
      %parallel_loop3A_391 = arith.constant 80 : i32
      %parallel_loop3A_392 = arith.constant 1 : i32
      scf.for %parallel_loop3A_663 = %parallel_loop3A_390 to %parallel_loop3A_391 step %parallel_loop3A_392  : i32 {
        %parallel_loop3A_664 = vector.broadcast %parallel_loop3A_663 : i32 to vector<16xi32>
        %parallel_loop3A_665 = tpu.vector_load_idx %arg19[%parallel_loop3A_664] : memref<80xf32, #tpu.memory_space<vmem>>[vector<16xi32>], vector<16xf32>,
        %parallel_loop3A_666 = arith.index_cast %parallel_loop3A_663 : i32 to index
        %parallel_loop3A_667 = arith.constant 0 : index
        %parallel_loop3A_668 = tpu.vector_load %arg20[%parallel_loop3A_666, %parallel_loop3A_667] {strides = array<i32>} : memref<80x128xf32, #tpu.memory_space<vmem>>, vector<16xf32>,
        %parallel_loop3A_669 = arith.mulf %parallel_loop3A_668, %parallel_loop3A_665 : vector<16xf32>
        %parallel_loop3A_670 = arith.index_cast %parallel_loop3A_663 : i32 to index
        %parallel_loop3A_671 = arith.constant 0 : index
        %parallel_loop3A_672 = tpu.vector_load %arg20[%parallel_loop3A_670, %parallel_loop3A_671] {strides = array<i32>} : memref<80x128xf32, #tpu.memory_space<vmem>>, vector<16xf32>,
        tpu.vector_store %arg20[%parallel_loop3A_670, %parallel_loop3A_671], %parallel_loop3A_669 {strides = array<i32>} : memref<80x128xf32, #tpu.memory_space<vmem>>, vector<16xf32>,
        %parallel_loop3A_673 = arith.index_cast %parallel_loop3A_663 : i32 to index
        %parallel_loop3A_674 = arith.constant 16 : index
        %parallel_loop3A_675 = tpu.vector_load %arg20[%parallel_loop3A_673, %parallel_loop3A_674] {strides = array<i32>} : memref<80x128xf32, #tpu.memory_space<vmem>>, vector<16xf32>,
        %parallel_loop3A_676 = arith.mulf %parallel_loop3A_675, %parallel_loop3A_665 : vector<16xf32>
        %parallel_loop3A_677 = arith.index_cast %parallel_loop3A_663 : i32 to index
        %parallel_loop3A_678 = arith.constant 16 : index
        %parallel_loop3A_679 = tpu.vector_load %arg20[%parallel_loop3A_677, %parallel_loop3A_678] {strides = array<i32>} : memref<80x128xf32, #tpu.memory_space<vmem>>, vector<16xf32>,
        tpu.vector_store %arg20[%parallel_loop3A_677, %parallel_loop3A_678], %parallel_loop3A_676 {strides = array<i32>} : memref<80x128xf32, #tpu.memory_space<vmem>>, vector<16xf32>,
        %parallel_loop3A_680 = arith.index_cast %parallel_loop3A_663 : i32 to index
        %parallel_loop3A_681 = arith.constant 32 : index
        %parallel_loop3A_682 = tpu.vector_load %arg20[%parallel_loop3A_680, %parallel_loop3A_681] {strides = array<i32>} : memref<80x128xf32, #tpu.memory_space<vmem>>, vector<16xf32>,
        %parallel_loop3A_683 = arith.mulf %parallel_loop3A_682, %parallel_loop3A_665 : vector<16xf32>
        %parallel_loop3A_684 = arith.index_cast %parallel_loop3A_663 : i32 to index
        %parallel_loop3A_685 = arith.constant 32 : index
        %parallel_loop3A_686 = tpu.vector_load %arg20[%parallel_loop3A_684, %parallel_loop3A_685] {strides = array<i32>} : memref<80x128xf32, #tpu.memory_space<vmem>>, vector<16xf32>,
        tpu.vector_store %arg20[%parallel_loop3A_684, %parallel_loop3A_685], %parallel_loop3A_683 {strides = array<i32>} : memref<80x128xf32, #tpu.memory_space<vmem>>, vector<16xf32>,
        %parallel_loop3A_687 = arith.index_cast %parallel_loop3A_663 : i32 to index
        %parallel_loop3A_688 = arith.constant 48 : index
        %parallel_loop3A_689 = tpu.vector_load %arg20[%parallel_loop3A_687, %parallel_loop3A_688] {strides = array<i32>} : memref<80x128xf32, #tpu.memory_space<vmem>>, vector<16xf32>,
        %parallel_loop3A_690 = arith.mulf %parallel_loop3A_689, %parallel_loop3A_665 : vector<16xf32>
        %parallel_loop3A_691 = arith.index_cast %parallel_loop3A_663 : i32 to index
        %parallel_loop3A_692 = arith.constant 48 : index
        %parallel_loop3A_693 = tpu.vector_load %arg20[%parallel_loop3A_691, %parallel_loop3A_692] {strides = array<i32>} : memref<80x128xf32, #tpu.memory_space<vmem>>, vector<16xf32>,
        tpu.vector_store %arg20[%parallel_loop3A_691, %parallel_loop3A_692], %parallel_loop3A_690 {strides = array<i32>} : memref<80x128xf32, #tpu.memory_space<vmem>>, vector<16xf32>,
        %parallel_loop3A_694 = arith.index_cast %parallel_loop3A_663 : i32 to index
        %parallel_loop3A_695 = arith.constant 64 : index
        %parallel_loop3A_696 = tpu.vector_load %arg20[%parallel_loop3A_694, %parallel_loop3A_695] {strides = array<i32>} : memref<80x128xf32, #tpu.memory_space<vmem>>, vector<16xf32>,
        %parallel_loop3A_697 = arith.mulf %parallel_loop3A_696, %parallel_loop3A_665 : vector<16xf32>
        %parallel_loop3A_698 = arith.index_cast %parallel_loop3A_663 : i32 to index
        %parallel_loop3A_699 = arith.constant 64 : index
        %parallel_loop3A_700 = tpu.vector_load %arg20[%parallel_loop3A_698, %parallel_loop3A_699] {strides = array<i32>} : memref<80x128xf32, #tpu.memory_space<vmem>>, vector<16xf32>,
        tpu.vector_store %arg20[%parallel_loop3A_698, %parallel_loop3A_699], %parallel_loop3A_697 {strides = array<i32>} : memref<80x128xf32, #tpu.memory_space<vmem>>, vector<16xf32>,
        %parallel_loop3A_701 = arith.index_cast %parallel_loop3A_663 : i32 to index
        %parallel_loop3A_702 = arith.constant 80 : index
        %parallel_loop3A_703 = tpu.vector_load %arg20[%parallel_loop3A_701, %parallel_loop3A_702] {strides = array<i32>} : memref<80x128xf32, #tpu.memory_space<vmem>>, vector<16xf32>,
        %parallel_loop3A_704 = arith.mulf %parallel_loop3A_703, %parallel_loop3A_665 : vector<16xf32>
        %parallel_loop3A_705 = arith.index_cast %parallel_loop3A_663 : i32 to index
        %parallel_loop3A_706 = arith.constant 80 : index
        %parallel_loop3A_707 = tpu.vector_load %arg20[%parallel_loop3A_705, %parallel_loop3A_706] {strides = array<i32>} : memref<80x128xf32, #tpu.memory_space<vmem>>, vector<16xf32>,
        tpu.vector_store %arg20[%parallel_loop3A_705, %parallel_loop3A_706], %parallel_loop3A_704 {strides = array<i32>} : memref<80x128xf32, #tpu.memory_space<vmem>>, vector<16xf32>,
        %parallel_loop3A_708 = arith.index_cast %parallel_loop3A_663 : i32 to index
        %parallel_loop3A_709 = arith.constant 96 : index
        %parallel_loop3A_710 = tpu.vector_load %arg20[%parallel_loop3A_708, %parallel_loop3A_709] {strides = array<i32>} : memref<80x128xf32, #tpu.memory_space<vmem>>, vector<16xf32>,
        %parallel_loop3A_711 = arith.mulf %parallel_loop3A_710, %parallel_loop3A_665 : vector<16xf32>
        %parallel_loop3A_712 = arith.index_cast %parallel_loop3A_663 : i32 to index
        %parallel_loop3A_713 = arith.constant 96 : index
        %parallel_loop3A_714 = tpu.vector_load %arg20[%parallel_loop3A_712, %parallel_loop3A_713] {strides = array<i32>} : memref<80x128xf32, #tpu.memory_space<vmem>>, vector<16xf32>,
        tpu.vector_store %arg20[%parallel_loop3A_712, %parallel_loop3A_713], %parallel_loop3A_711 {strides = array<i32>} : memref<80x128xf32, #tpu.memory_space<vmem>>, vector<16xf32>,
        %parallel_loop3A_715 = arith.index_cast %parallel_loop3A_663 : i32 to index
        %parallel_loop3A_716 = arith.constant 112 : index
        %parallel_loop3A_717 = tpu.vector_load %arg20[%parallel_loop3A_715, %parallel_loop3A_716] {strides = array<i32>} : memref<80x128xf32, #tpu.memory_space<vmem>>, vector<16xf32>,
        %parallel_loop3A_718 = arith.mulf %parallel_loop3A_717, %parallel_loop3A_665 : vector<16xf32>
        %parallel_loop3A_719 = arith.index_cast %parallel_loop3A_663 : i32 to index
        %parallel_loop3A_720 = arith.constant 112 : index
        %parallel_loop3A_721 = tpu.vector_load %arg20[%parallel_loop3A_719, %parallel_loop3A_720] {strides = array<i32>} : memref<80x128xf32, #tpu.memory_space<vmem>>, vector<16xf32>,
        tpu.vector_store %arg20[%parallel_loop3A_719, %parallel_loop3A_720], %parallel_loop3A_718 {strides = array<i32>} : memref<80x128xf32, #tpu.memory_space<vmem>>, vector<16xf32>,
      } {sc.loop_unroll_factor = 8 : i64, sc.parallel_access}
      %dma_start3A_393 = arith.constant 0 : i32
      %dma_start3A_394 = tpu.memref_slice %arg16[%rem3A_314, %dma_start3A_393] : memref<3x80xi32, #tpu.memory_space<vmem>> -> memref<1x80xi32, #tpu.memory_space<vmem>>
      %dma_start3A_395 = tpu.memref_squeeze %dma_start3A_394 : memref<1x80xi32, #tpu.memory_space<vmem>> -> memref<80xi32, #tpu.memory_space<vmem>>
      %dma_start3A_396 = arith.constant 0 : i32
      %dma_start3A_397 = tpu.memref_slice %arg35[%dma_start3A_396] : memref<10240xf32, #tpu.memory_space<vmem_shared>> -> memref<10240xf32, #tpu.memory_space<vmem_shared>>
      tpu.enqueue_indirect_dma source(%arg19 : memref<80xf32, #tpu.memory_space<vmem>>) target(%dma_start3A_397 : memref<10240xf32, #tpu.memory_space<vmem_shared>>) offsets(%dma_start3A_395 : memref<80xi32, #tpu.memory_space<vmem>>) semaphore(%arg45 : memref<!tpu.dma_semaphore, #tpu.memory_space<semaphore_mem>>) {add = true}
      %dma_start3A_398 = arith.constant 0 : i32
      %dma_start3A_399 = tpu.memref_slice %arg16[%rem3A_314, %dma_start3A_398] : memref<3x80xi32, #tpu.memory_space<vmem>> -> memref<1x80xi32, #tpu.memory_space<vmem>>
      %dma_start3A_400 = tpu.memref_squeeze %dma_start3A_399 : memref<1x80xi32, #tpu.memory_space<vmem>> -> memref<80xi32, #tpu.memory_space<vmem>>
      %dma_start3A_401 = arith.constant 0 : i32
      %dma_start3A_402 = arith.constant 0 : i32
      %dma_start3A_403 = tpu.memref_slice %arg34[%dma_start3A_401, %dma_start3A_402] : memref<10240x128xf32, #tpu.memory_space<vmem_shared>> -> memref<10240x128xf32, #tpu.memory_space<vmem_shared>>
      tpu.enqueue_indirect_dma source(%arg20 : memref<80x128xf32, #tpu.memory_space<vmem>>) target(%dma_start3A_403 : memref<10240x128xf32, #tpu.memory_space<vmem_shared>>) offsets(%dma_start3A_400 : memref<80xi32, #tpu.memory_space<vmem>>) semaphore(%arg41 : memref<!tpu.dma_semaphore, #tpu.memory_space<semaphore_mem>>) {add = true}
      %gt3A_404 = arith.constant 0 : i32
      %gt3A_405 = arith.cmpi sgt, %scan3A_163, %gt3A_404 : i32
      %convert_element_type3A_406 = arith.extui %gt3A_405 : i1 to i32
      %cond3A_407 = arith.constant 0 : i32
      %cond3A_408 = arith.cmpi ne, %convert_element_type3A_406, %cond3A_407 : i32
      scf.if %cond3A_408 {
        %dma_wait3A_663 = arith.constant 0 : i32
        %dma_wait3A_664 = arith.constant 0 : i32
        %dma_wait3A_665 = tpu.memref_slice %arg28[%dma_wait3A_663, %dma_wait3A_664] : memref<3x80xi32, #tpu.memory_space<vmem>> -> memref<1x80xi32, #tpu.memory_space<vmem>>
        %dma_wait3A_666 = tpu.memref_squeeze %dma_wait3A_665 : memref<1x80xi32, #tpu.memory_space<vmem>> -> memref<80xi32, #tpu.memory_space<vmem>>
        %dma_wait3A_667 = arith.constant 0 : i32
        %dma_wait3A_668 = arith.constant 0 : i32
        %dma_wait3A_669 = tpu.memref_slice %arg34[%dma_wait3A_667, %dma_wait3A_668] : memref<10240x128xf32, #tpu.memory_space<vmem_shared>> -> memref<10240x128xf32, #tpu.memory_space<vmem_shared>>
        tpu.wait_indirect_dma semaphore(%arg43 : memref<!tpu.dma_semaphore, #tpu.memory_space<semaphore_mem>>) src(%arg32 : memref<80x128xf32, #tpu.memory_space<vmem>>) dst(%dma_wait3A_669 : memref<10240x128xf32, #tpu.memory_space<vmem_shared>>)
        %dma_wait3A_670 = arith.constant 0 : i32
        %dma_wait3A_671 = arith.constant 0 : i32
        %dma_wait3A_672 = tpu.memref_slice %arg28[%dma_wait3A_670, %dma_wait3A_671] : memref<3x80xi32, #tpu.memory_space<vmem>> -> memref<1x80xi32, #tpu.memory_space<vmem>>
        %dma_wait3A_673 = tpu.memref_squeeze %dma_wait3A_672 : memref<1x80xi32, #tpu.memory_space<vmem>> -> memref<80xi32, #tpu.memory_space<vmem>>
        %dma_wait3A_674 = arith.constant 0 : i32
        %dma_wait3A_675 = tpu.memref_slice %arg35[%dma_wait3A_674] : memref<10240xf32, #tpu.memory_space<vmem_shared>> -> memref<10240xf32, #tpu.memory_space<vmem_shared>>
        tpu.wait_indirect_dma semaphore(%arg47 : memref<!tpu.dma_semaphore, #tpu.memory_space<semaphore_mem>>) src(%arg31 : memref<80xf32, #tpu.memory_space<vmem>>) dst(%dma_wait3A_675 : memref<10240xf32, #tpu.memory_space<vmem_shared>>)
      } else {
      }
      %rem3A_409 = arith.constant 3 : i32
      %rem3A_410 = arith.remsi %scan3A_163, %rem3A_409 : i32
      %eq3A_411 = arith.constant 0 : i32
      %eq3A_412 = arith.cmpi eq, %rem3A_410, %eq3A_411 : i32
      %convert_element_type3A_413 = arith.extui %eq3A_412 : i1 to i32
      %cond3A_414 = arith.constant 0 : i32
      %cond3A_415 = arith.cmpi ne, %convert_element_type3A_413, %cond3A_414 : i32
      scf.if %cond3A_415 {
        %div3A = arith.constant 3 : i32
        %div3A_663 = arith.divsi %scan3A_163, %div3A : i32
        %run_scoped3A = arith.constant 3 : i32
        "tpu.region"() ({
          %run_scoped3A_665 = tpu.sem_alloc : memref<!tpu.dma_semaphore, #tpu.memory_space<semaphore_mem>>
          %dma_start3A_666 = arith.constant 0 : i32
          %dma_start3A_667 = arith.constant 0 : i32
          %dma_start3A_668 = tpu.memref_slice %arg5[%add3A, %run_scoped3A, %div3A_663, %dma_start3A_666, %dma_start3A_667] : memref<32x4x11x3x80xi32, #tpu.memory_space<hbm>> -> memref<1x1x1x3x80xi32, #tpu.memory_space<hbm>>
          %dma_start3A_669 = tpu.memref_squeeze %dma_start3A_668 : memref<1x1x1x3x80xi32, #tpu.memory_space<hbm>> -> memref<3x80xi32, #tpu.memory_space<hbm>>
          %dma_start3A_670 = arith.constant 0 : i32
          %dma_start3A_671 = arith.constant 0 : i32
          %dma_start3A_672 = tpu.memref_slice %arg5[%add3A, %run_scoped3A, %div3A_663, %dma_start3A_670, %dma_start3A_671] : memref<32x4x11x3x80xi32, #tpu.memory_space<hbm>> -> memref<1x1x1x3x80xi32, #tpu.memory_space<hbm>>
          %dma_start3A_673 = tpu.memref_squeeze %dma_start3A_672 : memref<1x1x1x3x80xi32, #tpu.memory_space<hbm>> -> memref<3x80xi32, #tpu.memory_space<hbm>>
          tpu.enqueue_dma source(%dma_start3A_673 : memref<3x80xi32, #tpu.memory_space<hbm>>) target(%arg27 : memref<3x80xi32, #tpu.memory_space<vmem>>) target_semaphore(%run_scoped3A_665 : memref<!tpu.dma_semaphore, #tpu.memory_space<semaphore_mem>>)
          %dma_wait3A_674 = arith.constant 0 : i32
          %dma_wait3A_675 = arith.constant 0 : i32
          %dma_wait3A_676 = tpu.memref_slice %arg5[%add3A, %run_scoped3A, %div3A_663, %dma_wait3A_674, %dma_wait3A_675] : memref<32x4x11x3x80xi32, #tpu.memory_space<hbm>> -> memref<1x1x1x3x80xi32, #tpu.memory_space<hbm>>
          %dma_wait3A_677 = tpu.memref_squeeze %dma_wait3A_676 : memref<1x1x1x3x80xi32, #tpu.memory_space<hbm>> -> memref<3x80xi32, #tpu.memory_space<hbm>>
          %dma_wait3A_678 = arith.constant 0 : i32
          %dma_wait3A_679 = arith.constant 0 : i32
          %dma_wait3A_680 = tpu.memref_slice %arg5[%add3A, %run_scoped3A, %div3A_663, %dma_wait3A_678, %dma_wait3A_679] : memref<32x4x11x3x80xi32, #tpu.memory_space<hbm>> -> memref<1x1x1x3x80xi32, #tpu.memory_space<hbm>>
          %dma_wait3A_681 = tpu.memref_squeeze %dma_wait3A_680 : memref<1x1x1x3x80xi32, #tpu.memory_space<hbm>> -> memref<3x80xi32, #tpu.memory_space<hbm>>
          tpu.wait_dma2 semaphore(%run_scoped3A_665 : memref<!tpu.dma_semaphore, #tpu.memory_space<semaphore_mem>>) src(%dma_wait3A_681 : memref<3x80xi32, #tpu.memory_space<hbm>>) dst(%arg27 : memref<3x80xi32, #tpu.memory_space<vmem>>)
          tpu.yield
        }) : () -> ()
        %run_scoped3A_664 = arith.constant 3 : i32
        "tpu.region"() ({
          %run_scoped3A_665 = tpu.sem_alloc : memref<!tpu.dma_semaphore, #tpu.memory_space<semaphore_mem>>
          %dma_start3A_666 = arith.constant 0 : i32
          %dma_start3A_667 = arith.constant 0 : i32
          %dma_start3A_668 = tpu.memref_slice %arg6[%add3A, %run_scoped3A_664, %div3A_663, %dma_start3A_666, %dma_start3A_667] : memref<32x4x11x3x80xi32, #tpu.memory_space<hbm>> -> memref<1x1x1x3x80xi32, #tpu.memory_space<hbm>>
          %dma_start3A_669 = tpu.memref_squeeze %dma_start3A_668 : memref<1x1x1x3x80xi32, #tpu.memory_space<hbm>> -> memref<3x80xi32, #tpu.memory_space<hbm>>
          %dma_start3A_670 = arith.constant 0 : i32
          %dma_start3A_671 = arith.constant 0 : i32
          %dma_start3A_672 = tpu.memref_slice %arg6[%add3A, %run_scoped3A_664, %div3A_663, %dma_start3A_670, %dma_start3A_671] : memref<32x4x11x3x80xi32, #tpu.memory_space<hbm>> -> memref<1x1x1x3x80xi32, #tpu.memory_space<hbm>>
          %dma_start3A_673 = tpu.memref_squeeze %dma_start3A_672 : memref<1x1x1x3x80xi32, #tpu.memory_space<hbm>> -> memref<3x80xi32, #tpu.memory_space<hbm>>
          tpu.enqueue_dma source(%dma_start3A_673 : memref<3x80xi32, #tpu.memory_space<hbm>>) target(%arg28 : memref<3x80xi32, #tpu.memory_space<vmem>>) target_semaphore(%run_scoped3A_665 : memref<!tpu.dma_semaphore, #tpu.memory_space<semaphore_mem>>)
          %dma_wait3A_674 = arith.constant 0 : i32
          %dma_wait3A_675 = arith.constant 0 : i32
          %dma_wait3A_676 = tpu.memref_slice %arg6[%add3A, %run_scoped3A_664, %div3A_663, %dma_wait3A_674, %dma_wait3A_675] : memref<32x4x11x3x80xi32, #tpu.memory_space<hbm>> -> memref<1x1x1x3x80xi32, #tpu.memory_space<hbm>>
          %dma_wait3A_677 = tpu.memref_squeeze %dma_wait3A_676 : memref<1x1x1x3x80xi32, #tpu.memory_space<hbm>> -> memref<3x80xi32, #tpu.memory_space<hbm>>
          %dma_wait3A_678 = arith.constant 0 : i32
          %dma_wait3A_679 = arith.constant 0 : i32
          %dma_wait3A_680 = tpu.memref_slice %arg6[%add3A, %run_scoped3A_664, %div3A_663, %dma_wait3A_678, %dma_wait3A_679] : memref<32x4x11x3x80xi32, #tpu.memory_space<hbm>> -> memref<1x1x1x3x80xi32, #tpu.memory_space<hbm>>
          %dma_wait3A_681 = tpu.memref_squeeze %dma_wait3A_680 : memref<1x1x1x3x80xi32, #tpu.memory_space<hbm>> -> memref<3x80xi32, #tpu.memory_space<hbm>>
          tpu.wait_dma2 semaphore(%run_scoped3A_665 : memref<!tpu.dma_semaphore, #tpu.memory_space<semaphore_mem>>) src(%dma_wait3A_681 : memref<3x80xi32, #tpu.memory_space<hbm>>) dst(%arg28 : memref<3x80xi32, #tpu.memory_space<vmem>>)
          tpu.yield
        }) : () -> ()
      } else {
      }
      %dma_start3A_416 = arith.constant 0 : i32
      %dma_start3A_417 = tpu.memref_slice %arg27[%rem3A_410, %dma_start3A_416] : memref<3x80xi32, #tpu.memory_space<vmem>> -> memref<1x80xi32, #tpu.memory_space<vmem>>
      %dma_start3A_418 = tpu.memref_squeeze %dma_start3A_417 : memref<1x80xi32, #tpu.memory_space<vmem>> -> memref<80xi32, #tpu.memory_space<vmem>>
      %dma_start3A_419 = arith.constant 0 : i32
      %dma_start3A_420 = arith.constant 0 : i32
      %dma_start3A_421 = tpu.memref_slice %arg2[%dma_start3A_419, %dma_start3A_420] : memref<10240x128xf32, #tpu.memory_space<hbm>> -> memref<10240x128xf32, #tpu.memory_space<hbm>>
      tpu.enqueue_indirect_dma source(%dma_start3A_421 : memref<10240x128xf32, #tpu.memory_space<hbm>>) target(%arg32 : memref<80x128xf32, #tpu.memory_space<vmem>>) offsets(%dma_start3A_418 : memref<80xi32, #tpu.memory_space<vmem>>) semaphore(%arg39 : memref<!tpu.dma_semaphore, #tpu.memory_space<semaphore_mem>>)
      %dma_start3A_422 = arith.constant 0 : i32
      %dma_start3A_423 = tpu.memref_slice %arg27[%rem3A_410, %dma_start3A_422] : memref<3x80xi32, #tpu.memory_space<vmem>> -> memref<1x80xi32, #tpu.memory_space<vmem>>
      %dma_start3A_424 = tpu.memref_squeeze %dma_start3A_423 : memref<1x80xi32, #tpu.memory_space<vmem>> -> memref<80xi32, #tpu.memory_space<vmem>>
      %dma_start3A_425 = arith.constant 0 : i32
      %dma_start3A_426 = tpu.memref_slice %arg3[%dma_start3A_425] : memref<10240xf32, #tpu.memory_space<hbm>> -> memref<10240xf32, #tpu.memory_space<hbm>>
      tpu.enqueue_indirect_dma source(%dma_start3A_426 : memref<10240xf32, #tpu.memory_space<hbm>>) target(%arg29 : memref<80xf32, #tpu.memory_space<vmem>>) offsets(%dma_start3A_424 : memref<80xi32, #tpu.memory_space<vmem>>) semaphore(%arg39 : memref<!tpu.dma_semaphore, #tpu.memory_space<semaphore_mem>>)
      %dma_start3A_427 = arith.constant 0 : i32
      %dma_start3A_428 = tpu.memref_slice %arg28[%rem3A_410, %dma_start3A_427] : memref<3x80xi32, #tpu.memory_space<vmem>> -> memref<1x80xi32, #tpu.memory_space<vmem>>
      %dma_start3A_429 = tpu.memref_squeeze %dma_start3A_428 : memref<1x80xi32, #tpu.memory_space<vmem>> -> memref<80xi32, #tpu.memory_space<vmem>>
      %dma_start3A_430 = arith.constant 0 : i32
      %dma_start3A_431 = tpu.memref_slice %arg4[%dma_start3A_430] : memref<10240xf32, #tpu.memory_space<hbm>> -> memref<10240xf32, #tpu.memory_space<hbm>>
      tpu.enqueue_indirect_dma source(%dma_start3A_431 : memref<10240xf32, #tpu.memory_space<hbm>>) target(%arg30 : memref<80xf32, #tpu.memory_space<vmem>>) offsets(%dma_start3A_429 : memref<80xi32, #tpu.memory_space<vmem>>) semaphore(%arg39 : memref<!tpu.dma_semaphore, #tpu.memory_space<semaphore_mem>>)
      %rem3A_432 = arith.constant 3 : i32
      %rem3A_433 = arith.remsi %scan3A_163, %rem3A_432 : i32
      %dma_wait3A_434 = arith.constant 0 : i32
      %dma_wait3A_435 = tpu.memref_slice %arg21[%rem3A_433, %dma_wait3A_434] : memref<3x80xi32, #tpu.memory_space<vmem>> -> memref<1x80xi32, #tpu.memory_space<vmem>>
      %dma_wait3A_436 = tpu.memref_squeeze %dma_wait3A_435 : memref<1x80xi32, #tpu.memory_space<vmem>> -> memref<80xi32, #tpu.memory_space<vmem>>
      %dma_wait3A_437 = arith.constant 0 : i32
      %dma_wait3A_438 = arith.constant 0 : i32
      %dma_wait3A_439 = tpu.memref_slice %arg2[%dma_wait3A_437, %dma_wait3A_438] : memref<10240x128xf32, #tpu.memory_space<hbm>> -> memref<10240x128xf32, #tpu.memory_space<hbm>>
      tpu.wait_indirect_dma semaphore(%arg38 : memref<!tpu.dma_semaphore, #tpu.memory_space<semaphore_mem>>) src(%dma_wait3A_439 : memref<10240x128xf32, #tpu.memory_space<hbm>>) dst(%arg26 : memref<80x128xf32, #tpu.memory_space<vmem>>)
      %dma_wait3A_440 = arith.constant 0 : i32
      %dma_wait3A_441 = tpu.memref_slice %arg21[%rem3A_433, %dma_wait3A_440] : memref<3x80xi32, #tpu.memory_space<vmem>> -> memref<1x80xi32, #tpu.memory_space<vmem>>
      %dma_wait3A_442 = tpu.memref_squeeze %dma_wait3A_441 : memref<1x80xi32, #tpu.memory_space<vmem>> -> memref<80xi32, #tpu.memory_space<vmem>>
      %dma_wait3A_443 = arith.constant 0 : i32
      %dma_wait3A_444 = tpu.memref_slice %arg3[%dma_wait3A_443] : memref<10240xf32, #tpu.memory_space<hbm>> -> memref<10240xf32, #tpu.memory_space<hbm>>
      tpu.wait_indirect_dma semaphore(%arg38 : memref<!tpu.dma_semaphore, #tpu.memory_space<semaphore_mem>>) src(%dma_wait3A_444 : memref<10240xf32, #tpu.memory_space<hbm>>) dst(%arg23 : memref<80xf32, #tpu.memory_space<vmem>>)
      %dma_wait3A_445 = arith.constant 0 : i32
      %dma_wait3A_446 = tpu.memref_slice %arg22[%rem3A_433, %dma_wait3A_445] : memref<3x80xi32, #tpu.memory_space<vmem>> -> memref<1x80xi32, #tpu.memory_space<vmem>>
      %dma_wait3A_447 = tpu.memref_squeeze %dma_wait3A_446 : memref<1x80xi32, #tpu.memory_space<vmem>> -> memref<80xi32, #tpu.memory_space<vmem>>
      %dma_wait3A_448 = arith.constant 0 : i32
      %dma_wait3A_449 = tpu.memref_slice %arg4[%dma_wait3A_448] : memref<10240xf32, #tpu.memory_space<hbm>> -> memref<10240xf32, #tpu.memory_space<hbm>>
      tpu.wait_indirect_dma semaphore(%arg38 : memref<!tpu.dma_semaphore, #tpu.memory_space<semaphore_mem>>) src(%dma_wait3A_449 : memref<10240xf32, #tpu.memory_space<hbm>>) dst(%arg24 : memref<80xf32, #tpu.memory_space<vmem>>)
      %rem3A_450 = arith.constant 3 : i32
      %rem3A_451 = arith.remsi %scan3A_163, %rem3A_450 : i32
      %get3A_452 = arith.constant 0 : index
      %get3A_453 = tpu.vector_load %arg23[%get3A_452] {strides = array<i32>} : memref<80xf32, #tpu.memory_space<vmem>>, vector<16xf32>,
      %get3A_454 = arith.constant 0 : index
      %get3A_455 = tpu.vector_load %arg24[%get3A_454] {strides = array<i32>} : memref<80xf32, #tpu.memory_space<vmem>>, vector<16xf32>,
      %add3A_456 = arith.addf %get3A_453, %get3A_455 : vector<16xf32>
      %gt3A_457 = arith.constant 0.000000e+00 : f32
      %gt3A_458 = vector.broadcast %gt3A_457 : f32 to vector<16xf32>
      %gt3A_459 = arith.cmpf ogt, %add3A_456, %gt3A_458 : vector<16xf32>
      %mul3A_460 = arith.constant 2.000000e-01 : f32
      %mul3A_461 = vector.broadcast %mul3A_460 : f32 to vector<16xf32>
      %mul3A_462 = arith.mulf %mul3A_461, %add3A_456 : vector<16xf32>
      %select_n3A_463 = arith.select %gt3A_459, %add3A_456, %mul3A_462 : vector<16xi1>, vector<16xf32>
      %exp3A_464 = math.exp %select_n3A_463 : vector<16xf32>
      %swap3A_465 = arith.constant 0 : index
      %swap3A_466 = tpu.vector_load %arg25[%swap3A_465] {strides = array<i32>} : memref<80xf32, #tpu.memory_space<vmem>>, vector<16xf32>,
      tpu.vector_store %arg25[%swap3A_465], %exp3A_464 {strides = array<i32>} : memref<80xf32, #tpu.memory_space<vmem>>, vector<16xf32>,
      %get3A_467 = arith.constant 16 : index
      %get3A_468 = tpu.vector_load %arg23[%get3A_467] {strides = array<i32>} : memref<80xf32, #tpu.memory_space<vmem>>, vector<16xf32>,
      %get3A_469 = arith.constant 16 : index
      %get3A_470 = tpu.vector_load %arg24[%get3A_469] {strides = array<i32>} : memref<80xf32, #tpu.memory_space<vmem>>, vector<16xf32>,
      %add3A_471 = arith.addf %get3A_468, %get3A_470 : vector<16xf32>
      %gt3A_472 = arith.constant 0.000000e+00 : f32
      %gt3A_473 = vector.broadcast %gt3A_472 : f32 to vector<16xf32>
      %gt3A_474 = arith.cmpf ogt, %add3A_471, %gt3A_473 : vector<16xf32>
      %mul3A_475 = arith.constant 2.000000e-01 : f32
      %mul3A_476 = vector.broadcast %mul3A_475 : f32 to vector<16xf32>
      %mul3A_477 = arith.mulf %mul3A_476, %add3A_471 : vector<16xf32>
      %select_n3A_478 = arith.select %gt3A_474, %add3A_471, %mul3A_477 : vector<16xi1>, vector<16xf32>
      %exp3A_479 = math.exp %select_n3A_478 : vector<16xf32>
      %swap3A_480 = arith.constant 16 : index
      %swap3A_481 = tpu.vector_load %arg25[%swap3A_480] {strides = array<i32>} : memref<80xf32, #tpu.memory_space<vmem>>, vector<16xf32>,
      tpu.vector_store %arg25[%swap3A_480], %exp3A_479 {strides = array<i32>} : memref<80xf32, #tpu.memory_space<vmem>>, vector<16xf32>,
      %get3A_482 = arith.constant 32 : index
      %get3A_483 = tpu.vector_load %arg23[%get3A_482] {strides = array<i32>} : memref<80xf32, #tpu.memory_space<vmem>>, vector<16xf32>,
      %get3A_484 = arith.constant 32 : index
      %get3A_485 = tpu.vector_load %arg24[%get3A_484] {strides = array<i32>} : memref<80xf32, #tpu.memory_space<vmem>>, vector<16xf32>,
      %add3A_486 = arith.addf %get3A_483, %get3A_485 : vector<16xf32>
      %gt3A_487 = arith.constant 0.000000e+00 : f32
      %gt3A_488 = vector.broadcast %gt3A_487 : f32 to vector<16xf32>
      %gt3A_489 = arith.cmpf ogt, %add3A_486, %gt3A_488 : vector<16xf32>
      %mul3A_490 = arith.constant 2.000000e-01 : f32
      %mul3A_491 = vector.broadcast %mul3A_490 : f32 to vector<16xf32>
      %mul3A_492 = arith.mulf %mul3A_491, %add3A_486 : vector<16xf32>
      %select_n3A_493 = arith.select %gt3A_489, %add3A_486, %mul3A_492 : vector<16xi1>, vector<16xf32>
      %exp3A_494 = math.exp %select_n3A_493 : vector<16xf32>
      %swap3A_495 = arith.constant 32 : index
      %swap3A_496 = tpu.vector_load %arg25[%swap3A_495] {strides = array<i32>} : memref<80xf32, #tpu.memory_space<vmem>>, vector<16xf32>,
      tpu.vector_store %arg25[%swap3A_495], %exp3A_494 {strides = array<i32>} : memref<80xf32, #tpu.memory_space<vmem>>, vector<16xf32>,
      %get3A_497 = arith.constant 48 : index
      %get3A_498 = tpu.vector_load %arg23[%get3A_497] {strides = array<i32>} : memref<80xf32, #tpu.memory_space<vmem>>, vector<16xf32>,
      %get3A_499 = arith.constant 48 : index
      %get3A_500 = tpu.vector_load %arg24[%get3A_499] {strides = array<i32>} : memref<80xf32, #tpu.memory_space<vmem>>, vector<16xf32>,
      %add3A_501 = arith.addf %get3A_498, %get3A_500 : vector<16xf32>
      %gt3A_502 = arith.constant 0.000000e+00 : f32
      %gt3A_503 = vector.broadcast %gt3A_502 : f32 to vector<16xf32>
      %gt3A_504 = arith.cmpf ogt, %add3A_501, %gt3A_503 : vector<16xf32>
      %mul3A_505 = arith.constant 2.000000e-01 : f32
      %mul3A_506 = vector.broadcast %mul3A_505 : f32 to vector<16xf32>
      %mul3A_507 = arith.mulf %mul3A_506, %add3A_501 : vector<16xf32>
      %select_n3A_508 = arith.select %gt3A_504, %add3A_501, %mul3A_507 : vector<16xi1>, vector<16xf32>
      %exp3A_509 = math.exp %select_n3A_508 : vector<16xf32>
      %swap3A_510 = arith.constant 48 : index
      %swap3A_511 = tpu.vector_load %arg25[%swap3A_510] {strides = array<i32>} : memref<80xf32, #tpu.memory_space<vmem>>, vector<16xf32>,
      tpu.vector_store %arg25[%swap3A_510], %exp3A_509 {strides = array<i32>} : memref<80xf32, #tpu.memory_space<vmem>>, vector<16xf32>,
      %get3A_512 = arith.constant 64 : index
      %get3A_513 = tpu.vector_load %arg23[%get3A_512] {strides = array<i32>} : memref<80xf32, #tpu.memory_space<vmem>>, vector<16xf32>,
      %get3A_514 = arith.constant 64 : index
      %get3A_515 = tpu.vector_load %arg24[%get3A_514] {strides = array<i32>} : memref<80xf32, #tpu.memory_space<vmem>>, vector<16xf32>,
      %add3A_516 = arith.addf %get3A_513, %get3A_515 : vector<16xf32>
      %gt3A_517 = arith.constant 0.000000e+00 : f32
      %gt3A_518 = vector.broadcast %gt3A_517 : f32 to vector<16xf32>
      %gt3A_519 = arith.cmpf ogt, %add3A_516, %gt3A_518 : vector<16xf32>
      %mul3A_520 = arith.constant 2.000000e-01 : f32
      %mul3A_521 = vector.broadcast %mul3A_520 : f32 to vector<16xf32>
      %mul3A_522 = arith.mulf %mul3A_521, %add3A_516 : vector<16xf32>
      %select_n3A_523 = arith.select %gt3A_519, %add3A_516, %mul3A_522 : vector<16xi1>, vector<16xf32>
      %exp3A_524 = math.exp %select_n3A_523 : vector<16xf32>
      %swap3A_525 = arith.constant 64 : index
      %swap3A_526 = tpu.vector_load %arg25[%swap3A_525] {strides = array<i32>} : memref<80xf32, #tpu.memory_space<vmem>>, vector<16xf32>,
      tpu.vector_store %arg25[%swap3A_525], %exp3A_524 {strides = array<i32>} : memref<80xf32, #tpu.memory_space<vmem>>, vector<16xf32>,
      %parallel_loop3A_527 = arith.constant 0 : i32
      %parallel_loop3A_528 = arith.constant 80 : i32
      %parallel_loop3A_529 = arith.constant 1 : i32
      scf.for %parallel_loop3A_663 = %parallel_loop3A_527 to %parallel_loop3A_528 step %parallel_loop3A_529  : i32 {
        %parallel_loop3A_664 = vector.broadcast %parallel_loop3A_663 : i32 to vector<16xi32>
        %parallel_loop3A_665 = tpu.vector_load_idx %arg25[%parallel_loop3A_664] : memref<80xf32, #tpu.memory_space<vmem>>[vector<16xi32>], vector<16xf32>,
        %parallel_loop3A_666 = arith.index_cast %parallel_loop3A_663 : i32 to index
        %parallel_loop3A_667 = arith.constant 0 : index
        %parallel_loop3A_668 = tpu.vector_load %arg26[%parallel_loop3A_666, %parallel_loop3A_667] {strides = array<i32>} : memref<80x128xf32, #tpu.memory_space<vmem>>, vector<16xf32>,
        %parallel_loop3A_669 = arith.mulf %parallel_loop3A_668, %parallel_loop3A_665 : vector<16xf32>
        %parallel_loop3A_670 = arith.index_cast %parallel_loop3A_663 : i32 to index
        %parallel_loop3A_671 = arith.constant 0 : index
        %parallel_loop3A_672 = tpu.vector_load %arg26[%parallel_loop3A_670, %parallel_loop3A_671] {strides = array<i32>} : memref<80x128xf32, #tpu.memory_space<vmem>>, vector<16xf32>,
        tpu.vector_store %arg26[%parallel_loop3A_670, %parallel_loop3A_671], %parallel_loop3A_669 {strides = array<i32>} : memref<80x128xf32, #tpu.memory_space<vmem>>, vector<16xf32>,
        %parallel_loop3A_673 = arith.index_cast %parallel_loop3A_663 : i32 to index
        %parallel_loop3A_674 = arith.constant 16 : index
        %parallel_loop3A_675 = tpu.vector_load %arg26[%parallel_loop3A_673, %parallel_loop3A_674] {strides = array<i32>} : memref<80x128xf32, #tpu.memory_space<vmem>>, vector<16xf32>,
        %parallel_loop3A_676 = arith.mulf %parallel_loop3A_675, %parallel_loop3A_665 : vector<16xf32>
        %parallel_loop3A_677 = arith.index_cast %parallel_loop3A_663 : i32 to index
        %parallel_loop3A_678 = arith.constant 16 : index
        %parallel_loop3A_679 = tpu.vector_load %arg26[%parallel_loop3A_677, %parallel_loop3A_678] {strides = array<i32>} : memref<80x128xf32, #tpu.memory_space<vmem>>, vector<16xf32>,
        tpu.vector_store %arg26[%parallel_loop3A_677, %parallel_loop3A_678], %parallel_loop3A_676 {strides = array<i32>} : memref<80x128xf32, #tpu.memory_space<vmem>>, vector<16xf32>,
        %parallel_loop3A_680 = arith.index_cast %parallel_loop3A_663 : i32 to index
        %parallel_loop3A_681 = arith.constant 32 : index
        %parallel_loop3A_682 = tpu.vector_load %arg26[%parallel_loop3A_680, %parallel_loop3A_681] {strides = array<i32>} : memref<80x128xf32, #tpu.memory_space<vmem>>, vector<16xf32>,
        %parallel_loop3A_683 = arith.mulf %parallel_loop3A_682, %parallel_loop3A_665 : vector<16xf32>
        %parallel_loop3A_684 = arith.index_cast %parallel_loop3A_663 : i32 to index
        %parallel_loop3A_685 = arith.constant 32 : index
        %parallel_loop3A_686 = tpu.vector_load %arg26[%parallel_loop3A_684, %parallel_loop3A_685] {strides = array<i32>} : memref<80x128xf32, #tpu.memory_space<vmem>>, vector<16xf32>,
        tpu.vector_store %arg26[%parallel_loop3A_684, %parallel_loop3A_685], %parallel_loop3A_683 {strides = array<i32>} : memref<80x128xf32, #tpu.memory_space<vmem>>, vector<16xf32>,
        %parallel_loop3A_687 = arith.index_cast %parallel_loop3A_663 : i32 to index
        %parallel_loop3A_688 = arith.constant 48 : index
        %parallel_loop3A_689 = tpu.vector_load %arg26[%parallel_loop3A_687, %parallel_loop3A_688] {strides = array<i32>} : memref<80x128xf32, #tpu.memory_space<vmem>>, vector<16xf32>,
        %parallel_loop3A_690 = arith.mulf %parallel_loop3A_689, %parallel_loop3A_665 : vector<16xf32>
        %parallel_loop3A_691 = arith.index_cast %parallel_loop3A_663 : i32 to index
        %parallel_loop3A_692 = arith.constant 48 : index
        %parallel_loop3A_693 = tpu.vector_load %arg26[%parallel_loop3A_691, %parallel_loop3A_692] {strides = array<i32>} : memref<80x128xf32, #tpu.memory_space<vmem>>, vector<16xf32>,
        tpu.vector_store %arg26[%parallel_loop3A_691, %parallel_loop3A_692], %parallel_loop3A_690 {strides = array<i32>} : memref<80x128xf32, #tpu.memory_space<vmem>>, vector<16xf32>,
        %parallel_loop3A_694 = arith.index_cast %parallel_loop3A_663 : i32 to index
        %parallel_loop3A_695 = arith.constant 64 : index
        %parallel_loop3A_696 = tpu.vector_load %arg26[%parallel_loop3A_694, %parallel_loop3A_695] {strides = array<i32>} : memref<80x128xf32, #tpu.memory_space<vmem>>, vector<16xf32>,
        %parallel_loop3A_697 = arith.mulf %parallel_loop3A_696, %parallel_loop3A_665 : vector<16xf32>
        %parallel_loop3A_698 = arith.index_cast %parallel_loop3A_663 : i32 to index
        %parallel_loop3A_699 = arith.constant 64 : index
        %parallel_loop3A_700 = tpu.vector_load %arg26[%parallel_loop3A_698, %parallel_loop3A_699] {strides = array<i32>} : memref<80x128xf32, #tpu.memory_space<vmem>>, vector<16xf32>,
        tpu.vector_store %arg26[%parallel_loop3A_698, %parallel_loop3A_699], %parallel_loop3A_697 {strides = array<i32>} : memref<80x128xf32, #tpu.memory_space<vmem>>, vector<16xf32>,
        %parallel_loop3A_701 = arith.index_cast %parallel_loop3A_663 : i32 to index
        %parallel_loop3A_702 = arith.constant 80 : index
        %parallel_loop3A_703 = tpu.vector_load %arg26[%parallel_loop3A_701, %parallel_loop3A_702] {strides = array<i32>} : memref<80x128xf32, #tpu.memory_space<vmem>>, vector<16xf32>,
        %parallel_loop3A_704 = arith.mulf %parallel_loop3A_703, %parallel_loop3A_665 : vector<16xf32>
        %parallel_loop3A_705 = arith.index_cast %parallel_loop3A_663 : i32 to index
        %parallel_loop3A_706 = arith.constant 80 : index
        %parallel_loop3A_707 = tpu.vector_load %arg26[%parallel_loop3A_705, %parallel_loop3A_706] {strides = array<i32>} : memref<80x128xf32, #tpu.memory_space<vmem>>, vector<16xf32>,
        tpu.vector_store %arg26[%parallel_loop3A_705, %parallel_loop3A_706], %parallel_loop3A_704 {strides = array<i32>} : memref<80x128xf32, #tpu.memory_space<vmem>>, vector<16xf32>,
        %parallel_loop3A_708 = arith.index_cast %parallel_loop3A_663 : i32 to index
        %parallel_loop3A_709 = arith.constant 96 : index
        %parallel_loop3A_710 = tpu.vector_load %arg26[%parallel_loop3A_708, %parallel_loop3A_709] {strides = array<i32>} : memref<80x128xf32, #tpu.memory_space<vmem>>, vector<16xf32>,
        %parallel_loop3A_711 = arith.mulf %parallel_loop3A_710, %parallel_loop3A_665 : vector<16xf32>
        %parallel_loop3A_712 = arith.index_cast %parallel_loop3A_663 : i32 to index
        %parallel_loop3A_713 = arith.constant 96 : index
        %parallel_loop3A_714 = tpu.vector_load %arg26[%parallel_loop3A_712, %parallel_loop3A_713] {strides = array<i32>} : memref<80x128xf32, #tpu.memory_space<vmem>>, vector<16xf32>,
        tpu.vector_store %arg26[%parallel_loop3A_712, %parallel_loop3A_713], %parallel_loop3A_711 {strides = array<i32>} : memref<80x128xf32, #tpu.memory_space<vmem>>, vector<16xf32>,
        %parallel_loop3A_715 = arith.index_cast %parallel_loop3A_663 : i32 to index
        %parallel_loop3A_716 = arith.constant 112 : index
        %parallel_loop3A_717 = tpu.vector_load %arg26[%parallel_loop3A_715, %parallel_loop3A_716] {strides = array<i32>} : memref<80x128xf32, #tpu.memory_space<vmem>>, vector<16xf32>,
        %parallel_loop3A_718 = arith.mulf %parallel_loop3A_717, %parallel_loop3A_665 : vector<16xf32>
        %parallel_loop3A_719 = arith.index_cast %parallel_loop3A_663 : i32 to index
        %parallel_loop3A_720 = arith.constant 112 : index
        %parallel_loop3A_721 = tpu.vector_load %arg26[%parallel_loop3A_719, %parallel_loop3A_720] {strides = array<i32>} : memref<80x128xf32, #tpu.memory_space<vmem>>, vector<16xf32>,
        tpu.vector_store %arg26[%parallel_loop3A_719, %parallel_loop3A_720], %parallel_loop3A_718 {strides = array<i32>} : memref<80x128xf32, #tpu.memory_space<vmem>>, vector<16xf32>,
      } {sc.loop_unroll_factor = 8 : i64, sc.parallel_access}
      %dma_start3A_530 = arith.constant 0 : i32
      %dma_start3A_531 = tpu.memref_slice %arg22[%rem3A_451, %dma_start3A_530] : memref<3x80xi32, #tpu.memory_space<vmem>> -> memref<1x80xi32, #tpu.memory_space<vmem>>
      %dma_start3A_532 = tpu.memref_squeeze %dma_start3A_531 : memref<1x80xi32, #tpu.memory_space<vmem>> -> memref<80xi32, #tpu.memory_space<vmem>>
      %dma_start3A_533 = arith.constant 0 : i32
      %dma_start3A_534 = tpu.memref_slice %arg35[%dma_start3A_533] : memref<10240xf32, #tpu.memory_space<vmem_shared>> -> memref<10240xf32, #tpu.memory_space<vmem_shared>>
      tpu.enqueue_indirect_dma source(%arg25 : memref<80xf32, #tpu.memory_space<vmem>>) target(%dma_start3A_534 : memref<10240xf32, #tpu.memory_space<vmem_shared>>) offsets(%dma_start3A_532 : memref<80xi32, #tpu.memory_space<vmem>>) semaphore(%arg46 : memref<!tpu.dma_semaphore, #tpu.memory_space<semaphore_mem>>) {add = true}
      %dma_start3A_535 = arith.constant 0 : i32
      %dma_start3A_536 = tpu.memref_slice %arg22[%rem3A_451, %dma_start3A_535] : memref<3x80xi32, #tpu.memory_space<vmem>> -> memref<1x80xi32, #tpu.memory_space<vmem>>
      %dma_start3A_537 = tpu.memref_squeeze %dma_start3A_536 : memref<1x80xi32, #tpu.memory_space<vmem>> -> memref<80xi32, #tpu.memory_space<vmem>>
      %dma_start3A_538 = arith.constant 0 : i32
      %dma_start3A_539 = arith.constant 0 : i32
      %dma_start3A_540 = tpu.memref_slice %arg34[%dma_start3A_538, %dma_start3A_539] : memref<10240x128xf32, #tpu.memory_space<vmem_shared>> -> memref<10240x128xf32, #tpu.memory_space<vmem_shared>>
      tpu.enqueue_indirect_dma source(%arg26 : memref<80x128xf32, #tpu.memory_space<vmem>>) target(%dma_start3A_540 : memref<10240x128xf32, #tpu.memory_space<vmem_shared>>) offsets(%dma_start3A_537 : memref<80xi32, #tpu.memory_space<vmem>>) semaphore(%arg42 : memref<!tpu.dma_semaphore, #tpu.memory_space<semaphore_mem>>) {add = true}
      %add3A_541 = arith.constant 1 : i32
      %add3A_542 = arith.addi %scan3A_163, %add3A_541 : i32
      %lt3A = arith.constant 33 : i32
      %lt3A_543 = arith.cmpi slt, %add3A_542, %lt3A : i32
      %convert_element_type3A_544 = arith.extui %lt3A_543 : i1 to i32
      %cond3A_545 = arith.constant 0 : i32
      %cond3A_546 = arith.cmpi ne, %convert_element_type3A_544, %cond3A_545 : i32
      scf.if %cond3A_546 {
        %dma_wait3A_663 = arith.constant 0 : i32
        %dma_wait3A_664 = arith.constant 0 : i32
        %dma_wait3A_665 = tpu.memref_slice %arg10[%dma_wait3A_663, %dma_wait3A_664] : memref<3x80xi32, #tpu.memory_space<vmem>> -> memref<1x80xi32, #tpu.memory_space<vmem>>
        %dma_wait3A_666 = tpu.memref_squeeze %dma_wait3A_665 : memref<1x80xi32, #tpu.memory_space<vmem>> -> memref<80xi32, #tpu.memory_space<vmem>>
        %dma_wait3A_667 = arith.constant 0 : i32
        %dma_wait3A_668 = arith.constant 0 : i32
        %dma_wait3A_669 = tpu.memref_slice %arg34[%dma_wait3A_667, %dma_wait3A_668] : memref<10240x128xf32, #tpu.memory_space<vmem_shared>> -> memref<10240x128xf32, #tpu.memory_space<vmem_shared>>
        tpu.wait_indirect_dma semaphore(%arg40 : memref<!tpu.dma_semaphore, #tpu.memory_space<semaphore_mem>>) src(%arg14 : memref<80x128xf32, #tpu.memory_space<vmem>>) dst(%dma_wait3A_669 : memref<10240x128xf32, #tpu.memory_space<vmem_shared>>)
        %dma_wait3A_670 = arith.constant 0 : i32
        %dma_wait3A_671 = arith.constant 0 : i32
        %dma_wait3A_672 = tpu.memref_slice %arg10[%dma_wait3A_670, %dma_wait3A_671] : memref<3x80xi32, #tpu.memory_space<vmem>> -> memref<1x80xi32, #tpu.memory_space<vmem>>
        %dma_wait3A_673 = tpu.memref_squeeze %dma_wait3A_672 : memref<1x80xi32, #tpu.memory_space<vmem>> -> memref<80xi32, #tpu.memory_space<vmem>>
        %dma_wait3A_674 = arith.constant 0 : i32
        %dma_wait3A_675 = tpu.memref_slice %arg35[%dma_wait3A_674] : memref<10240xf32, #tpu.memory_space<vmem_shared>> -> memref<10240xf32, #tpu.memory_space<vmem_shared>>
        tpu.wait_indirect_dma semaphore(%arg44 : memref<!tpu.dma_semaphore, #tpu.memory_space<semaphore_mem>>) src(%arg13 : memref<80xf32, #tpu.memory_space<vmem>>) dst(%dma_wait3A_675 : memref<10240xf32, #tpu.memory_space<vmem_shared>>)
        %add3A_676 = arith.constant 1 : i32
        %add3A_677 = arith.addi %scan3A_163, %add3A_676 : i32
        %rem3A_678 = arith.constant 3 : i32
        %rem3A_679 = arith.remsi %add3A_677, %rem3A_678 : i32
        %eq3A_680 = arith.constant 0 : i32
        %eq3A_681 = arith.cmpi eq, %rem3A_679, %eq3A_680 : i32
        %convert_element_type3A_682 = arith.extui %eq3A_681 : i1 to i32
        %cond3A_683 = arith.constant 0 : i32
        %cond3A_684 = arith.cmpi ne, %convert_element_type3A_682, %cond3A_683 : i32
        scf.if %cond3A_684 {
          %div3A = arith.constant 3 : i32
          %div3A_701 = arith.divsi %add3A_677, %div3A : i32
          %run_scoped3A = arith.constant 0 : i32
          "tpu.region"() ({
            %run_scoped3A_703 = tpu.sem_alloc : memref<!tpu.dma_semaphore, #tpu.memory_space<semaphore_mem>>
            %dma_start3A_704 = arith.constant 0 : i32
            %dma_start3A_705 = arith.constant 0 : i32
            %dma_start3A_706 = tpu.memref_slice %arg5[%add3A, %run_scoped3A, %div3A_701, %dma_start3A_704, %dma_start3A_705] : memref<32x4x11x3x80xi32, #tpu.memory_space<hbm>> -> memref<1x1x1x3x80xi32, #tpu.memory_space<hbm>>
            %dma_start3A_707 = tpu.memref_squeeze %dma_start3A_706 : memref<1x1x1x3x80xi32, #tpu.memory_space<hbm>> -> memref<3x80xi32, #tpu.memory_space<hbm>>
            %dma_start3A_708 = arith.constant 0 : i32
            %dma_start3A_709 = arith.constant 0 : i32
            %dma_start3A_710 = tpu.memref_slice %arg5[%add3A, %run_scoped3A, %div3A_701, %dma_start3A_708, %dma_start3A_709] : memref<32x4x11x3x80xi32, #tpu.memory_space<hbm>> -> memref<1x1x1x3x80xi32, #tpu.memory_space<hbm>>
            %dma_start3A_711 = tpu.memref_squeeze %dma_start3A_710 : memref<1x1x1x3x80xi32, #tpu.memory_space<hbm>> -> memref<3x80xi32, #tpu.memory_space<hbm>>
            tpu.enqueue_dma source(%dma_start3A_711 : memref<3x80xi32, #tpu.memory_space<hbm>>) target(%arg9 : memref<3x80xi32, #tpu.memory_space<vmem>>) target_semaphore(%run_scoped3A_703 : memref<!tpu.dma_semaphore, #tpu.memory_space<semaphore_mem>>)
            %dma_wait3A_712 = arith.constant 0 : i32
            %dma_wait3A_713 = arith.constant 0 : i32
            %dma_wait3A_714 = tpu.memref_slice %arg5[%add3A, %run_scoped3A, %div3A_701, %dma_wait3A_712, %dma_wait3A_713] : memref<32x4x11x3x80xi32, #tpu.memory_space<hbm>> -> memref<1x1x1x3x80xi32, #tpu.memory_space<hbm>>
            %dma_wait3A_715 = tpu.memref_squeeze %dma_wait3A_714 : memref<1x1x1x3x80xi32, #tpu.memory_space<hbm>> -> memref<3x80xi32, #tpu.memory_space<hbm>>
            %dma_wait3A_716 = arith.constant 0 : i32
            %dma_wait3A_717 = arith.constant 0 : i32
            %dma_wait3A_718 = tpu.memref_slice %arg5[%add3A, %run_scoped3A, %div3A_701, %dma_wait3A_716, %dma_wait3A_717] : memref<32x4x11x3x80xi32, #tpu.memory_space<hbm>> -> memref<1x1x1x3x80xi32, #tpu.memory_space<hbm>>
            %dma_wait3A_719 = tpu.memref_squeeze %dma_wait3A_718 : memref<1x1x1x3x80xi32, #tpu.memory_space<hbm>> -> memref<3x80xi32, #tpu.memory_space<hbm>>
            tpu.wait_dma2 semaphore(%run_scoped3A_703 : memref<!tpu.dma_semaphore, #tpu.memory_space<semaphore_mem>>) src(%dma_wait3A_719 : memref<3x80xi32, #tpu.memory_space<hbm>>) dst(%arg9 : memref<3x80xi32, #tpu.memory_space<vmem>>)
            tpu.yield
          }) : () -> ()
          %run_scoped3A_702 = arith.constant 0 : i32
          "tpu.region"() ({
            %run_scoped3A_703 = tpu.sem_alloc : memref<!tpu.dma_semaphore, #tpu.memory_space<semaphore_mem>>
            %dma_start3A_704 = arith.constant 0 : i32
            %dma_start3A_705 = arith.constant 0 : i32
            %dma_start3A_706 = tpu.memref_slice %arg6[%add3A, %run_scoped3A_702, %div3A_701, %dma_start3A_704, %dma_start3A_705] : memref<32x4x11x3x80xi32, #tpu.memory_space<hbm>> -> memref<1x1x1x3x80xi32, #tpu.memory_space<hbm>>
            %dma_start3A_707 = tpu.memref_squeeze %dma_start3A_706 : memref<1x1x1x3x80xi32, #tpu.memory_space<hbm>> -> memref<3x80xi32, #tpu.memory_space<hbm>>
            %dma_start3A_708 = arith.constant 0 : i32
            %dma_start3A_709 = arith.constant 0 : i32
            %dma_start3A_710 = tpu.memref_slice %arg6[%add3A, %run_scoped3A_702, %div3A_701, %dma_start3A_708, %dma_start3A_709] : memref<32x4x11x3x80xi32, #tpu.memory_space<hbm>> -> memref<1x1x1x3x80xi32, #tpu.memory_space<hbm>>
            %dma_start3A_711 = tpu.memref_squeeze %dma_start3A_710 : memref<1x1x1x3x80xi32, #tpu.memory_space<hbm>> -> memref<3x80xi32, #tpu.memory_space<hbm>>
            tpu.enqueue_dma source(%dma_start3A_711 : memref<3x80xi32, #tpu.memory_space<hbm>>) target(%arg10 : memref<3x80xi32, #tpu.memory_space<vmem>>) target_semaphore(%run_scoped3A_703 : memref<!tpu.dma_semaphore, #tpu.memory_space<semaphore_mem>>)
            %dma_wait3A_712 = arith.constant 0 : i32
            %dma_wait3A_713 = arith.constant 0 : i32
            %dma_wait3A_714 = tpu.memref_slice %arg6[%add3A, %run_scoped3A_702, %div3A_701, %dma_wait3A_712, %dma_wait3A_713] : memref<32x4x11x3x80xi32, #tpu.memory_space<hbm>> -> memref<1x1x1x3x80xi32, #tpu.memory_space<hbm>>
            %dma_wait3A_715 = tpu.memref_squeeze %dma_wait3A_714 : memref<1x1x1x3x80xi32, #tpu.memory_space<hbm>> -> memref<3x80xi32, #tpu.memory_space<hbm>>
            %dma_wait3A_716 = arith.constant 0 : i32
            %dma_wait3A_717 = arith.constant 0 : i32
            %dma_wait3A_718 = tpu.memref_slice %arg6[%add3A, %run_scoped3A_702, %div3A_701, %dma_wait3A_716, %dma_wait3A_717] : memref<32x4x11x3x80xi32, #tpu.memory_space<hbm>> -> memref<1x1x1x3x80xi32, #tpu.memory_space<hbm>>
            %dma_wait3A_719 = tpu.memref_squeeze %dma_wait3A_718 : memref<1x1x1x3x80xi32, #tpu.memory_space<hbm>> -> memref<3x80xi32, #tpu.memory_space<hbm>>
            tpu.wait_dma2 semaphore(%run_scoped3A_703 : memref<!tpu.dma_semaphore, #tpu.memory_space<semaphore_mem>>) src(%dma_wait3A_719 : memref<3x80xi32, #tpu.memory_space<hbm>>) dst(%arg10 : memref<3x80xi32, #tpu.memory_space<vmem>>)
            tpu.yield
          }) : () -> ()
        } else {
        }
        %dma_start3A_685 = arith.constant 0 : i32
        %dma_start3A_686 = tpu.memref_slice %arg9[%rem3A_679, %dma_start3A_685] : memref<3x80xi32, #tpu.memory_space<vmem>> -> memref<1x80xi32, #tpu.memory_space<vmem>>
        %dma_start3A_687 = tpu.memref_squeeze %dma_start3A_686 : memref<1x80xi32, #tpu.memory_space<vmem>> -> memref<80xi32, #tpu.memory_space<vmem>>
        %dma_start3A_688 = arith.constant 0 : i32
        %dma_start3A_689 = arith.constant 0 : i32
        %dma_start3A_690 = tpu.memref_slice %arg2[%dma_start3A_688, %dma_start3A_689] : memref<10240x128xf32, #tpu.memory_space<hbm>> -> memref<10240x128xf32, #tpu.memory_space<hbm>>
        tpu.enqueue_indirect_dma source(%dma_start3A_690 : memref<10240x128xf32, #tpu.memory_space<hbm>>) target(%arg14 : memref<80x128xf32, #tpu.memory_space<vmem>>) offsets(%dma_start3A_687 : memref<80xi32, #tpu.memory_space<vmem>>) semaphore(%arg36 : memref<!tpu.dma_semaphore, #tpu.memory_space<semaphore_mem>>)
        %dma_start3A_691 = arith.constant 0 : i32
        %dma_start3A_692 = tpu.memref_slice %arg9[%rem3A_679, %dma_start3A_691] : memref<3x80xi32, #tpu.memory_space<vmem>> -> memref<1x80xi32, #tpu.memory_space<vmem>>
        %dma_start3A_693 = tpu.memref_squeeze %dma_start3A_692 : memref<1x80xi32, #tpu.memory_space<vmem>> -> memref<80xi32, #tpu.memory_space<vmem>>
        %dma_start3A_694 = arith.constant 0 : i32
        %dma_start3A_695 = tpu.memref_slice %arg3[%dma_start3A_694] : memref<10240xf32, #tpu.memory_space<hbm>> -> memref<10240xf32, #tpu.memory_space<hbm>>
        tpu.enqueue_indirect_dma source(%dma_start3A_695 : memref<10240xf32, #tpu.memory_space<hbm>>) target(%arg11 : memref<80xf32, #tpu.memory_space<vmem>>) offsets(%dma_start3A_693 : memref<80xi32, #tpu.memory_space<vmem>>) semaphore(%arg36 : memref<!tpu.dma_semaphore, #tpu.memory_space<semaphore_mem>>)
        %dma_start3A_696 = arith.constant 0 : i32
        %dma_start3A_697 = tpu.memref_slice %arg10[%rem3A_679, %dma_start3A_696] : memref<3x80xi32, #tpu.memory_space<vmem>> -> memref<1x80xi32, #tpu.memory_space<vmem>>
        %dma_start3A_698 = tpu.memref_squeeze %dma_start3A_697 : memref<1x80xi32, #tpu.memory_space<vmem>> -> memref<80xi32, #tpu.memory_space<vmem>>
        %dma_start3A_699 = arith.constant 0 : i32
        %dma_start3A_700 = tpu.memref_slice %arg4[%dma_start3A_699] : memref<10240xf32, #tpu.memory_space<hbm>> -> memref<10240xf32, #tpu.memory_space<hbm>>
        tpu.enqueue_indirect_dma source(%dma_start3A_700 : memref<10240xf32, #tpu.memory_space<hbm>>) target(%arg12 : memref<80xf32, #tpu.memory_space<vmem>>) offsets(%dma_start3A_698 : memref<80xi32, #tpu.memory_space<vmem>>) semaphore(%arg36 : memref<!tpu.dma_semaphore, #tpu.memory_space<semaphore_mem>>)
      } else {
      }
      %rem3A_547 = arith.constant 3 : i32
      %rem3A_548 = arith.remsi %scan3A_163, %rem3A_547 : i32
      %dma_wait3A_549 = arith.constant 0 : i32
      %dma_wait3A_550 = tpu.memref_slice %arg27[%rem3A_548, %dma_wait3A_549] : memref<3x80xi32, #tpu.memory_space<vmem>> -> memref<1x80xi32, #tpu.memory_space<vmem>>
      %dma_wait3A_551 = tpu.memref_squeeze %dma_wait3A_550 : memref<1x80xi32, #tpu.memory_space<vmem>> -> memref<80xi32, #tpu.memory_space<vmem>>
      %dma_wait3A_552 = arith.constant 0 : i32
      %dma_wait3A_553 = arith.constant 0 : i32
      %dma_wait3A_554 = tpu.memref_slice %arg2[%dma_wait3A_552, %dma_wait3A_553] : memref<10240x128xf32, #tpu.memory_space<hbm>> -> memref<10240x128xf32, #tpu.memory_space<hbm>>
      tpu.wait_indirect_dma semaphore(%arg39 : memref<!tpu.dma_semaphore, #tpu.memory_space<semaphore_mem>>) src(%dma_wait3A_554 : memref<10240x128xf32, #tpu.memory_space<hbm>>) dst(%arg32 : memref<80x128xf32, #tpu.memory_space<vmem>>)
      %dma_wait3A_555 = arith.constant 0 : i32
      %dma_wait3A_556 = tpu.memref_slice %arg27[%rem3A_548, %dma_wait3A_555] : memref<3x80xi32, #tpu.memory_space<vmem>> -> memref<1x80xi32, #tpu.memory_space<vmem>>
      %dma_wait3A_557 = tpu.memref_squeeze %dma_wait3A_556 : memref<1x80xi32, #tpu.memory_space<vmem>> -> memref<80xi32, #tpu.memory_space<vmem>>
      %dma_wait3A_558 = arith.constant 0 : i32
      %dma_wait3A_559 = tpu.memref_slice %arg3[%dma_wait3A_558] : memref<10240xf32, #tpu.memory_space<hbm>> -> memref<10240xf32, #tpu.memory_space<hbm>>
      tpu.wait_indirect_dma semaphore(%arg39 : memref<!tpu.dma_semaphore, #tpu.memory_space<semaphore_mem>>) src(%dma_wait3A_559 : memref<10240xf32, #tpu.memory_space<hbm>>) dst(%arg29 : memref<80xf32, #tpu.memory_space<vmem>>)
      %dma_wait3A_560 = arith.constant 0 : i32
      %dma_wait3A_561 = tpu.memref_slice %arg28[%rem3A_548, %dma_wait3A_560] : memref<3x80xi32, #tpu.memory_space<vmem>> -> memref<1x80xi32, #tpu.memory_space<vmem>>
      %dma_wait3A_562 = tpu.memref_squeeze %dma_wait3A_561 : memref<1x80xi32, #tpu.memory_space<vmem>> -> memref<80xi32, #tpu.memory_space<vmem>>
      %dma_wait3A_563 = arith.constant 0 : i32
      %dma_wait3A_564 = tpu.memref_slice %arg4[%dma_wait3A_563] : memref<10240xf32, #tpu.memory_space<hbm>> -> memref<10240xf32, #tpu.memory_space<hbm>>
      tpu.wait_indirect_dma semaphore(%arg39 : memref<!tpu.dma_semaphore, #tpu.memory_space<semaphore_mem>>) src(%dma_wait3A_564 : memref<10240xf32, #tpu.memory_space<hbm>>) dst(%arg30 : memref<80xf32, #tpu.memory_space<vmem>>)
      %rem3A_565 = arith.constant 3 : i32
      %rem3A_566 = arith.remsi %scan3A_163, %rem3A_565 : i32
      %get3A_567 = arith.constant 0 : index
      %get3A_568 = tpu.vector_load %arg29[%get3A_567] {strides = array<i32>} : memref<80xf32, #tpu.memory_space<vmem>>, vector<16xf32>,
      %get3A_569 = arith.constant 0 : index
      %get3A_570 = tpu.vector_load %arg30[%get3A_569] {strides = array<i32>} : memref<80xf32, #tpu.memory_space<vmem>>, vector<16xf32>,
      %add3A_571 = arith.addf %get3A_568, %get3A_570 : vector<16xf32>
      %gt3A_572 = arith.constant 0.000000e+00 : f32
      %gt3A_573 = vector.broadcast %gt3A_572 : f32 to vector<16xf32>
      %gt3A_574 = arith.cmpf ogt, %add3A_571, %gt3A_573 : vector<16xf32>
      %mul3A_575 = arith.constant 2.000000e-01 : f32
      %mul3A_576 = vector.broadcast %mul3A_575 : f32 to vector<16xf32>
      %mul3A_577 = arith.mulf %mul3A_576, %add3A_571 : vector<16xf32>
      %select_n3A_578 = arith.select %gt3A_574, %add3A_571, %mul3A_577 : vector<16xi1>, vector<16xf32>
      %exp3A_579 = math.exp %select_n3A_578 : vector<16xf32>
      %swap3A_580 = arith.constant 0 : index
      %swap3A_581 = tpu.vector_load %arg31[%swap3A_580] {strides = array<i32>} : memref<80xf32, #tpu.memory_space<vmem>>, vector<16xf32>,
      tpu.vector_store %arg31[%swap3A_580], %exp3A_579 {strides = array<i32>} : memref<80xf32, #tpu.memory_space<vmem>>, vector<16xf32>,
      %get3A_582 = arith.constant 16 : index
      %get3A_583 = tpu.vector_load %arg29[%get3A_582] {strides = array<i32>} : memref<80xf32, #tpu.memory_space<vmem>>, vector<16xf32>,
      %get3A_584 = arith.constant 16 : index
      %get3A_585 = tpu.vector_load %arg30[%get3A_584] {strides = array<i32>} : memref<80xf32, #tpu.memory_space<vmem>>, vector<16xf32>,
      %add3A_586 = arith.addf %get3A_583, %get3A_585 : vector<16xf32>
      %gt3A_587 = arith.constant 0.000000e+00 : f32
      %gt3A_588 = vector.broadcast %gt3A_587 : f32 to vector<16xf32>
      %gt3A_589 = arith.cmpf ogt, %add3A_586, %gt3A_588 : vector<16xf32>
      %mul3A_590 = arith.constant 2.000000e-01 : f32
      %mul3A_591 = vector.broadcast %mul3A_590 : f32 to vector<16xf32>
      %mul3A_592 = arith.mulf %mul3A_591, %add3A_586 : vector<16xf32>
      %select_n3A_593 = arith.select %gt3A_589, %add3A_586, %mul3A_592 : vector<16xi1>, vector<16xf32>
      %exp3A_594 = math.exp %select_n3A_593 : vector<16xf32>
      %swap3A_595 = arith.constant 16 : index
      %swap3A_596 = tpu.vector_load %arg31[%swap3A_595] {strides = array<i32>} : memref<80xf32, #tpu.memory_space<vmem>>, vector<16xf32>,
      tpu.vector_store %arg31[%swap3A_595], %exp3A_594 {strides = array<i32>} : memref<80xf32, #tpu.memory_space<vmem>>, vector<16xf32>,
      %get3A_597 = arith.constant 32 : index
      %get3A_598 = tpu.vector_load %arg29[%get3A_597] {strides = array<i32>} : memref<80xf32, #tpu.memory_space<vmem>>, vector<16xf32>,
      %get3A_599 = arith.constant 32 : index
      %get3A_600 = tpu.vector_load %arg30[%get3A_599] {strides = array<i32>} : memref<80xf32, #tpu.memory_space<vmem>>, vector<16xf32>,
      %add3A_601 = arith.addf %get3A_598, %get3A_600 : vector<16xf32>
      %gt3A_602 = arith.constant 0.000000e+00 : f32
      %gt3A_603 = vector.broadcast %gt3A_602 : f32 to vector<16xf32>
      %gt3A_604 = arith.cmpf ogt, %add3A_601, %gt3A_603 : vector<16xf32>
      %mul3A_605 = arith.constant 2.000000e-01 : f32
      %mul3A_606 = vector.broadcast %mul3A_605 : f32 to vector<16xf32>
      %mul3A_607 = arith.mulf %mul3A_606, %add3A_601 : vector<16xf32>
      %select_n3A_608 = arith.select %gt3A_604, %add3A_601, %mul3A_607 : vector<16xi1>, vector<16xf32>
      %exp3A_609 = math.exp %select_n3A_608 : vector<16xf32>
      %swap3A_610 = arith.constant 32 : index
      %swap3A_611 = tpu.vector_load %arg31[%swap3A_610] {strides = array<i32>} : memref<80xf32, #tpu.memory_space<vmem>>, vector<16xf32>,
      tpu.vector_store %arg31[%swap3A_610], %exp3A_609 {strides = array<i32>} : memref<80xf32, #tpu.memory_space<vmem>>, vector<16xf32>,
      %get3A_612 = arith.constant 48 : index
      %get3A_613 = tpu.vector_load %arg29[%get3A_612] {strides = array<i32>} : memref<80xf32, #tpu.memory_space<vmem>>, vector<16xf32>,
      %get3A_614 = arith.constant 48 : index
      %get3A_615 = tpu.vector_load %arg30[%get3A_614] {strides = array<i32>} : memref<80xf32, #tpu.memory_space<vmem>>, vector<16xf32>,
      %add3A_616 = arith.addf %get3A_613, %get3A_615 : vector<16xf32>
      %gt3A_617 = arith.constant 0.000000e+00 : f32
      %gt3A_618 = vector.broadcast %gt3A_617 : f32 to vector<16xf32>
      %gt3A_619 = arith.cmpf ogt, %add3A_616, %gt3A_618 : vector<16xf32>
      %mul3A_620 = arith.constant 2.000000e-01 : f32
      %mul3A_621 = vector.broadcast %mul3A_620 : f32 to vector<16xf32>
      %mul3A_622 = arith.mulf %mul3A_621, %add3A_616 : vector<16xf32>
      %select_n3A_623 = arith.select %gt3A_619, %add3A_616, %mul3A_622 : vector<16xi1>, vector<16xf32>
      %exp3A_624 = math.exp %select_n3A_623 : vector<16xf32>
      %swap3A_625 = arith.constant 48 : index
      %swap3A_626 = tpu.vector_load %arg31[%swap3A_625] {strides = array<i32>} : memref<80xf32, #tpu.memory_space<vmem>>, vector<16xf32>,
      tpu.vector_store %arg31[%swap3A_625], %exp3A_624 {strides = array<i32>} : memref<80xf32, #tpu.memory_space<vmem>>, vector<16xf32>,
      %get3A_627 = arith.constant 64 : index
      %get3A_628 = tpu.vector_load %arg29[%get3A_627] {strides = array<i32>} : memref<80xf32, #tpu.memory_space<vmem>>, vector<16xf32>,
      %get3A_629 = arith.constant 64 : index
      %get3A_630 = tpu.vector_load %arg30[%get3A_629] {strides = array<i32>} : memref<80xf32, #tpu.memory_space<vmem>>, vector<16xf32>,
      %add3A_631 = arith.addf %get3A_628, %get3A_630 : vector<16xf32>
      %gt3A_632 = arith.constant 0.000000e+00 : f32
      %gt3A_633 = vector.broadcast %gt3A_632 : f32 to vector<16xf32>
      %gt3A_634 = arith.cmpf ogt, %add3A_631, %gt3A_633 : vector<16xf32>
      %mul3A_635 = arith.constant 2.000000e-01 : f32
      %mul3A_636 = vector.broadcast %mul3A_635 : f32 to vector<16xf32>
      %mul3A_637 = arith.mulf %mul3A_636, %add3A_631 : vector<16xf32>
      %select_n3A_638 = arith.select %gt3A_634, %add3A_631, %mul3A_637 : vector<16xi1>, vector<16xf32>
      %exp3A_639 = math.exp %select_n3A_638 : vector<16xf32>
      %swap3A_640 = arith.constant 64 : index
      %swap3A_641 = tpu.vector_load %arg31[%swap3A_640] {strides = array<i32>} : memref<80xf32, #tpu.memory_space<vmem>>, vector<16xf32>,
      tpu.vector_store %arg31[%swap3A_640], %exp3A_639 {strides = array<i32>} : memref<80xf32, #tpu.memory_space<vmem>>, vector<16xf32>,
      %parallel_loop3A_642 = arith.constant 0 : i32
      %parallel_loop3A_643 = arith.constant 80 : i32
      %parallel_loop3A_644 = arith.constant 1 : i32
      scf.for %parallel_loop3A_663 = %parallel_loop3A_642 to %parallel_loop3A_643 step %parallel_loop3A_644  : i32 {
        %parallel_loop3A_664 = vector.broadcast %parallel_loop3A_663 : i32 to vector<16xi32>
        %parallel_loop3A_665 = tpu.vector_load_idx %arg31[%parallel_loop3A_664] : memref<80xf32, #tpu.memory_space<vmem>>[vector<16xi32>], vector<16xf32>,
        %parallel_loop3A_666 = arith.index_cast %parallel_loop3A_663 : i32 to index
        %parallel_loop3A_667 = arith.constant 0 : index
        %parallel_loop3A_668 = tpu.vector_load %arg32[%parallel_loop3A_666, %parallel_loop3A_667] {strides = array<i32>} : memref<80x128xf32, #tpu.memory_space<vmem>>, vector<16xf32>,
        %parallel_loop3A_669 = arith.mulf %parallel_loop3A_668, %parallel_loop3A_665 : vector<16xf32>
        %parallel_loop3A_670 = arith.index_cast %parallel_loop3A_663 : i32 to index
        %parallel_loop3A_671 = arith.constant 0 : index
        %parallel_loop3A_672 = tpu.vector_load %arg32[%parallel_loop3A_670, %parallel_loop3A_671] {strides = array<i32>} : memref<80x128xf32, #tpu.memory_space<vmem>>, vector<16xf32>,
        tpu.vector_store %arg32[%parallel_loop3A_670, %parallel_loop3A_671], %parallel_loop3A_669 {strides = array<i32>} : memref<80x128xf32, #tpu.memory_space<vmem>>, vector<16xf32>,
        %parallel_loop3A_673 = arith.index_cast %parallel_loop3A_663 : i32 to index
        %parallel_loop3A_674 = arith.constant 16 : index
        %parallel_loop3A_675 = tpu.vector_load %arg32[%parallel_loop3A_673, %parallel_loop3A_674] {strides = array<i32>} : memref<80x128xf32, #tpu.memory_space<vmem>>, vector<16xf32>,
        %parallel_loop3A_676 = arith.mulf %parallel_loop3A_675, %parallel_loop3A_665 : vector<16xf32>
        %parallel_loop3A_677 = arith.index_cast %parallel_loop3A_663 : i32 to index
        %parallel_loop3A_678 = arith.constant 16 : index
        %parallel_loop3A_679 = tpu.vector_load %arg32[%parallel_loop3A_677, %parallel_loop3A_678] {strides = array<i32>} : memref<80x128xf32, #tpu.memory_space<vmem>>, vector<16xf32>,
        tpu.vector_store %arg32[%parallel_loop3A_677, %parallel_loop3A_678], %parallel_loop3A_676 {strides = array<i32>} : memref<80x128xf32, #tpu.memory_space<vmem>>, vector<16xf32>,
        %parallel_loop3A_680 = arith.index_cast %parallel_loop3A_663 : i32 to index
        %parallel_loop3A_681 = arith.constant 32 : index
        %parallel_loop3A_682 = tpu.vector_load %arg32[%parallel_loop3A_680, %parallel_loop3A_681] {strides = array<i32>} : memref<80x128xf32, #tpu.memory_space<vmem>>, vector<16xf32>,
        %parallel_loop3A_683 = arith.mulf %parallel_loop3A_682, %parallel_loop3A_665 : vector<16xf32>
        %parallel_loop3A_684 = arith.index_cast %parallel_loop3A_663 : i32 to index
        %parallel_loop3A_685 = arith.constant 32 : index
        %parallel_loop3A_686 = tpu.vector_load %arg32[%parallel_loop3A_684, %parallel_loop3A_685] {strides = array<i32>} : memref<80x128xf32, #tpu.memory_space<vmem>>, vector<16xf32>,
        tpu.vector_store %arg32[%parallel_loop3A_684, %parallel_loop3A_685], %parallel_loop3A_683 {strides = array<i32>} : memref<80x128xf32, #tpu.memory_space<vmem>>, vector<16xf32>,
        %parallel_loop3A_687 = arith.index_cast %parallel_loop3A_663 : i32 to index
        %parallel_loop3A_688 = arith.constant 48 : index
        %parallel_loop3A_689 = tpu.vector_load %arg32[%parallel_loop3A_687, %parallel_loop3A_688] {strides = array<i32>} : memref<80x128xf32, #tpu.memory_space<vmem>>, vector<16xf32>,
        %parallel_loop3A_690 = arith.mulf %parallel_loop3A_689, %parallel_loop3A_665 : vector<16xf32>
        %parallel_loop3A_691 = arith.index_cast %parallel_loop3A_663 : i32 to index
        %parallel_loop3A_692 = arith.constant 48 : index
        %parallel_loop3A_693 = tpu.vector_load %arg32[%parallel_loop3A_691, %parallel_loop3A_692] {strides = array<i32>} : memref<80x128xf32, #tpu.memory_space<vmem>>, vector<16xf32>,
        tpu.vector_store %arg32[%parallel_loop3A_691, %parallel_loop3A_692], %parallel_loop3A_690 {strides = array<i32>} : memref<80x128xf32, #tpu.memory_space<vmem>>, vector<16xf32>,
        %parallel_loop3A_694 = arith.index_cast %parallel_loop3A_663 : i32 to index
        %parallel_loop3A_695 = arith.constant 64 : index
        %parallel_loop3A_696 = tpu.vector_load %arg32[%parallel_loop3A_694, %parallel_loop3A_695] {strides = array<i32>} : memref<80x128xf32, #tpu.memory_space<vmem>>, vector<16xf32>,
        %parallel_loop3A_697 = arith.mulf %parallel_loop3A_696, %parallel_loop3A_665 : vector<16xf32>
        %parallel_loop3A_698 = arith.index_cast %parallel_loop3A_663 : i32 to index
        %parallel_loop3A_699 = arith.constant 64 : index
        %parallel_loop3A_700 = tpu.vector_load %arg32[%parallel_loop3A_698, %parallel_loop3A_699] {strides = array<i32>} : memref<80x128xf32, #tpu.memory_space<vmem>>, vector<16xf32>,
        tpu.vector_store %arg32[%parallel_loop3A_698, %parallel_loop3A_699], %parallel_loop3A_697 {strides = array<i32>} : memref<80x128xf32, #tpu.memory_space<vmem>>, vector<16xf32>,
        %parallel_loop3A_701 = arith.index_cast %parallel_loop3A_663 : i32 to index
        %parallel_loop3A_702 = arith.constant 80 : index
        %parallel_loop3A_703 = tpu.vector_load %arg32[%parallel_loop3A_701, %parallel_loop3A_702] {strides = array<i32>} : memref<80x128xf32, #tpu.memory_space<vmem>>, vector<16xf32>,
        %parallel_loop3A_704 = arith.mulf %parallel_loop3A_703, %parallel_loop3A_665 : vector<16xf32>
        %parallel_loop3A_705 = arith.index_cast %parallel_loop3A_663 : i32 to index
        %parallel_loop3A_706 = arith.constant 80 : index
        %parallel_loop3A_707 = tpu.vector_load %arg32[%parallel_loop3A_705, %parallel_loop3A_706] {strides = array<i32>} : memref<80x128xf32, #tpu.memory_space<vmem>>, vector<16xf32>,
        tpu.vector_store %arg32[%parallel_loop3A_705, %parallel_loop3A_706], %parallel_loop3A_704 {strides = array<i32>} : memref<80x128xf32, #tpu.memory_space<vmem>>, vector<16xf32>,
        %parallel_loop3A_708 = arith.index_cast %parallel_loop3A_663 : i32 to index
        %parallel_loop3A_709 = arith.constant 96 : index
        %parallel_loop3A_710 = tpu.vector_load %arg32[%parallel_loop3A_708, %parallel_loop3A_709] {strides = array<i32>} : memref<80x128xf32, #tpu.memory_space<vmem>>, vector<16xf32>,
        %parallel_loop3A_711 = arith.mulf %parallel_loop3A_710, %parallel_loop3A_665 : vector<16xf32>
        %parallel_loop3A_712 = arith.index_cast %parallel_loop3A_663 : i32 to index
        %parallel_loop3A_713 = arith.constant 96 : index
        %parallel_loop3A_714 = tpu.vector_load %arg32[%parallel_loop3A_712, %parallel_loop3A_713] {strides = array<i32>} : memref<80x128xf32, #tpu.memory_space<vmem>>, vector<16xf32>,
        tpu.vector_store %arg32[%parallel_loop3A_712, %parallel_loop3A_713], %parallel_loop3A_711 {strides = array<i32>} : memref<80x128xf32, #tpu.memory_space<vmem>>, vector<16xf32>,
        %parallel_loop3A_715 = arith.index_cast %parallel_loop3A_663 : i32 to index
        %parallel_loop3A_716 = arith.constant 112 : index
        %parallel_loop3A_717 = tpu.vector_load %arg32[%parallel_loop3A_715, %parallel_loop3A_716] {strides = array<i32>} : memref<80x128xf32, #tpu.memory_space<vmem>>, vector<16xf32>,
        %parallel_loop3A_718 = arith.mulf %parallel_loop3A_717, %parallel_loop3A_665 : vector<16xf32>
        %parallel_loop3A_719 = arith.index_cast %parallel_loop3A_663 : i32 to index
        %parallel_loop3A_720 = arith.constant 112 : index
        %parallel_loop3A_721 = tpu.vector_load %arg32[%parallel_loop3A_719, %parallel_loop3A_720] {strides = array<i32>} : memref<80x128xf32, #tpu.memory_space<vmem>>, vector<16xf32>,
        tpu.vector_store %arg32[%parallel_loop3A_719, %parallel_loop3A_720], %parallel_loop3A_718 {strides = array<i32>} : memref<80x128xf32, #tpu.memory_space<vmem>>, vector<16xf32>,
      } {sc.loop_unroll_factor = 8 : i64, sc.parallel_access}
      %dma_start3A_645 = arith.constant 0 : i32
      %dma_start3A_646 = tpu.memref_slice %arg28[%rem3A_566, %dma_start3A_645] : memref<3x80xi32, #tpu.memory_space<vmem>> -> memref<1x80xi32, #tpu.memory_space<vmem>>
      %dma_start3A_647 = tpu.memref_squeeze %dma_start3A_646 : memref<1x80xi32, #tpu.memory_space<vmem>> -> memref<80xi32, #tpu.memory_space<vmem>>
      %dma_start3A_648 = arith.constant 0 : i32
      %dma_start3A_649 = tpu.memref_slice %arg35[%dma_start3A_648] : memref<10240xf32, #tpu.memory_space<vmem_shared>> -> memref<10240xf32, #tpu.memory_space<vmem_shared>>
      tpu.enqueue_indirect_dma source(%arg31 : memref<80xf32, #tpu.memory_space<vmem>>) target(%dma_start3A_649 : memref<10240xf32, #tpu.memory_space<vmem_shared>>) offsets(%dma_start3A_647 : memref<80xi32, #tpu.memory_space<vmem>>) semaphore(%arg47 : memref<!tpu.dma_semaphore, #tpu.memory_space<semaphore_mem>>) {add = true}
      %dma_start3A_650 = arith.constant 0 : i32
      %dma_start3A_651 = tpu.memref_slice %arg28[%rem3A_566, %dma_start3A_650] : memref<3x80xi32, #tpu.memory_space<vmem>> -> memref<1x80xi32, #tpu.memory_space<vmem>>
      %dma_start3A_652 = tpu.memref_squeeze %dma_start3A_651 : memref<1x80xi32, #tpu.memory_space<vmem>> -> memref<80xi32, #tpu.memory_space<vmem>>
      %dma_start3A_653 = arith.constant 0 : i32
      %dma_start3A_654 = arith.constant 0 : i32
      %dma_start3A_655 = tpu.memref_slice %arg34[%dma_start3A_653, %dma_start3A_654] : memref<10240x128xf32, #tpu.memory_space<vmem_shared>> -> memref<10240x128xf32, #tpu.memory_space<vmem_shared>>
      tpu.enqueue_indirect_dma source(%arg32 : memref<80x128xf32, #tpu.memory_space<vmem>>) target(%dma_start3A_655 : memref<10240x128xf32, #tpu.memory_space<vmem_shared>>) offsets(%dma_start3A_652 : memref<80xi32, #tpu.memory_space<vmem>>) semaphore(%arg43 : memref<!tpu.dma_semaphore, #tpu.memory_space<semaphore_mem>>) {add = true}
      %add3A_656 = arith.constant 1 : i32
      %add3A_657 = arith.addi %scan3A_163, %add3A_656 : i32
      %lt3A_658 = arith.constant 33 : i32
      %lt3A_659 = arith.cmpi slt, %add3A_657, %lt3A_658 : i32
      %convert_element_type3A_660 = arith.extui %lt3A_659 : i1 to i32
      %cond3A_661 = arith.constant 0 : i32
      %cond3A_662 = arith.cmpi ne, %convert_element_type3A_660, %cond3A_661 : i32
      scf.if %cond3A_662 {
        %dma_wait3A_663 = arith.constant 0 : i32
        %dma_wait3A_664 = arith.constant 0 : i32
        %dma_wait3A_665 = tpu.memref_slice %arg16[%dma_wait3A_663, %dma_wait3A_664] : memref<3x80xi32, #tpu.memory_space<vmem>> -> memref<1x80xi32, #tpu.memory_space<vmem>>
        %dma_wait3A_666 = tpu.memref_squeeze %dma_wait3A_665 : memref<1x80xi32, #tpu.memory_space<vmem>> -> memref<80xi32, #tpu.memory_space<vmem>>
        %dma_wait3A_667 = arith.constant 0 : i32
        %dma_wait3A_668 = arith.constant 0 : i32
        %dma_wait3A_669 = tpu.memref_slice %arg34[%dma_wait3A_667, %dma_wait3A_668] : memref<10240x128xf32, #tpu.memory_space<vmem_shared>> -> memref<10240x128xf32, #tpu.memory_space<vmem_shared>>
        tpu.wait_indirect_dma semaphore(%arg41 : memref<!tpu.dma_semaphore, #tpu.memory_space<semaphore_mem>>) src(%arg20 : memref<80x128xf32, #tpu.memory_space<vmem>>) dst(%dma_wait3A_669 : memref<10240x128xf32, #tpu.memory_space<vmem_shared>>)
        %dma_wait3A_670 = arith.constant 0 : i32
        %dma_wait3A_671 = arith.constant 0 : i32
        %dma_wait3A_672 = tpu.memref_slice %arg16[%dma_wait3A_670, %dma_wait3A_671] : memref<3x80xi32, #tpu.memory_space<vmem>> -> memref<1x80xi32, #tpu.memory_space<vmem>>
        %dma_wait3A_673 = tpu.memref_squeeze %dma_wait3A_672 : memref<1x80xi32, #tpu.memory_space<vmem>> -> memref<80xi32, #tpu.memory_space<vmem>>
        %dma_wait3A_674 = arith.constant 0 : i32
        %dma_wait3A_675 = tpu.memref_slice %arg35[%dma_wait3A_674] : memref<10240xf32, #tpu.memory_space<vmem_shared>> -> memref<10240xf32, #tpu.memory_space<vmem_shared>>
        tpu.wait_indirect_dma semaphore(%arg45 : memref<!tpu.dma_semaphore, #tpu.memory_space<semaphore_mem>>) src(%arg19 : memref<80xf32, #tpu.memory_space<vmem>>) dst(%dma_wait3A_675 : memref<10240xf32, #tpu.memory_space<vmem_shared>>)
        %add3A_676 = arith.constant 1 : i32
        %add3A_677 = arith.addi %scan3A_163, %add3A_676 : i32
        %rem3A_678 = arith.constant 3 : i32
        %rem3A_679 = arith.remsi %add3A_677, %rem3A_678 : i32
        %eq3A_680 = arith.constant 0 : i32
        %eq3A_681 = arith.cmpi eq, %rem3A_679, %eq3A_680 : i32
        %convert_element_type3A_682 = arith.extui %eq3A_681 : i1 to i32
        %cond3A_683 = arith.constant 0 : i32
        %cond3A_684 = arith.cmpi ne, %convert_element_type3A_682, %cond3A_683 : i32
        scf.if %cond3A_684 {
          %div3A = arith.constant 3 : i32
          %div3A_701 = arith.divsi %add3A_677, %div3A : i32
          %run_scoped3A = arith.constant 1 : i32
          "tpu.region"() ({
            %run_scoped3A_703 = tpu.sem_alloc : memref<!tpu.dma_semaphore, #tpu.memory_space<semaphore_mem>>
            %dma_start3A_704 = arith.constant 0 : i32
            %dma_start3A_705 = arith.constant 0 : i32
            %dma_start3A_706 = tpu.memref_slice %arg5[%add3A, %run_scoped3A, %div3A_701, %dma_start3A_704, %dma_start3A_705] : memref<32x4x11x3x80xi32, #tpu.memory_space<hbm>> -> memref<1x1x1x3x80xi32, #tpu.memory_space<hbm>>
            %dma_start3A_707 = tpu.memref_squeeze %dma_start3A_706 : memref<1x1x1x3x80xi32, #tpu.memory_space<hbm>> -> memref<3x80xi32, #tpu.memory_space<hbm>>
            %dma_start3A_708 = arith.constant 0 : i32
            %dma_start3A_709 = arith.constant 0 : i32
            %dma_start3A_710 = tpu.memref_slice %arg5[%add3A, %run_scoped3A, %div3A_701, %dma_start3A_708, %dma_start3A_709] : memref<32x4x11x3x80xi32, #tpu.memory_space<hbm>> -> memref<1x1x1x3x80xi32, #tpu.memory_space<hbm>>
            %dma_start3A_711 = tpu.memref_squeeze %dma_start3A_710 : memref<1x1x1x3x80xi32, #tpu.memory_space<hbm>> -> memref<3x80xi32, #tpu.memory_space<hbm>>
            tpu.enqueue_dma source(%dma_start3A_711 : memref<3x80xi32, #tpu.memory_space<hbm>>) target(%arg15 : memref<3x80xi32, #tpu.memory_space<vmem>>) target_semaphore(%run_scoped3A_703 : memref<!tpu.dma_semaphore, #tpu.memory_space<semaphore_mem>>)
            %dma_wait3A_712 = arith.constant 0 : i32
            %dma_wait3A_713 = arith.constant 0 : i32
            %dma_wait3A_714 = tpu.memref_slice %arg5[%add3A, %run_scoped3A, %div3A_701, %dma_wait3A_712, %dma_wait3A_713] : memref<32x4x11x3x80xi32, #tpu.memory_space<hbm>> -> memref<1x1x1x3x80xi32, #tpu.memory_space<hbm>>
            %dma_wait3A_715 = tpu.memref_squeeze %dma_wait3A_714 : memref<1x1x1x3x80xi32, #tpu.memory_space<hbm>> -> memref<3x80xi32, #tpu.memory_space<hbm>>
            %dma_wait3A_716 = arith.constant 0 : i32
            %dma_wait3A_717 = arith.constant 0 : i32
            %dma_wait3A_718 = tpu.memref_slice %arg5[%add3A, %run_scoped3A, %div3A_701, %dma_wait3A_716, %dma_wait3A_717] : memref<32x4x11x3x80xi32, #tpu.memory_space<hbm>> -> memref<1x1x1x3x80xi32, #tpu.memory_space<hbm>>
            %dma_wait3A_719 = tpu.memref_squeeze %dma_wait3A_718 : memref<1x1x1x3x80xi32, #tpu.memory_space<hbm>> -> memref<3x80xi32, #tpu.memory_space<hbm>>
            tpu.wait_dma2 semaphore(%run_scoped3A_703 : memref<!tpu.dma_semaphore, #tpu.memory_space<semaphore_mem>>) src(%dma_wait3A_719 : memref<3x80xi32, #tpu.memory_space<hbm>>) dst(%arg15 : memref<3x80xi32, #tpu.memory_space<vmem>>)
            tpu.yield
          }) : () -> ()
          %run_scoped3A_702 = arith.constant 1 : i32
          "tpu.region"() ({
            %run_scoped3A_703 = tpu.sem_alloc : memref<!tpu.dma_semaphore, #tpu.memory_space<semaphore_mem>>
            %dma_start3A_704 = arith.constant 0 : i32
            %dma_start3A_705 = arith.constant 0 : i32
            %dma_start3A_706 = tpu.memref_slice %arg6[%add3A, %run_scoped3A_702, %div3A_701, %dma_start3A_704, %dma_start3A_705] : memref<32x4x11x3x80xi32, #tpu.memory_space<hbm>> -> memref<1x1x1x3x80xi32, #tpu.memory_space<hbm>>
            %dma_start3A_707 = tpu.memref_squeeze %dma_start3A_706 : memref<1x1x1x3x80xi32, #tpu.memory_space<hbm>> -> memref<3x80xi32, #tpu.memory_space<hbm>>
            %dma_start3A_708 = arith.constant 0 : i32
            %dma_start3A_709 = arith.constant 0 : i32
            %dma_start3A_710 = tpu.memref_slice %arg6[%add3A, %run_scoped3A_702, %div3A_701, %dma_start3A_708, %dma_start3A_709] : memref<32x4x11x3x80xi32, #tpu.memory_space<hbm>> -> memref<1x1x1x3x80xi32, #tpu.memory_space<hbm>>
            %dma_start3A_711 = tpu.memref_squeeze %dma_start3A_710 : memref<1x1x1x3x80xi32, #tpu.memory_space<hbm>> -> memref<3x80xi32, #tpu.memory_space<hbm>>
            tpu.enqueue_dma source(%dma_start3A_711 : memref<3x80xi32, #tpu.memory_space<hbm>>) target(%arg16 : memref<3x80xi32, #tpu.memory_space<vmem>>) target_semaphore(%run_scoped3A_703 : memref<!tpu.dma_semaphore, #tpu.memory_space<semaphore_mem>>)
            %dma_wait3A_712 = arith.constant 0 : i32
            %dma_wait3A_713 = arith.constant 0 : i32
            %dma_wait3A_714 = tpu.memref_slice %arg6[%add3A, %run_scoped3A_702, %div3A_701, %dma_wait3A_712, %dma_wait3A_713] : memref<32x4x11x3x80xi32, #tpu.memory_space<hbm>> -> memref<1x1x1x3x80xi32, #tpu.memory_space<hbm>>
            %dma_wait3A_715 = tpu.memref_squeeze %dma_wait3A_714 : memref<1x1x1x3x80xi32, #tpu.memory_space<hbm>> -> memref<3x80xi32, #tpu.memory_space<hbm>>
            %dma_wait3A_716 = arith.constant 0 : i32
            %dma_wait3A_717 = arith.constant 0 : i32
            %dma_wait3A_718 = tpu.memref_slice %arg6[%add3A, %run_scoped3A_702, %div3A_701, %dma_wait3A_716, %dma_wait3A_717] : memref<32x4x11x3x80xi32, #tpu.memory_space<hbm>> -> memref<1x1x1x3x80xi32, #tpu.memory_space<hbm>>
            %dma_wait3A_719 = tpu.memref_squeeze %dma_wait3A_718 : memref<1x1x1x3x80xi32, #tpu.memory_space<hbm>> -> memref<3x80xi32, #tpu.memory_space<hbm>>
            tpu.wait_dma2 semaphore(%run_scoped3A_703 : memref<!tpu.dma_semaphore, #tpu.memory_space<semaphore_mem>>) src(%dma_wait3A_719 : memref<3x80xi32, #tpu.memory_space<hbm>>) dst(%arg16 : memref<3x80xi32, #tpu.memory_space<vmem>>)
            tpu.yield
          }) : () -> ()
        } else {
        }
        %dma_start3A_685 = arith.constant 0 : i32
        %dma_start3A_686 = tpu.memref_slice %arg15[%rem3A_679, %dma_start3A_685] : memref<3x80xi32, #tpu.memory_space<vmem>> -> memref<1x80xi32, #tpu.memory_space<vmem>>
        %dma_start3A_687 = tpu.memref_squeeze %dma_start3A_686 : memref<1x80xi32, #tpu.memory_space<vmem>> -> memref<80xi32, #tpu.memory_space<vmem>>
        %dma_start3A_688 = arith.constant 0 : i32
        %dma_start3A_689 = arith.constant 0 : i32
        %dma_start3A_690 = tpu.memref_slice %arg2[%dma_start3A_688, %dma_start3A_689] : memref<10240x128xf32, #tpu.memory_space<hbm>> -> memref<10240x128xf32, #tpu.memory_space<hbm>>
        tpu.enqueue_indirect_dma source(%dma_start3A_690 : memref<10240x128xf32, #tpu.memory_space<hbm>>) target(%arg20 : memref<80x128xf32, #tpu.memory_space<vmem>>) offsets(%dma_start3A_687 : memref<80xi32, #tpu.memory_space<vmem>>) semaphore(%arg37 : memref<!tpu.dma_semaphore, #tpu.memory_space<semaphore_mem>>)
        %dma_start3A_691 = arith.constant 0 : i32
        %dma_start3A_692 = tpu.memref_slice %arg15[%rem3A_679, %dma_start3A_691] : memref<3x80xi32, #tpu.memory_space<vmem>> -> memref<1x80xi32, #tpu.memory_space<vmem>>
        %dma_start3A_693 = tpu.memref_squeeze %dma_start3A_692 : memref<1x80xi32, #tpu.memory_space<vmem>> -> memref<80xi32, #tpu.memory_space<vmem>>
        %dma_start3A_694 = arith.constant 0 : i32
        %dma_start3A_695 = tpu.memref_slice %arg3[%dma_start3A_694] : memref<10240xf32, #tpu.memory_space<hbm>> -> memref<10240xf32, #tpu.memory_space<hbm>>
        tpu.enqueue_indirect_dma source(%dma_start3A_695 : memref<10240xf32, #tpu.memory_space<hbm>>) target(%arg17 : memref<80xf32, #tpu.memory_space<vmem>>) offsets(%dma_start3A_693 : memref<80xi32, #tpu.memory_space<vmem>>) semaphore(%arg37 : memref<!tpu.dma_semaphore, #tpu.memory_space<semaphore_mem>>)
        %dma_start3A_696 = arith.constant 0 : i32
        %dma_start3A_697 = tpu.memref_slice %arg16[%rem3A_679, %dma_start3A_696] : memref<3x80xi32, #tpu.memory_space<vmem>> -> memref<1x80xi32, #tpu.memory_space<vmem>>
        %dma_start3A_698 = tpu.memref_squeeze %dma_start3A_697 : memref<1x80xi32, #tpu.memory_space<vmem>> -> memref<80xi32, #tpu.memory_space<vmem>>
        %dma_start3A_699 = arith.constant 0 : i32
        %dma_start3A_700 = tpu.memref_slice %arg4[%dma_start3A_699] : memref<10240xf32, #tpu.memory_space<hbm>> -> memref<10240xf32, #tpu.memory_space<hbm>>
        tpu.enqueue_indirect_dma source(%dma_start3A_700 : memref<10240xf32, #tpu.memory_space<hbm>>) target(%arg18 : memref<80xf32, #tpu.memory_space<vmem>>) offsets(%dma_start3A_698 : memref<80xi32, #tpu.memory_space<vmem>>) semaphore(%arg37 : memref<!tpu.dma_semaphore, #tpu.memory_space<semaphore_mem>>)
      } else {
      }
    }
    %scan3A_78 = arith.constant 33 : i32
    %dma_wait3A = arith.constant 0 : i32
    %dma_wait3A_79 = arith.constant 0 : i32
    %dma_wait3A_80 = tpu.memref_slice %arg10[%dma_wait3A, %dma_wait3A_79] : memref<3x80xi32, #tpu.memory_space<vmem>> -> memref<1x80xi32, #tpu.memory_space<vmem>>
    %dma_wait3A_81 = tpu.memref_squeeze %dma_wait3A_80 : memref<1x80xi32, #tpu.memory_space<vmem>> -> memref<80xi32, #tpu.memory_space<vmem>>
    %dma_wait3A_82 = arith.constant 0 : i32
    %dma_wait3A_83 = arith.constant 0 : i32
    %dma_wait3A_84 = tpu.memref_slice %arg34[%dma_wait3A_82, %dma_wait3A_83] : memref<10240x128xf32, #tpu.memory_space<vmem_shared>> -> memref<10240x128xf32, #tpu.memory_space<vmem_shared>>
    tpu.wait_indirect_dma semaphore(%arg40 : memref<!tpu.dma_semaphore, #tpu.memory_space<semaphore_mem>>) src(%arg14 : memref<80x128xf32, #tpu.memory_space<vmem>>) dst(%dma_wait3A_84 : memref<10240x128xf32, #tpu.memory_space<vmem_shared>>)
    %dma_wait3A_85 = arith.constant 0 : i32
    %dma_wait3A_86 = arith.constant 0 : i32
    %dma_wait3A_87 = tpu.memref_slice %arg10[%dma_wait3A_85, %dma_wait3A_86] : memref<3x80xi32, #tpu.memory_space<vmem>> -> memref<1x80xi32, #tpu.memory_space<vmem>>
    %dma_wait3A_88 = tpu.memref_squeeze %dma_wait3A_87 : memref<1x80xi32, #tpu.memory_space<vmem>> -> memref<80xi32, #tpu.memory_space<vmem>>
    %dma_wait3A_89 = arith.constant 0 : i32
    %dma_wait3A_90 = tpu.memref_slice %arg35[%dma_wait3A_89] : memref<10240xf32, #tpu.memory_space<vmem_shared>> -> memref<10240xf32, #tpu.memory_space<vmem_shared>>
    tpu.wait_indirect_dma semaphore(%arg44 : memref<!tpu.dma_semaphore, #tpu.memory_space<semaphore_mem>>) src(%arg13 : memref<80xf32, #tpu.memory_space<vmem>>) dst(%dma_wait3A_90 : memref<10240xf32, #tpu.memory_space<vmem_shared>>)
    %dma_wait3A_91 = arith.constant 0 : i32
    %dma_wait3A_92 = arith.constant 0 : i32
    %dma_wait3A_93 = tpu.memref_slice %arg16[%dma_wait3A_91, %dma_wait3A_92] : memref<3x80xi32, #tpu.memory_space<vmem>> -> memref<1x80xi32, #tpu.memory_space<vmem>>
    %dma_wait3A_94 = tpu.memref_squeeze %dma_wait3A_93 : memref<1x80xi32, #tpu.memory_space<vmem>> -> memref<80xi32, #tpu.memory_space<vmem>>
    %dma_wait3A_95 = arith.constant 0 : i32
    %dma_wait3A_96 = arith.constant 0 : i32
    %dma_wait3A_97 = tpu.memref_slice %arg34[%dma_wait3A_95, %dma_wait3A_96] : memref<10240x128xf32, #tpu.memory_space<vmem_shared>> -> memref<10240x128xf32, #tpu.memory_space<vmem_shared>>
    tpu.wait_indirect_dma semaphore(%arg41 : memref<!tpu.dma_semaphore, #tpu.memory_space<semaphore_mem>>) src(%arg20 : memref<80x128xf32, #tpu.memory_space<vmem>>) dst(%dma_wait3A_97 : memref<10240x128xf32, #tpu.memory_space<vmem_shared>>)
    %dma_wait3A_98 = arith.constant 0 : i32
    %dma_wait3A_99 = arith.constant 0 : i32
    %dma_wait3A_100 = tpu.memref_slice %arg16[%dma_wait3A_98, %dma_wait3A_99] : memref<3x80xi32, #tpu.memory_space<vmem>> -> memref<1x80xi32, #tpu.memory_space<vmem>>
    %dma_wait3A_101 = tpu.memref_squeeze %dma_wait3A_100 : memref<1x80xi32, #tpu.memory_space<vmem>> -> memref<80xi32, #tpu.memory_space<vmem>>
    %dma_wait3A_102 = arith.constant 0 : i32
    %dma_wait3A_103 = tpu.memref_slice %arg35[%dma_wait3A_102] : memref<10240xf32, #tpu.memory_space<vmem_shared>> -> memref<10240xf32, #tpu.memory_space<vmem_shared>>
    tpu.wait_indirect_dma semaphore(%arg45 : memref<!tpu.dma_semaphore, #tpu.memory_space<semaphore_mem>>) src(%arg19 : memref<80xf32, #tpu.memory_space<vmem>>) dst(%dma_wait3A_103 : memref<10240xf32, #tpu.memory_space<vmem_shared>>)
    %dma_wait3A_104 = arith.constant 0 : i32
    %dma_wait3A_105 = arith.constant 0 : i32
    %dma_wait3A_106 = tpu.memref_slice %arg22[%dma_wait3A_104, %dma_wait3A_105] : memref<3x80xi32, #tpu.memory_space<vmem>> -> memref<1x80xi32, #tpu.memory_space<vmem>>
    %dma_wait3A_107 = tpu.memref_squeeze %dma_wait3A_106 : memref<1x80xi32, #tpu.memory_space<vmem>> -> memref<80xi32, #tpu.memory_space<vmem>>
    %dma_wait3A_108 = arith.constant 0 : i32
    %dma_wait3A_109 = arith.constant 0 : i32
    %dma_wait3A_110 = tpu.memref_slice %arg34[%dma_wait3A_108, %dma_wait3A_109] : memref<10240x128xf32, #tpu.memory_space<vmem_shared>> -> memref<10240x128xf32, #tpu.memory_space<vmem_shared>>
    tpu.wait_indirect_dma semaphore(%arg42 : memref<!tpu.dma_semaphore, #tpu.memory_space<semaphore_mem>>) src(%arg26 : memref<80x128xf32, #tpu.memory_space<vmem>>) dst(%dma_wait3A_110 : memref<10240x128xf32, #tpu.memory_space<vmem_shared>>)
    %dma_wait3A_111 = arith.constant 0 : i32
    %dma_wait3A_112 = arith.constant 0 : i32
    %dma_wait3A_113 = tpu.memref_slice %arg22[%dma_wait3A_111, %dma_wait3A_112] : memref<3x80xi32, #tpu.memory_space<vmem>> -> memref<1x80xi32, #tpu.memory_space<vmem>>
    %dma_wait3A_114 = tpu.memref_squeeze %dma_wait3A_113 : memref<1x80xi32, #tpu.memory_space<vmem>> -> memref<80xi32, #tpu.memory_space<vmem>>
    %dma_wait3A_115 = arith.constant 0 : i32
    %dma_wait3A_116 = tpu.memref_slice %arg35[%dma_wait3A_115] : memref<10240xf32, #tpu.memory_space<vmem_shared>> -> memref<10240xf32, #tpu.memory_space<vmem_shared>>
    tpu.wait_indirect_dma semaphore(%arg46 : memref<!tpu.dma_semaphore, #tpu.memory_space<semaphore_mem>>) src(%arg25 : memref<80xf32, #tpu.memory_space<vmem>>) dst(%dma_wait3A_116 : memref<10240xf32, #tpu.memory_space<vmem_shared>>)
    %dma_wait3A_117 = arith.constant 0 : i32
    %dma_wait3A_118 = arith.constant 0 : i32
    %dma_wait3A_119 = tpu.memref_slice %arg28[%dma_wait3A_117, %dma_wait3A_118] : memref<3x80xi32, #tpu.memory_space<vmem>> -> memref<1x80xi32, #tpu.memory_space<vmem>>
    %dma_wait3A_120 = tpu.memref_squeeze %dma_wait3A_119 : memref<1x80xi32, #tpu.memory_space<vmem>> -> memref<80xi32, #tpu.memory_space<vmem>>
    %dma_wait3A_121 = arith.constant 0 : i32
    %dma_wait3A_122 = arith.constant 0 : i32
    %dma_wait3A_123 = tpu.memref_slice %arg34[%dma_wait3A_121, %dma_wait3A_122] : memref<10240x128xf32, #tpu.memory_space<vmem_shared>> -> memref<10240x128xf32, #tpu.memory_space<vmem_shared>>
    tpu.wait_indirect_dma semaphore(%arg43 : memref<!tpu.dma_semaphore, #tpu.memory_space<semaphore_mem>>) src(%arg32 : memref<80x128xf32, #tpu.memory_space<vmem>>) dst(%dma_wait3A_123 : memref<10240x128xf32, #tpu.memory_space<vmem_shared>>)
    %dma_wait3A_124 = arith.constant 0 : i32
    %dma_wait3A_125 = arith.constant 0 : i32
    %dma_wait3A_126 = tpu.memref_slice %arg28[%dma_wait3A_124, %dma_wait3A_125] : memref<3x80xi32, #tpu.memory_space<vmem>> -> memref<1x80xi32, #tpu.memory_space<vmem>>
    %dma_wait3A_127 = tpu.memref_squeeze %dma_wait3A_126 : memref<1x80xi32, #tpu.memory_space<vmem>> -> memref<80xi32, #tpu.memory_space<vmem>>
    %dma_wait3A_128 = arith.constant 0 : i32
    %dma_wait3A_129 = tpu.memref_slice %arg35[%dma_wait3A_128] : memref<10240xf32, #tpu.memory_space<vmem_shared>> -> memref<10240xf32, #tpu.memory_space<vmem_shared>>
    tpu.wait_indirect_dma semaphore(%arg47 : memref<!tpu.dma_semaphore, #tpu.memory_space<semaphore_mem>>) src(%arg31 : memref<80xf32, #tpu.memory_space<vmem>>) dst(%dma_wait3A_129 : memref<10240xf32, #tpu.memory_space<vmem_shared>>)
    %barrier3A_130 = arith.constant 0 : index
    tpu.barrier barrier_id(%barrier3A_130)
    %add3A_131 = arith.constant 0 : i32
    %add3A_132 = arith.addi %mul3A_13, %add3A_131 : i32
    "tpu.region"() ({
      %run_scoped3A = tpu.sem_alloc : memref<!tpu.dma_semaphore, #tpu.memory_space<semaphore_mem>>
      %dma_start3A_163 = arith.constant 0 : i32
      %dma_start3A_164 = tpu.memref_slice %arg34[%add3A_132, %dma_start3A_163] : memref<10240x128xf32, #tpu.memory_space<vmem_shared>> -> memref<80x128xf32, #tpu.memory_space<vmem_shared>>
      %dma_start3A_165 = arith.constant 0 : i32
      %dma_start3A_166 = tpu.memref_slice %arg34[%add3A_132, %dma_start3A_165] : memref<10240x128xf32, #tpu.memory_space<vmem_shared>> -> memref<80x128xf32, #tpu.memory_space<vmem_shared>>
      tpu.enqueue_dma source(%dma_start3A_166 : memref<80x128xf32, #tpu.memory_space<vmem_shared>>) target(%arg14 : memref<80x128xf32, #tpu.memory_space<vmem>>) target_semaphore(%run_scoped3A : memref<!tpu.dma_semaphore, #tpu.memory_space<semaphore_mem>>)
      %dma_wait3A_167 = arith.constant 0 : i32
      %dma_wait3A_168 = tpu.memref_slice %arg34[%add3A_132, %dma_wait3A_167] : memref<10240x128xf32, #tpu.memory_space<vmem_shared>> -> memref<80x128xf32, #tpu.memory_space<vmem_shared>>
      %dma_wait3A_169 = arith.constant 0 : i32
      %dma_wait3A_170 = tpu.memref_slice %arg34[%add3A_132, %dma_wait3A_169] : memref<10240x128xf32, #tpu.memory_space<vmem_shared>> -> memref<80x128xf32, #tpu.memory_space<vmem_shared>>
      tpu.wait_dma2 semaphore(%run_scoped3A : memref<!tpu.dma_semaphore, #tpu.memory_space<semaphore_mem>>) src(%dma_wait3A_170 : memref<80x128xf32, #tpu.memory_space<vmem_shared>>) dst(%arg14 : memref<80x128xf32, #tpu.memory_space<vmem>>)
      tpu.yield
    }) : () -> ()
    %add3A_133 = arith.constant 0 : i32
    %add3A_134 = arith.addi %mul3A_13, %add3A_133 : i32
    "tpu.region"() ({
      %run_scoped3A = tpu.sem_alloc : memref<!tpu.dma_semaphore, #tpu.memory_space<semaphore_mem>>
      %dma_start3A_163 = arith.constant 0 : i32
      %dma_start3A_164 = tpu.memref_slice %arg7[%arg0, %add3A_134, %dma_start3A_163] : memref<2x10240x128xf32, #tpu.memory_space<hbm>> -> memref<1x80x128xf32, #tpu.memory_space<hbm>>
      %dma_start3A_165 = tpu.memref_squeeze %dma_start3A_164 : memref<1x80x128xf32, #tpu.memory_space<hbm>> -> memref<80x128xf32, #tpu.memory_space<hbm>>
      %dma_start3A_166 = arith.constant 0 : i32
      %dma_start3A_167 = tpu.memref_slice %arg7[%arg0, %add3A_134, %dma_start3A_166] : memref<2x10240x128xf32, #tpu.memory_space<hbm>> -> memref<1x80x128xf32, #tpu.memory_space<hbm>>
      %dma_start3A_168 = tpu.memref_squeeze %dma_start3A_167 : memref<1x80x128xf32, #tpu.memory_space<hbm>> -> memref<80x128xf32, #tpu.memory_space<hbm>>
      tpu.enqueue_dma source(%arg14 : memref<80x128xf32, #tpu.memory_space<vmem>>) target(%dma_start3A_168 : memref<80x128xf32, #tpu.memory_space<hbm>>) target_semaphore(%run_scoped3A : memref<!tpu.dma_semaphore, #tpu.memory_space<semaphore_mem>>)
      %dma_wait3A_169 = arith.constant 0 : i32
      %dma_wait3A_170 = tpu.memref_slice %arg7[%arg0, %add3A_134, %dma_wait3A_169] : memref<2x10240x128xf32, #tpu.memory_space<hbm>> -> memref<1x80x128xf32, #tpu.memory_space<hbm>>
      %dma_wait3A_171 = tpu.memref_squeeze %dma_wait3A_170 : memref<1x80x128xf32, #tpu.memory_space<hbm>> -> memref<80x128xf32, #tpu.memory_space<hbm>>
      %dma_wait3A_172 = arith.constant 0 : i32
      %dma_wait3A_173 = tpu.memref_slice %arg7[%arg0, %add3A_134, %dma_wait3A_172] : memref<2x10240x128xf32, #tpu.memory_space<hbm>> -> memref<1x80x128xf32, #tpu.memory_space<hbm>>
      %dma_wait3A_174 = tpu.memref_squeeze %dma_wait3A_173 : memref<1x80x128xf32, #tpu.memory_space<hbm>> -> memref<80x128xf32, #tpu.memory_space<hbm>>
      tpu.wait_dma2 semaphore(%run_scoped3A : memref<!tpu.dma_semaphore, #tpu.memory_space<semaphore_mem>>) src(%arg14 : memref<80x128xf32, #tpu.memory_space<vmem>>) dst(%dma_wait3A_174 : memref<80x128xf32, #tpu.memory_space<hbm>>)
      tpu.yield
    }) : () -> ()
    %add3A_135 = arith.constant 80 : i32
    %add3A_136 = arith.addi %mul3A_13, %add3A_135 : i32
    "tpu.region"() ({
      %run_scoped3A = tpu.sem_alloc : memref<!tpu.dma_semaphore, #tpu.memory_space<semaphore_mem>>
      %dma_start3A_163 = arith.constant 0 : i32
      %dma_start3A_164 = tpu.memref_slice %arg34[%add3A_136, %dma_start3A_163] : memref<10240x128xf32, #tpu.memory_space<vmem_shared>> -> memref<80x128xf32, #tpu.memory_space<vmem_shared>>
      %dma_start3A_165 = arith.constant 0 : i32
      %dma_start3A_166 = tpu.memref_slice %arg34[%add3A_136, %dma_start3A_165] : memref<10240x128xf32, #tpu.memory_space<vmem_shared>> -> memref<80x128xf32, #tpu.memory_space<vmem_shared>>
      tpu.enqueue_dma source(%dma_start3A_166 : memref<80x128xf32, #tpu.memory_space<vmem_shared>>) target(%arg20 : memref<80x128xf32, #tpu.memory_space<vmem>>) target_semaphore(%run_scoped3A : memref<!tpu.dma_semaphore, #tpu.memory_space<semaphore_mem>>)
      %dma_wait3A_167 = arith.constant 0 : i32
      %dma_wait3A_168 = tpu.memref_slice %arg34[%add3A_136, %dma_wait3A_167] : memref<10240x128xf32, #tpu.memory_space<vmem_shared>> -> memref<80x128xf32, #tpu.memory_space<vmem_shared>>
      %dma_wait3A_169 = arith.constant 0 : i32
      %dma_wait3A_170 = tpu.memref_slice %arg34[%add3A_136, %dma_wait3A_169] : memref<10240x128xf32, #tpu.memory_space<vmem_shared>> -> memref<80x128xf32, #tpu.memory_space<vmem_shared>>
      tpu.wait_dma2 semaphore(%run_scoped3A : memref<!tpu.dma_semaphore, #tpu.memory_space<semaphore_mem>>) src(%dma_wait3A_170 : memref<80x128xf32, #tpu.memory_space<vmem_shared>>) dst(%arg20 : memref<80x128xf32, #tpu.memory_space<vmem>>)
      tpu.yield
    }) : () -> ()
    %add3A_137 = arith.constant 80 : i32
    %add3A_138 = arith.addi %mul3A_13, %add3A_137 : i32
    "tpu.region"() ({
      %run_scoped3A = tpu.sem_alloc : memref<!tpu.dma_semaphore, #tpu.memory_space<semaphore_mem>>
      %dma_start3A_163 = arith.constant 0 : i32
      %dma_start3A_164 = tpu.memref_slice %arg7[%arg0, %add3A_138, %dma_start3A_163] : memref<2x10240x128xf32, #tpu.memory_space<hbm>> -> memref<1x80x128xf32, #tpu.memory_space<hbm>>
      %dma_start3A_165 = tpu.memref_squeeze %dma_start3A_164 : memref<1x80x128xf32, #tpu.memory_space<hbm>> -> memref<80x128xf32, #tpu.memory_space<hbm>>
      %dma_start3A_166 = arith.constant 0 : i32
      %dma_start3A_167 = tpu.memref_slice %arg7[%arg0, %add3A_138, %dma_start3A_166] : memref<2x10240x128xf32, #tpu.memory_space<hbm>> -> memref<1x80x128xf32, #tpu.memory_space<hbm>>
      %dma_start3A_168 = tpu.memref_squeeze %dma_start3A_167 : memref<1x80x128xf32, #tpu.memory_space<hbm>> -> memref<80x128xf32, #tpu.memory_space<hbm>>
      tpu.enqueue_dma source(%arg20 : memref<80x128xf32, #tpu.memory_space<vmem>>) target(%dma_start3A_168 : memref<80x128xf32, #tpu.memory_space<hbm>>) target_semaphore(%run_scoped3A : memref<!tpu.dma_semaphore, #tpu.memory_space<semaphore_mem>>)
      %dma_wait3A_169 = arith.constant 0 : i32
      %dma_wait3A_170 = tpu.memref_slice %arg7[%arg0, %add3A_138, %dma_wait3A_169] : memref<2x10240x128xf32, #tpu.memory_space<hbm>> -> memref<1x80x128xf32, #tpu.memory_space<hbm>>
      %dma_wait3A_171 = tpu.memref_squeeze %dma_wait3A_170 : memref<1x80x128xf32, #tpu.memory_space<hbm>> -> memref<80x128xf32, #tpu.memory_space<hbm>>
      %dma_wait3A_172 = arith.constant 0 : i32
      %dma_wait3A_173 = tpu.memref_slice %arg7[%arg0, %add3A_138, %dma_wait3A_172] : memref<2x10240x128xf32, #tpu.memory_space<hbm>> -> memref<1x80x128xf32, #tpu.memory_space<hbm>>
      %dma_wait3A_174 = tpu.memref_squeeze %dma_wait3A_173 : memref<1x80x128xf32, #tpu.memory_space<hbm>> -> memref<80x128xf32, #tpu.memory_space<hbm>>
      tpu.wait_dma2 semaphore(%run_scoped3A : memref<!tpu.dma_semaphore, #tpu.memory_space<semaphore_mem>>) src(%arg20 : memref<80x128xf32, #tpu.memory_space<vmem>>) dst(%dma_wait3A_174 : memref<80x128xf32, #tpu.memory_space<hbm>>)
      tpu.yield
    }) : () -> ()
    %add3A_139 = arith.constant 160 : i32
    %add3A_140 = arith.addi %mul3A_13, %add3A_139 : i32
    "tpu.region"() ({
      %run_scoped3A = tpu.sem_alloc : memref<!tpu.dma_semaphore, #tpu.memory_space<semaphore_mem>>
      %dma_start3A_163 = arith.constant 0 : i32
      %dma_start3A_164 = tpu.memref_slice %arg34[%add3A_140, %dma_start3A_163] : memref<10240x128xf32, #tpu.memory_space<vmem_shared>> -> memref<80x128xf32, #tpu.memory_space<vmem_shared>>
      %dma_start3A_165 = arith.constant 0 : i32
      %dma_start3A_166 = tpu.memref_slice %arg34[%add3A_140, %dma_start3A_165] : memref<10240x128xf32, #tpu.memory_space<vmem_shared>> -> memref<80x128xf32, #tpu.memory_space<vmem_shared>>
      tpu.enqueue_dma source(%dma_start3A_166 : memref<80x128xf32, #tpu.memory_space<vmem_shared>>) target(%arg14 : memref<80x128xf32, #tpu.memory_space<vmem>>) target_semaphore(%run_scoped3A : memref<!tpu.dma_semaphore, #tpu.memory_space<semaphore_mem>>)
      %dma_wait3A_167 = arith.constant 0 : i32
      %dma_wait3A_168 = tpu.memref_slice %arg34[%add3A_140, %dma_wait3A_167] : memref<10240x128xf32, #tpu.memory_space<vmem_shared>> -> memref<80x128xf32, #tpu.memory_space<vmem_shared>>
      %dma_wait3A_169 = arith.constant 0 : i32
      %dma_wait3A_170 = tpu.memref_slice %arg34[%add3A_140, %dma_wait3A_169] : memref<10240x128xf32, #tpu.memory_space<vmem_shared>> -> memref<80x128xf32, #tpu.memory_space<vmem_shared>>
      tpu.wait_dma2 semaphore(%run_scoped3A : memref<!tpu.dma_semaphore, #tpu.memory_space<semaphore_mem>>) src(%dma_wait3A_170 : memref<80x128xf32, #tpu.memory_space<vmem_shared>>) dst(%arg14 : memref<80x128xf32, #tpu.memory_space<vmem>>)
      tpu.yield
    }) : () -> ()
    %add3A_141 = arith.constant 160 : i32
    %add3A_142 = arith.addi %mul3A_13, %add3A_141 : i32
    "tpu.region"() ({
      %run_scoped3A = tpu.sem_alloc : memref<!tpu.dma_semaphore, #tpu.memory_space<semaphore_mem>>
      %dma_start3A_163 = arith.constant 0 : i32
      %dma_start3A_164 = tpu.memref_slice %arg7[%arg0, %add3A_142, %dma_start3A_163] : memref<2x10240x128xf32, #tpu.memory_space<hbm>> -> memref<1x80x128xf32, #tpu.memory_space<hbm>>
      %dma_start3A_165 = tpu.memref_squeeze %dma_start3A_164 : memref<1x80x128xf32, #tpu.memory_space<hbm>> -> memref<80x128xf32, #tpu.memory_space<hbm>>
      %dma_start3A_166 = arith.constant 0 : i32
      %dma_start3A_167 = tpu.memref_slice %arg7[%arg0, %add3A_142, %dma_start3A_166] : memref<2x10240x128xf32, #tpu.memory_space<hbm>> -> memref<1x80x128xf32, #tpu.memory_space<hbm>>
      %dma_start3A_168 = tpu.memref_squeeze %dma_start3A_167 : memref<1x80x128xf32, #tpu.memory_space<hbm>> -> memref<80x128xf32, #tpu.memory_space<hbm>>
      tpu.enqueue_dma source(%arg14 : memref<80x128xf32, #tpu.memory_space<vmem>>) target(%dma_start3A_168 : memref<80x128xf32, #tpu.memory_space<hbm>>) target_semaphore(%run_scoped3A : memref<!tpu.dma_semaphore, #tpu.memory_space<semaphore_mem>>)
      %dma_wait3A_169 = arith.constant 0 : i32
      %dma_wait3A_170 = tpu.memref_slice %arg7[%arg0, %add3A_142, %dma_wait3A_169] : memref<2x10240x128xf32, #tpu.memory_space<hbm>> -> memref<1x80x128xf32, #tpu.memory_space<hbm>>
      %dma_wait3A_171 = tpu.memref_squeeze %dma_wait3A_170 : memref<1x80x128xf32, #tpu.memory_space<hbm>> -> memref<80x128xf32, #tpu.memory_space<hbm>>
      %dma_wait3A_172 = arith.constant 0 : i32
      %dma_wait3A_173 = tpu.memref_slice %arg7[%arg0, %add3A_142, %dma_wait3A_172] : memref<2x10240x128xf32, #tpu.memory_space<hbm>> -> memref<1x80x128xf32, #tpu.memory_space<hbm>>
      %dma_wait3A_174 = tpu.memref_squeeze %dma_wait3A_173 : memref<1x80x128xf32, #tpu.memory_space<hbm>> -> memref<80x128xf32, #tpu.memory_space<hbm>>
      tpu.wait_dma2 semaphore(%run_scoped3A : memref<!tpu.dma_semaphore, #tpu.memory_space<semaphore_mem>>) src(%arg14 : memref<80x128xf32, #tpu.memory_space<vmem>>) dst(%dma_wait3A_174 : memref<80x128xf32, #tpu.memory_space<hbm>>)
      tpu.yield
    }) : () -> ()
    %add3A_143 = arith.constant 240 : i32
    %add3A_144 = arith.addi %mul3A_13, %add3A_143 : i32
    "tpu.region"() ({
      %run_scoped3A = tpu.sem_alloc : memref<!tpu.dma_semaphore, #tpu.memory_space<semaphore_mem>>
      %dma_start3A_163 = arith.constant 0 : i32
      %dma_start3A_164 = tpu.memref_slice %arg34[%add3A_144, %dma_start3A_163] : memref<10240x128xf32, #tpu.memory_space<vmem_shared>> -> memref<80x128xf32, #tpu.memory_space<vmem_shared>>
      %dma_start3A_165 = arith.constant 0 : i32
      %dma_start3A_166 = tpu.memref_slice %arg34[%add3A_144, %dma_start3A_165] : memref<10240x128xf32, #tpu.memory_space<vmem_shared>> -> memref<80x128xf32, #tpu.memory_space<vmem_shared>>
      tpu.enqueue_dma source(%dma_start3A_166 : memref<80x128xf32, #tpu.memory_space<vmem_shared>>) target(%arg20 : memref<80x128xf32, #tpu.memory_space<vmem>>) target_semaphore(%run_scoped3A : memref<!tpu.dma_semaphore, #tpu.memory_space<semaphore_mem>>)
      %dma_wait3A_167 = arith.constant 0 : i32
      %dma_wait3A_168 = tpu.memref_slice %arg34[%add3A_144, %dma_wait3A_167] : memref<10240x128xf32, #tpu.memory_space<vmem_shared>> -> memref<80x128xf32, #tpu.memory_space<vmem_shared>>
      %dma_wait3A_169 = arith.constant 0 : i32
      %dma_wait3A_170 = tpu.memref_slice %arg34[%add3A_144, %dma_wait3A_169] : memref<10240x128xf32, #tpu.memory_space<vmem_shared>> -> memref<80x128xf32, #tpu.memory_space<vmem_shared>>
      tpu.wait_dma2 semaphore(%run_scoped3A : memref<!tpu.dma_semaphore, #tpu.memory_space<semaphore_mem>>) src(%dma_wait3A_170 : memref<80x128xf32, #tpu.memory_space<vmem_shared>>) dst(%arg20 : memref<80x128xf32, #tpu.memory_space<vmem>>)
      tpu.yield
    }) : () -> ()
    %add3A_145 = arith.constant 240 : i32
    %add3A_146 = arith.addi %mul3A_13, %add3A_145 : i32
    "tpu.region"() ({
      %run_scoped3A = tpu.sem_alloc : memref<!tpu.dma_semaphore, #tpu.memory_space<semaphore_mem>>
      %dma_start3A_163 = arith.constant 0 : i32
      %dma_start3A_164 = tpu.memref_slice %arg7[%arg0, %add3A_146, %dma_start3A_163] : memref<2x10240x128xf32, #tpu.memory_space<hbm>> -> memref<1x80x128xf32, #tpu.memory_space<hbm>>
      %dma_start3A_165 = tpu.memref_squeeze %dma_start3A_164 : memref<1x80x128xf32, #tpu.memory_space<hbm>> -> memref<80x128xf32, #tpu.memory_space<hbm>>
      %dma_start3A_166 = arith.constant 0 : i32
      %dma_start3A_167 = tpu.memref_slice %arg7[%arg0, %add3A_146, %dma_start3A_166] : memref<2x10240x128xf32, #tpu.memory_space<hbm>> -> memref<1x80x128xf32, #tpu.memory_space<hbm>>
      %dma_start3A_168 = tpu.memref_squeeze %dma_start3A_167 : memref<1x80x128xf32, #tpu.memory_space<hbm>> -> memref<80x128xf32, #tpu.memory_space<hbm>>
      tpu.enqueue_dma source(%arg20 : memref<80x128xf32, #tpu.memory_space<vmem>>) target(%dma_start3A_168 : memref<80x128xf32, #tpu.memory_space<hbm>>) target_semaphore(%run_scoped3A : memref<!tpu.dma_semaphore, #tpu.memory_space<semaphore_mem>>)
      %dma_wait3A_169 = arith.constant 0 : i32
      %dma_wait3A_170 = tpu.memref_slice %arg7[%arg0, %add3A_146, %dma_wait3A_169] : memref<2x10240x128xf32, #tpu.memory_space<hbm>> -> memref<1x80x128xf32, #tpu.memory_space<hbm>>
      %dma_wait3A_171 = tpu.memref_squeeze %dma_wait3A_170 : memref<1x80x128xf32, #tpu.memory_space<hbm>> -> memref<80x128xf32, #tpu.memory_space<hbm>>
      %dma_wait3A_172 = arith.constant 0 : i32
      %dma_wait3A_173 = tpu.memref_slice %arg7[%arg0, %add3A_146, %dma_wait3A_172] : memref<2x10240x128xf32, #tpu.memory_space<hbm>> -> memref<1x80x128xf32, #tpu.memory_space<hbm>>
      %dma_wait3A_174 = tpu.memref_squeeze %dma_wait3A_173 : memref<1x80x128xf32, #tpu.memory_space<hbm>> -> memref<80x128xf32, #tpu.memory_space<hbm>>
      tpu.wait_dma2 semaphore(%run_scoped3A : memref<!tpu.dma_semaphore, #tpu.memory_space<semaphore_mem>>) src(%arg20 : memref<80x128xf32, #tpu.memory_space<vmem>>) dst(%dma_wait3A_174 : memref<80x128xf32, #tpu.memory_space<hbm>>)
      tpu.yield
    }) : () -> ()
    %add3A_147 = arith.constant 320 : i32
    %add3A_148 = arith.addi %mul3A_13, %add3A_147 : i32
    "tpu.region"() ({
      %run_scoped3A = tpu.sem_alloc : memref<!tpu.dma_semaphore, #tpu.memory_space<semaphore_mem>>
      %dma_start3A_163 = arith.constant 0 : i32
      %dma_start3A_164 = tpu.memref_slice %arg34[%add3A_148, %dma_start3A_163] : memref<10240x128xf32, #tpu.memory_space<vmem_shared>> -> memref<80x128xf32, #tpu.memory_space<vmem_shared>>
      %dma_start3A_165 = arith.constant 0 : i32
      %dma_start3A_166 = tpu.memref_slice %arg34[%add3A_148, %dma_start3A_165] : memref<10240x128xf32, #tpu.memory_space<vmem_shared>> -> memref<80x128xf32, #tpu.memory_space<vmem_shared>>
      tpu.enqueue_dma source(%dma_start3A_166 : memref<80x128xf32, #tpu.memory_space<vmem_shared>>) target(%arg14 : memref<80x128xf32, #tpu.memory_space<vmem>>) target_semaphore(%run_scoped3A : memref<!tpu.dma_semaphore, #tpu.memory_space<semaphore_mem>>)
      %dma_wait3A_167 = arith.constant 0 : i32
      %dma_wait3A_168 = tpu.memref_slice %arg34[%add3A_148, %dma_wait3A_167] : memref<10240x128xf32, #tpu.memory_space<vmem_shared>> -> memref<80x128xf32, #tpu.memory_space<vmem_shared>>
      %dma_wait3A_169 = arith.constant 0 : i32
      %dma_wait3A_170 = tpu.memref_slice %arg34[%add3A_148, %dma_wait3A_169] : memref<10240x128xf32, #tpu.memory_space<vmem_shared>> -> memref<80x128xf32, #tpu.memory_space<vmem_shared>>
      tpu.wait_dma2 semaphore(%run_scoped3A : memref<!tpu.dma_semaphore, #tpu.memory_space<semaphore_mem>>) src(%dma_wait3A_170 : memref<80x128xf32, #tpu.memory_space<vmem_shared>>) dst(%arg14 : memref<80x128xf32, #tpu.memory_space<vmem>>)
      tpu.yield
    }) : () -> ()
    %add3A_149 = arith.constant 320 : i32
    %add3A_150 = arith.addi %mul3A_13, %add3A_149 : i32
    "tpu.region"() ({
      %run_scoped3A = tpu.sem_alloc : memref<!tpu.dma_semaphore, #tpu.memory_space<semaphore_mem>>
      %dma_start3A_163 = arith.constant 0 : i32
      %dma_start3A_164 = tpu.memref_slice %arg7[%arg0, %add3A_150, %dma_start3A_163] : memref<2x10240x128xf32, #tpu.memory_space<hbm>> -> memref<1x80x128xf32, #tpu.memory_space<hbm>>
      %dma_start3A_165 = tpu.memref_squeeze %dma_start3A_164 : memref<1x80x128xf32, #tpu.memory_space<hbm>> -> memref<80x128xf32, #tpu.memory_space<hbm>>
      %dma_start3A_166 = arith.constant 0 : i32
      %dma_start3A_167 = tpu.memref_slice %arg7[%arg0, %add3A_150, %dma_start3A_166] : memref<2x10240x128xf32, #tpu.memory_space<hbm>> -> memref<1x80x128xf32, #tpu.memory_space<hbm>>
      %dma_start3A_168 = tpu.memref_squeeze %dma_start3A_167 : memref<1x80x128xf32, #tpu.memory_space<hbm>> -> memref<80x128xf32, #tpu.memory_space<hbm>>
      tpu.enqueue_dma source(%arg14 : memref<80x128xf32, #tpu.memory_space<vmem>>) target(%dma_start3A_168 : memref<80x128xf32, #tpu.memory_space<hbm>>) target_semaphore(%run_scoped3A : memref<!tpu.dma_semaphore, #tpu.memory_space<semaphore_mem>>)
      %dma_wait3A_169 = arith.constant 0 : i32
      %dma_wait3A_170 = tpu.memref_slice %arg7[%arg0, %add3A_150, %dma_wait3A_169] : memref<2x10240x128xf32, #tpu.memory_space<hbm>> -> memref<1x80x128xf32, #tpu.memory_space<hbm>>
      %dma_wait3A_171 = tpu.memref_squeeze %dma_wait3A_170 : memref<1x80x128xf32, #tpu.memory_space<hbm>> -> memref<80x128xf32, #tpu.memory_space<hbm>>
      %dma_wait3A_172 = arith.constant 0 : i32
      %dma_wait3A_173 = tpu.memref_slice %arg7[%arg0, %add3A_150, %dma_wait3A_172] : memref<2x10240x128xf32, #tpu.memory_space<hbm>> -> memref<1x80x128xf32, #tpu.memory_space<hbm>>
      %dma_wait3A_174 = tpu.memref_squeeze %dma_wait3A_173 : memref<1x80x128xf32, #tpu.memory_space<hbm>> -> memref<80x128xf32, #tpu.memory_space<hbm>>
      tpu.wait_dma2 semaphore(%run_scoped3A : memref<!tpu.dma_semaphore, #tpu.memory_space<semaphore_mem>>) src(%arg14 : memref<80x128xf32, #tpu.memory_space<vmem>>) dst(%dma_wait3A_174 : memref<80x128xf32, #tpu.memory_space<hbm>>)
      tpu.yield
    }) : () -> ()
    %add3A_151 = arith.constant 400 : i32
    %add3A_152 = arith.addi %mul3A_13, %add3A_151 : i32
    "tpu.region"() ({
      %run_scoped3A = tpu.sem_alloc : memref<!tpu.dma_semaphore, #tpu.memory_space<semaphore_mem>>
      %dma_start3A_163 = arith.constant 0 : i32
      %dma_start3A_164 = tpu.memref_slice %arg34[%add3A_152, %dma_start3A_163] : memref<10240x128xf32, #tpu.memory_space<vmem_shared>> -> memref<80x128xf32, #tpu.memory_space<vmem_shared>>
      %dma_start3A_165 = arith.constant 0 : i32
      %dma_start3A_166 = tpu.memref_slice %arg34[%add3A_152, %dma_start3A_165] : memref<10240x128xf32, #tpu.memory_space<vmem_shared>> -> memref<80x128xf32, #tpu.memory_space<vmem_shared>>
      tpu.enqueue_dma source(%dma_start3A_166 : memref<80x128xf32, #tpu.memory_space<vmem_shared>>) target(%arg20 : memref<80x128xf32, #tpu.memory_space<vmem>>) target_semaphore(%run_scoped3A : memref<!tpu.dma_semaphore, #tpu.memory_space<semaphore_mem>>)
      %dma_wait3A_167 = arith.constant 0 : i32
      %dma_wait3A_168 = tpu.memref_slice %arg34[%add3A_152, %dma_wait3A_167] : memref<10240x128xf32, #tpu.memory_space<vmem_shared>> -> memref<80x128xf32, #tpu.memory_space<vmem_shared>>
      %dma_wait3A_169 = arith.constant 0 : i32
      %dma_wait3A_170 = tpu.memref_slice %arg34[%add3A_152, %dma_wait3A_169] : memref<10240x128xf32, #tpu.memory_space<vmem_shared>> -> memref<80x128xf32, #tpu.memory_space<vmem_shared>>
      tpu.wait_dma2 semaphore(%run_scoped3A : memref<!tpu.dma_semaphore, #tpu.memory_space<semaphore_mem>>) src(%dma_wait3A_170 : memref<80x128xf32, #tpu.memory_space<vmem_shared>>) dst(%arg20 : memref<80x128xf32, #tpu.memory_space<vmem>>)
      tpu.yield
    }) : () -> ()
    %add3A_153 = arith.constant 400 : i32
    %add3A_154 = arith.addi %mul3A_13, %add3A_153 : i32
    "tpu.region"() ({
      %run_scoped3A = tpu.sem_alloc : memref<!tpu.dma_semaphore, #tpu.memory_space<semaphore_mem>>
      %dma_start3A_163 = arith.constant 0 : i32
      %dma_start3A_164 = tpu.memref_slice %arg7[%arg0, %add3A_154, %dma_start3A_163] : memref<2x10240x128xf32, #tpu.memory_space<hbm>> -> memref<1x80x128xf32, #tpu.memory_space<hbm>>
      %dma_start3A_165 = tpu.memref_squeeze %dma_start3A_164 : memref<1x80x128xf32, #tpu.memory_space<hbm>> -> memref<80x128xf32, #tpu.memory_space<hbm>>
      %dma_start3A_166 = arith.constant 0 : i32
      %dma_start3A_167 = tpu.memref_slice %arg7[%arg0, %add3A_154, %dma_start3A_166] : memref<2x10240x128xf32, #tpu.memory_space<hbm>> -> memref<1x80x128xf32, #tpu.memory_space<hbm>>
      %dma_start3A_168 = tpu.memref_squeeze %dma_start3A_167 : memref<1x80x128xf32, #tpu.memory_space<hbm>> -> memref<80x128xf32, #tpu.memory_space<hbm>>
      tpu.enqueue_dma source(%arg20 : memref<80x128xf32, #tpu.memory_space<vmem>>) target(%dma_start3A_168 : memref<80x128xf32, #tpu.memory_space<hbm>>) target_semaphore(%run_scoped3A : memref<!tpu.dma_semaphore, #tpu.memory_space<semaphore_mem>>)
      %dma_wait3A_169 = arith.constant 0 : i32
      %dma_wait3A_170 = tpu.memref_slice %arg7[%arg0, %add3A_154, %dma_wait3A_169] : memref<2x10240x128xf32, #tpu.memory_space<hbm>> -> memref<1x80x128xf32, #tpu.memory_space<hbm>>
      %dma_wait3A_171 = tpu.memref_squeeze %dma_wait3A_170 : memref<1x80x128xf32, #tpu.memory_space<hbm>> -> memref<80x128xf32, #tpu.memory_space<hbm>>
      %dma_wait3A_172 = arith.constant 0 : i32
      %dma_wait3A_173 = tpu.memref_slice %arg7[%arg0, %add3A_154, %dma_wait3A_172] : memref<2x10240x128xf32, #tpu.memory_space<hbm>> -> memref<1x80x128xf32, #tpu.memory_space<hbm>>
      %dma_wait3A_174 = tpu.memref_squeeze %dma_wait3A_173 : memref<1x80x128xf32, #tpu.memory_space<hbm>> -> memref<80x128xf32, #tpu.memory_space<hbm>>
      tpu.wait_dma2 semaphore(%run_scoped3A : memref<!tpu.dma_semaphore, #tpu.memory_space<semaphore_mem>>) src(%arg20 : memref<80x128xf32, #tpu.memory_space<vmem>>) dst(%dma_wait3A_174 : memref<80x128xf32, #tpu.memory_space<hbm>>)
      tpu.yield
    }) : () -> ()
    %add3A_155 = arith.constant 480 : i32
    %add3A_156 = arith.addi %mul3A_13, %add3A_155 : i32
    "tpu.region"() ({
      %run_scoped3A = tpu.sem_alloc : memref<!tpu.dma_semaphore, #tpu.memory_space<semaphore_mem>>
      %dma_start3A_163 = arith.constant 0 : i32
      %dma_start3A_164 = tpu.memref_slice %arg34[%add3A_156, %dma_start3A_163] : memref<10240x128xf32, #tpu.memory_space<vmem_shared>> -> memref<80x128xf32, #tpu.memory_space<vmem_shared>>
      %dma_start3A_165 = arith.constant 0 : i32
      %dma_start3A_166 = tpu.memref_slice %arg34[%add3A_156, %dma_start3A_165] : memref<10240x128xf32, #tpu.memory_space<vmem_shared>> -> memref<80x128xf32, #tpu.memory_space<vmem_shared>>
      tpu.enqueue_dma source(%dma_start3A_166 : memref<80x128xf32, #tpu.memory_space<vmem_shared>>) target(%arg14 : memref<80x128xf32, #tpu.memory_space<vmem>>) target_semaphore(%run_scoped3A : memref<!tpu.dma_semaphore, #tpu.memory_space<semaphore_mem>>)
      %dma_wait3A_167 = arith.constant 0 : i32
      %dma_wait3A_168 = tpu.memref_slice %arg34[%add3A_156, %dma_wait3A_167] : memref<10240x128xf32, #tpu.memory_space<vmem_shared>> -> memref<80x128xf32, #tpu.memory_space<vmem_shared>>
      %dma_wait3A_169 = arith.constant 0 : i32
      %dma_wait3A_170 = tpu.memref_slice %arg34[%add3A_156, %dma_wait3A_169] : memref<10240x128xf32, #tpu.memory_space<vmem_shared>> -> memref<80x128xf32, #tpu.memory_space<vmem_shared>>
      tpu.wait_dma2 semaphore(%run_scoped3A : memref<!tpu.dma_semaphore, #tpu.memory_space<semaphore_mem>>) src(%dma_wait3A_170 : memref<80x128xf32, #tpu.memory_space<vmem_shared>>) dst(%arg14 : memref<80x128xf32, #tpu.memory_space<vmem>>)
      tpu.yield
    }) : () -> ()
    %add3A_157 = arith.constant 480 : i32
    %add3A_158 = arith.addi %mul3A_13, %add3A_157 : i32
    "tpu.region"() ({
      %run_scoped3A = tpu.sem_alloc : memref<!tpu.dma_semaphore, #tpu.memory_space<semaphore_mem>>
      %dma_start3A_163 = arith.constant 0 : i32
      %dma_start3A_164 = tpu.memref_slice %arg7[%arg0, %add3A_158, %dma_start3A_163] : memref<2x10240x128xf32, #tpu.memory_space<hbm>> -> memref<1x80x128xf32, #tpu.memory_space<hbm>>
      %dma_start3A_165 = tpu.memref_squeeze %dma_start3A_164 : memref<1x80x128xf32, #tpu.memory_space<hbm>> -> memref<80x128xf32, #tpu.memory_space<hbm>>
      %dma_start3A_166 = arith.constant 0 : i32
      %dma_start3A_167 = tpu.memref_slice %arg7[%arg0, %add3A_158, %dma_start3A_166] : memref<2x10240x128xf32, #tpu.memory_space<hbm>> -> memref<1x80x128xf32, #tpu.memory_space<hbm>>
      %dma_start3A_168 = tpu.memref_squeeze %dma_start3A_167 : memref<1x80x128xf32, #tpu.memory_space<hbm>> -> memref<80x128xf32, #tpu.memory_space<hbm>>
      tpu.enqueue_dma source(%arg14 : memref<80x128xf32, #tpu.memory_space<vmem>>) target(%dma_start3A_168 : memref<80x128xf32, #tpu.memory_space<hbm>>) target_semaphore(%run_scoped3A : memref<!tpu.dma_semaphore, #tpu.memory_space<semaphore_mem>>)
      %dma_wait3A_169 = arith.constant 0 : i32
      %dma_wait3A_170 = tpu.memref_slice %arg7[%arg0, %add3A_158, %dma_wait3A_169] : memref<2x10240x128xf32, #tpu.memory_space<hbm>> -> memref<1x80x128xf32, #tpu.memory_space<hbm>>
      %dma_wait3A_171 = tpu.memref_squeeze %dma_wait3A_170 : memref<1x80x128xf32, #tpu.memory_space<hbm>> -> memref<80x128xf32, #tpu.memory_space<hbm>>
      %dma_wait3A_172 = arith.constant 0 : i32
      %dma_wait3A_173 = tpu.memref_slice %arg7[%arg0, %add3A_158, %dma_wait3A_172] : memref<2x10240x128xf32, #tpu.memory_space<hbm>> -> memref<1x80x128xf32, #tpu.memory_space<hbm>>
      %dma_wait3A_174 = tpu.memref_squeeze %dma_wait3A_173 : memref<1x80x128xf32, #tpu.memory_space<hbm>> -> memref<80x128xf32, #tpu.memory_space<hbm>>
      tpu.wait_dma2 semaphore(%run_scoped3A : memref<!tpu.dma_semaphore, #tpu.memory_space<semaphore_mem>>) src(%arg14 : memref<80x128xf32, #tpu.memory_space<vmem>>) dst(%dma_wait3A_174 : memref<80x128xf32, #tpu.memory_space<hbm>>)
      tpu.yield
    }) : () -> ()
    %add3A_159 = arith.constant 560 : i32
    %add3A_160 = arith.addi %mul3A_13, %add3A_159 : i32
    "tpu.region"() ({
      %run_scoped3A = tpu.sem_alloc : memref<!tpu.dma_semaphore, #tpu.memory_space<semaphore_mem>>
      %dma_start3A_163 = arith.constant 0 : i32
      %dma_start3A_164 = tpu.memref_slice %arg34[%add3A_160, %dma_start3A_163] : memref<10240x128xf32, #tpu.memory_space<vmem_shared>> -> memref<80x128xf32, #tpu.memory_space<vmem_shared>>
      %dma_start3A_165 = arith.constant 0 : i32
      %dma_start3A_166 = tpu.memref_slice %arg34[%add3A_160, %dma_start3A_165] : memref<10240x128xf32, #tpu.memory_space<vmem_shared>> -> memref<80x128xf32, #tpu.memory_space<vmem_shared>>
      tpu.enqueue_dma source(%dma_start3A_166 : memref<80x128xf32, #tpu.memory_space<vmem_shared>>) target(%arg20 : memref<80x128xf32, #tpu.memory_space<vmem>>) target_semaphore(%run_scoped3A : memref<!tpu.dma_semaphore, #tpu.memory_space<semaphore_mem>>)
      %dma_wait3A_167 = arith.constant 0 : i32
      %dma_wait3A_168 = tpu.memref_slice %arg34[%add3A_160, %dma_wait3A_167] : memref<10240x128xf32, #tpu.memory_space<vmem_shared>> -> memref<80x128xf32, #tpu.memory_space<vmem_shared>>
      %dma_wait3A_169 = arith.constant 0 : i32
      %dma_wait3A_170 = tpu.memref_slice %arg34[%add3A_160, %dma_wait3A_169] : memref<10240x128xf32, #tpu.memory_space<vmem_shared>> -> memref<80x128xf32, #tpu.memory_space<vmem_shared>>
      tpu.wait_dma2 semaphore(%run_scoped3A : memref<!tpu.dma_semaphore, #tpu.memory_space<semaphore_mem>>) src(%dma_wait3A_170 : memref<80x128xf32, #tpu.memory_space<vmem_shared>>) dst(%arg20 : memref<80x128xf32, #tpu.memory_space<vmem>>)
      tpu.yield
    }) : () -> ()
    %add3A_161 = arith.constant 560 : i32
    %add3A_162 = arith.addi %mul3A_13, %add3A_161 : i32
    "tpu.region"() ({
      %run_scoped3A = tpu.sem_alloc : memref<!tpu.dma_semaphore, #tpu.memory_space<semaphore_mem>>
      %dma_start3A_163 = arith.constant 0 : i32
      %dma_start3A_164 = tpu.memref_slice %arg7[%arg0, %add3A_162, %dma_start3A_163] : memref<2x10240x128xf32, #tpu.memory_space<hbm>> -> memref<1x80x128xf32, #tpu.memory_space<hbm>>
      %dma_start3A_165 = tpu.memref_squeeze %dma_start3A_164 : memref<1x80x128xf32, #tpu.memory_space<hbm>> -> memref<80x128xf32, #tpu.memory_space<hbm>>
      %dma_start3A_166 = arith.constant 0 : i32
      %dma_start3A_167 = tpu.memref_slice %arg7[%arg0, %add3A_162, %dma_start3A_166] : memref<2x10240x128xf32, #tpu.memory_space<hbm>> -> memref<1x80x128xf32, #tpu.memory_space<hbm>>
      %dma_start3A_168 = tpu.memref_squeeze %dma_start3A_167 : memref<1x80x128xf32, #tpu.memory_space<hbm>> -> memref<80x128xf32, #tpu.memory_space<hbm>>
      tpu.enqueue_dma source(%arg20 : memref<80x128xf32, #tpu.memory_space<vmem>>) target(%dma_start3A_168 : memref<80x128xf32, #tpu.memory_space<hbm>>) target_semaphore(%run_scoped3A : memref<!tpu.dma_semaphore, #tpu.memory_space<semaphore_mem>>)
      %dma_wait3A_169 = arith.constant 0 : i32
      %dma_wait3A_170 = tpu.memref_slice %arg7[%arg0, %add3A_162, %dma_wait3A_169] : memref<2x10240x128xf32, #tpu.memory_space<hbm>> -> memref<1x80x128xf32, #tpu.memory_space<hbm>>
      %dma_wait3A_171 = tpu.memref_squeeze %dma_wait3A_170 : memref<1x80x128xf32, #tpu.memory_space<hbm>> -> memref<80x128xf32, #tpu.memory_space<hbm>>
      %dma_wait3A_172 = arith.constant 0 : i32
      %dma_wait3A_173 = tpu.memref_slice %arg7[%arg0, %add3A_162, %dma_wait3A_172] : memref<2x10240x128xf32, #tpu.memory_space<hbm>> -> memref<1x80x128xf32, #tpu.memory_space<hbm>>
      %dma_wait3A_174 = tpu.memref_squeeze %dma_wait3A_173 : memref<1x80x128xf32, #tpu.memory_space<hbm>> -> memref<80x128xf32, #tpu.memory_space<hbm>>
      tpu.wait_dma2 semaphore(%run_scoped3A : memref<!tpu.dma_semaphore, #tpu.memory_space<semaphore_mem>>) src(%arg20 : memref<80x128xf32, #tpu.memory_space<vmem>>) dst(%dma_wait3A_174 : memref<80x128xf32, #tpu.memory_space<hbm>>)
      tpu.yield
    }) : () -> ()
    "tpu.region"() ({
      %run_scoped3A = tpu.sem_alloc : memref<!tpu.dma_semaphore, #tpu.memory_space<semaphore_mem>>
      %dma_start3A_163 = tpu.memref_slice %arg35[%mul3A_13] : memref<10240xf32, #tpu.memory_space<vmem_shared>> -> memref<640xf32, #tpu.memory_space<vmem_shared>>
      %dma_start3A_164 = tpu.memref_slice %arg35[%mul3A_13] : memref<10240xf32, #tpu.memory_space<vmem_shared>> -> memref<640xf32, #tpu.memory_space<vmem_shared>>
      tpu.enqueue_dma source(%dma_start3A_164 : memref<640xf32, #tpu.memory_space<vmem_shared>>) target(%arg33 : memref<640xf32, #tpu.memory_space<vmem>>) target_semaphore(%run_scoped3A : memref<!tpu.dma_semaphore, #tpu.memory_space<semaphore_mem>>)
      %dma_wait3A_165 = tpu.memref_slice %arg35[%mul3A_13] : memref<10240xf32, #tpu.memory_space<vmem_shared>> -> memref<640xf32, #tpu.memory_space<vmem_shared>>
      %dma_wait3A_166 = tpu.memref_slice %arg35[%mul3A_13] : memref<10240xf32, #tpu.memory_space<vmem_shared>> -> memref<640xf32, #tpu.memory_space<vmem_shared>>
      tpu.wait_dma2 semaphore(%run_scoped3A : memref<!tpu.dma_semaphore, #tpu.memory_space<semaphore_mem>>) src(%dma_wait3A_166 : memref<640xf32, #tpu.memory_space<vmem_shared>>) dst(%arg33 : memref<640xf32, #tpu.memory_space<vmem>>)
      tpu.yield
    }) : () -> ()
    "tpu.region"() ({
      %run_scoped3A = tpu.sem_alloc : memref<!tpu.dma_semaphore, #tpu.memory_space<semaphore_mem>>
      %dma_start3A_163 = tpu.memref_slice %arg8[%arg0, %mul3A_13] : memref<2x10240xf32, #tpu.memory_space<hbm>> -> memref<1x640xf32, #tpu.memory_space<hbm>>
      %dma_start3A_164 = tpu.memref_squeeze %dma_start3A_163 : memref<1x640xf32, #tpu.memory_space<hbm>> -> memref<640xf32, #tpu.memory_space<hbm>>
      %dma_start3A_165 = tpu.memref_slice %arg8[%arg0, %mul3A_13] : memref<2x10240xf32, #tpu.memory_space<hbm>> -> memref<1x640xf32, #tpu.memory_space<hbm>>
      %dma_start3A_166 = tpu.memref_squeeze %dma_start3A_165 : memref<1x640xf32, #tpu.memory_space<hbm>> -> memref<640xf32, #tpu.memory_space<hbm>>
      tpu.enqueue_dma source(%arg33 : memref<640xf32, #tpu.memory_space<vmem>>) target(%dma_start3A_166 : memref<640xf32, #tpu.memory_space<hbm>>) target_semaphore(%run_scoped3A : memref<!tpu.dma_semaphore, #tpu.memory_space<semaphore_mem>>)
      %dma_wait3A_167 = tpu.memref_slice %arg8[%arg0, %mul3A_13] : memref<2x10240xf32, #tpu.memory_space<hbm>> -> memref<1x640xf32, #tpu.memory_space<hbm>>
      %dma_wait3A_168 = tpu.memref_squeeze %dma_wait3A_167 : memref<1x640xf32, #tpu.memory_space<hbm>> -> memref<640xf32, #tpu.memory_space<hbm>>
      %dma_wait3A_169 = tpu.memref_slice %arg8[%arg0, %mul3A_13] : memref<2x10240xf32, #tpu.memory_space<hbm>> -> memref<1x640xf32, #tpu.memory_space<hbm>>
      %dma_wait3A_170 = tpu.memref_squeeze %dma_wait3A_169 : memref<1x640xf32, #tpu.memory_space<hbm>> -> memref<640xf32, #tpu.memory_space<hbm>>
      tpu.wait_dma2 semaphore(%run_scoped3A : memref<!tpu.dma_semaphore, #tpu.memory_space<semaphore_mem>>) src(%arg33 : memref<640xf32, #tpu.memory_space<vmem>>) dst(%dma_wait3A_170 : memref<640xf32, #tpu.memory_space<hbm>>)
      tpu.yield
    }) : () -> ()
    return
  }
}

</mosaic_0001>

<sc_bundles>
// kernel: _sc_edge.3.cloned.1.call-start
scs
__scs_entry_jumppad:
0x0: {  	(pc) =	sbr.rel $0x88, $3  }
0x1: {  	(tag) =	ssettag $0x0;
	lr =	simm.s32 $0x1  }
0x2: {  	[smem:$0x3F9C] =	sst lr;
	_ =	strace $0xD0000000  }
0x3: {  	_ = 	snop  }
0x4: {  	_ = 	snop  }
0x5: {  	_ = 	snop  }
0x6: {  	_ = 	snop  }
0x7: {  	_ = 	snop  }
__scs_overlays_trampoline_lowered:
0x8: {  	[smem:$0x3FAB] =	sst s0  }
0x9: {  	[smem:$0x3FAC] =	sst s1  }
0xa: {  	[smem:$0x3FAD] =	sst s2  }
0xb: {  	[smem:$0x3FAE] =	sst s3  }
0xc: {  	[smem:$0x3FAF] =	sst s4  }
0xd: {  	[smem:$0x3FB0] =	sst s5  }
0xe: {  	[smem:$0x3FB1] =	sst s6  }
0xf: {  	[smem:$0x3FB2] =	sst s7  }
0x10: {  	[smem:$0x3FB3] =	sst s8  }
0x11: {  	[smem:$0x3FB4] =	sst s9;
	s0 =	simm.s32 @!p0 $0x0  }
0x12: {  	s1 =	sld [smem:$0x3F9A];
	s0 =	simm.s32 @p0 $0x1  }
0x13: {  	[smem:$0x3FB5] =	sst s0;
	s0 =	simm.s32 @!p1 $0x0  }
0x14: {  	s2 =	sld [smem:$0x3F99];
	s0 =	simm.s32 @p1 $0x1  }
0x15: {  	[smem:$0x3FB6] =	sst s0;
	s0 =	simm.s32 @!p2 $0x0  }
0x16: {  	s3 =	sld [smem:$0x3FDB];
	s0 =	simm.s32 @p2 $0x1  }
0x17: {  	s4 =	simm.s32 $0x1BF5;
	[smem:$0x3FB8] =	sst s0  }
0x18: {  	s0 =	sld [smem:$0x3F9B];
	_ =	swait.ge [sflag:s4], $0x0  }
0x19: {  	s7 =	sld [smem:$0x3F9C]  }
0x1a: {  	s8 =	sadd.s32 $0xFFFFE003, lr  }
0x1b: {  	s9 =	sadd.s32 $0xFFFFFEF7, lr;
	s5 =	simm.s32 $0xFFFFFFFF;
	p2 =	slt.u32 s8, $0xFFFFF086  }
0x1c: {  	p1 =	slt.u32 s9, $0xF7A;
	s5 =	simm.s32 @!p2 $0x0  }
0x1d: {  	s5 =	simm.s32 @p1 $0x1;
	p0 =	seq.s32 s7, s2  }
0x1e: {  	s7 =	smul.u32 @!p0 $0xF7A, s2;
	p2 =	seq.s32 @!p0 s5, $0x0  }
0x1f: {  	s9 =	smul.u32 $0xF7A, s1;
	s8 =	simm.s32 @!p0 $0x1BF5;
	p2 =	por !p2, p0  }
0x20: {  	[sflag:s8] =	ssyncset.s32 @!p0 $0xFFFFF086;
	s6 =	sadd.s32 @!p0 s3, s7;
	s7 =	simm.s32 @!p0 $0x108  }
0x21: {  	s3 =	sadd.s32 s3, s9;
	s6 =	sadd.s32 @!p0 $0x88, s6;
	s7 =	simm.s32 @p2 $0x1082  }
0x22: {  	[simem:s7], [sflag:s8] =	dma.local @!p0 [hbm:s6], $0xF7A  }
0x23: {  	s9 =	sor.u32 $0xD0000000, s2;
	s6 =	simm.s32 $0x108;
	_ =	swait.ge @!p0 [sflag:s8], $0x0  }
0x24: {  	s3 =	sadd.s32 $0x88, s3;
	s6 =	simm.s32 @!p1 $0x1082;
	[sflag:s4] =	ssyncset.s32 $0xFFFFF086  }
0x25: {  	[simem:s6], [sflag:s4] =	dma.local [hbm:s3], $0xF7A  }
0x26: {  	[smem:$0x3F9C] =	sst s1;
	(tag) =	ssettag s2;
	_ =	strace s9  }
0x27: {  	s1 =	sld [smem:$0x3FAC]  }
0x28: {  	s2 =	sld [smem:$0x3FAD]  }
0x29: {  	s4 =	sld [smem:$0x3FAF]  }
0x2a: {  	p0 =	seq.s32 s5, $0x0;
	s5 =	sld [smem:$0x3FB0]  }
0x2b: {  	s6 =	sld [smem:$0x3FB1]  }
0x2c: {  	s7 =	sld [smem:$0x3FB2]  }
0x2d: {  	s3 =	simm.s32 $0x108;
	s8 =	sld [smem:$0x3FB3]  }
0x2e: {  	s3 =	simm.s32 @!p0 $0x1082;
	s9 =	sld [smem:$0x3FB4]  }
0x2f: {  	lr =	sadd.s32 s0, s3;
	s0 =	sld [smem:$0x3FAB]  }
0x30: {  	s3 =	sld [smem:$0x3FAE]  }
0x31: {  	[smem:$0x3FB7] =	sst s10  }
0x32: {  	s10 =	sld [smem:$0x3FB5];
	_ =	sdelay $0x3  }
0x33: {  	p0 =	seq.s32 s10, $0x1;
	s10 =	sld [smem:$0x3FB7];
	_ =	sdelay $0x3  }
0x34: {  	[smem:$0x3FB7] =	sst s10  }
0x35: {  	s10 =	sld [smem:$0x3FB6];
	_ =	sdelay $0x3  }
0x36: {  	p1 =	seq.s32 s10, $0x1;
	s10 =	sld [smem:$0x3FB7];
	_ =	sdelay $0x3  }
0x37: {  	[smem:$0x3FB7] =	sst s10  }
0x38: {  	s10 =	sld [smem:$0x3FB8]  }
0x39: {  	_ = 	snop;
	(pc) =	sbr.ind lr, $3  }
0x3a: {  	_ = 	snop  }
0x3b: {  	_ = 	snop  }
0x3c: {  	p2 =	seq.s32 s10, $0x1;
	s10 =	sld [smem:$0x3FB7]  }
0x3d: {  	_ =	shalt  }
0x3e: {  	_ =	shalt  }
0x3f: {  	_ =	shalt  }
0x40: {  	_ =	shalt  }
0x41: {  	_ =	shalt  }
0x42: {  	_ =	shalt  }
0x43: {  	_ =	shalt  }
0x44: {  	_ =	shalt  }
0x45: {  	_ =	shalt  }
0x46: {  	_ =	shalt  }
0x47: {  	_ =	shalt  }
0x48: {  	_ =	shalt  }
0x49: {  	_ =	shalt  }
0x4a: {  	_ =	shalt  }
0x4b: {  	_ =	shalt  }
0x4c: {  	_ =	shalt  }
0x4d: {  	_ =	shalt  }
0x4e: {  	_ =	shalt  }
0x4f: {  	_ =	shalt  }
0x50: {  	_ =	shalt  }
0x51: {  	_ =	shalt  }
0x52: {  	_ =	shalt  }
0x53: {  	_ =	shalt  }
0x54: {  	_ =	shalt  }
0x55: {  	_ =	shalt  }
0x56: {  	_ =	shalt  }
0x57: {  	_ =	shalt  }
0x58: {  	_ =	shalt  }
0x59: {  	_ =	shalt  }
0x5a: {  	_ =	shalt  }
0x5b: {  	_ =	shalt  }
0x5c: {  	_ =	shalt  }
0x5d: {  	_ =	shalt  }
0x5e: {  	_ =	shalt  }
0x5f: {  	_ =	shalt  }
0x60: {  	_ =	shalt  }
0x61: {  	_ =	shalt  }
0x62: {  	_ =	shalt  }
0x63: {  	_ =	shalt  }
0x64: {  	_ =	shalt  }
0x65: {  	_ =	shalt  }
0x66: {  	_ =	shalt  }
0x67: {  	_ =	shalt  }
0x68: {  	_ =	shalt  }
0x69: {  	_ =	shalt  }
0x6a: {  	_ =	shalt  }
0x6b: {  	_ =	shalt  }
0x6c: {  	_ =	shalt  }
0x6d: {  	_ =	shalt  }
0x6e: {  	_ =	shalt  }
0x6f: {  	_ =	shalt  }
0x70: {  	_ =	shalt  }
0x71: {  	_ =	shalt  }
0x72: {  	_ =	shalt  }
0x73: {  	_ =	shalt  }
0x74: {  	_ =	shalt  }
0x75: {  	_ =	shalt  }
0x76: {  	_ =	shalt  }
0x77: {  	_ =	shalt  }
0x78: {  	_ =	shalt  }
0x79: {  	_ =	shalt  }
0x7a: {  	_ =	shalt  }
0x7b: {  	_ =	shalt  }
0x7c: {  	_ =	shalt  }
0x7d: {  	_ =	shalt  }
0x7e: {  	_ =	shalt  }
0x7f: {  	_ =	shalt  }
0x80: {  	_ =	shalt  }
0x81: {  	_ =	shalt  }
0x82: {  	_ =	shalt  }
0x83: {  	_ =	shalt  }
0x84: {  	_ =	shalt  }
0x85: {  	_ =	shalt  }
0x86: {  	_ =	shalt  }
0x87: {  	_ =	shalt  }
.Lfunc_end0:
.L_simem_size_0:
called_computation_lowered:
.L_overlay_start_0:
0x88: {  	s2 =	sld [smem:$0x3FD9]  }
0x89: {  	s3 =	sld [smem:$0x3FFE];
	_ =	sdelay $0x1  }
0x8a: {  	s1 =	srdreg.scid  }
0x8b: {  	s0 =	sand.u32 $0x1, s1  }
0x8c: {  	s14 =	sshll.u32 s0, $0xA;
	s2 =	sadd.s32 s3, s2  }
0x8d: {  	s2 =	sadd.s32 s2, s14  }
0x8e: {  	[smem:$0x3FC3] =	sst s2  }
0x8f: {  	_ = 	snop  }
0x90: {  	s2 =	sld [smem:$0x3FD0]  }
0x91: {  	s15 =	sld [smem:$0x3FC9]  }
0x92: {  	s4 =	sld [smem:$0x3FC8]  }
0x93: {  	s6 =	simm.s32 $0xA;
	s7 =	simm.s32 $0x10;
	s5 =	sld [smem:$0x3FC7]  }
0x94: {  	[smem:s7], [sflag:s6] =	dma.local [hbm:s2], $0x1  }
0x95: {  	_ =	swait.eq [sflag:s6], $0x1  }
0x96: {  	[sflag:s6] =	ssyncset.done $0x0  }
0x97: {  	s16 =	sld [smem:$0x10];
	[sflag:s6] =	ssyncadd.s32 $0xFFFFFFFF  }
0x98: {  	s17 =	sld [smem:$0x11];
	(tm) =	ssettm $0x1  }
0x99: {  	s18 =	sld [smem:$0x3FFB];
	_ =	sdelay $0x3  }
0x9a: {  	_ =	strace s18  }
0x9b: {  	s7 =	sld [smem:$0x3FFC];
	_ =	sdelay $0x3  }
0x9c: {  	_ =	strace s7  }
0x9d: {  	s7 =	sld [smem:$0x3FFD];
	_ =	sdelay $0x3  }
0x9e: {  	_ =	strace s7  }
0x9f: {  	_ =	strace $0x8FFFFFFF  }
0xa0: {  	s19 =	sld [smem:$0x3FDB];
	_ =	sdelay $0x1  }
0xa1: {  	s8 =	simm.s32 $_scs_section_size  }
0xa2: {  	s9 =	simm.s32 $_size__tile_overlayer_lowered;
	s10 =	simm.s32 $_tile_overlayer_lowered  }
0xa3: {  	s22 =	simm.s32 $0x1BFF;
	s21 =	sshll.u32 s10, $0x1;
	s7 =	sadd.s32 s8, s19  }
0xa4: {  	s11 =	simm.s32 $0x0;
	s20 =	sshll.u32 s9, $0x1;
	s9 =	sadd.s32 s21, s7  }
0xa5: {  	[timem:s11], [sflag:s22] =	dma.local [hbm:s9], s20  }
0xa6: {  	_ =	swait.ge [sflag:s22], s20  }
0xa7: {  	s8 =	ssub.s32 $0x0, s20;
	[sflag:s22] =	ssyncset.done $0x0  }
0xa8: {  	[sflag:s22] =	ssyncadd.s32 s8;
	_ =	sdelay $0x1  }
0xa9: {  	s23 =	simm.s32 $0x1B8B  }
0xaa: {  	_ =	swait.ge [sflag:s23], $0x1  }
0xab: {  	[sflag:s23] =	ssyncset.done $0x0  }
0xac: {  	s25 =	simm.s32 $0x1B8E;
	s24 =	sld [smem:$0x3FFE];
	[sflag:s23] =	ssyncadd.s32 $0xFFFFFFFF  }
0xad: {  	s26 =	simm.s32 $execute0_lowered;
	[smem:$0x3FD2] =	sst s25  }
0xae: {  	s9 =	sshll.u32 s26, $0x1;
	_ =	strace $0x80000046;
	[dreg:$0x1] =	wrdreg $0xFFFFFFFF  }
0xaf: {  	s28 =	simm.s32 $_size_execute0_lowered;
	s7 =	sadd.s32 s7, s9;
	[dreg:$0x0] =	wrdreg $0x0  }
0xb0: {  	s9 =	sshll.u32 s28, $0x1;
	[dreg:$0x2] =	wrdreg s7  }
0xb1: {  	[dreg:$0x3] =	wrdreg s9  }
0xb2: {  	[dreg:$0x4] =	wrdreg $0xC0  }
0xb3: {  	_ =	task [dreg:s11], $0x5FFFF  }
0xb4: {  	[dreg:$0x1] =	wrdreg $0xFFFFFFFF  }
0xb5: {  	[dreg:$0x0] =	wrdreg $0x60  }
0xb6: {  	[dreg:$0x2] =	wrdreg s15  }
0xb7: {  	[dreg:$0x3] =	wrdreg s4  }
0xb8: {  	[dreg:$0x4] =	wrdreg s5  }
0xb9: {  	[dreg:$0x5] =	wrdreg s24  }
0xba: {  	[dreg:$0x6] =	wrdreg s16  }
0xbb: {  	[dreg:$0x7] =	wrdreg s17  }
0xbc: {  	[dreg:$0x8] =	wrdreg $0xB8800  }
0xbd: {  	[dreg:$0x9] =	wrdreg $0x1F8800  }
0xbe: {  	[dreg:$0xa] =	wrdreg $0x9  }
0xbf: {  	_ =	task.clear_ibuf [dreg:s11], $0xBFFFF;
	_ =	strace $0x90000046  }
0xc0: {  	s29 =	simm.s32 $0x9;
	_ =	strace $0x80000048  }
0xc1: {  	_ =	swait.ge [sflag:s29], $0x1  }
0xc2: {  	[sflag:s29] =	ssyncadd.s32 $0xFFFFFFFF  }
0xc3: {  	_ =	strace $0x90000048  }
0xc4: {  	_ =	sfence  }
0xc5: {  	s30 =	sld [smem:$0x0];
	_ =	sdelay $0x2  }
0xc6: {  	s31 =	sshll.u32 s1, $0xD;
	s1 =	sshrl.u32 s1, $0x2  }
0xc7: {  	s3 =	sand.u32 $0x4000, s31;
	s1 =	sadd.s32 s1, s30  }
0xc8: {  	s0 =	sor.u32 s3, s0;
	s1 =	sshll.u32 s1, $0x11  }
0xc9: {  	s0 =	sor.u32 s1, s0  }
0xca: {  	s0 =	sadd.s32 $0x8F2B, s0  }
0xcb: {  	[sflag:s0] =	ssyncadd.remote.s32 $0x1  }
0xcc: {  	_ =	sfence.sel $0xFFFF  }
0xcd: {  	[dreg:$0x0] =	wrdreg $0xFFFFFFFF;
	(pc) =	sbr.abs _section_cstart, $3  }
0xce: {  	[dreg:$0x1] =	wrdreg $0xFFFFFFFF  }
0xcf: {  	_ =	task.clear_ibuf [dreg:s11], $0x2FFFF;
	_ =	strace $0x9FFFFFFF  }
0xd0: {  	(tm) =	ssettm $0x7FFFFFFF  }
0xd1: {  	_ =	shalt  }
tec
execute0_lowered:
.L_overlay_start_1:
0x0: {  	(tag) =	ssettag $0x1  }
0x1: {  	s0 =	rddreg [dreg:$0x0]  }
0x2: {  	s1 =	rddreg [dreg:$0x1]  }
0x3: {  	s2 =	rddreg [dreg:$0x2];
	s3 =	srdreg.scid  }
0x4: {  	s5 =	rddreg [dreg:$0x3];
	s18 =	stileid.u32  }
0x5: {  	s7 =	rddreg [dreg:$0x4];
	s4 =	smul.u32 $0x280, s18  }
0x6: {  	s9 =	simm.s32 $0x0;
	s6 =	sand.u32 $0x1, s3;
	s11 =	smul.u32 $0x14000, s18  }
0x7: {  	[smem:$0x7FF] =	sst s9;
	s26 =	smul.u32 $0x500, s18;
	s3 =	ssub.s32 $0x2, s6  }
0x8: {  	s13 =	sshll.u32 s18, $0x1;
	s18 =	smul.u32 $0x50000, s18;
	s8 =	sshrl.u32 s3, $0x1  }
0x9: {  	s9 =	sor.u32 s6, s13;
	s10 =	sshll.u32 s4, $0x7;
	s3 =	ssub.s32 s3, s8  }
0xa: {  	s8 =	smul.u32 $0x140000, s6;
	s12 =	sor.u32 $0x2800, s10;
	s15 =	sadd.s32 $0x5000, s10  }
0xb: {  	s16 =	sadd.s32 $0x7800, s10;
	s19 =	sadd.s32 $0xA000, s10;
	s20 =	sadd.s32 $0xC800, s10  }
0xc: {  	s21 =	sadd.s32 $0xF000, s10;
	s10 =	sadd.s32 $0x11800, s10;
	s6 =	sshll.u32 s6, $0x7  }
0xd: {  	s6 =	sor.u32 s6, s26;
	s26 =	smul.u32 $0x5800, s9;
	s11 =	sadd.s32 s11, s8  }
0xe: {  	s14 =	sadd.s32 s8, s12;
	s13 =	sadd.s32 s8, s15;
	s11 =	sshrl.u32 s11, $0x3  }
0xf: {  	s24 =	sadd.s32 s8, s19;
	s17 =	sshrl.u32 s13, $0x3;
	s11 =	sadd.s32 s7, s11  }
0x10: {  	[dreg:$0x9] =	wrdreg s11;
	s11 =	sshrl.u32 s14, $0x3;
	s14 =	sadd.s32 s8, s16  }
0x11: {  	s11 =	sadd.s32 s7, s11;
	s22 =	sshrl.u32 s14, $0x3;
	s14 =	rddreg [dreg:$0x7]  }
0x12: {  	s25 =	sadd.s32 s8, s20;
	[dreg:$0xa] =	wrdreg s11;
	s11 =	sadd.s32 s7, s17  }
0x13: {  	s23 =	sadd.s32 s7, s22;
	[dreg:$0xb] =	wrdreg s11;
	s11 =	sshrl.u32 s24, $0x3  }
0x14: {  	s6 =	sshrl.u32 s6, $0x3;
	[dreg:$0xc] =	wrdreg s23;
	s11 =	sadd.s32 s7, s11  }
0x15: {  	s13 =	sshrl.u32 s25, $0x3;
	s17 =	sadd.s32 s8, s21;
	[dreg:$0xd] =	wrdreg s11  }
0x16: {  	s8 =	sadd.s32 s8, s10;
	s11 =	sadd.s32 s7, s13;
	s13 =	rddreg [dreg:$0x6]  }
0x17: {  	s22 =	sshrl.u32 s18, $0x2;
	s18 =	sadd.s32 $0x16800, s5;
	[dreg:$0xe] =	wrdreg s11  }
0x18: {  	s8 =	sshrl.u32 s8, $0x3;
	s11 =	sshrl.u32 s17, $0x3;
	s17 =	rddreg [dreg:$0x5]  }
0x19: {  	s25 =	sadd.s32 s12, s13;
	s31 =	sadd.s32 s15, s13;
	s11 =	sadd.s32 s7, s11  }
0x1a: {  	s23 =	sadd.s32 s16, s13;
	s7 =	sadd.s32 s7, s8;
	[dreg:$0xf] =	wrdreg s11  }
0x1b: {  	s9 =	sadd.s32 s19, s13;
	s6 =	sadd.s32 s17, s6;
	[dreg:$0x10] =	wrdreg s7  }
0x1c: {  	s10 =	sadd.s32 s10, s13;
	s12 =	sshrl.u32 s26, $0x3;
	[dreg:$0x11] =	wrdreg s6  }
0x1d: {  	s17 =	sadd.s32 $0x800, s5;
	_ =	strace $0x80000047;
	[dreg:$0x15] =	wrdreg s23  }
0x1e: {  	s16 =	sadd.s32 s20, s13;
	s20 =	sadd.s32 s17, s12;
	[dreg:$0x19] =	wrdreg s10  }
0x1f: {  	s19 =	sadd.s32 s21, s13;
	s15 =	sadd.s32 $0x1600, s26;
	[dreg:$0x1b] =	wrdreg s20  }
0x20: {  	s21 =	sshrl.u32 s15, $0x3;
	s5 =	sadd.s32 s18, s12;
	[smem:$0x7FB] =	sst s15  }
0x21: {  	s24 =	sadd.s32 s22, s13;
	s22 =	sadd.s32 s17, s21;
	[dreg:$0x1c] =	wrdreg s5  }
0x22: {  	s6 =	sadd.s32 s4, s14;
	s4 =	sadd.s32 s18, s21;
	[dreg:$0x1d] =	wrdreg s22  }
0x23: {  	s3 =	smax.u32 s3, $0x1;
	[dreg:$0x1e] =	wrdreg s4  }
0x24: {  	[dreg:$0x1f] =	wrdreg s3  }
0x25: {  	s29 =	simm.s32 $0xB600;
	s28 =	simm.s32 $0x6000;
	[dreg:$0x12] =	wrdreg s24  }
0x26: {  	s30 =	simm.s32 $0x4;
	s8 =	smov.u32 s26;
	[dreg:$0x13] =	wrdreg s25  }
0x27: {  	s12 =	simm.s32 $0x1;
	s11 =	simm.s32 $0x6080;
	[dreg:$0x14] =	wrdreg s31  }
0x28: {  	s21 =	simm.s32 $0x3280;
	s7 =	simm.s32 $0x0;
	[dreg:$0x16] =	wrdreg s9  }
0x29: {  	s23 =	sadd.s32 $0x2C00, s26;
	s26 =	sadd.s32 $0x4200, s26;
	[dreg:$0x17] =	wrdreg s16  }
0x2a: {  	s10 =	simm.s32 $0xD;
	s15 =	simm.s32 $0x50;
	[dreg:$0x18] =	wrdreg s19  }
0x2b: {  	s3 =	simm.s32 $0x500;
	s20 =	simm.s32 $0x2;
	[dreg:$0x1a] =	wrdreg s6  }
0x2c: {  	s22 =	simm.s32 $0x8E00;
	s5 =	simm.s32 $0x8D80;
	[smem:$0x7FC] =	sst s23  }
0x2d: {  	v0 =	vimm.f32 $0.0e+00;
	[smem:$0x7FD] =	sst s26;
	s23 =	simm.s32 $0x3300;
	s26 =	simm.s32 $0x3  }
.LBB2_1:
0x2e: {  	[smem:$0x7FA] =	sst s7;
	s4 =	simm.s32 $0x0;
	s7 =	simm.s32 $0x200  }
.LBB2_2:
0x2f: {  	p0 =	sne.s32 s7, $0x9E00;
	[tilespmem:s4+$0x5F0] =	vst v0  }
0x30: {  	[tilespmem:s4+$0x580] =	vst v0  }
0x31: {  	[tilespmem:s4+$0x590] =	vst v0  }
.Ltmp0:
0x32: {  	[tilespmem:s4+$0x5A0] =	vst v0;
	(pc) =	sbr.rel @p0 .LBB2_2-.Ltmp0, $4  }
0x33: {  	[tilespmem:s4+$0x5B0] =	vst v0  }
0x34: {  	[tilespmem:s4+$0x5C0] =	vst v0  }
0x35: {  	[tilespmem:s4+$0x5D0] =	vst v0  }
0x36: {  	[tilespmem:s4+$0x5E0] =	vst v0;
	s4 =	sshra.s32 s7, $0x2;
	s7 =	sadd.s32 $0x200, s7  }
0x37: {  	[tilespmem:s4+$0x5F0] =	vst v0  }
0x38: {  	[tilespmem:s4+$0x580] =	vst v0  }
0x39: {  	[tilespmem:s4+$0x590] =	vst v0  }
0x3a: {  	[tilespmem:s4+$0x5A0] =	vst v0  }
0x3b: {  	[tilespmem:s4+$0x5B0] =	vst v0  }
0x3c: {  	[tilespmem:s4+$0x5C0] =	vst v0  }
0x3d: {  	[tilespmem:s4+$0x5D0] =	vst v0  }
0x3e: {  	[tilespmem:s4+$0x5E0] =	vst v0  }
0x3f: {  	[tilespmem:$0xB600] =	vst v0  }
0x40: {  	[tilespmem:$0xB610] =	vst v0  }
0x41: {  	[tilespmem:$0xB620] =	vst v0  }
0x42: {  	[tilespmem:$0xB630] =	vst v0  }
0x43: {  	[tilespmem:$0xB640] =	vst v0  }
0x44: {  	[tilespmem:$0xB650] =	vst v0  }
0x45: {  	[tilespmem:$0xB660] =	vst v0  }
0x46: {  	[tilespmem:$0xB670] =	vst v0  }
0x47: {  	[tilespmem:$0xB680] =	vst v0  }
0x48: {  	[tilespmem:$0xB690] =	vst v0  }
0x49: {  	[tilespmem:$0xB6A0] =	vst v0  }
0x4a: {  	[tilespmem:$0xB6B0] =	vst v0  }
0x4b: {  	[tilespmem:$0xB6C0] =	vst v0  }
0x4c: {  	[tilespmem:$0xB6D0] =	vst v0  }
0x4d: {  	[tilespmem:$0xB6E0] =	vst v0  }
0x4e: {  	[tilespmem:$0xB6F0] =	vst v0  }
0x4f: {  	[tilespmem:$0xB700] =	vst v0  }
0x50: {  	[tilespmem:$0xB710] =	vst v0  }
0x51: {  	[tilespmem:$0xB720] =	vst v0  }
0x52: {  	[tilespmem:$0xB730] =	vst v0  }
0x53: {  	[tilespmem:$0xB740] =	vst v0  }
0x54: {  	[tilespmem:$0xB750] =	vst v0  }
0x55: {  	[tilespmem:$0xB760] =	vst v0  }
0x56: {  	[tilespmem:$0xB770] =	vst v0  }
0x57: {  	[tilespmem:$0xB780] =	vst v0  }
0x58: {  	[tilespmem:$0xB790] =	vst v0  }
0x59: {  	[tilespmem:$0xB7A0] =	vst v0  }
0x5a: {  	[tilespmem:$0xB7B0] =	vst v0  }
0x5b: {  	[tilespmem:$0xB7C0] =	vst v0  }
0x5c: {  	[tilespmem:$0xB7D0] =	vst v0  }
0x5d: {  	[tilespmem:$0xB7E0] =	vst v0  }
0x5e: {  	[tilespmem:$0xB7F0] =	vst v0  }
0x5f: {  	[tilespmem:$0xB800] =	vst v0  }
0x60: {  	[tilespmem:$0xB810] =	vst v0  }
0x61: {  	[tilespmem:$0xB820] =	vst v0  }
0x62: {  	[tilespmem:$0xB830] =	vst v0  }
0x63: {  	[tilespmem:$0xB840] =	vst v0  }
0x64: {  	[tilespmem:$0xB850] =	vst v0  }
0x65: {  	[tilespmem:$0xB860] =	vst v0  }
0x66: {  	s7 =	simm.s32 $0x580;
	[tilespmem:$0xB870] =	vst v0  }
0x67: {  	[spmem:s24] =	stream.linear.scatter [tilespmem:s7], [sflag:$0xD], $0x2800, $0x38;
	[tilespmem:$0x1FB00] =	vst v63  }
0x68: {  	_ =	swait.ge [sflag:s10], $0x2800  }
0x69: {  	[sflag:s10] =	ssyncset.done $0x0  }
0x6a: {  	[sflag:s10] =	ssyncadd.s32 $0xFFFFD800  }
0x6b: {  	[spmem:s25] =	stream.linear.scatter [tilespmem:s7], [sflag:$0xD], $0x2800, $0x38;
	[tilespmem:$0x1FB00] =	vst v63  }
0x6c: {  	_ =	swait.ge [sflag:s10], $0x2800  }
0x6d: {  	[sflag:s10] =	ssyncset.done $0x0  }
0x6e: {  	[sflag:s10] =	ssyncadd.s32 $0xFFFFD800  }
0x6f: {  	[spmem:s31] =	stream.linear.scatter [tilespmem:s7], [sflag:$0xD], $0x2800, $0x38;
	[tilespmem:$0x1FB00] =	vst v63  }
0x70: {  	_ =	swait.ge [sflag:s10], $0x2800  }
0x71: {  	[sflag:s10] =	ssyncset.done $0x0  }
0x72: {  	s24 =	rddreg [dreg:$0x15];
	[sflag:s10] =	ssyncadd.s32 $0xFFFFD800  }
0x73: {  	[spmem:s24] =	stream.linear.scatter [tilespmem:s7], [sflag:$0xD], $0x2800, $0x38;
	[tilespmem:$0x1FB00] =	vst v63  }
0x74: {  	_ =	swait.ge [sflag:s10], $0x2800  }
0x75: {  	[sflag:s10] =	ssyncset.done $0x0  }
0x76: {  	[sflag:s10] =	ssyncadd.s32 $0xFFFFD800  }
0x77: {  	[spmem:s9] =	stream.linear.scatter [tilespmem:s7], [sflag:$0xD], $0x2800, $0x38;
	[tilespmem:$0x1FB00] =	vst v63  }
0x78: {  	_ =	swait.ge [sflag:s10], $0x2800  }
0x79: {  	[sflag:s10] =	ssyncset.done $0x0  }
0x7a: {  	[sflag:s10] =	ssyncadd.s32 $0xFFFFD800  }
0x7b: {  	[spmem:s16] =	stream.linear.scatter [tilespmem:s7], [sflag:$0xD], $0x2800, $0x38;
	[tilespmem:$0x1FB00] =	vst v63  }
0x7c: {  	_ =	swait.ge [sflag:s10], $0x2800  }
0x7d: {  	[sflag:s10] =	ssyncset.done $0x0  }
0x7e: {  	[sflag:s10] =	ssyncadd.s32 $0xFFFFD800  }
0x7f: {  	[spmem:s19] =	stream.linear.scatter [tilespmem:s7], [sflag:$0xD], $0x2800, $0x38;
	[tilespmem:$0x1FB00] =	vst v63  }
0x80: {  	_ =	swait.ge [sflag:s10], $0x2800  }
0x81: {  	[sflag:s10] =	ssyncset.done $0x0  }
0x82: {  	s25 =	rddreg [dreg:$0x19];
	[sflag:s10] =	ssyncadd.s32 $0xFFFFD800  }
0x83: {  	[spmem:s25] =	stream.linear.scatter [tilespmem:s7], [sflag:$0xD], $0x2800, $0x38;
	[tilespmem:$0x1FB00] =	vst v63  }
0x84: {  	_ =	swait.ge [sflag:s10], $0x2800  }
0x85: {  	[sflag:s10] =	ssyncset.done $0x0  }
0x86: {  	[sflag:s10] =	ssyncadd.s32 $0xFFFFD800  }
0x87: {  	[spmem:s6] =	stream.linear.scatter [tilespmem:s29], [sflag:$0xD], $0x280, $0x38;
	[tilespmem:$0x1FB00] =	vst v63  }
0x88: {  	_ =	swait.ge [sflag:s10], $0x280  }
0x89: {  	[sflag:s10] =	ssyncset.done $0x0  }
0x8a: {  	[sflag:s10] =	ssyncadd.s32 $0xFFFFFD80  }
0x8b: {  	[bflag:$0x0] =	sbarrier.arrive $0xFFFF  }
0x8c: {  	s9 =	simm.s32 $0x0;
	s6 =	rddreg [dreg:$0x1b]  }
0x8d: {  	[tilespmem:s9], [sflag:$0xD] =	stream.linear.gather [hbm4b:s6+s9], $0x180, $0x38;
	[tilespmem:$0x1FB00] =	vst v63  }
0x8e: {  	_ =	swait.ge [sflag:s10], $0x180  }
0x8f: {  	[sflag:s10] =	ssyncset.done $0x0  }
0x90: {  	s19 =	simm.s32 $0x200;
	s16 =	rddreg [dreg:$0x1c];
	[sflag:s10] =	ssyncadd.s32 $0xFFFFFE80  }
0x91: {  	[tilespmem:s19], [sflag:$0xD] =	stream.linear.gather [hbm4b:s16+s9], $0x180, $0x38;
	[tilespmem:$0x1FB00] =	vst v63  }
0x92: {  	_ =	swait.ge [sflag:s10], $0x180  }
0x93: {  	[sflag:s10] =	ssyncset.done $0x0  }
0x94: {  	[sflag:s10] =	ssyncadd.s32 $0xFFFFFE80  }
0x95: {  	[tilespmem:s7], [sflag:$0x1] =	stream.indirect.gather [hbm4b:s0+s15], $0x80, s9, s15, $0xb8;
	[tilespmem:$0x1FB00] =	vst v63  }
0x96: {  	s24 =	simm.s32 $0x400  }
0x97: {  	[tilespmem:s24], [sflag:$0x1] =	stream.indirect.gather [hbm4b:s1+s15], $0x1, s9, s15, $0xb8;
	[tilespmem:$0x1FB00] =	vst v63  }
0x98: {  	s25 =	simm.s32 $0x480  }
0x99: {  	[tilespmem:s25], [sflag:$0x1] =	stream.indirect.gather [hbm4b:s2+s15], $0x1, s19, s15, $0xb8;
	[tilespmem:$0x1FB00] =	vst v63  }
0x9a: {  	s6 =	rddreg [dreg:$0x1d];
	s7 =	simm.s32 $0x2D80  }
0x9b: {  	[tilespmem:s7], [sflag:$0xD] =	stream.linear.gather [hbm4b:s6+s9], $0x180, $0x38;
	[tilespmem:$0x1FB00] =	vst v63  }
0x9c: {  	_ =	swait.ge [sflag:s10], $0x180  }
0x9d: {  	[sflag:s10] =	ssyncset.done $0x0  }
0x9e: {  	s19 =	simm.s32 $0x2F80;
	s16 =	rddreg [dreg:$0x1e];
	[sflag:s10] =	ssyncadd.s32 $0xFFFFFE80  }
0x9f: {  	[tilespmem:s19], [sflag:$0xD] =	stream.linear.gather [hbm4b:s16+s9], $0x180, $0x38;
	[tilespmem:$0x1FB00] =	vst v63  }
0xa0: {  	_ =	swait.ge [sflag:s10], $0x180  }
0xa1: {  	[sflag:s10] =	ssyncset.done $0x0  }
0xa2: {  	[sflag:s10] =	ssyncadd.s32 $0xFFFFFE80  }
0xa3: {  	[tilespmem:s23], [sflag:$0x2] =	stream.indirect.gather [hbm4b:s0+s15], $0x80, s7, s15, $0xb8;
	[tilespmem:$0x1FB00] =	vst v63  }
0xa4: {  	s24 =	simm.s32 $0x3180  }
0xa5: {  	[tilespmem:s24], [sflag:$0x2] =	stream.indirect.gather [hbm4b:s1+s15], $0x1, s7, s15, $0xb8;
	[tilespmem:$0x1FB00] =	vst v63  }
0xa6: {  	s31 =	simm.s32 $0x0;
	s25 =	simm.s32 $0x3200;
	s29 =	sld [smem:$0x7FB]  }
0xa7: {  	[tilespmem:s25], [sflag:$0x2] =	stream.indirect.gather [hbm4b:s2+s15], $0x1, s19, s15, $0xb8;
	[tilespmem:$0x1FB00] =	vst v63  }
.LBB2_4:
0xa8: {  	_ =	swait.ge [sflag:s12], $0x2800  }
0xa9: {  	[sflag:s12] =	ssyncset.done $0x0  }
0xaa: {  	[sflag:s12] =	ssyncadd.s32 $0xFFFFD800  }
0xab: {  	_ =	swait.ge [sflag:s12], $0x50  }
0xac: {  	[sflag:s12] =	ssyncset.done $0x0  }
0xad: {  	[sflag:s12] =	ssyncadd.s32 $0xFFFFFFB0  }
0xae: {  	_ =	swait.ge [sflag:s12], $0x50  }
0xaf: {  	[sflag:s12] =	ssyncset.done $0x0  }
0xb0: {  	[sflag:s12] =	ssyncadd.s32 $0xFFFFFFB0  }
0xb1: {  	v1 =	vld [tilespmem:$0x400]  }
0xb2: {  	v2 =	vld [tilespmem:$0x480]  }
0xb3: {  	v3 =	vld [tilespmem:$0x410]  }
0xb4: {  	v4 =	vld [tilespmem:$0x490]  }
0xb5: {  	v5 =	vld [tilespmem:$0x420]  }
0xb6: {  	v6 =	vld [tilespmem:$0x4A0]  }
0xb7: {  	v7 =	vld [tilespmem:$0x4B0];
	v1 =	vadd.f32 v2, v1  }
0xb8: {  	v9 =	vld [tilespmem:$0x440]  }
0xb9: {  	v2 =	vld [tilespmem:$0x430];
	v8 =	vmul.f32 $2.000000030e-01, v1  }
0xba: {  	v10 =	vld [tilespmem:$0x4C0];
	vm0 =	vgt.f32 v1, $0.0e+00  }
0xbb: {  	v3 =	vadd.f32 v4, v3;
	v1 =	vsel vm0, v1, v8  }
0xbc: {  	v1 =	vmul.f32 $1.442695020e+00, v1  }
0xbd: {  	v5 =	vadd.f32 v6, v5;
	v4 =	vmul.f32 $2.000000030e-01, v3  }
0xbe: {  	vm12 =	vgt.f32 v3, $0.0e+00;
	(erf) = vpow2.f32 v1;
	v1 =	vadd.f32 v7, v2  }
0xbf: {  	v2 =	vsel vm12, v3, v4;
	v3 =	vmul.f32 $2.000000030e-01, v5;
	v4 =	vadd.f32 v10, v9  }
0xc0: {  	vm13 =	vgt.f32 v5, $0.0e+00;
	v2 =	vmul.f32 $1.442695020e+00, v2;
	v6 =	vmul.f32 $2.000000030e-01, v1  }
0xc1: {  	v3 =	vsel vm13, v5, v3;
	vm14 =	vgt.f32 v1, $0.0e+00;
	v5 =	vmul.f32 $2.000000030e-01, v4  }
0xc2: {  	vm15 =	vgt.f32 v4, $0.0e+00;
	v3 =	vmul.f32 $1.442695020e+00, v3;
	v1 =	vsel vm14, v1, v6  }
0xc3: {  	(erf) = vpow2.f32 v2;
	v2 =	vsel vm15, v4, v5;
	v1 =	vmul.f32 $1.442695020e+00, v1  }
0xc4: {  	(erf) = vpow2.f32 v3;
	v2 =	vmul.f32 $1.442695020e+00, v2  }
0xc5: {  	(erf) = vpow2.f32 v1  }
0xc6: {  	(erf) = vpow2.f32 v2;
	_ =	sdelay $0x1  }
0xc7: {  	s4 =	simm.s32 $0x0  }
0xc8: {  	s7 =	simm.s32 $0x6;
	v1 =	vmov s4  }
0xc9: {  	v1 =	vand.u32 $0xFFFFFFF8, v1;
	v2 =	vmov s7  }
0xca: {  	v3 =	vpop (erf);
	v1 =	vbroadcast v1, $0x0;
	v2 =	vand.u32 $0xFFFFFFFE, v2  }
0xcb: {  	[tilespmem:$0x500] =	vst v3;
	v2 =	vbroadcast v2, $0x0;
	v4 =	vpop (erf)  }
0xcc: {  	[tilespmem:$0x510] =	vst v4;
	v3 =	vpop (erf)  }
0xcd: {  	[tilespmem:$0x520] =	vst v3;
	v4 =	vpop (erf)  }
0xce: {  	[tilespmem:$0x530] =	vst v4;
	v3 =	vpop (erf)  }
0xcf: {  	[tilespmem:$0x540] =	vst v3  }
0xd0: {  	v1 =	vld.idx.msk [tilespmem:v1+s3+$0x0], $0xffff  }
0xd1: {  	s7 =	simm.s32 $0x780;
	v2 =	vld.idx.msk [tilespmem:v2+s3+$0x0], $0xffff  }
0xd2: {  	v4 =	vld [tilespmem:s7+$0x170]  }
0xd3: {  	v5 =	vld [tilespmem:s7+$0xFFFFFE00]  }
0xd4: {  	v6 =	vld [tilespmem:s7+$0xFFFFFE10]  }
0xd5: {  	v7 =	vld [tilespmem:s7+$0xFFFFFE20]  }
0xd6: {  	s9 =	simm.s32 $0x1;
	v8 =	vld [tilespmem:s7+$0xFFFFFE30]  }
0xd7: {  	v3 =	vmov s9;
	v9 =	vld [tilespmem:s7+$0xFFFFFE40]  }
0xd8: {  	v3 =	vand.u32 $0xFFFFFFF9, v3;
	v10 =	vld [tilespmem:s7+$0xFFFFFE50]  }
0xd9: {  	v11 =	vld [tilespmem:s7+$0xFFFFFE60];
	v3 =	vbroadcast v3, $0x0  }
0xda: {  	v12 =	vld [tilespmem:s7+$0xFFFFFE70]  }
0xdb: {  	v13 =	vld [tilespmem:s7+$0xFFFFFE80]  }
0xdc: {  	v14 =	vld [tilespmem:s7+$0xFFFFFE90]  }
0xdd: {  	v15 =	vld [tilespmem:s7+$0xFFFFFEA0];
	v5 =	vmul.f32 v5, v1  }
0xde: {  	v16 =	vld [tilespmem:s7+$0xFFFFFEB0];
	v4 =	vmul.f32 v4, v2  }
0xdf: {  	v8 =	vmul.f32 v8, v1;
	v3 =	vld.idx.msk [tilespmem:v3+s3+$0x0], $0xffff;
	[tilespmem:s7+$0xFFFFFE00] =	vst v5  }
0xe0: {  	s16 =	simm.s32 $0x2;
	v9 =	vmul.f32 v9, v1;
	[tilespmem:s7+$0x170] =	vst v4;
	v4 =	vmul.f32 v7, v1;
	v7 =	vld [tilespmem:s7+$0xFFFFFEC0]  }
0xe1: {  	v6 =	vmul.f32 v6, v1;
	v5 =	vmov s16;
	[tilespmem:s7+$0xFFFFFE30] =	vst v8;
	v8 =	vmul.f32 v10, v1;
	v10 =	vld [tilespmem:s7+$0xFFFFFEF0]  }
0xe2: {  	[tilespmem:s7+$0xFFFFFE40] =	vst v9;
	v9 =	vmul.f32 v11, v1;
	v11 =	vld [tilespmem:s7+$0xFFFFFF00];
	v5 =	vand.u32 $0xFFFFFFFA, v5  }
0xe3: {  	[tilespmem:s7+$0xFFFFFE10] =	vst v6;
	v1 =	vmul.f32 v12, v1;
	v12 =	vld [tilespmem:s7+$0xFFFFFF20];
	v5 =	vbroadcast v5, $0x0  }
0xe4: {  	[tilespmem:s7+$0xFFFFFE20] =	vst v4;
	v4 =	vld [tilespmem:s7+$0xFFFFFEE0]  }
0xe5: {  	[tilespmem:s7+$0xFFFFFE50] =	vst v8;
	v8 =	vld [tilespmem:s7+$0xFFFFFF10]  }
0xe6: {  	[tilespmem:s7+$0xFFFFFE60] =	vst v9;
	v6 =	vmul.f32 v13, v3;
	v13 =	vld [tilespmem:s7+$0xFFFFFED0]  }
0xe7: {  	[tilespmem:s7+$0xFFFFFE70] =	vst v1;
	v9 =	vmul.f32 v14, v3;
	v14 =	vld [tilespmem:s7+$0xFFFFFF30]  }
0xe8: {  	s19 =	simm.s32 $0x3;
	v1 =	vmul.f32 v15, v3;
	v15 =	vld [tilespmem:s7+$0xFFFFFF40];
	v7 =	vmul.f32 v7, v3;
	[tilespmem:s7+$0xFFFFFE80] =	vst v6  }
0xe9: {  	v6 =	vmov s19;
	[tilespmem:s7+$0xFFFFFE90] =	vst v9;
	v9 =	vmul.f32 v16, v3;
	v5 =	vld.idx.msk [tilespmem:v5+s3+$0x0], $0xffff  }
0xea: {  	[tilespmem:s7+$0xFFFFFEC0] =	vst v7;
	v7 =	vld [tilespmem:s7+$0xFFFFFF70];
	v6 =	vand.u32 $0xFFFFFFFB, v6  }
0xeb: {  	v6 =	vbroadcast v6, $0x0;
	[tilespmem:s7+$0xFFFFFEB0] =	vst v9;
	v9 =	vld [tilespmem:s7+$0xFFFFFF60];
	v13 =	vmul.f32 v13, v3  }
0xec: {  	[tilespmem:s7+$0xFFFFFEA0] =	vst v1;
	v4 =	vmul.f32 v4, v3;
	v3 =	vmul.f32 v10, v3;
	v10 =	vld [tilespmem:s7+$0xFFFFFF80]  }
0xed: {  	[tilespmem:s7+$0xFFFFFED0] =	vst v13;
	v13 =	vld [tilespmem:s7+$0xFFFFFFB0]  }
0xee: {  	[tilespmem:s7+$0xFFFFFEE0] =	vst v4;
	v1 =	vmul.f32 v11, v5;
	v11 =	vld [tilespmem:s7+$0xFFFFFF50]  }
0xef: {  	[tilespmem:s7+$0xFFFFFEF0] =	vst v3;
	v4 =	vmul.f32 v8, v5;
	v8 =	vld [tilespmem:s7+$0xFFFFFF90]  }
0xf0: {  	s24 =	simm.s32 $0x4;
	v3 =	vmul.f32 v12, v5;
	v12 =	vld [tilespmem:s7+$0xFFFFFFA0];
	[tilespmem:s7+$0xFFFFFF00] =	vst v1  }
0xf1: {  	v9 =	vmul.f32 v9, v5;
	v6 =	vld.idx.msk [tilespmem:v6+s3+$0x0], $0xffff;
	v1 =	vmov s24;
	[tilespmem:s7+$0xFFFFFF10] =	vst v4  }
0xf2: {  	v4 =	vmul.f32 v14, v5;
	[tilespmem:s7+$0xFFFFFF20] =	vst v3;
	v3 =	vmul.f32 v15, v5;
	v14 =	vld [tilespmem:s7+$0xFFFFFFC0];
	v1 =	vand.u32 $0xFFFFFFFC, v1  }
0xf3: {  	[tilespmem:s7+$0xFFFFFF60] =	vst v9;
	v9 =	vld [tilespmem:s7+$0x0];
	v1 =	vbroadcast v1, $0x0  }
0xf4: {  	[tilespmem:s7+$0xFFFFFF40] =	vst v3;
	v3 =	vld [tilespmem:s7+$0xFFFFFFE0];
	v11 =	vmul.f32 v11, v5  }
0xf5: {  	[tilespmem:s7+$0xFFFFFF30] =	vst v4;
	v5 =	vmul.f32 v7, v5;
	v7 =	vld [tilespmem:s7+$0xFFFFFFF0]  }
0xf6: {  	v4 =	vmul.f32 v10, v6;
	v10 =	vld [tilespmem:s7+$0xFFFFFFD0];
	[tilespmem:s7+$0xFFFFFF50] =	vst v11  }
0xf7: {  	v8 =	vmul.f32 v8, v6;
	[tilespmem:s7+$0xFFFFFF70] =	vst v5;
	v11 =	vld [tilespmem:s7+$0x10]  }
0xf8: {  	s25 =	simm.s32 $0x5;
	v5 =	vmul.f32 v12, v6;
	v12 =	vld [tilespmem:s7+$0x20];
	[tilespmem:s7+$0xFFFFFF80] =	vst v4  }
0xf9: {  	v4 =	vmov s25;
	[tilespmem:s7+$0xFFFFFF90] =	vst v8;
	v8 =	vmul.f32 v13, v6;
	v1 =	vld.idx.msk [tilespmem:v1+s3+$0x0], $0xffff  }
0xfa: {  	[tilespmem:s7+$0xFFFFFFA0] =	vst v5;
	v5 =	vmul.f32 v14, v6;
	v13 =	vld [tilespmem:s7+$0x30];
	v4 =	vand.u32 $0xFFFFFFFD, v4  }
0xfb: {  	v4 =	vbroadcast v4, $0x0;
	[tilespmem:s7+$0xFFFFFFB0] =	vst v8;
	v8 =	vmul.f32 v10, v6;
	v10 =	vld [tilespmem:s7+$0x40]  }
0xfc: {  	v3 =	vmul.f32 v3, v6;
	[tilespmem:s7+$0xFFFFFFC0] =	vst v5;
	v6 =	vmul.f32 v7, v6;
	v7 =	vld [tilespmem:s7+$0x80]  }
0xfd: {  	[tilespmem:s7+$0xFFFFFFD0] =	vst v8;
	v8 =	vld [tilespmem:s7+$0x60]  }
0xfe: {  	[tilespmem:s7+$0xFFFFFFE0] =	vst v3;
	v5 =	vmul.f32 v9, v1;
	v9 =	vld [tilespmem:s7+$0x50]  }
0xff: {  	[tilespmem:s7+$0xFFFFFFF0] =	vst v6;
	v3 =	vmul.f32 v11, v1;
	v6 =	vmul.f32 v12, v1;
	v11 =	vld [tilespmem:s7+$0x90]  }
0x100: {  	[tilespmem:s7+$0x0] =	vst v5;
	v5 =	vld [tilespmem:s7+$0x70]  }
0x101: {  	v4 =	vld.idx.msk [tilespmem:v4+s3+$0x0], $0xffff;
	[tilespmem:s7+$0x20] =	vst v6;
	v6 =	vmul.f32 v10, v1  }
0x102: {  	[tilespmem:s7+$0x10] =	vst v3;
	v3 =	vmul.f32 v13, v1;
	v10 =	vld [tilespmem:s7+$0xA0]  }
0x103: {  	[tilespmem:s7+$0x40] =	vst v6;
	v6 =	vmul.f32 v8, v1;
	v8 =	vld [tilespmem:s7+$0xC0]  }
0x104: {  	[tilespmem:s7+$0x30] =	vst v3;
	v3 =	vmul.f32 v9, v1;
	v9 =	vld [tilespmem:s7+$0xB0]  }
0x105: {  	[tilespmem:s7+$0x60] =	vst v6;
	v6 =	vld [tilespmem:s7+$0xE0];
	v5 =	vmul.f32 v5, v1  }
0x106: {  	[tilespmem:s7+$0x50] =	vst v3;
	v3 =	vmul.f32 v7, v4;
	v7 =	vld [tilespmem:s7+$0xD0]  }
0x107: {  	v11 =	vmul.f32 v11, v4;
	[tilespmem:s7+$0x70] =	vst v5;
	v5 =	vld [tilespmem:s7+$0xF0]  }
0x108: {  	[tilespmem:s7+$0x80] =	vst v3;
	v3 =	vmul.f32 v10, v4;
	v10 =	vld [tilespmem:s7+$0x100]  }
0x109: {  	[tilespmem:s7+$0x90] =	vst v11;
	v11 =	vld [tilespmem:s7+$0x150];
	v9 =	vmul.f32 v9, v4  }
0x10a: {  	s6 =	simm.s32 $0x7;
	[tilespmem:s7+$0xA0] =	vst v3;
	v3 =	vmul.f32 v8, v4;
	v8 =	vld [tilespmem:s7+$0x110]  }
0x10b: {  	v14 =	vld [tilespmem:s7+$0x180];
	v12 =	vmov s6;
	[tilespmem:s7+$0xB0] =	vst v9;
	v7 =	vmul.f32 v7, v4  }
0x10c: {  	v9 =	vld [tilespmem:s7+$0x120];
	[tilespmem:s7+$0xC0] =	vst v3;
	v3 =	vmul.f32 v6, v4  }
0x10d: {  	s24 =	simm.s32 $0xC;
	v6 =	vld [tilespmem:s7+$0x130];
	[tilespmem:s7+$0xD0] =	vst v7;
	v4 =	vmul.f32 v5, v4  }
0x10e: {  	s9 =	simm.s32 $0x8;
	v15 =	vmov s24;
	v5 =	vld [tilespmem:s7+$0x140];
	v10 =	vmul.f32 v10, v2;
	[tilespmem:s7+$0xE0] =	vst v3  }
0x10f: {  	s19 =	simm.s32 $0xA;
	s25 =	simm.s32 $0xD;
	v7 =	vmov s9;
	v11 =	vmul.f32 v11, v2;
	[tilespmem:s7+$0xF0] =	vst v4;
	v4 =	vmul.f32 v8, v2;
	v8 =	vld [tilespmem:s7+$0x160]  }
0x110: {  	s16 =	simm.s32 $0xF;
	v18 =	vmov s25;
	v13 =	vmov s19;
	v1 =	vld.idx.msk [tilespmem:v12+s3+$0x0], $0xffff;
	s9 =	simm.s32 $0x9;
	v7 =	vand.u32 $0xFFFFFFF8, v7;
	[tilespmem:s7+$0x100] =	vst v10  }
0x111: {  	v17 =	vld [tilespmem:s7+$0x190];
	s19 =	simm.s32 $0xB;
	v3 =	vmov s16;
	v12 =	vmov s9;
	[tilespmem:s7+$0x150] =	vst v11;
	v9 =	vmul.f32 v9, v2  }
0x112: {  	v10 =	vmov s19;
	[tilespmem:s7+$0x110] =	vst v4;
	v16 =	vmul.f32 v6, v2;
	v4 =	vbroadcast v7, $0x0;
	v6 =	vld [tilespmem:s7+$0x1A0]  }
0x113: {  	v7 =	vld [tilespmem:s7+$0x1B0];
	[tilespmem:s7+$0x120] =	vst v9;
	v9 =	vmul.f32 v5, v2;
	v5 =	vand.u32 $0xFFFFFFF9, v12;
	v12 =	vand.u32 $0xFFFFFFFA, v13  }
0x114: {  	v13 =	vand.u32 $0xFFFFFFFB, v10;
	[tilespmem:s7+$0x130] =	vst v16;
	v5 =	vbroadcast v5, $0x0;
	v16 =	vmul.f32 v8, v2;
	v8 =	vld [tilespmem:s7+$0x1C0]  }
0x115: {  	v10 =	vbroadcast v12, $0x0;
	[tilespmem:s7+$0x140] =	vst v9;
	v2 =	vand.u32 $0xFFFFFFFC, v15;
	v15 =	vmul.f32 v14, v1;
	v9 =	vld [tilespmem:s7+$0x1D0]  }
0x116: {  	s4 =	simm.s32 $0xE;
	s19 =	simm.s32 $0x10;
	v11 =	vld [tilespmem:s7+$0x1E0];
	v12 =	vbroadcast v13, $0x0;
	v13 =	vmul.f32 v17, v1;
	v14 =	vand.u32 $0xFFFFFFFD, v18;
	[tilespmem:s7+$0x160] =	vst v16  }
.LBB2_5:
0x117: {  	p0 =	slt.u32 s19, $0x48;
	v2 =	vbroadcast v2, $0x0;
	v16 =	vmov s4;
	[tilespmem:s7+$0x180] =	vst v15;
	v6 =	vmul.f32 v6, v1;
	v15 =	vld [tilespmem:s7+$0x1F0]  }
0x118: {  	v14 =	vbroadcast v14, $0x0;
	v16 =	vand.u32 $0xFFFFFFFE, v16;
	v17 =	vld.idx.msk [tilespmem:v3+s3+$0x0], $0xffff;
	[tilespmem:s7+$0x190] =	vst v13;
	v3 =	vmul.f32 v7, v1  }
0x119: {  	v7 =	vld.idx.msk [tilespmem:v4+s3+$0x0], $0xffff;
	v13 =	vbroadcast v16, $0x0;
	[tilespmem:s7+$0x1A0] =	vst v6;
	v4 =	vmul.f32 v8, v1  }
0x11a: {  	v6 =	vld.idx.msk [tilespmem:v5+s3+$0x0], $0xffff;
	[tilespmem:s7+$0x1B0] =	vst v3;
	v3 =	vmul.f32 v9, v1  }
0x11b: {  	v8 =	vld.idx.msk [tilespmem:v10+s3+$0x0], $0xffff;
	[tilespmem:s7+$0x1C0] =	vst v4;
	v9 =	vmul.f32 v11, v1  }
0x11c: {  	v5 =	vld.idx.msk [tilespmem:v12+s3+$0x0], $0xffff;
	[tilespmem:s7+$0x1D0] =	vst v3;
	v10 =	vmul.f32 v15, v1  }
0x11d: {  	v4 =	vld.idx.msk [tilespmem:v2+s3+$0x0], $0xffff;
	[tilespmem:s7+$0x1E0] =	vst v9  }
0x11e: {  	v1 =	vmov v17;
	v3 =	vld.idx.msk [tilespmem:v14+s3+$0x0], $0xffff;
	[tilespmem:s7+$0x1F0] =	vst v10  }
0x11f: {  	s7 =	sadd.s32 $0x400, s7;
	v2 =	vld.idx.msk [tilespmem:v13+s3+$0x0], $0xffff  }
0x120: {  	v9 =	vld [tilespmem:s7+$0x170]  }
0x121: {  	v10 =	vld [tilespmem:s7+$0xFFFFFE00]  }
0x122: {  	v11 =	vld [tilespmem:s7+$0xFFFFFE10]  }
0x123: {  	v12 =	vld [tilespmem:s7+$0xFFFFFE20]  }
0x124: {  	v13 =	vld [tilespmem:s7+$0xFFFFFE30]  }
0x125: {  	v14 =	vld [tilespmem:s7+$0xFFFFFE40];
	v9 =	vmul.f32 v9, v2  }
0x126: {  	v10 =	vmul.f32 v10, v7;
	v15 =	vld [tilespmem:s7+$0xFFFFFE50]  }
0x127: {  	v11 =	vmul.f32 v11, v7;
	v16 =	vld [tilespmem:s7+$0xFFFFFE60];
	[tilespmem:s7+$0x170] =	vst v9  }
0x128: {  	[tilespmem:s7+$0xFFFFFE00] =	vst v10;
	v9 =	vmul.f32 v12, v7;
	v10 =	vld [tilespmem:s7+$0xFFFFFE70]  }
0x129: {  	[tilespmem:s7+$0xFFFFFE10] =	vst v11;
	v11 =	vmul.f32 v13, v7;
	v12 =	vld [tilespmem:s7+$0xFFFFFE80]  }
0x12a: {  	[tilespmem:s7+$0xFFFFFE20] =	vst v9;
	v9 =	vmul.f32 v14, v7;
	v13 =	vld [tilespmem:s7+$0xFFFFFE90]  }
0x12b: {  	[tilespmem:s7+$0xFFFFFE30] =	vst v11;
	v11 =	vmul.f32 v15, v7;
	v14 =	vld [tilespmem:s7+$0xFFFFFEA0]  }
0x12c: {  	[tilespmem:s7+$0xFFFFFE40] =	vst v9;
	v9 =	vmul.f32 v16, v7;
	v15 =	vld [tilespmem:s7+$0xFFFFFEB0]  }
0x12d: {  	[tilespmem:s7+$0xFFFFFE50] =	vst v11;
	v7 =	vmul.f32 v10, v7;
	v10 =	vld [tilespmem:s7+$0xFFFFFEC0]  }
0x12e: {  	[tilespmem:s7+$0xFFFFFE60] =	vst v9;
	v9 =	vmul.f32 v12, v6;
	v11 =	vld [tilespmem:s7+$0xFFFFFED0]  }
0x12f: {  	[tilespmem:s7+$0xFFFFFE70] =	vst v7;
	v7 =	vmul.f32 v13, v6;
	v12 =	vld [tilespmem:s7+$0xFFFFFEE0]  }
0x130: {  	[tilespmem:s7+$0xFFFFFE80] =	vst v9;
	v9 =	vmul.f32 v14, v6;
	v13 =	vld [tilespmem:s7+$0xFFFFFEF0]  }
0x131: {  	[tilespmem:s7+$0xFFFFFE90] =	vst v7;
	v7 =	vmul.f32 v15, v6;
	v14 =	vld [tilespmem:s7+$0xFFFFFF00]  }
0x132: {  	[tilespmem:s7+$0xFFFFFEA0] =	vst v9;
	v9 =	vmul.f32 v10, v6;
	v10 =	vld [tilespmem:s7+$0xFFFFFF10]  }
0x133: {  	[tilespmem:s7+$0xFFFFFEB0] =	vst v7;
	v7 =	vmul.f32 v11, v6;
	v11 =	vld [tilespmem:s7+$0xFFFFFF20]  }
0x134: {  	[tilespmem:s7+$0xFFFFFEC0] =	vst v9;
	v9 =	vmul.f32 v12, v6;
	v12 =	vld [tilespmem:s7+$0xFFFFFF30]  }
0x135: {  	[tilespmem:s7+$0xFFFFFED0] =	vst v7;
	v6 =	vmul.f32 v13, v6;
	v7 =	vld [tilespmem:s7+$0xFFFFFF40]  }
0x136: {  	[tilespmem:s7+$0xFFFFFEE0] =	vst v9;
	v9 =	vmul.f32 v14, v8;
	v13 =	vld [tilespmem:s7+$0xFFFFFF50]  }
0x137: {  	[tilespmem:s7+$0xFFFFFEF0] =	vst v6;
	v6 =	vmul.f32 v10, v8;
	v10 =	vld [tilespmem:s7+$0xFFFFFF60]  }
0x138: {  	[tilespmem:s7+$0xFFFFFF00] =	vst v9;
	v9 =	vmul.f32 v11, v8;
	v11 =	vld [tilespmem:s7+$0xFFFFFF70]  }
0x139: {  	[tilespmem:s7+$0xFFFFFF10] =	vst v6;
	v6 =	vmul.f32 v12, v8;
	v12 =	vld [tilespmem:s7+$0xFFFFFF80]  }
0x13a: {  	[tilespmem:s7+$0xFFFFFF20] =	vst v9;
	v7 =	vmul.f32 v7, v8;
	v9 =	vld [tilespmem:s7+$0xFFFFFF90]  }
0x13b: {  	[tilespmem:s7+$0xFFFFFF30] =	vst v6;
	v6 =	vmul.f32 v13, v8;
	v13 =	vld [tilespmem:s7+$0xFFFFFFA0]  }
0x13c: {  	[tilespmem:s7+$0xFFFFFF40] =	vst v7;
	v7 =	vmul.f32 v10, v8;
	v10 =	vld [tilespmem:s7+$0xFFFFFFB0]  }
0x13d: {  	[tilespmem:s7+$0xFFFFFF50] =	vst v6;
	v6 =	vmul.f32 v11, v8;
	v8 =	vld [tilespmem:s7+$0xFFFFFFC0]  }
0x13e: {  	[tilespmem:s7+$0xFFFFFF60] =	vst v7;
	v7 =	vmul.f32 v12, v5;
	v11 =	vld [tilespmem:s7+$0xFFFFFFD0]  }
0x13f: {  	[tilespmem:s7+$0xFFFFFF70] =	vst v6;
	v6 =	vmul.f32 v9, v5;
	v9 =	vld [tilespmem:s7+$0xFFFFFFE0]  }
0x140: {  	[tilespmem:s7+$0xFFFFFF80] =	vst v7;
	v7 =	vmul.f32 v13, v5;
	v12 =	vld [tilespmem:s7+$0xFFFFFFF0]  }
0x141: {  	[tilespmem:s7+$0xFFFFFF90] =	vst v6;
	v6 =	vmul.f32 v10, v5;
	v10 =	vld [tilespmem:s7+$0x0]  }
0x142: {  	[tilespmem:s7+$0xFFFFFFA0] =	vst v7;
	v7 =	vmul.f32 v8, v5;
	v8 =	vld [tilespmem:s7+$0x10]  }
0x143: {  	[tilespmem:s7+$0xFFFFFFB0] =	vst v6;
	v6 =	vmul.f32 v11, v5;
	v11 =	vld [tilespmem:s7+$0x20]  }
0x144: {  	[tilespmem:s7+$0xFFFFFFC0] =	vst v7;
	v7 =	vmul.f32 v9, v5;
	v9 =	vld [tilespmem:s7+$0x30]  }
0x145: {  	[tilespmem:s7+$0xFFFFFFD0] =	vst v6;
	v5 =	vmul.f32 v12, v5;
	v6 =	vld [tilespmem:s7+$0x40]  }
0x146: {  	[tilespmem:s7+$0xFFFFFFE0] =	vst v7;
	v7 =	vmul.f32 v10, v4;
	v10 =	vld [tilespmem:s7+$0x50]  }
0x147: {  	[tilespmem:s7+$0xFFFFFFF0] =	vst v5;
	v5 =	vmul.f32 v8, v4;
	v8 =	vld [tilespmem:s7+$0x60]  }
0x148: {  	[tilespmem:s7+$0x0] =	vst v7;
	v7 =	vmul.f32 v11, v4;
	v11 =	vld [tilespmem:s7+$0x70]  }
0x149: {  	[tilespmem:s7+$0x10] =	vst v5;
	v5 =	vmul.f32 v9, v4;
	v9 =	vld [tilespmem:s7+$0x80]  }
0x14a: {  	[tilespmem:s7+$0x20] =	vst v7;
	v6 =	vmul.f32 v6, v4;
	v7 =	vld [tilespmem:s7+$0x90]  }
0x14b: {  	[tilespmem:s7+$0x30] =	vst v5;
	v5 =	vmul.f32 v10, v4;
	v10 =	vld [tilespmem:s7+$0xA0]  }
0x14c: {  	[tilespmem:s7+$0x40] =	vst v6;
	v6 =	vmul.f32 v8, v4;
	v8 =	vld [tilespmem:s7+$0xB0]  }
0x14d: {  	[tilespmem:s7+$0x50] =	vst v5;
	v4 =	vmul.f32 v11, v4;
	v5 =	vld [tilespmem:s7+$0xC0]  }
0x14e: {  	[tilespmem:s7+$0x60] =	vst v6;
	v6 =	vmul.f32 v9, v3;
	v9 =	vld [tilespmem:s7+$0xD0]  }
0x14f: {  	[tilespmem:s7+$0x70] =	vst v4;
	v4 =	vmul.f32 v7, v3;
	v7 =	vld [tilespmem:s7+$0xE0]  }
0x150: {  	[tilespmem:s7+$0x80] =	vst v6;
	v6 =	vmul.f32 v10, v3;
	v10 =	vld [tilespmem:s7+$0xF0]  }
0x151: {  	[tilespmem:s7+$0x90] =	vst v4;
	v4 =	vmul.f32 v8, v3;
	v8 =	vld [tilespmem:s7+$0x100]  }
0x152: {  	[tilespmem:s7+$0xA0] =	vst v6;
	v5 =	vmul.f32 v5, v3;
	v6 =	vld [tilespmem:s7+$0x110]  }
0x153: {  	[tilespmem:s7+$0xB0] =	vst v4;
	v4 =	vmul.f32 v9, v3;
	v9 =	vld [tilespmem:s7+$0x120]  }
0x154: {  	[tilespmem:s7+$0xC0] =	vst v5;
	v5 =	vmul.f32 v7, v3;
	v7 =	vld [tilespmem:s7+$0x130]  }
0x155: {  	[tilespmem:s7+$0xD0] =	vst v4;
	v4 =	vmul.f32 v10, v3;
	v10 =	vld [tilespmem:s7+$0x140]  }
0x156: {  	s4 =	sadd.s32 $0x7, s19;
	v3 =	vmov s19;
	[tilespmem:s7+$0xE0] =	vst v5;
	v5 =	vmul.f32 v8, v2;
	v8 =	vld [tilespmem:s7+$0x150]  }
0x157: {  	s9 =	sadd.s32 $0x1, s19;
	s24 =	sadd.s32 $0x2, s19;
	v11 =	vand.u32 $0xFFFFFFF8, v3;
	v3 =	vmov s4;
	[tilespmem:s7+$0xF0] =	vst v4;
	v4 =	vmul.f32 v6, v2;
	v12 =	vld [tilespmem:s7+$0x160]  }
0x158: {  	v14 =	vmov s24;
	v13 =	vmov s9;
	s9 =	sadd.s32 $0x4, s19;
	s4 =	sadd.s32 $0x3, s19;
	[tilespmem:s7+$0x100] =	vst v5;
	v5 =	vmul.f32 v9, v2;
	v9 =	vld [tilespmem:s7+$0x180]  }
0x159: {  	v16 =	vmov s9;
	v15 =	vmov s4;
	s4 =	sadd.s32 $0x5, s19;
	[tilespmem:s7+$0x110] =	vst v4;
	v7 =	vmul.f32 v7, v2;
	v17 =	vld [tilespmem:s7+$0x190]  }
.Ltmp1:
0x15a: {  	v4 =	vbroadcast v11, $0x0;
	v11 =	vmov s4;
	[tilespmem:s7+$0x120] =	vst v5;
	v10 =	vmul.f32 v10, v2;
	v6 =	vld [tilespmem:s7+$0x1A0];
	(pc) =	sbr.rel @p0 .LBB2_5-.Ltmp1, $4  }
0x15b: {  	v5 =	vand.u32 $0xFFFFFFF9, v13;
	v13 =	vand.u32 $0xFFFFFFFA, v14;
	[tilespmem:s7+$0x130] =	vst v7;
	v14 =	vmul.f32 v8, v2;
	v7 =	vld [tilespmem:s7+$0x1B0]  }
0x15c: {  	v18 =	vand.u32 $0xFFFFFFFB, v15;
	v5 =	vbroadcast v5, $0x0;
	[tilespmem:s7+$0x140] =	vst v10;
	v19 =	vmul.f32 v12, v2;
	v8 =	vld [tilespmem:s7+$0x1C0]  }
0x15d: {  	v10 =	vbroadcast v13, $0x0;
	v2 =	vand.u32 $0xFFFFFFFC, v16;
	[tilespmem:s7+$0x150] =	vst v14;
	v15 =	vmul.f32 v9, v1;
	v9 =	vld [tilespmem:s7+$0x1D0]  }
0x15e: {  	s4 =	sadd.s32 $0x6, s19;
	s19 =	sadd.s32 $0x8, s19;
	v12 =	vbroadcast v18, $0x0;
	v14 =	vand.u32 $0xFFFFFFFD, v11;
	[tilespmem:s7+$0x160] =	vst v19;
	v13 =	vmul.f32 v17, v1;
	v11 =	vld [tilespmem:s7+$0x1E0]  }
0x15f: {  	_ =	sdelay $0x2  }
0x160: {  	v16 =	vld [tilespmem:s7+$0x1F0]  }
0x161: {  	v18 =	vld.idx.msk [tilespmem:v4+s3+$0x0], $0xffff  }
0x162: {  	v23 =	vld.idx.msk [tilespmem:v5+s3+$0x0], $0xffff  }
0x163: {  	v22 =	vbroadcast v2, $0x0;
	v2 =	vmov s4;
	v10 =	vld.idx.msk [tilespmem:v10+s3+$0x0], $0xffff  }
0x164: {  	v17 =	vand.u32 $0xFFFFFFFE, v2;
	v2 =	vld.idx.msk [tilespmem:v3+s3+$0x0], $0xffff  }
0x165: {  	s19 =	sadd.s32 $0x400, s7;
	v12 =	vld.idx.msk [tilespmem:v12+s3+$0x0], $0xffff  }
0x166: {  	v24 =	vld [tilespmem:s19+$0x170]  }
0x167: {  	v26 =	vld [tilespmem:s19+$0xFFFFFE00]  }
0x168: {  	v28 =	vld [tilespmem:s19+$0xFFFFFE10]  }
0x169: {  	[tilespmem:s7+$0x180] =	vst v15;
	v6 =	vmul.f32 v6, v1;
	v30 =	vld [tilespmem:s19+$0xFFFFFE20]  }
0x16a: {  	[tilespmem:s7+$0x190] =	vst v13;
	v7 =	vmul.f32 v7, v1;
	v31 =	vld [tilespmem:s19+$0xFFFFFE30]  }
0x16b: {  	v32 =	vld [tilespmem:s19+$0xFFFFFE40];
	[tilespmem:s7+$0x1A0] =	vst v6;
	v25 =	vmul.f32 v8, v1  }
0x16c: {  	v33 =	vld [tilespmem:s19+$0xFFFFFE50];
	[tilespmem:s7+$0x1B0] =	vst v7;
	v27 =	vmul.f32 v9, v1  }
0x16d: {  	v34 =	vld [tilespmem:s19+$0xFFFFFE60];
	[tilespmem:s7+$0x1C0] =	vst v25;
	v29 =	vmul.f32 v11, v1  }
0x16e: {  	v35 =	vld [tilespmem:s19+$0xFFFFFE70];
	[tilespmem:s7+$0x1D0] =	vst v27;
	v1 =	vmul.f32 v16, v1  }
0x16f: {  	v36 =	vld [tilespmem:s19+$0xFFFFFE80];
	[tilespmem:s7+$0x1E0] =	vst v29;
	v9 =	vmul.f32 v28, v18  }
0x170: {  	v37 =	vld [tilespmem:s19+$0xFFFFFE90];
	[tilespmem:s7+$0x1F0] =	vst v1;
	v1 =	vmul.f32 v26, v18  }
0x171: {  	v39 =	vld [tilespmem:s19+$0xFFFFFEA0];
	v7 =	vmul.f32 v31, v18;
	[tilespmem:s19+$0xFFFFFE10] =	vst v9  }
0x172: {  	v40 =	vld [tilespmem:s19+$0xFFFFFEB0];
	[tilespmem:s19+$0xFFFFFE00] =	vst v1;
	v1 =	vmul.f32 v30, v18  }
0x173: {  	v42 =	vld [tilespmem:s19+$0xFFFFFEC0];
	v38 =	vmul.f32 v33, v18;
	[tilespmem:s19+$0xFFFFFE30] =	vst v7  }
0x174: {  	v43 =	vld [tilespmem:s19+$0xFFFFFED0];
	[tilespmem:s19+$0xFFFFFE20] =	vst v1;
	v1 =	vmul.f32 v32, v18  }
0x175: {  	v44 =	vld [tilespmem:s19+$0xFFFFFEE0];
	v41 =	vmul.f32 v35, v18;
	[tilespmem:s19+$0xFFFFFE50] =	vst v38  }
0x176: {  	v45 =	vld [tilespmem:s19+$0xFFFFFEF0];
	[tilespmem:s19+$0xFFFFFE40] =	vst v1;
	v1 =	vmul.f32 v34, v18  }
0x177: {  	v47 =	vld [tilespmem:s19+$0xFFFFFF00];
	v6 =	vmul.f32 v37, v23;
	[tilespmem:s19+$0xFFFFFE70] =	vst v41  }
0x178: {  	v48 =	vld [tilespmem:s19+$0xFFFFFF10];
	[tilespmem:s19+$0xFFFFFE60] =	vst v1;
	v1 =	vmul.f32 v36, v23  }
0x179: {  	v50 =	vld [tilespmem:s19+$0xFFFFFF20];
	v46 =	vmul.f32 v40, v23;
	[tilespmem:s19+$0xFFFFFE90] =	vst v6  }
0x17a: {  	v51 =	vld [tilespmem:s19+$0xFFFFFF30];
	[tilespmem:s19+$0xFFFFFE80] =	vst v1;
	v1 =	vmul.f32 v39, v23  }
0x17b: {  	v53 =	vld [tilespmem:s19+$0xFFFFFF40];
	v49 =	vmul.f32 v43, v23;
	[tilespmem:s19+$0xFFFFFEB0] =	vst v46  }
0x17c: {  	v54 =	vld [tilespmem:s19+$0xFFFFFF50];
	[tilespmem:s19+$0xFFFFFEA0] =	vst v1;
	v1 =	vmul.f32 v42, v23  }
0x17d: {  	v56 =	vld [tilespmem:s19+$0xFFFFFF60];
	v52 =	vmul.f32 v45, v23;
	[tilespmem:s19+$0xFFFFFED0] =	vst v49  }
0x17e: {  	v57 =	vld [tilespmem:s19+$0xFFFFFF70];
	[tilespmem:s19+$0xFFFFFEC0] =	vst v1;
	v1 =	vmul.f32 v44, v23  }
0x17f: {  	v14 =	vbroadcast v14, $0x0;
	v59 =	vld [tilespmem:s19+$0xFFFFFF80];
	v55 =	vmul.f32 v48, v10;
	[tilespmem:s19+$0xFFFFFEF0] =	vst v52  }
0x180: {  	v60 =	vld [tilespmem:s19+$0xFFFFFF90];
	[tilespmem:s19+$0xFFFFFEE0] =	vst v1;
	v1 =	vmul.f32 v47, v10  }
0x181: {  	v62 =	vld [tilespmem:s19+$0xFFFFFFA0];
	v58 =	vmul.f32 v51, v10;
	[tilespmem:s19+$0xFFFFFF10] =	vst v55  }
0x182: {  	v63 =	vld [tilespmem:s19+$0xFFFFFFB0];
	v3 =	vbroadcast v17, $0x0;
	[tilespmem:s19+$0xFFFFFF00] =	vst v1;
	v1 =	vmul.f32 v50, v10  }
0x183: {  	v15 =	vld [tilespmem:s19+$0xFFFFFFC0];
	v61 =	vmul.f32 v54, v10;
	[tilespmem:s19+$0xFFFFFF30] =	vst v58  }
0x184: {  	v19 =	vld [tilespmem:s19+$0xFFFFFFF0];
	[tilespmem:s19+$0xFFFFFF20] =	vst v1;
	v1 =	vmul.f32 v53, v10  }
0x185: {  	v4 =	vld.idx.msk [tilespmem:v14+s3+$0x0], $0xffff;
	v14 =	vmul.f32 v57, v10;
	[tilespmem:s19+$0xFFFFFF50] =	vst v61  }
0x186: {  	v5 =	vld.idx.msk [tilespmem:v22+s3+$0x0], $0xffff;
	[tilespmem:s19+$0xFFFFFF40] =	vst v1;
	v1 =	vmul.f32 v56, v10  }
0x187: {  	v17 =	vmul.f32 v60, v12;
	v22 =	vld [tilespmem:s19+$0x10];
	[tilespmem:s19+$0xFFFFFF70] =	vst v14  }
0x188: {  	v3 =	vld.idx.msk [tilespmem:v3+s3+$0x0], $0xffff;
	[tilespmem:s19+$0xFFFFFF60] =	vst v1;
	v1 =	vmul.f32 v59, v12  }
0x189: {  	v20 =	vmul.f32 v63, v12;
	[tilespmem:s19+$0xFFFFFF90] =	vst v17;
	v18 =	vld [tilespmem:s19+$0xFFFFFFE0]  }
0x18a: {  	v25 =	vld [tilespmem:s19+$0x30];
	[tilespmem:s19+$0xFFFFFF80] =	vst v1;
	v1 =	vmul.f32 v62, v12  }
0x18b: {  	v21 =	vld [tilespmem:s19+$0x0];
	v26 =	vmul.f32 v19, v12;
	[tilespmem:s19+$0xFFFFFFB0] =	vst v20  }
0x18c: {  	v28 =	vld [tilespmem:s19+$0x50];
	[tilespmem:s19+$0xFFFFFFA0] =	vst v1;
	v1 =	vmul.f32 v15, v12  }
0x18d: {  	[tilespmem:s19+$0xFFFFFFF0] =	vst v26;
	v29 =	vmul.f32 v22, v5;
	v13 =	vmul.f32 v24, v3;
	v24 =	vld [tilespmem:s19+$0x20]  }
0x18e: {  	v37 =	vld [tilespmem:s19+$0xB0];
	[tilespmem:s19+$0xFFFFFFC0] =	vst v1;
	v1 =	vmul.f32 v18, v12  }
0x18f: {  	v27 =	vld [tilespmem:s19+$0x40];
	v32 =	vmul.f32 v25, v5;
	[tilespmem:s19+$0x10] =	vst v29  }
0x190: {  	[tilespmem:s19+$0xFFFFFFE0] =	vst v1;
	v1 =	vmul.f32 v21, v5  }
0x191: {  	v30 =	vld [tilespmem:s19+$0x60];
	v35 =	vmul.f32 v28, v5;
	[tilespmem:s19+$0x30] =	vst v32  }
0x192: {  	v45 =	vld [tilespmem:s19+$0x110];
	[tilespmem:s19+$0x0] =	vst v1;
	v1 =	vmul.f32 v24, v5  }
0x193: {  	v33 =	vld [tilespmem:s19+$0x80];
	v43 =	vmul.f32 v37, v4;
	[tilespmem:s19+$0x50] =	vst v35  }
0x194: {  	v48 =	vld [tilespmem:s19+$0x130];
	[tilespmem:s19+$0x20] =	vst v1;
	v1 =	vmul.f32 v27, v5  }
0x195: {  	[tilespmem:s19+$0xB0] =	vst v43;
	v36 =	vld [tilespmem:s19+$0xA0]  }
0x196: {  	v34 =	vld [tilespmem:s19+$0x90];
	[tilespmem:s19+$0x40] =	vst v1;
	v1 =	vmul.f32 v30, v5  }
0x197: {  	v38 =	vld [tilespmem:s19+$0xC0];
	v51 =	vmul.f32 v45, v3;
	[tilespmem:s19+$0x170] =	vst v13  }
0x198: {  	v16 =	vld [tilespmem:s19+$0xFFFFFFD0];
	[tilespmem:s19+$0x60] =	vst v1;
	v1 =	vmul.f32 v33, v4  }
0x199: {  	v41 =	vld [tilespmem:s19+$0xE0];
	v54 =	vmul.f32 v48, v3;
	[tilespmem:s19+$0x110] =	vst v51  }
0x19a: {  	v39 =	vld [tilespmem:s19+$0xD0];
	[tilespmem:s19+$0x80] =	vst v1;
	v1 =	vmul.f32 v36, v4  }
0x19b: {  	[tilespmem:s19+$0x130] =	vst v54;
	v40 =	vmul.f32 v34, v4;
	v44 =	vld [tilespmem:s19+$0x100]  }
0x19c: {  	v50 =	vld [tilespmem:s19+$0x150];
	[tilespmem:s19+$0xA0] =	vst v1;
	v1 =	vmul.f32 v38, v4  }
0x19d: {  	[tilespmem:s19+$0x90] =	vst v40;
	v23 =	vmul.f32 v16, v12;
	v47 =	vld [tilespmem:s19+$0x120]  }
0x19e: {  	v53 =	vld [tilespmem:s19+$0x180];
	[tilespmem:s19+$0xC0] =	vst v1;
	v1 =	vmul.f32 v41, v4  }
0x19f: {  	v49 =	vld [tilespmem:s19+$0x140];
	v46 =	vmul.f32 v39, v4;
	[tilespmem:s19+$0xFFFFFFD0] =	vst v23  }
0x1a0: {  	v56 =	vld [tilespmem:s19+$0x1A0];
	[tilespmem:s19+$0xE0] =	vst v1;
	v1 =	vmul.f32 v44, v3  }
0x1a1: {  	v52 =	vld [tilespmem:s19+$0x160];
	[tilespmem:s19+$0xD0] =	vst v46;
	v57 =	vmul.f32 v50, v3  }
0x1a2: {  	v31 =	vld [tilespmem:s19+$0x70];
	[tilespmem:s19+$0x100] =	vst v1;
	v1 =	vmul.f32 v47, v3  }
0x1a3: {  	v55 =	vld [tilespmem:s19+$0x190];
	[tilespmem:s19+$0x150] =	vst v57;
	v59 =	vmul.f32 v53, v2  }
0x1a4: {  	v42 =	vld [tilespmem:s19+$0xF0];
	[tilespmem:s19+$0x120] =	vst v1;
	v1 =	vmul.f32 v49, v3  }
0x1a5: {  	v58 =	vld [tilespmem:s19+$0x1B0];
	[tilespmem:s19+$0x180] =	vst v59;
	v62 =	vmul.f32 v56, v2  }
0x1a6: {  	[tilespmem:s19+$0x140] =	vst v1;
	v1 =	vmul.f32 v52, v3;
	v3 =	vld [tilespmem:s19+$0x1C0]  }
0x1a7: {  	s24 =	smul.u32 $0xAB, s31;
	v60 =	vld [tilespmem:s19+$0x1D0];
	[tilespmem:s19+$0x1A0] =	vst v62;
	v5 =	vmul.f32 v31, v5  }
0x1a8: {  	v61 =	vld [tilespmem:s19+$0x1E0];
	[tilespmem:s19+$0x160] =	vst v1;
	v1 =	vmul.f32 v55, v2  }
0x1a9: {  	v63 =	vld [tilespmem:s19+$0x1F0];
	s7 =	sshrl.u32 s24, $0x9;
	[tilespmem:s19+$0x70] =	vst v5;
	v4 =	vmul.f32 v42, v4  }
0x1aa: {  	s7 =	sand.u32 $0x7F, s7;
	[tilespmem:s19+$0x190] =	vst v1;
	v1 =	vmul.f32 v58, v2  }
0x1ab: {  	s7 =	smul.u32 $0x3, s7;
	[tilespmem:s19+$0xF0] =	vst v4;
	v3 =	vmul.f32 v3, v2  }
0x1ac: {  	[tilespmem:s19+$0x1B0] =	vst v1;
	v1 =	vmul.f32 v60, v2  }
0x1ad: {  	s7 =	ssub.s32 s31, s7;
	[tilespmem:s19+$0x1C0] =	vst v3;
	v3 =	vmul.f32 v61, v2  }
0x1ae: {  	p0 =	sne.s32 s31, $0x0;
	s7 =	sand.u32 $0xFF, s7;
	[tilespmem:s19+$0x1D0] =	vst v1;
	v1 =	vmul.f32 v63, v2  }
.Ltmp2:
0x1af: {  	s24 =	sshll.u32 s7, $0x7;
	[tilespmem:s19+$0x1E0] =	vst v3;
	(pc) =	sbr.rel @!p0 .LBB2_7-.Ltmp2, $4  }
0x1b0: {  	s25 =	sor.u32 $0x200, s24;
	[tilespmem:s19+$0x1F0] =	vst v1  }
0x1b1: {  	[spmem:s14] =	stream.indirect.scatter.add.f32 [tilespmem:s3], [sflag:$0x9], $0x1, s25, s15, $0xb8;
	[tilespmem:$0x1FB00] =	vst v63  }
0x1b2: {  	s6 =	simm.s32 $0x580  }
0x1b3: {  	[spmem:s13] =	stream.indirect.scatter.add.f32 [tilespmem:s6], [sflag:$0x5], $0x80, s25, s15, $0xb8;
	[tilespmem:$0x1FB00] =	vst v63  }
0x1b4: {  	s4 =	simm.s32 $0x7  }
0x1b5: {  	p1 =	sne.s32 s7, $0x0;
	_ =	swait.ge [sflag:s4], $0x2800  }
.Ltmp3:
0x1b6: {  	[sflag:s4] =	ssyncset.done $0x0;
	(pc) =	sbr.rel @p1 .LBB2_11-.Ltmp3, $4  }
0x1b7: {  	s25 =	simm.s32 $0xB;
	[sflag:s4] =	ssyncadd.s32 $0xFFFFD800  }
0x1b8: {  	_ =	swait.ge [sflag:s25], $0x50  }
0x1b9: {  	[sflag:s25] =	ssyncset.done $0x0  }
0x1ba: {  	p0 =	por $0x0, $0x0;
	[sflag:s25] =	ssyncadd.s32 $0xFFFFFFB0  }
.Ltmp4:
0x1bb: {  	(pc) =	sbr.rel .LBB2_10-.Ltmp4, $2  }
0x1bc: {  	_ =	sdelay $0x2  }
0x1bd: {  	p0 =	por $0x1, $0x1  }
.LBB2_7:
0x1be: {  	p0 =	seq.s32 s7, $0x0  }
.LBB2_10:
0x1bf: {  	s4 =	smulhi.u32 $0xAAAAAAAB, s31  }
0x1c0: {  	s6 =	sld [smem:$0x7FC]  }
0x1c1: {  	s4 =	sshll.u32 s4, $0x8  }
0x1c2: {  	s4 =	sand.u32 $0xFFFFFE00, s4  }
0x1c3: {  	s4 =	sadd.s32 s4, s6  }
0x1c4: {  	s4 =	sshrl.u32 s4, $0x3  }
0x1c5: {  	s19 =	simm.s32 $0x0;
	s9 =	simm.s32 $0x5B00;
	s7 =	sadd.s32 s17, s4  }
0x1c6: {  	[tilespmem:s9], [sflag:$0xD] =	stream.linear.gather [hbm4b:s7+s19], $0x180, $0x38;
	[tilespmem:$0x1FB00] =	vst v63  }
0x1c7: {  	_ =	swait.ge [sflag:s10], $0x180  }
0x1c8: {  	[sflag:s10] =	ssyncset.done $0x0  }
0x1c9: {  	s25 =	simm.s32 $0x5D00;
	s4 =	sadd.s32 s18, s4;
	[sflag:s10] =	ssyncadd.s32 $0xFFFFFE80  }
0x1ca: {  	[tilespmem:s25], [sflag:$0xD] =	stream.linear.gather [hbm4b:s4+s19], $0x180, $0x38;
	[tilespmem:$0x1FB00] =	vst v63  }
0x1cb: {  	_ =	swait.ge [sflag:s10], $0x180  }
0x1cc: {  	[sflag:s10] =	ssyncset.done $0x0  }
0x1cd: {  	[sflag:s10] =	ssyncadd.s32 $0xFFFFFE80  }
.LBB2_11:
0x1ce: {  	s4 =	sadd.s32 $0x5B00, s24  }
0x1cf: {  	[tilespmem:s11], [sflag:$0x3] =	stream.indirect.gather [hbm4b:s0+s15], $0x80, s4, s15, $0xb8;
	[tilespmem:$0x1FB00] =	vst v63  }
0x1d0: {  	s6 =	simm.s32 $0x5F00  }
0x1d1: {  	[tilespmem:s6], [sflag:$0x3] =	stream.indirect.gather [hbm4b:s1+s15], $0x1, s4, s15, $0xb8;
	[tilespmem:$0x1FB00] =	vst v63  }
0x1d2: {  	s7 =	sadd.s32 $0x5D00, s24;
	s19 =	simm.s32 $0x5F80  }
0x1d3: {  	[tilespmem:s19], [sflag:$0x3] =	stream.indirect.gather [hbm4b:s2+s15], $0x1, s7, s15, $0xb8;
	[tilespmem:$0x1FB00] =	vst v63  }
0x1d4: {  	_ =	swait.ge [sflag:s20], $0x2800  }
0x1d5: {  	[sflag:s20] =	ssyncset.done $0x0  }
0x1d6: {  	[sflag:s20] =	ssyncadd.s32 $0xFFFFD800  }
0x1d7: {  	_ =	swait.ge [sflag:s20], $0x50  }
0x1d8: {  	[sflag:s20] =	ssyncset.done $0x0  }
0x1d9: {  	[sflag:s20] =	ssyncadd.s32 $0xFFFFFFB0  }
0x1da: {  	_ =	swait.ge [sflag:s20], $0x50  }
0x1db: {  	[sflag:s20] =	ssyncset.done $0x0  }
0x1dc: {  	[sflag:s20] =	ssyncadd.s32 $0xFFFFFFB0  }
0x1dd: {  	v1 =	vld [tilespmem:$0x3180]  }
0x1de: {  	v2 =	vld [tilespmem:$0x3200]  }
0x1df: {  	v3 =	vld [tilespmem:$0x3190]  }
0x1e0: {  	v4 =	vld [tilespmem:$0x3210]  }
0x1e1: {  	v5 =	vld [tilespmem:$0x31A0]  }
0x1e2: {  	v6 =	vld [tilespmem:$0x3220]  }
0x1e3: {  	v7 =	vld [tilespmem:$0x3230];
	v1 =	vadd.f32 v2, v1  }
0x1e4: {  	v9 =	vld [tilespmem:$0x31C0]  }
0x1e5: {  	v2 =	vld [tilespmem:$0x31B0];
	v8 =	vmul.f32 $2.000000030e-01, v1  }
0x1e6: {  	v10 =	vld [tilespmem:$0x3240];
	vm0 =	vgt.f32 v1, $0.0e+00  }
0x1e7: {  	v3 =	vadd.f32 v4, v3;
	v1 =	vsel vm0, v1, v8  }
0x1e8: {  	v1 =	vmul.f32 $1.442695020e+00, v1  }
0x1e9: {  	v5 =	vadd.f32 v6, v5;
	v4 =	vmul.f32 $2.000000030e-01, v3  }
0x1ea: {  	vm12 =	vgt.f32 v3, $0.0e+00;
	(erf) = vpow2.f32 v1;
	v1 =	vadd.f32 v7, v2  }
0x1eb: {  	v2 =	vsel vm12, v3, v4;
	v3 =	vmul.f32 $2.000000030e-01, v5;
	v4 =	vadd.f32 v10, v9  }
0x1ec: {  	vm13 =	vgt.f32 v5, $0.0e+00;
	v2 =	vmul.f32 $1.442695020e+00, v2;
	v6 =	vmul.f32 $2.000000030e-01, v1  }
0x1ed: {  	v3 =	vsel vm13, v5, v3;
	vm14 =	vgt.f32 v1, $0.0e+00;
	v5 =	vmul.f32 $2.000000030e-01, v4  }
0x1ee: {  	vm15 =	vgt.f32 v4, $0.0e+00;
	v3 =	vmul.f32 $1.442695020e+00, v3;
	v1 =	vsel vm14, v1, v6  }
0x1ef: {  	(erf) = vpow2.f32 v2;
	v2 =	vsel vm15, v4, v5;
	v1 =	vmul.f32 $1.442695020e+00, v1  }
0x1f0: {  	(erf) = vpow2.f32 v3;
	v2 =	vmul.f32 $1.442695020e+00, v2  }
0x1f1: {  	(erf) = vpow2.f32 v1  }
0x1f2: {  	(erf) = vpow2.f32 v2;
	_ =	sdelay $0x1  }
0x1f3: {  	s25 =	simm.s32 $0x0  }
0x1f4: {  	s6 =	simm.s32 $0x6;
	v1 =	vmov s25  }
0x1f5: {  	v1 =	vand.u32 $0xFFFFFFF8, v1;
	v2 =	vmov s6  }
0x1f6: {  	v3 =	vpop (erf);
	v1 =	vbroadcast v1, $0x0;
	v2 =	vand.u32 $0xFFFFFFFE, v2  }
0x1f7: {  	[tilespmem:$0x3280] =	vst v3;
	v2 =	vbroadcast v2, $0x0;
	v4 =	vpop (erf)  }
0x1f8: {  	[tilespmem:$0x3290] =	vst v4;
	v3 =	vpop (erf)  }
0x1f9: {  	[tilespmem:$0x32A0] =	vst v3;
	v4 =	vpop (erf)  }
0x1fa: {  	[tilespmem:$0x32B0] =	vst v4;
	v3 =	vpop (erf)  }
0x1fb: {  	[tilespmem:$0x32C0] =	vst v3  }
0x1fc: {  	v1 =	vld.idx.msk [tilespmem:v1+s21+$0x0], $0xffff  }
0x1fd: {  	s25 =	simm.s32 $0x3500;
	v2 =	vld.idx.msk [tilespmem:v2+s21+$0x0], $0xffff  }
0x1fe: {  	v4 =	vld [tilespmem:s25+$0x170]  }
0x1ff: {  	v5 =	vld [tilespmem:s25+$0xFFFFFE00]  }
0x200: {  	v6 =	vld [tilespmem:s25+$0xFFFFFE10]  }
0x201: {  	v7 =	vld [tilespmem:s25+$0xFFFFFE20]  }
0x202: {  	s9 =	simm.s32 $0x1;
	v8 =	vld [tilespmem:s25+$0xFFFFFE30]  }
0x203: {  	v3 =	vmov s9;
	v9 =	vld [tilespmem:s25+$0xFFFFFE40]  }
0x204: {  	v3 =	vand.u32 $0xFFFFFFF9, v3;
	v10 =	vld [tilespmem:s25+$0xFFFFFE50]  }
0x205: {  	v11 =	vld [tilespmem:s25+$0xFFFFFE60];
	v3 =	vbroadcast v3, $0x0  }
0x206: {  	v12 =	vld [tilespmem:s25+$0xFFFFFE70]  }
0x207: {  	v13 =	vld [tilespmem:s25+$0xFFFFFE80]  }
0x208: {  	v14 =	vld [tilespmem:s25+$0xFFFFFE90]  }
0x209: {  	v15 =	vld [tilespmem:s25+$0xFFFFFEA0];
	v5 =	vmul.f32 v5, v1  }
0x20a: {  	v16 =	vld [tilespmem:s25+$0xFFFFFEB0];
	v4 =	vmul.f32 v4, v2  }
0x20b: {  	v8 =	vmul.f32 v8, v1;
	v3 =	vld.idx.msk [tilespmem:v3+s21+$0x0], $0xffff;
	[tilespmem:s25+$0xFFFFFE00] =	vst v5  }
0x20c: {  	s16 =	simm.s32 $0x2;
	v9 =	vmul.f32 v9, v1;
	[tilespmem:s25+$0x170] =	vst v4;
	v4 =	vmul.f32 v7, v1;
	v7 =	vld [tilespmem:s25+$0xFFFFFEC0]  }
0x20d: {  	v6 =	vmul.f32 v6, v1;
	v5 =	vmov s16;
	[tilespmem:s25+$0xFFFFFE30] =	vst v8;
	v8 =	vmul.f32 v10, v1;
	v10 =	vld [tilespmem:s25+$0xFFFFFEF0]  }
0x20e: {  	[tilespmem:s25+$0xFFFFFE40] =	vst v9;
	v9 =	vmul.f32 v11, v1;
	v11 =	vld [tilespmem:s25+$0xFFFFFF00];
	v5 =	vand.u32 $0xFFFFFFFA, v5  }
0x20f: {  	[tilespmem:s25+$0xFFFFFE10] =	vst v6;
	v1 =	vmul.f32 v12, v1;
	v12 =	vld [tilespmem:s25+$0xFFFFFF20];
	v5 =	vbroadcast v5, $0x0  }
0x210: {  	[tilespmem:s25+$0xFFFFFE20] =	vst v4;
	v4 =	vld [tilespmem:s25+$0xFFFFFEE0]  }
0x211: {  	[tilespmem:s25+$0xFFFFFE50] =	vst v8;
	v8 =	vld [tilespmem:s25+$0xFFFFFF10]  }
0x212: {  	[tilespmem:s25+$0xFFFFFE60] =	vst v9;
	v6 =	vmul.f32 v13, v3;
	v13 =	vld [tilespmem:s25+$0xFFFFFED0]  }
0x213: {  	[tilespmem:s25+$0xFFFFFE70] =	vst v1;
	v9 =	vmul.f32 v14, v3;
	v14 =	vld [tilespmem:s25+$0xFFFFFF30]  }
0x214: {  	s19 =	simm.s32 $0x3;
	v1 =	vmul.f32 v15, v3;
	v15 =	vld [tilespmem:s25+$0xFFFFFF40];
	v7 =	vmul.f32 v7, v3;
	[tilespmem:s25+$0xFFFFFE80] =	vst v6  }
0x215: {  	v6 =	vmov s19;
	[tilespmem:s25+$0xFFFFFE90] =	vst v9;
	v9 =	vmul.f32 v16, v3;
	v5 =	vld.idx.msk [tilespmem:v5+s21+$0x0], $0xffff  }
0x216: {  	[tilespmem:s25+$0xFFFFFEC0] =	vst v7;
	v7 =	vld [tilespmem:s25+$0xFFFFFF70];
	v6 =	vand.u32 $0xFFFFFFFB, v6  }
0x217: {  	v6 =	vbroadcast v6, $0x0;
	[tilespmem:s25+$0xFFFFFEB0] =	vst v9;
	v9 =	vld [tilespmem:s25+$0xFFFFFF60];
	v13 =	vmul.f32 v13, v3  }
0x218: {  	[tilespmem:s25+$0xFFFFFEA0] =	vst v1;
	v4 =	vmul.f32 v4, v3;
	v3 =	vmul.f32 v10, v3;
	v10 =	vld [tilespmem:s25+$0xFFFFFF80]  }
0x219: {  	[tilespmem:s25+$0xFFFFFED0] =	vst v13;
	v13 =	vld [tilespmem:s25+$0xFFFFFFB0]  }
0x21a: {  	[tilespmem:s25+$0xFFFFFEE0] =	vst v4;
	v1 =	vmul.f32 v11, v5;
	v11 =	vld [tilespmem:s25+$0xFFFFFF50]  }
0x21b: {  	[tilespmem:s25+$0xFFFFFEF0] =	vst v3;
	v4 =	vmul.f32 v8, v5;
	v8 =	vld [tilespmem:s25+$0xFFFFFF90]  }
0x21c: {  	s6 =	simm.s32 $0x4;
	v3 =	vmul.f32 v12, v5;
	v12 =	vld [tilespmem:s25+$0xFFFFFFA0];
	[tilespmem:s25+$0xFFFFFF00] =	vst v1  }
0x21d: {  	v9 =	vmul.f32 v9, v5;
	v6 =	vld.idx.msk [tilespmem:v6+s21+$0x0], $0xffff;
	v1 =	vmov s6;
	[tilespmem:s25+$0xFFFFFF10] =	vst v4  }
0x21e: {  	v4 =	vmul.f32 v14, v5;
	[tilespmem:s25+$0xFFFFFF20] =	vst v3;
	v3 =	vmul.f32 v15, v5;
	v14 =	vld [tilespmem:s25+$0xFFFFFFC0];
	v1 =	vand.u32 $0xFFFFFFFC, v1  }
0x21f: {  	[tilespmem:s25+$0xFFFFFF60] =	vst v9;
	v9 =	vld [tilespmem:s25+$0x0];
	v1 =	vbroadcast v1, $0x0  }
0x220: {  	[tilespmem:s25+$0xFFFFFF40] =	vst v3;
	v3 =	vld [tilespmem:s25+$0xFFFFFFE0];
	v11 =	vmul.f32 v11, v5  }
0x221: {  	[tilespmem:s25+$0xFFFFFF30] =	vst v4;
	v5 =	vmul.f32 v7, v5;
	v7 =	vld [tilespmem:s25+$0xFFFFFFF0]  }
0x222: {  	v4 =	vmul.f32 v10, v6;
	v10 =	vld [tilespmem:s25+$0xFFFFFFD0];
	[tilespmem:s25+$0xFFFFFF50] =	vst v11  }
0x223: {  	v8 =	vmul.f32 v8, v6;
	[tilespmem:s25+$0xFFFFFF70] =	vst v5;
	v11 =	vld [tilespmem:s25+$0x10]  }
0x224: {  	s9 =	simm.s32 $0x5;
	v5 =	vmul.f32 v12, v6;
	v12 =	vld [tilespmem:s25+$0x20];
	[tilespmem:s25+$0xFFFFFF80] =	vst v4  }
0x225: {  	v4 =	vmov s9;
	[tilespmem:s25+$0xFFFFFF90] =	vst v8;
	v8 =	vmul.f32 v13, v6;
	v1 =	vld.idx.msk [tilespmem:v1+s21+$0x0], $0xffff  }
0x226: {  	[tilespmem:s25+$0xFFFFFFA0] =	vst v5;
	v5 =	vmul.f32 v14, v6;
	v13 =	vld [tilespmem:s25+$0x30];
	v4 =	vand.u32 $0xFFFFFFFD, v4  }
0x227: {  	v4 =	vbroadcast v4, $0x0;
	[tilespmem:s25+$0xFFFFFFB0] =	vst v8;
	v8 =	vmul.f32 v10, v6;
	v10 =	vld [tilespmem:s25+$0x40]  }
0x228: {  	v3 =	vmul.f32 v3, v6;
	[tilespmem:s25+$0xFFFFFFC0] =	vst v5;
	v6 =	vmul.f32 v7, v6;
	v7 =	vld [tilespmem:s25+$0x80]  }
0x229: {  	[tilespmem:s25+$0xFFFFFFD0] =	vst v8;
	v8 =	vld [tilespmem:s25+$0x60]  }
0x22a: {  	[tilespmem:s25+$0xFFFFFFE0] =	vst v3;
	v5 =	vmul.f32 v9, v1;
	v9 =	vld [tilespmem:s25+$0x50]  }
0x22b: {  	[tilespmem:s25+$0xFFFFFFF0] =	vst v6;
	v3 =	vmul.f32 v11, v1;
	v6 =	vmul.f32 v12, v1;
	v11 =	vld [tilespmem:s25+$0x90]  }
0x22c: {  	[tilespmem:s25+$0x0] =	vst v5;
	v5 =	vld [tilespmem:s25+$0x70]  }
0x22d: {  	v4 =	vld.idx.msk [tilespmem:v4+s21+$0x0], $0xffff;
	[tilespmem:s25+$0x20] =	vst v6;
	v6 =	vmul.f32 v10, v1  }
0x22e: {  	[tilespmem:s25+$0x10] =	vst v3;
	v3 =	vmul.f32 v13, v1;
	v10 =	vld [tilespmem:s25+$0xA0]  }
0x22f: {  	[tilespmem:s25+$0x40] =	vst v6;
	v6 =	vmul.f32 v8, v1;
	v8 =	vld [tilespmem:s25+$0xC0]  }
0x230: {  	[tilespmem:s25+$0x30] =	vst v3;
	v3 =	vmul.f32 v9, v1;
	v9 =	vld [tilespmem:s25+$0xB0]  }
0x231: {  	[tilespmem:s25+$0x60] =	vst v6;
	v6 =	vld [tilespmem:s25+$0xE0];
	v5 =	vmul.f32 v5, v1  }
0x232: {  	[tilespmem:s25+$0x50] =	vst v3;
	v3 =	vmul.f32 v7, v4;
	v7 =	vld [tilespmem:s25+$0xD0]  }
0x233: {  	v11 =	vmul.f32 v11, v4;
	[tilespmem:s25+$0x70] =	vst v5;
	v5 =	vld [tilespmem:s25+$0xF0]  }
0x234: {  	[tilespmem:s25+$0x80] =	vst v3;
	v3 =	vmul.f32 v10, v4;
	v10 =	vld [tilespmem:s25+$0x100]  }
0x235: {  	[tilespmem:s25+$0x90] =	vst v11;
	v11 =	vld [tilespmem:s25+$0x150];
	v9 =	vmul.f32 v9, v4  }
0x236: {  	s16 =	simm.s32 $0x7;
	[tilespmem:s25+$0xA0] =	vst v3;
	v3 =	vmul.f32 v8, v4;
	v8 =	vld [tilespmem:s25+$0x110]  }
0x237: {  	v14 =	vld [tilespmem:s25+$0x180];
	v12 =	vmov s16;
	[tilespmem:s25+$0xB0] =	vst v9;
	v7 =	vmul.f32 v7, v4  }
0x238: {  	v9 =	vld [tilespmem:s25+$0x120];
	[tilespmem:s25+$0xC0] =	vst v3;
	v3 =	vmul.f32 v6, v4  }
0x239: {  	s16 =	simm.s32 $0xC;
	v6 =	vld [tilespmem:s25+$0x130];
	[tilespmem:s25+$0xD0] =	vst v7;
	v4 =	vmul.f32 v5, v4  }
0x23a: {  	s19 =	simm.s32 $0x8;
	v15 =	vmov s16;
	v5 =	vld [tilespmem:s25+$0x140];
	v10 =	vmul.f32 v10, v2;
	[tilespmem:s25+$0xE0] =	vst v3  }
0x23b: {  	s6 =	simm.s32 $0xF;
	s9 =	simm.s32 $0x9;
	v7 =	vmov s19;
	v11 =	vmul.f32 v11, v2;
	[tilespmem:s25+$0xF0] =	vst v4;
	v4 =	vmul.f32 v8, v2;
	v8 =	vld [tilespmem:s25+$0x160]  }
0x23c: {  	v1 =	vld.idx.msk [tilespmem:v12+s21+$0x0], $0xffff;
	v12 =	vmov s9;
	s9 =	simm.s32 $0xB;
	s19 =	simm.s32 $0xA;
	v7 =	vand.u32 $0xFFFFFFF8, v7;
	v3 =	vmov s6;
	[tilespmem:s25+$0x100] =	vst v10  }
0x23d: {  	v17 =	vld [tilespmem:s25+$0x190];
	v13 =	vmov s19;
	s19 =	simm.s32 $0xD;
	v10 =	vmov s9;
	[tilespmem:s25+$0x150] =	vst v11;
	v9 =	vmul.f32 v9, v2  }
0x23e: {  	v18 =	vmov s19;
	[tilespmem:s25+$0x110] =	vst v4;
	v16 =	vmul.f32 v6, v2;
	v4 =	vbroadcast v7, $0x0;
	v6 =	vld [tilespmem:s25+$0x1A0]  }
0x23f: {  	v7 =	vld [tilespmem:s25+$0x1B0];
	[tilespmem:s25+$0x120] =	vst v9;
	v9 =	vmul.f32 v5, v2;
	v5 =	vand.u32 $0xFFFFFFF9, v12;
	v12 =	vand.u32 $0xFFFFFFFA, v13  }
0x240: {  	v13 =	vand.u32 $0xFFFFFFFB, v10;
	[tilespmem:s25+$0x130] =	vst v16;
	v5 =	vbroadcast v5, $0x0;
	v16 =	vmul.f32 v8, v2;
	v8 =	vld [tilespmem:s25+$0x1C0]  }
0x241: {  	v10 =	vbroadcast v12, $0x0;
	[tilespmem:s25+$0x140] =	vst v9;
	v2 =	vand.u32 $0xFFFFFFFC, v15;
	v15 =	vmul.f32 v14, v1;
	v9 =	vld [tilespmem:s25+$0x1D0]  }
0x242: {  	s4 =	simm.s32 $0xE;
	s19 =	simm.s32 $0x10;
	v11 =	vld [tilespmem:s25+$0x1E0];
	v12 =	vbroadcast v13, $0x0;
	v13 =	vmul.f32 v17, v1;
	v14 =	vand.u32 $0xFFFFFFFD, v18;
	[tilespmem:s25+$0x160] =	vst v16  }
.LBB2_12:
0x243: {  	p1 =	slt.u32 s19, $0x48;
	v2 =	vbroadcast v2, $0x0;
	v16 =	vmov s4;
	[tilespmem:s25+$0x180] =	vst v15;
	v6 =	vmul.f32 v6, v1;
	v15 =	vld [tilespmem:s25+$0x1F0]  }
0x244: {  	v14 =	vbroadcast v14, $0x0;
	v16 =	vand.u32 $0xFFFFFFFE, v16;
	v17 =	vld.idx.msk [tilespmem:v3+s21+$0x0], $0xffff;
	[tilespmem:s25+$0x190] =	vst v13;
	v3 =	vmul.f32 v7, v1  }
0x245: {  	v7 =	vld.idx.msk [tilespmem:v4+s21+$0x0], $0xffff;
	v13 =	vbroadcast v16, $0x0;
	[tilespmem:s25+$0x1A0] =	vst v6;
	v4 =	vmul.f32 v8, v1  }
0x246: {  	v6 =	vld.idx.msk [tilespmem:v5+s21+$0x0], $0xffff;
	[tilespmem:s25+$0x1B0] =	vst v3;
	v3 =	vmul.f32 v9, v1  }
0x247: {  	v8 =	vld.idx.msk [tilespmem:v10+s21+$0x0], $0xffff;
	[tilespmem:s25+$0x1C0] =	vst v4;
	v9 =	vmul.f32 v11, v1  }
0x248: {  	v5 =	vld.idx.msk [tilespmem:v12+s21+$0x0], $0xffff;
	[tilespmem:s25+$0x1D0] =	vst v3;
	v10 =	vmul.f32 v15, v1  }
0x249: {  	v4 =	vld.idx.msk [tilespmem:v2+s21+$0x0], $0xffff;
	[tilespmem:s25+$0x1E0] =	vst v9  }
0x24a: {  	v1 =	vmov v17;
	v3 =	vld.idx.msk [tilespmem:v14+s21+$0x0], $0xffff;
	[tilespmem:s25+$0x1F0] =	vst v10  }
0x24b: {  	s25 =	sadd.s32 $0x400, s25;
	v2 =	vld.idx.msk [tilespmem:v13+s21+$0x0], $0xffff  }
0x24c: {  	v9 =	vld [tilespmem:s25+$0x170]  }
0x24d: {  	v10 =	vld [tilespmem:s25+$0xFFFFFE00]  }
0x24e: {  	v11 =	vld [tilespmem:s25+$0xFFFFFE10]  }
0x24f: {  	v12 =	vld [tilespmem:s25+$0xFFFFFE20]  }
0x250: {  	v13 =	vld [tilespmem:s25+$0xFFFFFE30]  }
0x251: {  	v14 =	vld [tilespmem:s25+$0xFFFFFE40];
	v9 =	vmul.f32 v9, v2  }
0x252: {  	v10 =	vmul.f32 v10, v7;
	v15 =	vld [tilespmem:s25+$0xFFFFFE50]  }
0x253: {  	v11 =	vmul.f32 v11, v7;
	v16 =	vld [tilespmem:s25+$0xFFFFFE60];
	[tilespmem:s25+$0x170] =	vst v9  }
0x254: {  	[tilespmem:s25+$0xFFFFFE00] =	vst v10;
	v9 =	vmul.f32 v12, v7;
	v10 =	vld [tilespmem:s25+$0xFFFFFE70]  }
0x255: {  	[tilespmem:s25+$0xFFFFFE10] =	vst v11;
	v11 =	vmul.f32 v13, v7;
	v12 =	vld [tilespmem:s25+$0xFFFFFE80]  }
0x256: {  	[tilespmem:s25+$0xFFFFFE20] =	vst v9;
	v9 =	vmul.f32 v14, v7;
	v13 =	vld [tilespmem:s25+$0xFFFFFE90]  }
0x257: {  	[tilespmem:s25+$0xFFFFFE30] =	vst v11;
	v11 =	vmul.f32 v15, v7;
	v14 =	vld [tilespmem:s25+$0xFFFFFEA0]  }
0x258: {  	[tilespmem:s25+$0xFFFFFE40] =	vst v9;
	v9 =	vmul.f32 v16, v7;
	v15 =	vld [tilespmem:s25+$0xFFFFFEB0]  }
0x259: {  	[tilespmem:s25+$0xFFFFFE50] =	vst v11;
	v7 =	vmul.f32 v10, v7;
	v10 =	vld [tilespmem:s25+$0xFFFFFEC0]  }
0x25a: {  	[tilespmem:s25+$0xFFFFFE60] =	vst v9;
	v9 =	vmul.f32 v12, v6;
	v11 =	vld [tilespmem:s25+$0xFFFFFED0]  }
0x25b: {  	[tilespmem:s25+$0xFFFFFE70] =	vst v7;
	v7 =	vmul.f32 v13, v6;
	v12 =	vld [tilespmem:s25+$0xFFFFFEE0]  }
0x25c: {  	[tilespmem:s25+$0xFFFFFE80] =	vst v9;
	v9 =	vmul.f32 v14, v6;
	v13 =	vld [tilespmem:s25+$0xFFFFFEF0]  }
0x25d: {  	[tilespmem:s25+$0xFFFFFE90] =	vst v7;
	v7 =	vmul.f32 v15, v6;
	v14 =	vld [tilespmem:s25+$0xFFFFFF00]  }
0x25e: {  	[tilespmem:s25+$0xFFFFFEA0] =	vst v9;
	v9 =	vmul.f32 v10, v6;
	v10 =	vld [tilespmem:s25+$0xFFFFFF10]  }
0x25f: {  	[tilespmem:s25+$0xFFFFFEB0] =	vst v7;
	v7 =	vmul.f32 v11, v6;
	v11 =	vld [tilespmem:s25+$0xFFFFFF20]  }
0x260: {  	[tilespmem:s25+$0xFFFFFEC0] =	vst v9;
	v9 =	vmul.f32 v12, v6;
	v12 =	vld [tilespmem:s25+$0xFFFFFF30]  }
0x261: {  	[tilespmem:s25+$0xFFFFFED0] =	vst v7;
	v6 =	vmul.f32 v13, v6;
	v7 =	vld [tilespmem:s25+$0xFFFFFF40]  }
0x262: {  	[tilespmem:s25+$0xFFFFFEE0] =	vst v9;
	v9 =	vmul.f32 v14, v8;
	v13 =	vld [tilespmem:s25+$0xFFFFFF50]  }
0x263: {  	[tilespmem:s25+$0xFFFFFEF0] =	vst v6;
	v6 =	vmul.f32 v10, v8;
	v10 =	vld [tilespmem:s25+$0xFFFFFF60]  }
0x264: {  	[tilespmem:s25+$0xFFFFFF00] =	vst v9;
	v9 =	vmul.f32 v11, v8;
	v11 =	vld [tilespmem:s25+$0xFFFFFF70]  }
0x265: {  	[tilespmem:s25+$0xFFFFFF10] =	vst v6;
	v6 =	vmul.f32 v12, v8;
	v12 =	vld [tilespmem:s25+$0xFFFFFF80]  }
0x266: {  	[tilespmem:s25+$0xFFFFFF20] =	vst v9;
	v7 =	vmul.f32 v7, v8;
	v9 =	vld [tilespmem:s25+$0xFFFFFF90]  }
0x267: {  	[tilespmem:s25+$0xFFFFFF30] =	vst v6;
	v6 =	vmul.f32 v13, v8;
	v13 =	vld [tilespmem:s25+$0xFFFFFFA0]  }
0x268: {  	[tilespmem:s25+$0xFFFFFF40] =	vst v7;
	v7 =	vmul.f32 v10, v8;
	v10 =	vld [tilespmem:s25+$0xFFFFFFB0]  }
0x269: {  	[tilespmem:s25+$0xFFFFFF50] =	vst v6;
	v6 =	vmul.f32 v11, v8;
	v8 =	vld [tilespmem:s25+$0xFFFFFFC0]  }
0x26a: {  	[tilespmem:s25+$0xFFFFFF60] =	vst v7;
	v7 =	vmul.f32 v12, v5;
	v11 =	vld [tilespmem:s25+$0xFFFFFFD0]  }
0x26b: {  	[tilespmem:s25+$0xFFFFFF70] =	vst v6;
	v6 =	vmul.f32 v9, v5;
	v9 =	vld [tilespmem:s25+$0xFFFFFFE0]  }
0x26c: {  	[tilespmem:s25+$0xFFFFFF80] =	vst v7;
	v7 =	vmul.f32 v13, v5;
	v12 =	vld [tilespmem:s25+$0xFFFFFFF0]  }
0x26d: {  	[tilespmem:s25+$0xFFFFFF90] =	vst v6;
	v6 =	vmul.f32 v10, v5;
	v10 =	vld [tilespmem:s25+$0x0]  }
0x26e: {  	[tilespmem:s25+$0xFFFFFFA0] =	vst v7;
	v7 =	vmul.f32 v8, v5;
	v8 =	vld [tilespmem:s25+$0x10]  }
0x26f: {  	[tilespmem:s25+$0xFFFFFFB0] =	vst v6;
	v6 =	vmul.f32 v11, v5;
	v11 =	vld [tilespmem:s25+$0x20]  }
0x270: {  	[tilespmem:s25+$0xFFFFFFC0] =	vst v7;
	v7 =	vmul.f32 v9, v5;
	v9 =	vld [tilespmem:s25+$0x30]  }
0x271: {  	[tilespmem:s25+$0xFFFFFFD0] =	vst v6;
	v5 =	vmul.f32 v12, v5;
	v6 =	vld [tilespmem:s25+$0x40]  }
0x272: {  	[tilespmem:s25+$0xFFFFFFE0] =	vst v7;
	v7 =	vmul.f32 v10, v4;
	v10 =	vld [tilespmem:s25+$0x50]  }
0x273: {  	[tilespmem:s25+$0xFFFFFFF0] =	vst v5;
	v5 =	vmul.f32 v8, v4;
	v8 =	vld [tilespmem:s25+$0x60]  }
0x274: {  	[tilespmem:s25+$0x0] =	vst v7;
	v7 =	vmul.f32 v11, v4;
	v11 =	vld [tilespmem:s25+$0x70]  }
0x275: {  	[tilespmem:s25+$0x10] =	vst v5;
	v5 =	vmul.f32 v9, v4;
	v9 =	vld [tilespmem:s25+$0x80]  }
0x276: {  	[tilespmem:s25+$0x20] =	vst v7;
	v6 =	vmul.f32 v6, v4;
	v7 =	vld [tilespmem:s25+$0x90]  }
0x277: {  	[tilespmem:s25+$0x30] =	vst v5;
	v5 =	vmul.f32 v10, v4;
	v10 =	vld [tilespmem:s25+$0xA0]  }
0x278: {  	[tilespmem:s25+$0x40] =	vst v6;
	v6 =	vmul.f32 v8, v4;
	v8 =	vld [tilespmem:s25+$0xB0]  }
0x279: {  	[tilespmem:s25+$0x50] =	vst v5;
	v4 =	vmul.f32 v11, v4;
	v5 =	vld [tilespmem:s25+$0xC0]  }
0x27a: {  	[tilespmem:s25+$0x60] =	vst v6;
	v6 =	vmul.f32 v9, v3;
	v9 =	vld [tilespmem:s25+$0xD0]  }
0x27b: {  	[tilespmem:s25+$0x70] =	vst v4;
	v4 =	vmul.f32 v7, v3;
	v7 =	vld [tilespmem:s25+$0xE0]  }
0x27c: {  	[tilespmem:s25+$0x80] =	vst v6;
	v6 =	vmul.f32 v10, v3;
	v10 =	vld [tilespmem:s25+$0xF0]  }
0x27d: {  	[tilespmem:s25+$0x90] =	vst v4;
	v4 =	vmul.f32 v8, v3;
	v8 =	vld [tilespmem:s25+$0x100]  }
0x27e: {  	[tilespmem:s25+$0xA0] =	vst v6;
	v5 =	vmul.f32 v5, v3;
	v6 =	vld [tilespmem:s25+$0x110]  }
0x27f: {  	[tilespmem:s25+$0xB0] =	vst v4;
	v4 =	vmul.f32 v9, v3;
	v9 =	vld [tilespmem:s25+$0x120]  }
0x280: {  	[tilespmem:s25+$0xC0] =	vst v5;
	v5 =	vmul.f32 v7, v3;
	v7 =	vld [tilespmem:s25+$0x130]  }
0x281: {  	[tilespmem:s25+$0xD0] =	vst v4;
	v4 =	vmul.f32 v10, v3;
	v10 =	vld [tilespmem:s25+$0x140]  }
0x282: {  	s4 =	sadd.s32 $0x7, s19;
	v3 =	vmov s19;
	[tilespmem:s25+$0xE0] =	vst v5;
	v5 =	vmul.f32 v8, v2;
	v8 =	vld [tilespmem:s25+$0x150]  }
0x283: {  	s9 =	sadd.s32 $0x1, s19;
	s6 =	sadd.s32 $0x2, s19;
	v11 =	vand.u32 $0xFFFFFFF8, v3;
	v3 =	vmov s4;
	[tilespmem:s25+$0xF0] =	vst v4;
	v4 =	vmul.f32 v6, v2;
	v12 =	vld [tilespmem:s25+$0x160]  }
0x284: {  	v14 =	vmov s6;
	s6 =	sadd.s32 $0x4, s19;
	v13 =	vmov s9;
	s4 =	sadd.s32 $0x3, s19;
	[tilespmem:s25+$0x100] =	vst v5;
	v5 =	vmul.f32 v9, v2;
	v9 =	vld [tilespmem:s25+$0x180]  }
0x285: {  	v16 =	vmov s6;
	v15 =	vmov s4;
	s4 =	sadd.s32 $0x5, s19;
	[tilespmem:s25+$0x110] =	vst v4;
	v7 =	vmul.f32 v7, v2;
	v17 =	vld [tilespmem:s25+$0x190]  }
.Ltmp5:
0x286: {  	v4 =	vbroadcast v11, $0x0;
	v11 =	vmov s4;
	[tilespmem:s25+$0x120] =	vst v5;
	v10 =	vmul.f32 v10, v2;
	v6 =	vld [tilespmem:s25+$0x1A0];
	(pc) =	sbr.rel @p1 .LBB2_12-.Ltmp5, $4  }
0x287: {  	v5 =	vand.u32 $0xFFFFFFF9, v13;
	v13 =	vand.u32 $0xFFFFFFFA, v14;
	[tilespmem:s25+$0x130] =	vst v7;
	v14 =	vmul.f32 v8, v2;
	v7 =	vld [tilespmem:s25+$0x1B0]  }
0x288: {  	v18 =	vand.u32 $0xFFFFFFFB, v15;
	v5 =	vbroadcast v5, $0x0;
	[tilespmem:s25+$0x140] =	vst v10;
	v19 =	vmul.f32 v12, v2;
	v8 =	vld [tilespmem:s25+$0x1C0]  }
0x289: {  	v10 =	vbroadcast v13, $0x0;
	v2 =	vand.u32 $0xFFFFFFFC, v16;
	[tilespmem:s25+$0x150] =	vst v14;
	v15 =	vmul.f32 v9, v1;
	v9 =	vld [tilespmem:s25+$0x1D0]  }
0x28a: {  	s4 =	sadd.s32 $0x6, s19;
	s19 =	sadd.s32 $0x8, s19;
	v12 =	vbroadcast v18, $0x0;
	v14 =	vand.u32 $0xFFFFFFFD, v11;
	[tilespmem:s25+$0x160] =	vst v19;
	v13 =	vmul.f32 v17, v1;
	v11 =	vld [tilespmem:s25+$0x1E0]  }
0x28b: {  	_ =	sdelay $0x2  }
0x28c: {  	v16 =	vld [tilespmem:s25+$0x1F0]  }
0x28d: {  	v18 =	vld.idx.msk [tilespmem:v4+s21+$0x0], $0xffff  }
0x28e: {  	[tilespmem:s25+$0x180] =	vst v15;
	v15 =	vbroadcast v2, $0x0;
	v2 =	vmov s4;
	v10 =	vld.idx.msk [tilespmem:v10+s21+$0x0], $0xffff  }
0x28f: {  	v17 =	vand.u32 $0xFFFFFFFE, v2;
	v2 =	vld.idx.msk [tilespmem:v3+s21+$0x0], $0xffff  }
0x290: {  	s6 =	sadd.s32 $0x400, s25;
	v12 =	vld.idx.msk [tilespmem:v12+s21+$0x0], $0xffff  }
0x291: {  	v14 =	vbroadcast v14, $0x0;
	v6 =	vmul.f32 v6, v1;
	[tilespmem:s25+$0x190] =	vst v13;
	v13 =	vld [tilespmem:s6+$0x170]  }
0x292: {  	v7 =	vmul.f32 v7, v1;
	v3 =	vbroadcast v17, $0x0;
	v17 =	vld.idx.msk [tilespmem:v5+s21+$0x0], $0xffff  }
0x293: {  	[tilespmem:s25+$0x1A0] =	vst v6;
	v6 =	vmul.f32 v8, v1;
	v8 =	vld [tilespmem:s6+$0xFFFFFE00]  }
0x294: {  	[tilespmem:s25+$0x1B0] =	vst v7;
	v7 =	vmul.f32 v9, v1;
	v9 =	vld [tilespmem:s6+$0xFFFFFE10]  }
0x295: {  	[tilespmem:s25+$0x1C0] =	vst v6;
	v6 =	vmul.f32 v11, v1;
	v11 =	vld [tilespmem:s6+$0xFFFFFE20]  }
0x296: {  	[tilespmem:s25+$0x1D0] =	vst v7;
	v7 =	vld [tilespmem:s6+$0xFFFFFE30]  }
0x297: {  	v5 =	vld.idx.msk [tilespmem:v15+s21+$0x0], $0xffff  }
0x298: {  	v1 =	vmul.f32 v16, v1;
	v4 =	vld.idx.msk [tilespmem:v14+s21+$0x0], $0xffff  }
0x299: {  	[tilespmem:s25+$0x1E0] =	vst v6;
	v6 =	vld [tilespmem:s6+$0xFFFFFE40]  }
0x29a: {  	[tilespmem:s25+$0x1F0] =	vst v1;
	v1 =	vmul.f32 v8, v18;
	v3 =	vld.idx.msk [tilespmem:v3+s21+$0x0], $0xffff  }
0x29b: {  	v8 =	vld [tilespmem:s6+$0xFFFFFE50];
	v9 =	vmul.f32 v9, v18  }
0x29c: {  	v14 =	vld [tilespmem:s6+$0xFFFFFE60];
	[tilespmem:s6+$0xFFFFFE00] =	vst v1;
	v1 =	vmul.f32 v11, v18  }
0x29d: {  	v11 =	vld [tilespmem:s6+$0xFFFFFE70];
	[tilespmem:s6+$0xFFFFFE10] =	vst v9;
	v7 =	vmul.f32 v7, v18  }
0x29e: {  	v9 =	vld [tilespmem:s6+$0xFFFFFE80];
	[tilespmem:s6+$0xFFFFFE20] =	vst v1;
	v1 =	vmul.f32 v6, v18  }
0x29f: {  	v6 =	vld [tilespmem:s6+$0xFFFFFE90];
	[tilespmem:s6+$0xFFFFFE30] =	vst v7;
	v13 =	vmul.f32 v13, v3  }
0x2a0: {  	v7 =	vmul.f32 v8, v18;
	v8 =	vld [tilespmem:s6+$0xFFFFFEA0];
	[tilespmem:s6+$0xFFFFFE40] =	vst v1  }
0x2a1: {  	v1 =	vmul.f32 v14, v18;
	[tilespmem:s6+$0x170] =	vst v13;
	v13 =	vld [tilespmem:s6+$0xFFFFFEB0]  }
0x2a2: {  	[tilespmem:s6+$0xFFFFFE50] =	vst v7;
	v7 =	vmul.f32 v11, v18;
	v11 =	vld [tilespmem:s6+$0xFFFFFEC0]  }
0x2a3: {  	[tilespmem:s6+$0xFFFFFE60] =	vst v1;
	v1 =	vmul.f32 v9, v17;
	v9 =	vld [tilespmem:s6+$0xFFFFFED0]  }
0x2a4: {  	[tilespmem:s6+$0xFFFFFE70] =	vst v7;
	v6 =	vmul.f32 v6, v17;
	v7 =	vld [tilespmem:s6+$0xFFFFFEE0]  }
0x2a5: {  	[tilespmem:s6+$0xFFFFFE80] =	vst v1;
	v1 =	vmul.f32 v8, v17;
	v8 =	vld [tilespmem:s6+$0xFFFFFEF0]  }
0x2a6: {  	[tilespmem:s6+$0xFFFFFE90] =	vst v6;
	v6 =	vmul.f32 v13, v17;
	v13 =	vld [tilespmem:s6+$0xFFFFFF00]  }
0x2a7: {  	[tilespmem:s6+$0xFFFFFEA0] =	vst v1;
	v1 =	vmul.f32 v11, v17;
	v11 =	vld [tilespmem:s6+$0xFFFFFF10]  }
0x2a8: {  	[tilespmem:s6+$0xFFFFFEB0] =	vst v6;
	v6 =	vmul.f32 v9, v17;
	v9 =	vld [tilespmem:s6+$0xFFFFFF20]  }
0x2a9: {  	[tilespmem:s6+$0xFFFFFEC0] =	vst v1;
	v1 =	vmul.f32 v7, v17;
	v7 =	vld [tilespmem:s6+$0xFFFFFF30]  }
0x2aa: {  	[tilespmem:s6+$0xFFFFFED0] =	vst v6;
	v6 =	vmul.f32 v8, v17;
	v8 =	vld [tilespmem:s6+$0xFFFFFF40]  }
0x2ab: {  	[tilespmem:s6+$0xFFFFFEE0] =	vst v1;
	v1 =	vmul.f32 v13, v10;
	v13 =	vld [tilespmem:s6+$0xFFFFFF50]  }
0x2ac: {  	[tilespmem:s6+$0xFFFFFEF0] =	vst v6;
	v6 =	vmul.f32 v11, v10;
	v11 =	vld [tilespmem:s6+$0xFFFFFF60]  }
0x2ad: {  	[tilespmem:s6+$0xFFFFFF00] =	vst v1;
	v1 =	vmul.f32 v9, v10;
	v9 =	vld [tilespmem:s6+$0xFFFFFF70]  }
0x2ae: {  	[tilespmem:s6+$0xFFFFFF10] =	vst v6;
	v6 =	vmul.f32 v7, v10;
	v7 =	vld [tilespmem:s6+$0xFFFFFF80]  }
0x2af: {  	[tilespmem:s6+$0xFFFFFF20] =	vst v1;
	v1 =	vmul.f32 v8, v10;
	v8 =	vld [tilespmem:s6+$0xFFFFFF90]  }
0x2b0: {  	[tilespmem:s6+$0xFFFFFF30] =	vst v6;
	v6 =	vmul.f32 v13, v10;
	v13 =	vld [tilespmem:s6+$0xFFFFFFA0]  }
0x2b1: {  	[tilespmem:s6+$0xFFFFFF40] =	vst v1;
	v1 =	vmul.f32 v11, v10;
	v11 =	vld [tilespmem:s6+$0xFFFFFFB0]  }
0x2b2: {  	[tilespmem:s6+$0xFFFFFF50] =	vst v6;
	v6 =	vmul.f32 v9, v10;
	v9 =	vld [tilespmem:s6+$0xFFFFFFC0]  }
0x2b3: {  	[tilespmem:s6+$0xFFFFFF60] =	vst v1;
	v1 =	vmul.f32 v7, v12;
	v7 =	vld [tilespmem:s6+$0xFFFFFFD0]  }
0x2b4: {  	[tilespmem:s6+$0xFFFFFF70] =	vst v6;
	v6 =	vmul.f32 v8, v12;
	v8 =	vld [tilespmem:s6+$0xFFFFFFE0]  }
0x2b5: {  	v10 =	vld [tilespmem:s6+$0xFFFFFFF0];
	[tilespmem:s6+$0xFFFFFF80] =	vst v1;
	v1 =	vmul.f32 v13, v12  }
0x2b6: {  	[tilespmem:s6+$0xFFFFFF90] =	vst v6;
	v6 =	vmul.f32 v11, v12;
	v11 =	vld [tilespmem:s6+$0x0]  }
0x2b7: {  	[tilespmem:s6+$0xFFFFFFA0] =	vst v1;
	v1 =	vmul.f32 v9, v12;
	v9 =	vld [tilespmem:s6+$0x10]  }
0x2b8: {  	[tilespmem:s6+$0xFFFFFFB0] =	vst v6;
	v6 =	vmul.f32 v7, v12;
	v7 =	vld [tilespmem:s6+$0x20]  }
0x2b9: {  	[tilespmem:s6+$0xFFFFFFC0] =	vst v1;
	v1 =	vmul.f32 v8, v12;
	v8 =	vld [tilespmem:s6+$0x30]  }
0x2ba: {  	[tilespmem:s6+$0xFFFFFFD0] =	vst v6;
	v6 =	vmul.f32 v10, v12;
	v10 =	vld [tilespmem:s6+$0x40]  }
0x2bb: {  	[tilespmem:s6+$0xFFFFFFE0] =	vst v1;
	v1 =	vmul.f32 v11, v5;
	v11 =	vld [tilespmem:s6+$0x50]  }
0x2bc: {  	[tilespmem:s6+$0xFFFFFFF0] =	vst v6;
	v6 =	vmul.f32 v9, v5;
	v9 =	vld [tilespmem:s6+$0x60]  }
0x2bd: {  	[tilespmem:s6+$0x0] =	vst v1;
	v1 =	vmul.f32 v7, v5;
	v7 =	vld [tilespmem:s6+$0x70]  }
0x2be: {  	[tilespmem:s6+$0x10] =	vst v6;
	v6 =	vmul.f32 v8, v5;
	v8 =	vld [tilespmem:s6+$0x80]  }
0x2bf: {  	[tilespmem:s6+$0x20] =	vst v1;
	v1 =	vmul.f32 v10, v5;
	v10 =	vld [tilespmem:s6+$0x90]  }
0x2c0: {  	[tilespmem:s6+$0x30] =	vst v6;
	v6 =	vmul.f32 v11, v5;
	v11 =	vld [tilespmem:s6+$0xA0]  }
0x2c1: {  	[tilespmem:s6+$0x40] =	vst v1;
	v1 =	vmul.f32 v9, v5;
	v9 =	vld [tilespmem:s6+$0xB0]  }
0x2c2: {  	[tilespmem:s6+$0x50] =	vst v6;
	v5 =	vmul.f32 v7, v5;
	v6 =	vld [tilespmem:s6+$0xC0]  }
0x2c3: {  	v7 =	vld [tilespmem:s6+$0xD0];
	[tilespmem:s6+$0x60] =	vst v1;
	v1 =	vmul.f32 v8, v4  }
0x2c4: {  	v8 =	vld [tilespmem:s6+$0xE0];
	[tilespmem:s6+$0x70] =	vst v5;
	v5 =	vmul.f32 v10, v4  }
0x2c5: {  	v10 =	vld [tilespmem:s6+$0xF0];
	[tilespmem:s6+$0x80] =	vst v1;
	v1 =	vmul.f32 v11, v4  }
0x2c6: {  	[tilespmem:s6+$0x90] =	vst v5;
	v5 =	vmul.f32 v9, v4;
	v9 =	vld [tilespmem:s6+$0x100]  }
0x2c7: {  	[tilespmem:s6+$0xA0] =	vst v1;
	v1 =	vmul.f32 v6, v4;
	v6 =	vld [tilespmem:s6+$0x110]  }
0x2c8: {  	[tilespmem:s6+$0xB0] =	vst v5;
	v5 =	vmul.f32 v7, v4;
	v7 =	vld [tilespmem:s6+$0x120]  }
0x2c9: {  	[tilespmem:s6+$0xC0] =	vst v1;
	v1 =	vmul.f32 v8, v4;
	v8 =	vld [tilespmem:s6+$0x130]  }
0x2ca: {  	v4 =	vmul.f32 v10, v4;
	[tilespmem:s6+$0xD0] =	vst v5;
	v5 =	vld [tilespmem:s6+$0x140]  }
0x2cb: {  	[tilespmem:s6+$0xE0] =	vst v1;
	v1 =	vmul.f32 v9, v3;
	v9 =	vld [tilespmem:s6+$0x150]  }
0x2cc: {  	[tilespmem:s6+$0xF0] =	vst v4;
	v4 =	vmul.f32 v6, v3;
	v6 =	vld [tilespmem:s6+$0x160]  }
0x2cd: {  	[tilespmem:s6+$0x100] =	vst v1;
	v1 =	vmul.f32 v7, v3;
	v7 =	vld [tilespmem:s6+$0x180]  }
0x2ce: {  	[tilespmem:s6+$0x110] =	vst v4;
	v4 =	vmul.f32 v8, v3;
	v8 =	vld [tilespmem:s6+$0x190]  }
0x2cf: {  	[tilespmem:s6+$0x120] =	vst v1;
	v1 =	vmul.f32 v5, v3;
	v5 =	vld [tilespmem:s6+$0x1A0]  }
0x2d0: {  	[tilespmem:s6+$0x130] =	vst v4;
	v4 =	vmul.f32 v9, v3;
	v9 =	vld [tilespmem:s6+$0x1B0]  }
0x2d1: {  	[tilespmem:s6+$0x140] =	vst v1;
	v1 =	vmul.f32 v6, v3;
	v3 =	vld [tilespmem:s6+$0x1C0]  }
0x2d2: {  	v6 =	vld [tilespmem:s6+$0x1D0];
	[tilespmem:s6+$0x150] =	vst v4;
	v4 =	vmul.f32 v7, v2  }
0x2d3: {  	v7 =	vld [tilespmem:s6+$0x1E0];
	[tilespmem:s6+$0x160] =	vst v1;
	v1 =	vmul.f32 v8, v2  }
0x2d4: {  	[tilespmem:s6+$0x180] =	vst v4;
	v4 =	vmul.f32 v5, v2;
	v5 =	vld [tilespmem:s6+$0x1F0]  }
0x2d5: {  	[tilespmem:s6+$0x190] =	vst v1;
	v1 =	vmul.f32 v9, v2  }
0x2d6: {  	[tilespmem:s6+$0x1A0] =	vst v4;
	v3 =	vmul.f32 v3, v2  }
0x2d7: {  	[tilespmem:s6+$0x1B0] =	vst v1;
	v1 =	vmul.f32 v6, v2  }
0x2d8: {  	[tilespmem:s6+$0x1C0] =	vst v3;
	v3 =	vmul.f32 v7, v2  }
0x2d9: {  	[tilespmem:s6+$0x1D0] =	vst v1;
	v1 =	vmul.f32 v5, v2  }
0x2da: {  	[tilespmem:s6+$0x1E0] =	vst v3  }
0x2db: {  	s9 =	sadd.s32 $0x2F80, s24;
	p1 =	seq.s32 s31, $0x0;
	[tilespmem:s6+$0x1F0] =	vst v1  }
0x2dc: {  	[spmem:s14] =	stream.indirect.scatter.add.f32 [tilespmem:s21], [sflag:$0xA], $0x1, s9, s15, $0xb8;
	[tilespmem:$0x1FB00] =	vst v63  }
0x2dd: {  	s4 =	simm.s32 @!p1 $0x8  }
0x2de: {  	[spmem:s13] =	stream.indirect.scatter.add.f32 [tilespmem:s23], [sflag:$0x6], $0x80, s9, s15, $0xb8;
	[tilespmem:$0x1FB00] =	vst v63  }
0x2df: {  	_ =	swait.ge @!p1 [sflag:s4], $0x2800  }
0x2e0: {  	[sflag:s4] =	ssyncset.done @!p1 $0x0  }
0x2e1: {  	[sflag:s4] =	ssyncadd.s32 @!p1 $0xFFFFD800;
	s4 =	simm.s32 @!p1 $0xC  }
0x2e2: {  	s6 =	smulhi.u32 @p0 $0xAAAAAAAB, s31;
	_ =	swait.ge @!p1 [sflag:s4], $0x50  }
0x2e3: {  	s9 =	sld [smem:$0x7FD]  }
0x2e4: {  	s6 =	sshll.u32 @p0 s6, $0x8  }
0x2e5: {  	s6 =	sand.u32 @p0 $0xFFFFFE00, s6  }
0x2e6: {  	[sflag:s4] =	ssyncset.done @!p1 $0x0;
	s6 =	sadd.s32 @p0 s6, s9  }
0x2e7: {  	[sflag:s4] =	ssyncadd.s32 @!p1 $0xFFFFFFB0;
	s4 =	sshrl.u32 @p0 s6, $0x3  }
0x2e8: {  	s19 =	simm.s32 @p0 $0x8880;
	s9 =	simm.s32 @p0 $0x0;
	s6 =	sadd.s32 @p0 s17, s4  }
0x2e9: {  	[tilespmem:s19], [sflag:$0xD] =	stream.linear.gather @p0 [hbm4b:s6+s9], $0x180, $0x38;
	[tilespmem:$0x1FB00] =	vst v63  }
0x2ea: {  	s6 =	simm.s32 @p0 $0xD  }
0x2eb: {  	_ =	swait.ge @p0 [sflag:s6], $0x180  }
0x2ec: {  	[sflag:s6] =	ssyncset.done @p0 $0x0  }
0x2ed: {  	s4 =	sadd.s32 @p0 s18, s4;
	s19 =	simm.s32 @p0 $0x8A80;
	[sflag:s6] =	ssyncadd.s32 @p0 $0xFFFFFE80  }
0x2ee: {  	[tilespmem:s19], [sflag:$0xD] =	stream.linear.gather @p0 [hbm4b:s4+s9], $0x180, $0x38;
	[tilespmem:$0x1FB00] =	vst v63  }
0x2ef: {  	_ =	swait.ge @p0 [sflag:s6], $0x180  }
0x2f0: {  	[sflag:s6] =	ssyncset.done @p0 $0x0  }
0x2f1: {  	s16 =	sadd.s32 $0x8880, s24;
	[sflag:s6] =	ssyncadd.s32 @p0 $0xFFFFFE80  }
0x2f2: {  	[tilespmem:s22], [sflag:$0x4] =	stream.indirect.gather [hbm4b:s0+s15], $0x80, s16, s15, $0xb8;
	[tilespmem:$0x1FB00] =	vst v63  }
0x2f3: {  	s19 =	simm.s32 $0x8C80  }
0x2f4: {  	[tilespmem:s19], [sflag:$0x4] =	stream.indirect.gather [hbm4b:s1+s15], $0x1, s16, s15, $0xb8;
	[tilespmem:$0x1FB00] =	vst v63  }
0x2f5: {  	s25 =	sadd.s32 $0x8A80, s24;
	s24 =	simm.s32 $0x8D00  }
0x2f6: {  	[tilespmem:s24], [sflag:$0x4] =	stream.indirect.gather [hbm4b:s2+s15], $0x1, s25, s15, $0xb8;
	[tilespmem:$0x1FB00] =	vst v63  }
0x2f7: {  	_ =	swait.ge [sflag:s26], $0x2800  }
0x2f8: {  	[sflag:s26] =	ssyncset.done $0x0  }
0x2f9: {  	[sflag:s26] =	ssyncadd.s32 $0xFFFFD800  }
0x2fa: {  	_ =	swait.ge [sflag:s26], $0x50  }
0x2fb: {  	[sflag:s26] =	ssyncset.done $0x0  }
0x2fc: {  	[sflag:s26] =	ssyncadd.s32 $0xFFFFFFB0  }
0x2fd: {  	_ =	swait.ge [sflag:s26], $0x50  }
0x2fe: {  	[sflag:s26] =	ssyncset.done $0x0  }
0x2ff: {  	[sflag:s26] =	ssyncadd.s32 $0xFFFFFFB0  }
0x300: {  	v1 =	vld [tilespmem:$0x5F00]  }
0x301: {  	v2 =	vld [tilespmem:$0x5F80]  }
0x302: {  	v3 =	vld [tilespmem:$0x5F10]  }
0x303: {  	v4 =	vld [tilespmem:$0x5F90]  }
0x304: {  	v5 =	vld [tilespmem:$0x5F20]  }
0x305: {  	v6 =	vld [tilespmem:$0x5FA0]  }
0x306: {  	v7 =	vld [tilespmem:$0x5FB0];
	v1 =	vadd.f32 v2, v1  }
0x307: {  	v9 =	vld [tilespmem:$0x5F40]  }
0x308: {  	v2 =	vld [tilespmem:$0x5F30];
	v8 =	vmul.f32 $2.000000030e-01, v1  }
0x309: {  	v10 =	vld [tilespmem:$0x5FC0];
	vm0 =	vgt.f32 v1, $0.0e+00  }
0x30a: {  	v3 =	vadd.f32 v4, v3;
	v1 =	vsel vm0, v1, v8  }
0x30b: {  	v1 =	vmul.f32 $1.442695020e+00, v1  }
0x30c: {  	v5 =	vadd.f32 v6, v5;
	v4 =	vmul.f32 $2.000000030e-01, v3  }
0x30d: {  	vm12 =	vgt.f32 v3, $0.0e+00;
	(erf) = vpow2.f32 v1;
	v1 =	vadd.f32 v7, v2  }
0x30e: {  	v2 =	vsel vm12, v3, v4;
	v3 =	vmul.f32 $2.000000030e-01, v5;
	v4 =	vadd.f32 v10, v9  }
0x30f: {  	vm13 =	vgt.f32 v5, $0.0e+00;
	v2 =	vmul.f32 $1.442695020e+00, v2;
	v6 =	vmul.f32 $2.000000030e-01, v1  }
0x310: {  	v3 =	vsel vm13, v5, v3;
	vm14 =	vgt.f32 v1, $0.0e+00;
	v5 =	vmul.f32 $2.000000030e-01, v4  }
0x311: {  	vm15 =	vgt.f32 v4, $0.0e+00;
	v3 =	vmul.f32 $1.442695020e+00, v3;
	v1 =	vsel vm14, v1, v6  }
0x312: {  	(erf) = vpow2.f32 v2;
	v2 =	vsel vm15, v4, v5;
	v1 =	vmul.f32 $1.442695020e+00, v1  }
0x313: {  	(erf) = vpow2.f32 v3;
	v2 =	vmul.f32 $1.442695020e+00, v2  }
0x314: {  	(erf) = vpow2.f32 v1  }
0x315: {  	(erf) = vpow2.f32 v2;
	_ =	sdelay $0x1  }
0x316: {  	s6 =	simm.s32 $0x0  }
0x317: {  	s9 =	simm.s32 $0x6;
	v1 =	vmov s6  }
0x318: {  	v1 =	vand.u32 $0xFFFFFFF8, v1;
	v2 =	vmov s9  }
0x319: {  	v3 =	vpop (erf);
	v1 =	vbroadcast v1, $0x0;
	v2 =	vand.u32 $0xFFFFFFFE, v2  }
0x31a: {  	[tilespmem:$0x6000] =	vst v3;
	v2 =	vbroadcast v2, $0x0;
	v4 =	vpop (erf)  }
0x31b: {  	[tilespmem:$0x6010] =	vst v4;
	v3 =	vpop (erf)  }
0x31c: {  	[tilespmem:$0x6020] =	vst v3;
	v4 =	vpop (erf)  }
0x31d: {  	[tilespmem:$0x6030] =	vst v4;
	v3 =	vpop (erf)  }
0x31e: {  	[tilespmem:$0x6040] =	vst v3  }
0x31f: {  	v1 =	vld.idx.msk [tilespmem:v1+s28+$0x0], $0xffff  }
0x320: {  	s24 =	simm.s32 $0x6280;
	v2 =	vld.idx.msk [tilespmem:v2+s28+$0x0], $0xffff  }
0x321: {  	v4 =	vld [tilespmem:s24+$0x170]  }
0x322: {  	v5 =	vld [tilespmem:s24+$0xFFFFFE00]  }
0x323: {  	v6 =	vld [tilespmem:s24+$0xFFFFFE10]  }
0x324: {  	v7 =	vld [tilespmem:s24+$0xFFFFFE20]  }
0x325: {  	s16 =	simm.s32 $0x1;
	v8 =	vld [tilespmem:s24+$0xFFFFFE30]  }
0x326: {  	v3 =	vmov s16;
	v9 =	vld [tilespmem:s24+$0xFFFFFE40]  }
0x327: {  	v3 =	vand.u32 $0xFFFFFFF9, v3;
	v10 =	vld [tilespmem:s24+$0xFFFFFE50]  }
0x328: {  	v11 =	vld [tilespmem:s24+$0xFFFFFE60];
	v3 =	vbroadcast v3, $0x0  }
0x329: {  	v12 =	vld [tilespmem:s24+$0xFFFFFE70]  }
0x32a: {  	v13 =	vld [tilespmem:s24+$0xFFFFFE80]  }
0x32b: {  	v14 =	vld [tilespmem:s24+$0xFFFFFE90]  }
0x32c: {  	v15 =	vld [tilespmem:s24+$0xFFFFFEA0];
	v5 =	vmul.f32 v5, v1  }
0x32d: {  	v16 =	vld [tilespmem:s24+$0xFFFFFEB0];
	v4 =	vmul.f32 v4, v2  }
0x32e: {  	v8 =	vmul.f32 v8, v1;
	v3 =	vld.idx.msk [tilespmem:v3+s28+$0x0], $0xffff;
	[tilespmem:s24+$0xFFFFFE00] =	vst v5  }
0x32f: {  	s19 =	simm.s32 $0x2;
	v9 =	vmul.f32 v9, v1;
	[tilespmem:s24+$0x170] =	vst v4;
	v4 =	vmul.f32 v7, v1;
	v7 =	vld [tilespmem:s24+$0xFFFFFEC0]  }
0x330: {  	v6 =	vmul.f32 v6, v1;
	v5 =	vmov s19;
	[tilespmem:s24+$0xFFFFFE30] =	vst v8;
	v8 =	vmul.f32 v10, v1;
	v10 =	vld [tilespmem:s24+$0xFFFFFEF0]  }
0x331: {  	[tilespmem:s24+$0xFFFFFE40] =	vst v9;
	v9 =	vmul.f32 v11, v1;
	v11 =	vld [tilespmem:s24+$0xFFFFFF00];
	v5 =	vand.u32 $0xFFFFFFFA, v5  }
0x332: {  	[tilespmem:s24+$0xFFFFFE10] =	vst v6;
	v1 =	vmul.f32 v12, v1;
	v12 =	vld [tilespmem:s24+$0xFFFFFF20];
	v5 =	vbroadcast v5, $0x0  }
0x333: {  	[tilespmem:s24+$0xFFFFFE20] =	vst v4;
	v4 =	vld [tilespmem:s24+$0xFFFFFEE0]  }
0x334: {  	[tilespmem:s24+$0xFFFFFE50] =	vst v8;
	v8 =	vld [tilespmem:s24+$0xFFFFFF10]  }
0x335: {  	[tilespmem:s24+$0xFFFFFE60] =	vst v9;
	v6 =	vmul.f32 v13, v3;
	v13 =	vld [tilespmem:s24+$0xFFFFFED0]  }
0x336: {  	[tilespmem:s24+$0xFFFFFE70] =	vst v1;
	v9 =	vmul.f32 v14, v3;
	v14 =	vld [tilespmem:s24+$0xFFFFFF30]  }
0x337: {  	s6 =	simm.s32 $0x3;
	v1 =	vmul.f32 v15, v3;
	v15 =	vld [tilespmem:s24+$0xFFFFFF40];
	v7 =	vmul.f32 v7, v3;
	[tilespmem:s24+$0xFFFFFE80] =	vst v6  }
0x338: {  	v6 =	vmov s6;
	[tilespmem:s24+$0xFFFFFE90] =	vst v9;
	v9 =	vmul.f32 v16, v3;
	v5 =	vld.idx.msk [tilespmem:v5+s28+$0x0], $0xffff  }
0x339: {  	[tilespmem:s24+$0xFFFFFEC0] =	vst v7;
	v7 =	vld [tilespmem:s24+$0xFFFFFF70];
	v6 =	vand.u32 $0xFFFFFFFB, v6  }
0x33a: {  	v6 =	vbroadcast v6, $0x0;
	[tilespmem:s24+$0xFFFFFEB0] =	vst v9;
	v9 =	vld [tilespmem:s24+$0xFFFFFF60];
	v13 =	vmul.f32 v13, v3  }
0x33b: {  	[tilespmem:s24+$0xFFFFFEA0] =	vst v1;
	v4 =	vmul.f32 v4, v3;
	v3 =	vmul.f32 v10, v3;
	v10 =	vld [tilespmem:s24+$0xFFFFFF80]  }
0x33c: {  	[tilespmem:s24+$0xFFFFFED0] =	vst v13;
	v13 =	vld [tilespmem:s24+$0xFFFFFFB0]  }
0x33d: {  	[tilespmem:s24+$0xFFFFFEE0] =	vst v4;
	v1 =	vmul.f32 v11, v5;
	v11 =	vld [tilespmem:s24+$0xFFFFFF50]  }
0x33e: {  	[tilespmem:s24+$0xFFFFFEF0] =	vst v3;
	v4 =	vmul.f32 v8, v5;
	v8 =	vld [tilespmem:s24+$0xFFFFFF90]  }
0x33f: {  	s9 =	simm.s32 $0x4;
	v3 =	vmul.f32 v12, v5;
	v12 =	vld [tilespmem:s24+$0xFFFFFFA0];
	[tilespmem:s24+$0xFFFFFF00] =	vst v1  }
0x340: {  	v9 =	vmul.f32 v9, v5;
	v6 =	vld.idx.msk [tilespmem:v6+s28+$0x0], $0xffff;
	v1 =	vmov s9;
	[tilespmem:s24+$0xFFFFFF10] =	vst v4  }
0x341: {  	v4 =	vmul.f32 v14, v5;
	[tilespmem:s24+$0xFFFFFF20] =	vst v3;
	v3 =	vmul.f32 v15, v5;
	v14 =	vld [tilespmem:s24+$0xFFFFFFC0];
	v1 =	vand.u32 $0xFFFFFFFC, v1  }
0x342: {  	[tilespmem:s24+$0xFFFFFF60] =	vst v9;
	v9 =	vld [tilespmem:s24+$0x0];
	v1 =	vbroadcast v1, $0x0  }
0x343: {  	[tilespmem:s24+$0xFFFFFF40] =	vst v3;
	v3 =	vld [tilespmem:s24+$0xFFFFFFE0];
	v11 =	vmul.f32 v11, v5  }
0x344: {  	[tilespmem:s24+$0xFFFFFF30] =	vst v4;
	v5 =	vmul.f32 v7, v5;
	v7 =	vld [tilespmem:s24+$0xFFFFFFF0]  }
0x345: {  	v4 =	vmul.f32 v10, v6;
	v10 =	vld [tilespmem:s24+$0xFFFFFFD0];
	[tilespmem:s24+$0xFFFFFF50] =	vst v11  }
0x346: {  	v8 =	vmul.f32 v8, v6;
	[tilespmem:s24+$0xFFFFFF70] =	vst v5;
	v11 =	vld [tilespmem:s24+$0x10]  }
0x347: {  	s16 =	simm.s32 $0x5;
	v5 =	vmul.f32 v12, v6;
	v12 =	vld [tilespmem:s24+$0x20];
	[tilespmem:s24+$0xFFFFFF80] =	vst v4  }
0x348: {  	v4 =	vmov s16;
	[tilespmem:s24+$0xFFFFFF90] =	vst v8;
	v8 =	vmul.f32 v13, v6;
	v1 =	vld.idx.msk [tilespmem:v1+s28+$0x0], $0xffff  }
0x349: {  	[tilespmem:s24+$0xFFFFFFA0] =	vst v5;
	v5 =	vmul.f32 v14, v6;
	v13 =	vld [tilespmem:s24+$0x30];
	v4 =	vand.u32 $0xFFFFFFFD, v4  }
0x34a: {  	v4 =	vbroadcast v4, $0x0;
	[tilespmem:s24+$0xFFFFFFB0] =	vst v8;
	v8 =	vmul.f32 v10, v6;
	v10 =	vld [tilespmem:s24+$0x40]  }
0x34b: {  	v3 =	vmul.f32 v3, v6;
	[tilespmem:s24+$0xFFFFFFC0] =	vst v5;
	v6 =	vmul.f32 v7, v6;
	v7 =	vld [tilespmem:s24+$0x80]  }
0x34c: {  	[tilespmem:s24+$0xFFFFFFD0] =	vst v8;
	v8 =	vld [tilespmem:s24+$0x60]  }
0x34d: {  	[tilespmem:s24+$0xFFFFFFE0] =	vst v3;
	v5 =	vmul.f32 v9, v1;
	v9 =	vld [tilespmem:s24+$0x50]  }
0x34e: {  	[tilespmem:s24+$0xFFFFFFF0] =	vst v6;
	v3 =	vmul.f32 v11, v1;
	v6 =	vmul.f32 v12, v1;
	v11 =	vld [tilespmem:s24+$0x90]  }
0x34f: {  	[tilespmem:s24+$0x0] =	vst v5;
	v5 =	vld [tilespmem:s24+$0x70]  }
0x350: {  	v4 =	vld.idx.msk [tilespmem:v4+s28+$0x0], $0xffff;
	[tilespmem:s24+$0x20] =	vst v6;
	v6 =	vmul.f32 v10, v1  }
0x351: {  	[tilespmem:s24+$0x10] =	vst v3;
	v3 =	vmul.f32 v13, v1;
	v10 =	vld [tilespmem:s24+$0xA0]  }
0x352: {  	[tilespmem:s24+$0x40] =	vst v6;
	v6 =	vmul.f32 v8, v1;
	v8 =	vld [tilespmem:s24+$0xC0]  }
0x353: {  	[tilespmem:s24+$0x30] =	vst v3;
	v3 =	vmul.f32 v9, v1;
	v9 =	vld [tilespmem:s24+$0xB0]  }
0x354: {  	s19 =	simm.s32 $0x7;
	[tilespmem:s24+$0x60] =	vst v6;
	v6 =	vld [tilespmem:s24+$0xE0];
	v5 =	vmul.f32 v5, v1  }
0x355: {  	v12 =	vmov s19;
	[tilespmem:s24+$0x50] =	vst v3;
	v3 =	vmul.f32 v7, v4;
	v7 =	vld [tilespmem:s24+$0xD0]  }
0x356: {  	v11 =	vmul.f32 v11, v4;
	[tilespmem:s24+$0x70] =	vst v5;
	v5 =	vld [tilespmem:s24+$0xF0]  }
0x357: {  	[tilespmem:s24+$0x80] =	vst v3;
	v3 =	vmul.f32 v10, v4;
	v10 =	vld [tilespmem:s24+$0x100]  }
0x358: {  	[tilespmem:s24+$0x90] =	vst v11;
	v11 =	vld [tilespmem:s24+$0x150];
	v9 =	vmul.f32 v9, v4  }
0x359: {  	[tilespmem:s24+$0xA0] =	vst v3;
	v3 =	vmul.f32 v8, v4;
	v8 =	vld [tilespmem:s24+$0x110]  }
0x35a: {  	v1 =	vld.idx.msk [tilespmem:v12+s28+$0x0], $0xffff;
	[tilespmem:s24+$0xB0] =	vst v9;
	v7 =	vmul.f32 v7, v4  }
0x35b: {  	v9 =	vld [tilespmem:s24+$0x120];
	[tilespmem:s24+$0xC0] =	vst v3;
	v3 =	vmul.f32 v6, v4  }
0x35c: {  	s19 =	simm.s32 $0xA;
	v6 =	vld [tilespmem:s24+$0x130];
	[tilespmem:s24+$0xD0] =	vst v7;
	v4 =	vmul.f32 v5, v4  }
0x35d: {  	s16 =	simm.s32 $0x9;
	v13 =	vmov s19;
	v5 =	vld [tilespmem:s24+$0x140];
	v10 =	vmul.f32 v10, v2;
	[tilespmem:s24+$0xE0] =	vst v3  }
0x35e: {  	s6 =	simm.s32 $0x8;
	s19 =	simm.s32 $0xD;
	v12 =	vmov s16;
	s16 =	simm.s32 $0xC;
	v11 =	vmul.f32 v11, v2;
	[tilespmem:s24+$0xF0] =	vst v4;
	v4 =	vmul.f32 v8, v2;
	v8 =	vld [tilespmem:s24+$0x160]  }
0x35f: {  	s9 =	simm.s32 $0xF;
	v14 =	vld [tilespmem:s24+$0x180];
	v63 =	vmov s19;
	v15 =	vmov s16;
	v7 =	vmov s6;
	[tilespmem:s24+$0x100] =	vst v10  }
0x360: {  	v17 =	vld [tilespmem:s24+$0x190];
	v7 =	vand.u32 $0xFFFFFFF8, v7;
	v3 =	vmov s9;
	s9 =	simm.s32 $0xB;
	[tilespmem:s24+$0x150] =	vst v11;
	v9 =	vmul.f32 v9, v2  }
0x361: {  	v10 =	vmov s9;
	[tilespmem:s24+$0x110] =	vst v4;
	v16 =	vmul.f32 v6, v2;
	v4 =	vbroadcast v7, $0x0;
	v6 =	vld [tilespmem:s24+$0x1A0]  }
0x362: {  	v7 =	vld [tilespmem:s24+$0x1B0];
	[tilespmem:s24+$0x120] =	vst v9;
	v9 =	vmul.f32 v5, v2;
	v5 =	vand.u32 $0xFFFFFFF9, v12;
	v12 =	vand.u32 $0xFFFFFFFA, v13  }
0x363: {  	v13 =	vand.u32 $0xFFFFFFFB, v10;
	[tilespmem:s24+$0x130] =	vst v16;
	v5 =	vbroadcast v5, $0x0;
	v16 =	vmul.f32 v8, v2;
	v8 =	vld [tilespmem:s24+$0x1C0]  }
0x364: {  	v10 =	vbroadcast v12, $0x0;
	[tilespmem:s24+$0x140] =	vst v9;
	v2 =	vand.u32 $0xFFFFFFFC, v15;
	v15 =	vmul.f32 v14, v1;
	v9 =	vld [tilespmem:s24+$0x1D0]  }
0x365: {  	s4 =	simm.s32 $0xE;
	s19 =	simm.s32 $0x10;
	v11 =	vld [tilespmem:s24+$0x1E0];
	v12 =	vbroadcast v13, $0x0;
	v13 =	vmul.f32 v17, v1;
	v14 =	vand.u32 $0xFFFFFFFD, v63;
	[tilespmem:s24+$0x160] =	vst v16  }
.LBB2_14:
0x366: {  	p0 =	slt.u32 s19, $0x48;
	v2 =	vbroadcast v2, $0x0;
	v16 =	vmov s4;
	[tilespmem:s24+$0x180] =	vst v15;
	v6 =	vmul.f32 v6, v1;
	v15 =	vld [tilespmem:s24+$0x1F0]  }
0x367: {  	v14 =	vbroadcast v14, $0x0;
	v16 =	vand.u32 $0xFFFFFFFE, v16;
	v17 =	vld.idx.msk [tilespmem:v3+s28+$0x0], $0xffff;
	[tilespmem:s24+$0x190] =	vst v13;
	v3 =	vmul.f32 v7, v1  }
0x368: {  	v7 =	vld.idx.msk [tilespmem:v4+s28+$0x0], $0xffff;
	v13 =	vbroadcast v16, $0x0;
	[tilespmem:s24+$0x1A0] =	vst v6;
	v4 =	vmul.f32 v8, v1  }
0x369: {  	v6 =	vld.idx.msk [tilespmem:v5+s28+$0x0], $0xffff;
	[tilespmem:s24+$0x1B0] =	vst v3;
	v3 =	vmul.f32 v9, v1  }
0x36a: {  	v8 =	vld.idx.msk [tilespmem:v10+s28+$0x0], $0xffff;
	[tilespmem:s24+$0x1C0] =	vst v4;
	v9 =	vmul.f32 v11, v1  }
0x36b: {  	v5 =	vld.idx.msk [tilespmem:v12+s28+$0x0], $0xffff;
	[tilespmem:s24+$0x1D0] =	vst v3;
	v10 =	vmul.f32 v15, v1  }
0x36c: {  	v4 =	vld.idx.msk [tilespmem:v2+s28+$0x0], $0xffff;
	[tilespmem:s24+$0x1E0] =	vst v9  }
0x36d: {  	v1 =	vmov v17;
	v3 =	vld.idx.msk [tilespmem:v14+s28+$0x0], $0xffff;
	[tilespmem:s24+$0x1F0] =	vst v10  }
0x36e: {  	s24 =	sadd.s32 $0x400, s24;
	v2 =	vld.idx.msk [tilespmem:v13+s28+$0x0], $0xffff  }
0x36f: {  	v9 =	vld [tilespmem:s24+$0x170]  }
0x370: {  	v10 =	vld [tilespmem:s24+$0xFFFFFE00]  }
0x371: {  	v11 =	vld [tilespmem:s24+$0xFFFFFE10]  }
0x372: {  	v12 =	vld [tilespmem:s24+$0xFFFFFE20]  }
0x373: {  	v13 =	vld [tilespmem:s24+$0xFFFFFE30]  }
0x374: {  	v14 =	vld [tilespmem:s24+$0xFFFFFE40];
	v9 =	vmul.f32 v9, v2  }
0x375: {  	v10 =	vmul.f32 v10, v7;
	v15 =	vld [tilespmem:s24+$0xFFFFFE50]  }
0x376: {  	v11 =	vmul.f32 v11, v7;
	v16 =	vld [tilespmem:s24+$0xFFFFFE60];
	[tilespmem:s24+$0x170] =	vst v9  }
0x377: {  	[tilespmem:s24+$0xFFFFFE00] =	vst v10;
	v9 =	vmul.f32 v12, v7;
	v10 =	vld [tilespmem:s24+$0xFFFFFE70]  }
0x378: {  	[tilespmem:s24+$0xFFFFFE10] =	vst v11;
	v11 =	vmul.f32 v13, v7;
	v12 =	vld [tilespmem:s24+$0xFFFFFE80]  }
0x379: {  	[tilespmem:s24+$0xFFFFFE20] =	vst v9;
	v9 =	vmul.f32 v14, v7;
	v13 =	vld [tilespmem:s24+$0xFFFFFE90]  }
0x37a: {  	[tilespmem:s24+$0xFFFFFE30] =	vst v11;
	v11 =	vmul.f32 v15, v7;
	v14 =	vld [tilespmem:s24+$0xFFFFFEA0]  }
0x37b: {  	[tilespmem:s24+$0xFFFFFE40] =	vst v9;
	v9 =	vmul.f32 v16, v7;
	v15 =	vld [tilespmem:s24+$0xFFFFFEB0]  }
0x37c: {  	[tilespmem:s24+$0xFFFFFE50] =	vst v11;
	v7 =	vmul.f32 v10, v7;
	v10 =	vld [tilespmem:s24+$0xFFFFFEC0]  }
0x37d: {  	[tilespmem:s24+$0xFFFFFE60] =	vst v9;
	v9 =	vmul.f32 v12, v6;
	v11 =	vld [tilespmem:s24+$0xFFFFFED0]  }
0x37e: {  	[tilespmem:s24+$0xFFFFFE70] =	vst v7;
	v7 =	vmul.f32 v13, v6;
	v12 =	vld [tilespmem:s24+$0xFFFFFEE0]  }
0x37f: {  	[tilespmem:s24+$0xFFFFFE80] =	vst v9;
	v9 =	vmul.f32 v14, v6;
	v13 =	vld [tilespmem:s24+$0xFFFFFEF0]  }
0x380: {  	[tilespmem:s24+$0xFFFFFE90] =	vst v7;
	v7 =	vmul.f32 v15, v6;
	v14 =	vld [tilespmem:s24+$0xFFFFFF00]  }
0x381: {  	[tilespmem:s24+$0xFFFFFEA0] =	vst v9;
	v9 =	vmul.f32 v10, v6;
	v10 =	vld [tilespmem:s24+$0xFFFFFF10]  }
0x382: {  	[tilespmem:s24+$0xFFFFFEB0] =	vst v7;
	v7 =	vmul.f32 v11, v6;
	v11 =	vld [tilespmem:s24+$0xFFFFFF20]  }
0x383: {  	[tilespmem:s24+$0xFFFFFEC0] =	vst v9;
	v9 =	vmul.f32 v12, v6;
	v12 =	vld [tilespmem:s24+$0xFFFFFF30]  }
0x384: {  	[tilespmem:s24+$0xFFFFFED0] =	vst v7;
	v6 =	vmul.f32 v13, v6;
	v7 =	vld [tilespmem:s24+$0xFFFFFF40]  }
0x385: {  	[tilespmem:s24+$0xFFFFFEE0] =	vst v9;
	v9 =	vmul.f32 v14, v8;
	v13 =	vld [tilespmem:s24+$0xFFFFFF50]  }
0x386: {  	[tilespmem:s24+$0xFFFFFEF0] =	vst v6;
	v6 =	vmul.f32 v10, v8;
	v10 =	vld [tilespmem:s24+$0xFFFFFF60]  }
0x387: {  	[tilespmem:s24+$0xFFFFFF00] =	vst v9;
	v9 =	vmul.f32 v11, v8;
	v11 =	vld [tilespmem:s24+$0xFFFFFF70]  }
0x388: {  	[tilespmem:s24+$0xFFFFFF10] =	vst v6;
	v6 =	vmul.f32 v12, v8;
	v12 =	vld [tilespmem:s24+$0xFFFFFF80]  }
0x389: {  	[tilespmem:s24+$0xFFFFFF20] =	vst v9;
	v7 =	vmul.f32 v7, v8;
	v9 =	vld [tilespmem:s24+$0xFFFFFF90]  }
0x38a: {  	[tilespmem:s24+$0xFFFFFF30] =	vst v6;
	v6 =	vmul.f32 v13, v8;
	v13 =	vld [tilespmem:s24+$0xFFFFFFA0]  }
0x38b: {  	[tilespmem:s24+$0xFFFFFF40] =	vst v7;
	v7 =	vmul.f32 v10, v8;
	v10 =	vld [tilespmem:s24+$0xFFFFFFB0]  }
0x38c: {  	[tilespmem:s24+$0xFFFFFF50] =	vst v6;
	v6 =	vmul.f32 v11, v8;
	v8 =	vld [tilespmem:s24+$0xFFFFFFC0]  }
0x38d: {  	[tilespmem:s24+$0xFFFFFF60] =	vst v7;
	v7 =	vmul.f32 v12, v5;
	v11 =	vld [tilespmem:s24+$0xFFFFFFD0]  }
0x38e: {  	[tilespmem:s24+$0xFFFFFF70] =	vst v6;
	v6 =	vmul.f32 v9, v5;
	v9 =	vld [tilespmem:s24+$0xFFFFFFE0]  }
0x38f: {  	[tilespmem:s24+$0xFFFFFF80] =	vst v7;
	v7 =	vmul.f32 v13, v5;
	v12 =	vld [tilespmem:s24+$0xFFFFFFF0]  }
0x390: {  	[tilespmem:s24+$0xFFFFFF90] =	vst v6;
	v6 =	vmul.f32 v10, v5;
	v10 =	vld [tilespmem:s24+$0x0]  }
0x391: {  	[tilespmem:s24+$0xFFFFFFA0] =	vst v7;
	v7 =	vmul.f32 v8, v5;
	v8 =	vld [tilespmem:s24+$0x10]  }
0x392: {  	[tilespmem:s24+$0xFFFFFFB0] =	vst v6;
	v6 =	vmul.f32 v11, v5;
	v11 =	vld [tilespmem:s24+$0x20]  }
0x393: {  	[tilespmem:s24+$0xFFFFFFC0] =	vst v7;
	v7 =	vmul.f32 v9, v5;
	v9 =	vld [tilespmem:s24+$0x30]  }
0x394: {  	[tilespmem:s24+$0xFFFFFFD0] =	vst v6;
	v5 =	vmul.f32 v12, v5;
	v6 =	vld [tilespmem:s24+$0x40]  }
0x395: {  	[tilespmem:s24+$0xFFFFFFE0] =	vst v7;
	v7 =	vmul.f32 v10, v4;
	v10 =	vld [tilespmem:s24+$0x50]  }
0x396: {  	[tilespmem:s24+$0xFFFFFFF0] =	vst v5;
	v5 =	vmul.f32 v8, v4;
	v8 =	vld [tilespmem:s24+$0x60]  }
0x397: {  	[tilespmem:s24+$0x0] =	vst v7;
	v7 =	vmul.f32 v11, v4;
	v11 =	vld [tilespmem:s24+$0x70]  }
0x398: {  	[tilespmem:s24+$0x10] =	vst v5;
	v5 =	vmul.f32 v9, v4;
	v9 =	vld [tilespmem:s24+$0x80]  }
0x399: {  	[tilespmem:s24+$0x20] =	vst v7;
	v6 =	vmul.f32 v6, v4;
	v7 =	vld [tilespmem:s24+$0x90]  }
0x39a: {  	[tilespmem:s24+$0x30] =	vst v5;
	v5 =	vmul.f32 v10, v4;
	v10 =	vld [tilespmem:s24+$0xA0]  }
0x39b: {  	[tilespmem:s24+$0x40] =	vst v6;
	v6 =	vmul.f32 v8, v4;
	v8 =	vld [tilespmem:s24+$0xB0]  }
0x39c: {  	[tilespmem:s24+$0x50] =	vst v5;
	v4 =	vmul.f32 v11, v4;
	v5 =	vld [tilespmem:s24+$0xC0]  }
0x39d: {  	[tilespmem:s24+$0x60] =	vst v6;
	v6 =	vmul.f32 v9, v3;
	v9 =	vld [tilespmem:s24+$0xD0]  }
0x39e: {  	[tilespmem:s24+$0x70] =	vst v4;
	v4 =	vmul.f32 v7, v3;
	v7 =	vld [tilespmem:s24+$0xE0]  }
0x39f: {  	[tilespmem:s24+$0x80] =	vst v6;
	v6 =	vmul.f32 v10, v3;
	v10 =	vld [tilespmem:s24+$0xF0]  }
0x3a0: {  	[tilespmem:s24+$0x90] =	vst v4;
	v4 =	vmul.f32 v8, v3;
	v8 =	vld [tilespmem:s24+$0x100]  }
0x3a1: {  	[tilespmem:s24+$0xA0] =	vst v6;
	v5 =	vmul.f32 v5, v3;
	v6 =	vld [tilespmem:s24+$0x110]  }
0x3a2: {  	[tilespmem:s24+$0xB0] =	vst v4;
	v4 =	vmul.f32 v9, v3;
	v9 =	vld [tilespmem:s24+$0x120]  }
0x3a3: {  	[tilespmem:s24+$0xC0] =	vst v5;
	v5 =	vmul.f32 v7, v3;
	v7 =	vld [tilespmem:s24+$0x130]  }
0x3a4: {  	[tilespmem:s24+$0xD0] =	vst v4;
	v4 =	vmul.f32 v10, v3;
	v10 =	vld [tilespmem:s24+$0x140]  }
0x3a5: {  	s4 =	sadd.s32 $0x7, s19;
	v3 =	vmov s19;
	[tilespmem:s24+$0xE0] =	vst v5;
	v5 =	vmul.f32 v8, v2;
	v8 =	vld [tilespmem:s24+$0x150]  }
0x3a6: {  	s6 =	sadd.s32 $0x1, s19;
	s9 =	sadd.s32 $0x2, s19;
	v11 =	vand.u32 $0xFFFFFFF8, v3;
	v3 =	vmov s4;
	[tilespmem:s24+$0xF0] =	vst v4;
	v4 =	vmul.f32 v6, v2;
	v12 =	vld [tilespmem:s24+$0x160]  }
0x3a7: {  	v14 =	vmov s9;
	v13 =	vmov s6;
	s6 =	sadd.s32 $0x4, s19;
	s4 =	sadd.s32 $0x3, s19;
	[tilespmem:s24+$0x100] =	vst v5;
	v5 =	vmul.f32 v9, v2;
	v9 =	vld [tilespmem:s24+$0x180]  }
0x3a8: {  	v16 =	vmov s6;
	v15 =	vmov s4;
	s4 =	sadd.s32 $0x5, s19;
	[tilespmem:s24+$0x110] =	vst v4;
	v7 =	vmul.f32 v7, v2;
	v17 =	vld [tilespmem:s24+$0x190]  }
.Ltmp6:
0x3a9: {  	v4 =	vbroadcast v11, $0x0;
	v11 =	vmov s4;
	[tilespmem:s24+$0x120] =	vst v5;
	v10 =	vmul.f32 v10, v2;
	v6 =	vld [tilespmem:s24+$0x1A0];
	(pc) =	sbr.rel @p0 .LBB2_14-.Ltmp6, $4  }
0x3aa: {  	v5 =	vand.u32 $0xFFFFFFF9, v13;
	v13 =	vand.u32 $0xFFFFFFFA, v14;
	[tilespmem:s24+$0x130] =	vst v7;
	v14 =	vmul.f32 v8, v2;
	v7 =	vld [tilespmem:s24+$0x1B0]  }
0x3ab: {  	v18 =	vand.u32 $0xFFFFFFFB, v15;
	v5 =	vbroadcast v5, $0x0;
	[tilespmem:s24+$0x140] =	vst v10;
	v19 =	vmul.f32 v12, v2;
	v8 =	vld [tilespmem:s24+$0x1C0]  }
0x3ac: {  	v10 =	vbroadcast v13, $0x0;
	v2 =	vand.u32 $0xFFFFFFFC, v16;
	[tilespmem:s24+$0x150] =	vst v14;
	v15 =	vmul.f32 v9, v1;
	v9 =	vld [tilespmem:s24+$0x1D0]  }
0x3ad: {  	s4 =	sadd.s32 $0x6, s19;
	s19 =	sadd.s32 $0x8, s19;
	v12 =	vbroadcast v18, $0x0;
	v14 =	vand.u32 $0xFFFFFFFD, v11;
	[tilespmem:s24+$0x160] =	vst v19;
	v13 =	vmul.f32 v17, v1;
	v11 =	vld [tilespmem:s24+$0x1E0]  }
0x3ae: {  	_ =	sdelay $0x2  }
0x3af: {  	v16 =	vld [tilespmem:s24+$0x1F0]  }
0x3b0: {  	v18 =	vld.idx.msk [tilespmem:v4+s28+$0x0], $0xffff  }
0x3b1: {  	[tilespmem:s24+$0x180] =	vst v15;
	v15 =	vbroadcast v2, $0x0;
	v2 =	vmov s4;
	v10 =	vld.idx.msk [tilespmem:v10+s28+$0x0], $0xffff  }
0x3b2: {  	v17 =	vand.u32 $0xFFFFFFFE, v2;
	v2 =	vld.idx.msk [tilespmem:v3+s28+$0x0], $0xffff  }
0x3b3: {  	s19 =	sadd.s32 $0x400, s24;
	v12 =	vld.idx.msk [tilespmem:v12+s28+$0x0], $0xffff  }
0x3b4: {  	v14 =	vbroadcast v14, $0x0;
	v6 =	vmul.f32 v6, v1;
	[tilespmem:s24+$0x190] =	vst v13;
	v13 =	vld [tilespmem:s19+$0x170]  }
0x3b5: {  	v7 =	vmul.f32 v7, v1;
	v3 =	vbroadcast v17, $0x0;
	v17 =	vld.idx.msk [tilespmem:v5+s28+$0x0], $0xffff  }
0x3b6: {  	[tilespmem:s24+$0x1A0] =	vst v6;
	v6 =	vmul.f32 v8, v1;
	v8 =	vld [tilespmem:s19+$0xFFFFFE00]  }
0x3b7: {  	[tilespmem:s24+$0x1B0] =	vst v7;
	v7 =	vmul.f32 v9, v1;
	v9 =	vld [tilespmem:s19+$0xFFFFFE10]  }
0x3b8: {  	[tilespmem:s24+$0x1C0] =	vst v6;
	v6 =	vmul.f32 v11, v1;
	v11 =	vld [tilespmem:s19+$0xFFFFFE20]  }
0x3b9: {  	[tilespmem:s24+$0x1D0] =	vst v7;
	v7 =	vld [tilespmem:s19+$0xFFFFFE30]  }
0x3ba: {  	v5 =	vld.idx.msk [tilespmem:v15+s28+$0x0], $0xffff  }
0x3bb: {  	v1 =	vmul.f32 v16, v1;
	v4 =	vld.idx.msk [tilespmem:v14+s28+$0x0], $0xffff  }
0x3bc: {  	[tilespmem:s24+$0x1E0] =	vst v6;
	v6 =	vld [tilespmem:s19+$0xFFFFFE40]  }
0x3bd: {  	[tilespmem:s24+$0x1F0] =	vst v1;
	v1 =	vmul.f32 v8, v18;
	v3 =	vld.idx.msk [tilespmem:v3+s28+$0x0], $0xffff  }
0x3be: {  	v8 =	vld [tilespmem:s19+$0xFFFFFE50];
	v9 =	vmul.f32 v9, v18  }
0x3bf: {  	v14 =	vld [tilespmem:s19+$0xFFFFFE60];
	[tilespmem:s19+$0xFFFFFE00] =	vst v1;
	v1 =	vmul.f32 v11, v18  }
0x3c0: {  	v11 =	vld [tilespmem:s19+$0xFFFFFE70];
	[tilespmem:s19+$0xFFFFFE10] =	vst v9;
	v7 =	vmul.f32 v7, v18  }
0x3c1: {  	v9 =	vld [tilespmem:s19+$0xFFFFFE80];
	[tilespmem:s19+$0xFFFFFE20] =	vst v1;
	v1 =	vmul.f32 v6, v18  }
0x3c2: {  	v6 =	vld [tilespmem:s19+$0xFFFFFE90];
	[tilespmem:s19+$0xFFFFFE30] =	vst v7;
	v13 =	vmul.f32 v13, v3  }
0x3c3: {  	v7 =	vmul.f32 v8, v18;
	v8 =	vld [tilespmem:s19+$0xFFFFFEA0];
	[tilespmem:s19+$0xFFFFFE40] =	vst v1  }
0x3c4: {  	v1 =	vmul.f32 v14, v18;
	[tilespmem:s19+$0x170] =	vst v13;
	v13 =	vld [tilespmem:s19+$0xFFFFFEB0]  }
0x3c5: {  	[tilespmem:s19+$0xFFFFFE50] =	vst v7;
	v7 =	vmul.f32 v11, v18;
	v11 =	vld [tilespmem:s19+$0xFFFFFEC0]  }
0x3c6: {  	[tilespmem:s19+$0xFFFFFE60] =	vst v1;
	v1 =	vmul.f32 v9, v17;
	v9 =	vld [tilespmem:s19+$0xFFFFFED0]  }
0x3c7: {  	[tilespmem:s19+$0xFFFFFE70] =	vst v7;
	v6 =	vmul.f32 v6, v17;
	v7 =	vld [tilespmem:s19+$0xFFFFFEE0]  }
0x3c8: {  	[tilespmem:s19+$0xFFFFFE80] =	vst v1;
	v1 =	vmul.f32 v8, v17;
	v8 =	vld [tilespmem:s19+$0xFFFFFEF0]  }
0x3c9: {  	[tilespmem:s19+$0xFFFFFE90] =	vst v6;
	v6 =	vmul.f32 v13, v17;
	v13 =	vld [tilespmem:s19+$0xFFFFFF00]  }
0x3ca: {  	[tilespmem:s19+$0xFFFFFEA0] =	vst v1;
	v1 =	vmul.f32 v11, v17;
	v11 =	vld [tilespmem:s19+$0xFFFFFF10]  }
0x3cb: {  	[tilespmem:s19+$0xFFFFFEB0] =	vst v6;
	v6 =	vmul.f32 v9, v17;
	v9 =	vld [tilespmem:s19+$0xFFFFFF20]  }
0x3cc: {  	[tilespmem:s19+$0xFFFFFEC0] =	vst v1;
	v1 =	vmul.f32 v7, v17;
	v7 =	vld [tilespmem:s19+$0xFFFFFF30]  }
0x3cd: {  	[tilespmem:s19+$0xFFFFFED0] =	vst v6;
	v6 =	vmul.f32 v8, v17;
	v8 =	vld [tilespmem:s19+$0xFFFFFF40]  }
0x3ce: {  	[tilespmem:s19+$0xFFFFFEE0] =	vst v1;
	v1 =	vmul.f32 v13, v10;
	v13 =	vld [tilespmem:s19+$0xFFFFFF50]  }
0x3cf: {  	[tilespmem:s19+$0xFFFFFEF0] =	vst v6;
	v6 =	vmul.f32 v11, v10;
	v11 =	vld [tilespmem:s19+$0xFFFFFF60]  }
0x3d0: {  	[tilespmem:s19+$0xFFFFFF00] =	vst v1;
	v1 =	vmul.f32 v9, v10;
	v9 =	vld [tilespmem:s19+$0xFFFFFF70]  }
0x3d1: {  	[tilespmem:s19+$0xFFFFFF10] =	vst v6;
	v6 =	vmul.f32 v7, v10;
	v7 =	vld [tilespmem:s19+$0xFFFFFF80]  }
0x3d2: {  	[tilespmem:s19+$0xFFFFFF20] =	vst v1;
	v1 =	vmul.f32 v8, v10;
	v8 =	vld [tilespmem:s19+$0xFFFFFF90]  }
0x3d3: {  	[tilespmem:s19+$0xFFFFFF30] =	vst v6;
	v6 =	vmul.f32 v13, v10;
	v13 =	vld [tilespmem:s19+$0xFFFFFFA0]  }
0x3d4: {  	[tilespmem:s19+$0xFFFFFF40] =	vst v1;
	v1 =	vmul.f32 v11, v10;
	v11 =	vld [tilespmem:s19+$0xFFFFFFB0]  }
0x3d5: {  	[tilespmem:s19+$0xFFFFFF50] =	vst v6;
	v6 =	vmul.f32 v9, v10;
	v9 =	vld [tilespmem:s19+$0xFFFFFFC0]  }
0x3d6: {  	[tilespmem:s19+$0xFFFFFF60] =	vst v1;
	v1 =	vmul.f32 v7, v12;
	v7 =	vld [tilespmem:s19+$0xFFFFFFD0]  }
0x3d7: {  	[tilespmem:s19+$0xFFFFFF70] =	vst v6;
	v6 =	vmul.f32 v8, v12;
	v8 =	vld [tilespmem:s19+$0xFFFFFFE0]  }
0x3d8: {  	v10 =	vld [tilespmem:s19+$0xFFFFFFF0];
	[tilespmem:s19+$0xFFFFFF80] =	vst v1;
	v1 =	vmul.f32 v13, v12  }
0x3d9: {  	[tilespmem:s19+$0xFFFFFF90] =	vst v6;
	v6 =	vmul.f32 v11, v12;
	v11 =	vld [tilespmem:s19+$0x0]  }
0x3da: {  	[tilespmem:s19+$0xFFFFFFA0] =	vst v1;
	v1 =	vmul.f32 v9, v12;
	v9 =	vld [tilespmem:s19+$0x10]  }
0x3db: {  	[tilespmem:s19+$0xFFFFFFB0] =	vst v6;
	v6 =	vmul.f32 v7, v12;
	v7 =	vld [tilespmem:s19+$0x20]  }
0x3dc: {  	[tilespmem:s19+$0xFFFFFFC0] =	vst v1;
	v1 =	vmul.f32 v8, v12;
	v8 =	vld [tilespmem:s19+$0x30]  }
0x3dd: {  	[tilespmem:s19+$0xFFFFFFD0] =	vst v6;
	v6 =	vmul.f32 v10, v12;
	v10 =	vld [tilespmem:s19+$0x40]  }
0x3de: {  	[tilespmem:s19+$0xFFFFFFE0] =	vst v1;
	v1 =	vmul.f32 v11, v5;
	v11 =	vld [tilespmem:s19+$0x50]  }
0x3df: {  	[tilespmem:s19+$0xFFFFFFF0] =	vst v6;
	v6 =	vmul.f32 v9, v5;
	v9 =	vld [tilespmem:s19+$0x60]  }
0x3e0: {  	[tilespmem:s19+$0x0] =	vst v1;
	v1 =	vmul.f32 v7, v5;
	v7 =	vld [tilespmem:s19+$0x70]  }
0x3e1: {  	[tilespmem:s19+$0x10] =	vst v6;
	v6 =	vmul.f32 v8, v5;
	v8 =	vld [tilespmem:s19+$0x80]  }
0x3e2: {  	[tilespmem:s19+$0x20] =	vst v1;
	v1 =	vmul.f32 v10, v5;
	v10 =	vld [tilespmem:s19+$0x90]  }
0x3e3: {  	[tilespmem:s19+$0x30] =	vst v6;
	v6 =	vmul.f32 v11, v5;
	v11 =	vld [tilespmem:s19+$0xA0]  }
0x3e4: {  	[tilespmem:s19+$0x40] =	vst v1;
	v1 =	vmul.f32 v9, v5;
	v9 =	vld [tilespmem:s19+$0xB0]  }
0x3e5: {  	[tilespmem:s19+$0x50] =	vst v6;
	v5 =	vmul.f32 v7, v5;
	v6 =	vld [tilespmem:s19+$0xC0]  }
0x3e6: {  	v7 =	vld [tilespmem:s19+$0xD0];
	[tilespmem:s19+$0x60] =	vst v1;
	v1 =	vmul.f32 v8, v4  }
0x3e7: {  	v8 =	vld [tilespmem:s19+$0xE0];
	[tilespmem:s19+$0x70] =	vst v5;
	v5 =	vmul.f32 v10, v4  }
0x3e8: {  	v10 =	vld [tilespmem:s19+$0xF0];
	[tilespmem:s19+$0x80] =	vst v1;
	v1 =	vmul.f32 v11, v4  }
0x3e9: {  	[tilespmem:s19+$0x90] =	vst v5;
	v5 =	vmul.f32 v9, v4;
	v9 =	vld [tilespmem:s19+$0x100]  }
0x3ea: {  	[tilespmem:s19+$0xA0] =	vst v1;
	v1 =	vmul.f32 v6, v4;
	v6 =	vld [tilespmem:s19+$0x110]  }
0x3eb: {  	[tilespmem:s19+$0xB0] =	vst v5;
	v5 =	vmul.f32 v7, v4;
	v7 =	vld [tilespmem:s19+$0x120]  }
0x3ec: {  	[tilespmem:s19+$0xC0] =	vst v1;
	v1 =	vmul.f32 v8, v4;
	v8 =	vld [tilespmem:s19+$0x130]  }
0x3ed: {  	v4 =	vmul.f32 v10, v4;
	[tilespmem:s19+$0xD0] =	vst v5;
	v5 =	vld [tilespmem:s19+$0x140]  }
0x3ee: {  	[tilespmem:s19+$0xE0] =	vst v1;
	v1 =	vmul.f32 v9, v3;
	v9 =	vld [tilespmem:s19+$0x150]  }
0x3ef: {  	[tilespmem:s19+$0xF0] =	vst v4;
	v4 =	vmul.f32 v6, v3;
	v6 =	vld [tilespmem:s19+$0x160]  }
0x3f0: {  	[tilespmem:s19+$0x100] =	vst v1;
	v1 =	vmul.f32 v7, v3;
	v7 =	vld [tilespmem:s19+$0x180]  }
0x3f1: {  	[tilespmem:s19+$0x110] =	vst v4;
	v4 =	vmul.f32 v8, v3;
	v8 =	vld [tilespmem:s19+$0x190]  }
0x3f2: {  	[tilespmem:s19+$0x120] =	vst v1;
	v1 =	vmul.f32 v5, v3;
	v5 =	vld [tilespmem:s19+$0x1A0]  }
0x3f3: {  	[tilespmem:s19+$0x130] =	vst v4;
	v4 =	vmul.f32 v9, v3;
	v9 =	vld [tilespmem:s19+$0x1B0]  }
0x3f4: {  	[tilespmem:s19+$0x140] =	vst v1;
	v1 =	vmul.f32 v6, v3;
	v3 =	vld [tilespmem:s19+$0x1C0]  }
0x3f5: {  	v6 =	vld [tilespmem:s19+$0x1D0];
	[tilespmem:s19+$0x150] =	vst v4;
	v4 =	vmul.f32 v7, v2  }
0x3f6: {  	v7 =	vld [tilespmem:s19+$0x1E0];
	[tilespmem:s19+$0x160] =	vst v1;
	v1 =	vmul.f32 v8, v2  }
0x3f7: {  	p0 =	seq.s32 s31, $0x20;
	s24 =	sadd.s32 $0x1, s31;
	[tilespmem:s19+$0x180] =	vst v4;
	v4 =	vmul.f32 v5, v2;
	v5 =	vld [tilespmem:s19+$0x1F0]  }
0x3f8: {  	s4 =	smulhi.u32 @!p0 $0xAAAAAAAB, s24;
	[tilespmem:s19+$0x190] =	vst v1;
	v1 =	vmul.f32 v9, v2  }
0x3f9: {  	[tilespmem:s19+$0x1A0] =	vst v4;
	v3 =	vmul.f32 v3, v2  }
0x3fa: {  	s4 =	sshrl.u32 @!p0 s4, $0x1;
	[tilespmem:s19+$0x1B0] =	vst v1;
	v1 =	vmul.f32 v6, v2  }
0x3fb: {  	s4 =	smul.u32 @!p0 $0x3, s4;
	[tilespmem:s19+$0x1C0] =	vst v3;
	v3 =	vmul.f32 v7, v2  }
0x3fc: {  	[tilespmem:s19+$0x1D0] =	vst v1;
	v1 =	vmul.f32 v5, v2  }
0x3fd: {  	s4 =	ssub.s32 @!p0 s24, s4;
	[tilespmem:s19+$0x1E0] =	vst v3  }
0x3fe: {  	p1 =	sne.s32 @!p0 s4, $0x0;
	[tilespmem:s19+$0x1F0] =	vst v1  }
0x3ff: {  	[spmem:s14] =	stream.indirect.scatter.add.f32 [tilespmem:s28], [sflag:$0xB], $0x1, s7, s15, $0xb8;
	[tilespmem:$0x1FB00] =	vst v63  }
0x400: {  	p1 =	por p1, p0  }
0x401: {  	[spmem:s13] =	stream.indirect.scatter.add.f32 [tilespmem:s11], [sflag:$0x7], $0x80, s7, s15, $0xb8;
	[tilespmem:$0x1FB00] =	vst v63  }
0x402: {  	s6 =	simm.s32 @!p0 $0x5;
	s7 =	smulhi.u32 @!p1 $0xAAAAAAAB, s24  }
0x403: {  	_ =	swait.ge @!p0 [sflag:s6], $0x2800  }
0x404: {  	[sflag:s6] =	ssyncset.done @!p0 $0x0;
	s7 =	sshll.u32 @!p1 s7, $0x8  }
0x405: {  	[sflag:s6] =	ssyncadd.s32 @!p0 $0xFFFFD800;
	s6 =	simm.s32 @!p0 $0x9;
	s31 =	sand.u32 @!p1 $0xFFFFFE00, s7  }
0x406: {  	_ =	swait.ge @!p0 [sflag:s6], $0x50;
	s7 =	sadd.s32 @!p1 s8, s31  }
0x407: {  	[sflag:s6] =	ssyncset.done @!p0 $0x0;
	s7 =	sshrl.u32 @!p1 s7, $0x3  }
0x408: {  	s9 =	simm.s32 @!p1 $0x0;
	[sflag:s6] =	ssyncadd.s32 @!p0 $0xFFFFFFB0;
	s6 =	sadd.s32 @!p1 s17, s7  }
0x409: {  	[tilespmem:s9], [sflag:$0xD] =	stream.linear.gather @!p1 [hbm4b:s6+s9], $0x180, $0x38;
	[tilespmem:$0x1FB00] =	vst v63  }
0x40a: {  	s6 =	simm.s32 @!p1 $0xD  }
0x40b: {  	_ =	swait.ge @!p1 [sflag:s6], $0x180  }
0x40c: {  	[sflag:s6] =	ssyncset.done @!p1 $0x0  }
0x40d: {  	s19 =	simm.s32 @!p1 $0x200;
	s7 =	sadd.s32 @!p1 s18, s7;
	[sflag:s6] =	ssyncadd.s32 @!p1 $0xFFFFFE80  }
0x40e: {  	[tilespmem:s19], [sflag:$0xD] =	stream.linear.gather @!p1 [hbm4b:s7+s9], $0x180, $0x38;
	[tilespmem:$0x1FB00] =	vst v63  }
0x40f: {  	_ =	swait.ge @!p1 [sflag:s6], $0x180  }
0x410: {  	s7 =	sshll.u32 @!p0 s4, $0x7;
	[sflag:s6] =	ssyncset.done @!p1 $0x0  }
0x411: {  	s4 =	simm.s32 @!p0 $0x50;
	[sflag:s6] =	ssyncadd.s32 @!p1 $0xFFFFFE80;
	s6 =	simm.s32 @!p0 $0x580  }
0x412: {  	[tilespmem:s6], [sflag:$0x1] =	stream.indirect.gather @!p0 [hbm4b:s0+s4], $0x80, s7, s4, $0xb8;
	[tilespmem:$0x1FB00] =	vst v63  }
0x413: {  	s6 =	simm.s32 @!p0 $0x400  }
0x414: {  	[tilespmem:s6], [sflag:$0x1] =	stream.indirect.gather @!p0 [hbm4b:s1+s4], $0x1, s7, s4, $0xb8;
	[tilespmem:$0x1FB00] =	vst v63  }
0x415: {  	s9 =	simm.s32 @!p0 $0x480;
	s6 =	sadd.s32 @!p0 $0x200, s7  }
0x416: {  	[tilespmem:s9], [sflag:$0x1] =	stream.indirect.gather @!p0 [hbm4b:s2+s4], $0x1, s6, s4, $0xb8;
	[tilespmem:$0x1FB00] =	vst v63  }
0x417: {  	_ =	swait.ge [sflag:s30], $0x2800  }
0x418: {  	[sflag:s30] =	ssyncset.done $0x0  }
0x419: {  	[sflag:s30] =	ssyncadd.s32 $0xFFFFD800  }
0x41a: {  	_ =	swait.ge [sflag:s30], $0x50  }
0x41b: {  	[sflag:s30] =	ssyncset.done $0x0  }
0x41c: {  	[sflag:s30] =	ssyncadd.s32 $0xFFFFFFB0  }
0x41d: {  	_ =	swait.ge [sflag:s30], $0x50  }
0x41e: {  	[sflag:s30] =	ssyncset.done $0x0  }
0x41f: {  	[sflag:s30] =	ssyncadd.s32 $0xFFFFFFB0  }
0x420: {  	v1 =	vld [tilespmem:$0x8C80]  }
0x421: {  	v2 =	vld [tilespmem:$0x8D00]  }
0x422: {  	v3 =	vld [tilespmem:$0x8C90]  }
0x423: {  	v4 =	vld [tilespmem:$0x8D10]  }
0x424: {  	v5 =	vld [tilespmem:$0x8CA0]  }
0x425: {  	v6 =	vld [tilespmem:$0x8D20]  }
0x426: {  	v7 =	vld [tilespmem:$0x8D30];
	v1 =	vadd.f32 v2, v1  }
0x427: {  	v9 =	vld [tilespmem:$0x8CC0]  }
0x428: {  	v2 =	vld [tilespmem:$0x8CB0];
	v8 =	vmul.f32 $2.000000030e-01, v1  }
0x429: {  	v10 =	vld [tilespmem:$0x8D40];
	vm0 =	vgt.f32 v1, $0.0e+00  }
0x42a: {  	v3 =	vadd.f32 v4, v3;
	v1 =	vsel vm0, v1, v8  }
0x42b: {  	v1 =	vmul.f32 $1.442695020e+00, v1  }
0x42c: {  	v5 =	vadd.f32 v6, v5;
	v4 =	vmul.f32 $2.000000030e-01, v3  }
0x42d: {  	vm12 =	vgt.f32 v3, $0.0e+00;
	(erf) = vpow2.f32 v1;
	v1 =	vadd.f32 v7, v2  }
0x42e: {  	v2 =	vsel vm12, v3, v4;
	v3 =	vmul.f32 $2.000000030e-01, v5;
	v4 =	vadd.f32 v10, v9  }
0x42f: {  	vm13 =	vgt.f32 v5, $0.0e+00;
	v2 =	vmul.f32 $1.442695020e+00, v2;
	v6 =	vmul.f32 $2.000000030e-01, v1  }
0x430: {  	v3 =	vsel vm13, v5, v3;
	vm14 =	vgt.f32 v1, $0.0e+00;
	v5 =	vmul.f32 $2.000000030e-01, v4  }
0x431: {  	vm15 =	vgt.f32 v4, $0.0e+00;
	v3 =	vmul.f32 $1.442695020e+00, v3;
	v1 =	vsel vm14, v1, v6  }
0x432: {  	(erf) = vpow2.f32 v2;
	v2 =	vsel vm15, v4, v5;
	v1 =	vmul.f32 $1.442695020e+00, v1  }
0x433: {  	(erf) = vpow2.f32 v3;
	v2 =	vmul.f32 $1.442695020e+00, v2  }
0x434: {  	(erf) = vpow2.f32 v1  }
0x435: {  	(erf) = vpow2.f32 v2;
	_ =	sdelay $0x1  }
0x436: {  	s6 =	simm.s32 $0x0  }
0x437: {  	s9 =	simm.s32 $0x6;
	v1 =	vmov s6  }
0x438: {  	v1 =	vand.u32 $0xFFFFFFF8, v1;
	v2 =	vmov s9  }
0x439: {  	v3 =	vpop (erf);
	v1 =	vbroadcast v1, $0x0;
	v2 =	vand.u32 $0xFFFFFFFE, v2  }
0x43a: {  	[tilespmem:$0x8D80] =	vst v3;
	v2 =	vbroadcast v2, $0x0;
	v4 =	vpop (erf)  }
0x43b: {  	[tilespmem:$0x8D90] =	vst v4;
	v3 =	vpop (erf)  }
0x43c: {  	[tilespmem:$0x8DA0] =	vst v3;
	v4 =	vpop (erf)  }
0x43d: {  	[tilespmem:$0x8DB0] =	vst v4;
	v3 =	vpop (erf)  }
0x43e: {  	[tilespmem:$0x8DC0] =	vst v3  }
0x43f: {  	v1 =	vld.idx.msk [tilespmem:v1+s5+$0x0], $0xffff  }
0x440: {  	s19 =	simm.s32 $0x9000;
	v2 =	vld.idx.msk [tilespmem:v2+s5+$0x0], $0xffff  }
0x441: {  	v4 =	vld [tilespmem:s19+$0x170]  }
0x442: {  	v5 =	vld [tilespmem:s19+$0xFFFFFE00]  }
0x443: {  	v6 =	vld [tilespmem:s19+$0xFFFFFE10]  }
0x444: {  	v7 =	vld [tilespmem:s19+$0xFFFFFE20]  }
0x445: {  	s16 =	simm.s32 $0x1;
	v8 =	vld [tilespmem:s19+$0xFFFFFE30]  }
0x446: {  	v3 =	vmov s16;
	v9 =	vld [tilespmem:s19+$0xFFFFFE40]  }
0x447: {  	v3 =	vand.u32 $0xFFFFFFF9, v3;
	v10 =	vld [tilespmem:s19+$0xFFFFFE50]  }
0x448: {  	v11 =	vld [tilespmem:s19+$0xFFFFFE60];
	v3 =	vbroadcast v3, $0x0  }
0x449: {  	v12 =	vld [tilespmem:s19+$0xFFFFFE70]  }
0x44a: {  	v13 =	vld [tilespmem:s19+$0xFFFFFE80]  }
0x44b: {  	v14 =	vld [tilespmem:s19+$0xFFFFFE90]  }
0x44c: {  	v15 =	vld [tilespmem:s19+$0xFFFFFEA0];
	v5 =	vmul.f32 v5, v1  }
0x44d: {  	v16 =	vld [tilespmem:s19+$0xFFFFFEB0];
	v4 =	vmul.f32 v4, v2  }
0x44e: {  	v8 =	vmul.f32 v8, v1;
	v3 =	vld.idx.msk [tilespmem:v3+s5+$0x0], $0xffff;
	[tilespmem:s19+$0xFFFFFE00] =	vst v5  }
0x44f: {  	s6 =	simm.s32 $0x2;
	v9 =	vmul.f32 v9, v1;
	[tilespmem:s19+$0x170] =	vst v4;
	v4 =	vmul.f32 v7, v1;
	v7 =	vld [tilespmem:s19+$0xFFFFFEC0]  }
0x450: {  	v6 =	vmul.f32 v6, v1;
	v5 =	vmov s6;
	[tilespmem:s19+$0xFFFFFE30] =	vst v8;
	v8 =	vmul.f32 v10, v1;
	v10 =	vld [tilespmem:s19+$0xFFFFFEF0]  }
0x451: {  	[tilespmem:s19+$0xFFFFFE40] =	vst v9;
	v9 =	vmul.f32 v11, v1;
	v11 =	vld [tilespmem:s19+$0xFFFFFF00];
	v5 =	vand.u32 $0xFFFFFFFA, v5  }
0x452: {  	[tilespmem:s19+$0xFFFFFE10] =	vst v6;
	v1 =	vmul.f32 v12, v1;
	v12 =	vld [tilespmem:s19+$0xFFFFFF20];
	v5 =	vbroadcast v5, $0x0  }
0x453: {  	[tilespmem:s19+$0xFFFFFE20] =	vst v4;
	v4 =	vld [tilespmem:s19+$0xFFFFFEE0]  }
0x454: {  	[tilespmem:s19+$0xFFFFFE50] =	vst v8;
	v8 =	vld [tilespmem:s19+$0xFFFFFF10]  }
0x455: {  	[tilespmem:s19+$0xFFFFFE60] =	vst v9;
	v6 =	vmul.f32 v13, v3;
	v13 =	vld [tilespmem:s19+$0xFFFFFED0]  }
0x456: {  	[tilespmem:s19+$0xFFFFFE70] =	vst v1;
	v9 =	vmul.f32 v14, v3;
	v14 =	vld [tilespmem:s19+$0xFFFFFF30]  }
0x457: {  	s9 =	simm.s32 $0x3;
	v1 =	vmul.f32 v15, v3;
	v15 =	vld [tilespmem:s19+$0xFFFFFF40];
	v7 =	vmul.f32 v7, v3;
	[tilespmem:s19+$0xFFFFFE80] =	vst v6  }
0x458: {  	v6 =	vmov s9;
	[tilespmem:s19+$0xFFFFFE90] =	vst v9;
	v9 =	vmul.f32 v16, v3;
	v5 =	vld.idx.msk [tilespmem:v5+s5+$0x0], $0xffff  }
0x459: {  	[tilespmem:s19+$0xFFFFFEC0] =	vst v7;
	v7 =	vld [tilespmem:s19+$0xFFFFFF70];
	v6 =	vand.u32 $0xFFFFFFFB, v6  }
0x45a: {  	v6 =	vbroadcast v6, $0x0;
	[tilespmem:s19+$0xFFFFFEB0] =	vst v9;
	v9 =	vld [tilespmem:s19+$0xFFFFFF60];
	v13 =	vmul.f32 v13, v3  }
0x45b: {  	[tilespmem:s19+$0xFFFFFEA0] =	vst v1;
	v4 =	vmul.f32 v4, v3;
	v3 =	vmul.f32 v10, v3;
	v10 =	vld [tilespmem:s19+$0xFFFFFF80]  }
0x45c: {  	[tilespmem:s19+$0xFFFFFED0] =	vst v13;
	v13 =	vld [tilespmem:s19+$0xFFFFFFB0]  }
0x45d: {  	[tilespmem:s19+$0xFFFFFEE0] =	vst v4;
	v1 =	vmul.f32 v11, v5;
	v11 =	vld [tilespmem:s19+$0xFFFFFF50]  }
0x45e: {  	[tilespmem:s19+$0xFFFFFEF0] =	vst v3;
	v4 =	vmul.f32 v8, v5;
	v8 =	vld [tilespmem:s19+$0xFFFFFF90]  }
0x45f: {  	s16 =	simm.s32 $0x4;
	v3 =	vmul.f32 v12, v5;
	v12 =	vld [tilespmem:s19+$0xFFFFFFA0];
	[tilespmem:s19+$0xFFFFFF00] =	vst v1  }
0x460: {  	v9 =	vmul.f32 v9, v5;
	v6 =	vld.idx.msk [tilespmem:v6+s5+$0x0], $0xffff;
	v1 =	vmov s16;
	[tilespmem:s19+$0xFFFFFF10] =	vst v4  }
0x461: {  	v4 =	vmul.f32 v14, v5;
	[tilespmem:s19+$0xFFFFFF20] =	vst v3;
	v3 =	vmul.f32 v15, v5;
	v14 =	vld [tilespmem:s19+$0xFFFFFFC0];
	v1 =	vand.u32 $0xFFFFFFFC, v1  }
0x462: {  	[tilespmem:s19+$0xFFFFFF60] =	vst v9;
	v9 =	vld [tilespmem:s19+$0x0];
	v1 =	vbroadcast v1, $0x0  }
0x463: {  	[tilespmem:s19+$0xFFFFFF40] =	vst v3;
	v3 =	vld [tilespmem:s19+$0xFFFFFFE0];
	v11 =	vmul.f32 v11, v5  }
0x464: {  	[tilespmem:s19+$0xFFFFFF30] =	vst v4;
	v5 =	vmul.f32 v7, v5;
	v7 =	vld [tilespmem:s19+$0xFFFFFFF0]  }
0x465: {  	v4 =	vmul.f32 v10, v6;
	v10 =	vld [tilespmem:s19+$0xFFFFFFD0];
	[tilespmem:s19+$0xFFFFFF50] =	vst v11  }
0x466: {  	v8 =	vmul.f32 v8, v6;
	[tilespmem:s19+$0xFFFFFF70] =	vst v5;
	v11 =	vld [tilespmem:s19+$0x10]  }
0x467: {  	s6 =	simm.s32 $0x5;
	v5 =	vmul.f32 v12, v6;
	v12 =	vld [tilespmem:s19+$0x20];
	[tilespmem:s19+$0xFFFFFF80] =	vst v4  }
0x468: {  	v4 =	vmov s6;
	[tilespmem:s19+$0xFFFFFF90] =	vst v8;
	v8 =	vmul.f32 v13, v6;
	v1 =	vld.idx.msk [tilespmem:v1+s5+$0x0], $0xffff  }
0x469: {  	[tilespmem:s19+$0xFFFFFFA0] =	vst v5;
	v5 =	vmul.f32 v14, v6;
	v13 =	vld [tilespmem:s19+$0x30];
	v4 =	vand.u32 $0xFFFFFFFD, v4  }
0x46a: {  	v4 =	vbroadcast v4, $0x0;
	[tilespmem:s19+$0xFFFFFFB0] =	vst v8;
	v8 =	vmul.f32 v10, v6;
	v10 =	vld [tilespmem:s19+$0x40]  }
0x46b: {  	v3 =	vmul.f32 v3, v6;
	[tilespmem:s19+$0xFFFFFFC0] =	vst v5;
	v6 =	vmul.f32 v7, v6;
	v7 =	vld [tilespmem:s19+$0x80]  }
0x46c: {  	[tilespmem:s19+$0xFFFFFFD0] =	vst v8;
	v8 =	vld [tilespmem:s19+$0x60]  }
0x46d: {  	[tilespmem:s19+$0xFFFFFFE0] =	vst v3;
	v5 =	vmul.f32 v9, v1;
	v9 =	vld [tilespmem:s19+$0x50]  }
0x46e: {  	[tilespmem:s19+$0xFFFFFFF0] =	vst v6;
	v3 =	vmul.f32 v11, v1;
	v6 =	vmul.f32 v12, v1;
	v11 =	vld [tilespmem:s19+$0x90]  }
0x46f: {  	[tilespmem:s19+$0x0] =	vst v5;
	v5 =	vld [tilespmem:s19+$0x70]  }
0x470: {  	v4 =	vld.idx.msk [tilespmem:v4+s5+$0x0], $0xffff;
	[tilespmem:s19+$0x20] =	vst v6;
	v6 =	vmul.f32 v10, v1  }
0x471: {  	[tilespmem:s19+$0x10] =	vst v3;
	v3 =	vmul.f32 v13, v1;
	v10 =	vld [tilespmem:s19+$0xA0]  }
0x472: {  	[tilespmem:s19+$0x40] =	vst v6;
	v6 =	vmul.f32 v8, v1;
	v8 =	vld [tilespmem:s19+$0xC0]  }
0x473: {  	[tilespmem:s19+$0x30] =	vst v3;
	v3 =	vmul.f32 v9, v1;
	v9 =	vld [tilespmem:s19+$0xB0]  }
0x474: {  	s9 =	simm.s32 $0x7;
	[tilespmem:s19+$0x60] =	vst v6;
	v6 =	vld [tilespmem:s19+$0xE0];
	v5 =	vmul.f32 v5, v1  }
0x475: {  	v12 =	vmov s9;
	[tilespmem:s19+$0x50] =	vst v3;
	v3 =	vmul.f32 v7, v4;
	v7 =	vld [tilespmem:s19+$0xD0]  }
0x476: {  	v11 =	vmul.f32 v11, v4;
	[tilespmem:s19+$0x70] =	vst v5;
	v5 =	vld [tilespmem:s19+$0xF0]  }
0x477: {  	[tilespmem:s19+$0x80] =	vst v3;
	v3 =	vmul.f32 v10, v4;
	v10 =	vld [tilespmem:s19+$0x100]  }
0x478: {  	[tilespmem:s19+$0x90] =	vst v11;
	v11 =	vld [tilespmem:s19+$0x150];
	v9 =	vmul.f32 v9, v4  }
0x479: {  	[tilespmem:s19+$0xA0] =	vst v3;
	v3 =	vmul.f32 v8, v4;
	v8 =	vld [tilespmem:s19+$0x110]  }
0x47a: {  	v1 =	vld.idx.msk [tilespmem:v12+s5+$0x0], $0xffff;
	[tilespmem:s19+$0xB0] =	vst v9;
	v7 =	vmul.f32 v7, v4  }
0x47b: {  	v9 =	vld [tilespmem:s19+$0x120];
	[tilespmem:s19+$0xC0] =	vst v3;
	v3 =	vmul.f32 v6, v4  }
0x47c: {  	s9 =	simm.s32 $0x9;
	v6 =	vld [tilespmem:s19+$0x130];
	[tilespmem:s19+$0xD0] =	vst v7;
	v4 =	vmul.f32 v5, v4  }
0x47d: {  	s16 =	simm.s32 $0x8;
	v12 =	vmov s9;
	v5 =	vld [tilespmem:s19+$0x140];
	v10 =	vmul.f32 v10, v2;
	[tilespmem:s19+$0xE0] =	vst v3  }
0x47e: {  	s6 =	simm.s32 $0xF;
	s9 =	simm.s32 $0xC;
	v7 =	vmov s16;
	v11 =	vmul.f32 v11, v2;
	[tilespmem:s19+$0xF0] =	vst v4;
	v4 =	vmul.f32 v8, v2;
	v8 =	vld [tilespmem:s19+$0x160]  }
0x47f: {  	v14 =	vld [tilespmem:s19+$0x180];
	v15 =	vmov s9;
	s16 =	simm.s32 $0xA;
	v7 =	vand.u32 $0xFFFFFFF8, v7;
	v3 =	vmov s6;
	s6 =	simm.s32 $0xB;
	[tilespmem:s19+$0x100] =	vst v10  }
0x480: {  	v17 =	vld [tilespmem:s19+$0x190];
	v13 =	vmov s16;
	s16 =	simm.s32 $0xD;
	v10 =	vmov s6;
	[tilespmem:s19+$0x150] =	vst v11;
	v9 =	vmul.f32 v9, v2  }
0x481: {  	v63 =	vmov s16;
	[tilespmem:s19+$0x110] =	vst v4;
	v16 =	vmul.f32 v6, v2;
	v4 =	vbroadcast v7, $0x0;
	v6 =	vld [tilespmem:s19+$0x1A0]  }
0x482: {  	v7 =	vld [tilespmem:s19+$0x1B0];
	[tilespmem:s19+$0x120] =	vst v9;
	v9 =	vmul.f32 v5, v2;
	v5 =	vand.u32 $0xFFFFFFF9, v12;
	v12 =	vand.u32 $0xFFFFFFFA, v13  }
0x483: {  	v13 =	vand.u32 $0xFFFFFFFB, v10;
	[tilespmem:s19+$0x130] =	vst v16;
	v5 =	vbroadcast v5, $0x0;
	v16 =	vmul.f32 v8, v2;
	v8 =	vld [tilespmem:s19+$0x1C0]  }
0x484: {  	v10 =	vbroadcast v12, $0x0;
	[tilespmem:s19+$0x140] =	vst v9;
	v2 =	vand.u32 $0xFFFFFFFC, v15;
	v15 =	vmul.f32 v14, v1;
	v9 =	vld [tilespmem:s19+$0x1D0]  }
0x485: {  	s4 =	simm.s32 $0x10;
	s9 =	simm.s32 $0xE;
	v11 =	vld [tilespmem:s19+$0x1E0];
	v12 =	vbroadcast v13, $0x0;
	v13 =	vmul.f32 v17, v1;
	v14 =	vand.u32 $0xFFFFFFFD, v63;
	[tilespmem:s19+$0x160] =	vst v16  }
.LBB2_16:
0x486: {  	p2 =	slt.u32 s4, $0x48;
	v2 =	vbroadcast v2, $0x0;
	v16 =	vmov s9;
	[tilespmem:s19+$0x180] =	vst v15;
	v6 =	vmul.f32 v6, v1;
	v15 =	vld [tilespmem:s19+$0x1F0]  }
0x487: {  	v14 =	vbroadcast v14, $0x0;
	v16 =	vand.u32 $0xFFFFFFFE, v16;
	v17 =	vld.idx.msk [tilespmem:v3+s5+$0x0], $0xffff;
	[tilespmem:s19+$0x190] =	vst v13;
	v3 =	vmul.f32 v7, v1  }
0x488: {  	v7 =	vld.idx.msk [tilespmem:v4+s5+$0x0], $0xffff;
	v13 =	vbroadcast v16, $0x0;
	[tilespmem:s19+$0x1A0] =	vst v6;
	v4 =	vmul.f32 v8, v1  }
0x489: {  	v6 =	vld.idx.msk [tilespmem:v5+s5+$0x0], $0xffff;
	[tilespmem:s19+$0x1B0] =	vst v3;
	v3 =	vmul.f32 v9, v1  }
0x48a: {  	v8 =	vld.idx.msk [tilespmem:v10+s5+$0x0], $0xffff;
	[tilespmem:s19+$0x1C0] =	vst v4;
	v9 =	vmul.f32 v11, v1  }
0x48b: {  	v5 =	vld.idx.msk [tilespmem:v12+s5+$0x0], $0xffff;
	[tilespmem:s19+$0x1D0] =	vst v3;
	v10 =	vmul.f32 v15, v1  }
0x48c: {  	v4 =	vld.idx.msk [tilespmem:v2+s5+$0x0], $0xffff;
	[tilespmem:s19+$0x1E0] =	vst v9  }
0x48d: {  	v1 =	vmov v17;
	v3 =	vld.idx.msk [tilespmem:v14+s5+$0x0], $0xffff;
	[tilespmem:s19+$0x1F0] =	vst v10  }
0x48e: {  	s19 =	sadd.s32 $0x400, s19;
	v2 =	vld.idx.msk [tilespmem:v13+s5+$0x0], $0xffff  }
0x48f: {  	v9 =	vld [tilespmem:s19+$0x170]  }
0x490: {  	v10 =	vld [tilespmem:s19+$0xFFFFFE00]  }
0x491: {  	v11 =	vld [tilespmem:s19+$0xFFFFFE10]  }
0x492: {  	v12 =	vld [tilespmem:s19+$0xFFFFFE20]  }
0x493: {  	v13 =	vld [tilespmem:s19+$0xFFFFFE30]  }
0x494: {  	v14 =	vld [tilespmem:s19+$0xFFFFFE40];
	v9 =	vmul.f32 v9, v2  }
0x495: {  	v10 =	vmul.f32 v10, v7;
	v15 =	vld [tilespmem:s19+$0xFFFFFE50]  }
0x496: {  	v11 =	vmul.f32 v11, v7;
	v16 =	vld [tilespmem:s19+$0xFFFFFE60];
	[tilespmem:s19+$0x170] =	vst v9  }
0x497: {  	[tilespmem:s19+$0xFFFFFE00] =	vst v10;
	v9 =	vmul.f32 v12, v7;
	v10 =	vld [tilespmem:s19+$0xFFFFFE70]  }
0x498: {  	[tilespmem:s19+$0xFFFFFE10] =	vst v11;
	v11 =	vmul.f32 v13, v7;
	v12 =	vld [tilespmem:s19+$0xFFFFFE80]  }
0x499: {  	[tilespmem:s19+$0xFFFFFE20] =	vst v9;
	v9 =	vmul.f32 v14, v7;
	v13 =	vld [tilespmem:s19+$0xFFFFFE90]  }
0x49a: {  	[tilespmem:s19+$0xFFFFFE30] =	vst v11;
	v11 =	vmul.f32 v15, v7;
	v14 =	vld [tilespmem:s19+$0xFFFFFEA0]  }
0x49b: {  	[tilespmem:s19+$0xFFFFFE40] =	vst v9;
	v9 =	vmul.f32 v16, v7;
	v15 =	vld [tilespmem:s19+$0xFFFFFEB0]  }
0x49c: {  	[tilespmem:s19+$0xFFFFFE50] =	vst v11;
	v7 =	vmul.f32 v10, v7;
	v10 =	vld [tilespmem:s19+$0xFFFFFEC0]  }
0x49d: {  	[tilespmem:s19+$0xFFFFFE60] =	vst v9;
	v9 =	vmul.f32 v12, v6;
	v11 =	vld [tilespmem:s19+$0xFFFFFED0]  }
0x49e: {  	[tilespmem:s19+$0xFFFFFE70] =	vst v7;
	v7 =	vmul.f32 v13, v6;
	v12 =	vld [tilespmem:s19+$0xFFFFFEE0]  }
0x49f: {  	[tilespmem:s19+$0xFFFFFE80] =	vst v9;
	v9 =	vmul.f32 v14, v6;
	v13 =	vld [tilespmem:s19+$0xFFFFFEF0]  }
0x4a0: {  	[tilespmem:s19+$0xFFFFFE90] =	vst v7;
	v7 =	vmul.f32 v15, v6;
	v14 =	vld [tilespmem:s19+$0xFFFFFF00]  }
0x4a1: {  	[tilespmem:s19+$0xFFFFFEA0] =	vst v9;
	v9 =	vmul.f32 v10, v6;
	v10 =	vld [tilespmem:s19+$0xFFFFFF10]  }
0x4a2: {  	[tilespmem:s19+$0xFFFFFEB0] =	vst v7;
	v7 =	vmul.f32 v11, v6;
	v11 =	vld [tilespmem:s19+$0xFFFFFF20]  }
0x4a3: {  	[tilespmem:s19+$0xFFFFFEC0] =	vst v9;
	v9 =	vmul.f32 v12, v6;
	v12 =	vld [tilespmem:s19+$0xFFFFFF30]  }
0x4a4: {  	[tilespmem:s19+$0xFFFFFED0] =	vst v7;
	v6 =	vmul.f32 v13, v6;
	v7 =	vld [tilespmem:s19+$0xFFFFFF40]  }
0x4a5: {  	[tilespmem:s19+$0xFFFFFEE0] =	vst v9;
	v9 =	vmul.f32 v14, v8;
	v13 =	vld [tilespmem:s19+$0xFFFFFF50]  }
0x4a6: {  	[tilespmem:s19+$0xFFFFFEF0] =	vst v6;
	v6 =	vmul.f32 v10, v8;
	v10 =	vld [tilespmem:s19+$0xFFFFFF60]  }
0x4a7: {  	[tilespmem:s19+$0xFFFFFF00] =	vst v9;
	v9 =	vmul.f32 v11, v8;
	v11 =	vld [tilespmem:s19+$0xFFFFFF70]  }
0x4a8: {  	[tilespmem:s19+$0xFFFFFF10] =	vst v6;
	v6 =	vmul.f32 v12, v8;
	v12 =	vld [tilespmem:s19+$0xFFFFFF80]  }
0x4a9: {  	[tilespmem:s19+$0xFFFFFF20] =	vst v9;
	v7 =	vmul.f32 v7, v8;
	v9 =	vld [tilespmem:s19+$0xFFFFFF90]  }
0x4aa: {  	[tilespmem:s19+$0xFFFFFF30] =	vst v6;
	v6 =	vmul.f32 v13, v8;
	v13 =	vld [tilespmem:s19+$0xFFFFFFA0]  }
0x4ab: {  	[tilespmem:s19+$0xFFFFFF40] =	vst v7;
	v7 =	vmul.f32 v10, v8;
	v10 =	vld [tilespmem:s19+$0xFFFFFFB0]  }
0x4ac: {  	[tilespmem:s19+$0xFFFFFF50] =	vst v6;
	v6 =	vmul.f32 v11, v8;
	v8 =	vld [tilespmem:s19+$0xFFFFFFC0]  }
0x4ad: {  	[tilespmem:s19+$0xFFFFFF60] =	vst v7;
	v7 =	vmul.f32 v12, v5;
	v11 =	vld [tilespmem:s19+$0xFFFFFFD0]  }
0x4ae: {  	[tilespmem:s19+$0xFFFFFF70] =	vst v6;
	v6 =	vmul.f32 v9, v5;
	v9 =	vld [tilespmem:s19+$0xFFFFFFE0]  }
0x4af: {  	[tilespmem:s19+$0xFFFFFF80] =	vst v7;
	v7 =	vmul.f32 v13, v5;
	v12 =	vld [tilespmem:s19+$0xFFFFFFF0]  }
0x4b0: {  	[tilespmem:s19+$0xFFFFFF90] =	vst v6;
	v6 =	vmul.f32 v10, v5;
	v10 =	vld [tilespmem:s19+$0x0]  }
0x4b1: {  	[tilespmem:s19+$0xFFFFFFA0] =	vst v7;
	v7 =	vmul.f32 v8, v5;
	v8 =	vld [tilespmem:s19+$0x10]  }
0x4b2: {  	[tilespmem:s19+$0xFFFFFFB0] =	vst v6;
	v6 =	vmul.f32 v11, v5;
	v11 =	vld [tilespmem:s19+$0x20]  }
0x4b3: {  	[tilespmem:s19+$0xFFFFFFC0] =	vst v7;
	v7 =	vmul.f32 v9, v5;
	v9 =	vld [tilespmem:s19+$0x30]  }
0x4b4: {  	[tilespmem:s19+$0xFFFFFFD0] =	vst v6;
	v5 =	vmul.f32 v12, v5;
	v6 =	vld [tilespmem:s19+$0x40]  }
0x4b5: {  	[tilespmem:s19+$0xFFFFFFE0] =	vst v7;
	v7 =	vmul.f32 v10, v4;
	v10 =	vld [tilespmem:s19+$0x50]  }
0x4b6: {  	[tilespmem:s19+$0xFFFFFFF0] =	vst v5;
	v5 =	vmul.f32 v8, v4;
	v8 =	vld [tilespmem:s19+$0x60]  }
0x4b7: {  	[tilespmem:s19+$0x0] =	vst v7;
	v7 =	vmul.f32 v11, v4;
	v11 =	vld [tilespmem:s19+$0x70]  }
0x4b8: {  	[tilespmem:s19+$0x10] =	vst v5;
	v5 =	vmul.f32 v9, v4;
	v9 =	vld [tilespmem:s19+$0x80]  }
0x4b9: {  	[tilespmem:s19+$0x20] =	vst v7;
	v6 =	vmul.f32 v6, v4;
	v7 =	vld [tilespmem:s19+$0x90]  }
0x4ba: {  	[tilespmem:s19+$0x30] =	vst v5;
	v5 =	vmul.f32 v10, v4;
	v10 =	vld [tilespmem:s19+$0xA0]  }
0x4bb: {  	[tilespmem:s19+$0x40] =	vst v6;
	v6 =	vmul.f32 v8, v4;
	v8 =	vld [tilespmem:s19+$0xB0]  }
0x4bc: {  	[tilespmem:s19+$0x50] =	vst v5;
	v4 =	vmul.f32 v11, v4;
	v5 =	vld [tilespmem:s19+$0xC0]  }
0x4bd: {  	[tilespmem:s19+$0x60] =	vst v6;
	v6 =	vmul.f32 v9, v3;
	v9 =	vld [tilespmem:s19+$0xD0]  }
0x4be: {  	[tilespmem:s19+$0x70] =	vst v4;
	v4 =	vmul.f32 v7, v3;
	v7 =	vld [tilespmem:s19+$0xE0]  }
0x4bf: {  	[tilespmem:s19+$0x80] =	vst v6;
	v6 =	vmul.f32 v10, v3;
	v10 =	vld [tilespmem:s19+$0xF0]  }
0x4c0: {  	[tilespmem:s19+$0x90] =	vst v4;
	v4 =	vmul.f32 v8, v3;
	v8 =	vld [tilespmem:s19+$0x100]  }
0x4c1: {  	[tilespmem:s19+$0xA0] =	vst v6;
	v5 =	vmul.f32 v5, v3;
	v6 =	vld [tilespmem:s19+$0x110]  }
0x4c2: {  	[tilespmem:s19+$0xB0] =	vst v4;
	v4 =	vmul.f32 v9, v3;
	v9 =	vld [tilespmem:s19+$0x120]  }
0x4c3: {  	[tilespmem:s19+$0xC0] =	vst v5;
	v5 =	vmul.f32 v7, v3;
	v7 =	vld [tilespmem:s19+$0x130]  }
0x4c4: {  	[tilespmem:s19+$0xD0] =	vst v4;
	v4 =	vmul.f32 v10, v3;
	v10 =	vld [tilespmem:s19+$0x140]  }
0x4c5: {  	s6 =	sadd.s32 $0x7, s4;
	v3 =	vmov s4;
	[tilespmem:s19+$0xE0] =	vst v5;
	v5 =	vmul.f32 v8, v2;
	v8 =	vld [tilespmem:s19+$0x150]  }
0x4c6: {  	s9 =	sadd.s32 $0x1, s4;
	s16 =	sadd.s32 $0x2, s4;
	v11 =	vand.u32 $0xFFFFFFF8, v3;
	v3 =	vmov s6;
	[tilespmem:s19+$0xF0] =	vst v4;
	v4 =	vmul.f32 v6, v2;
	v12 =	vld [tilespmem:s19+$0x160]  }
0x4c7: {  	v14 =	vmov s16;
	v13 =	vmov s9;
	s9 =	sadd.s32 $0x4, s4;
	s6 =	sadd.s32 $0x3, s4;
	[tilespmem:s19+$0x100] =	vst v5;
	v5 =	vmul.f32 v9, v2;
	v9 =	vld [tilespmem:s19+$0x180]  }
0x4c8: {  	v16 =	vmov s9;
	v15 =	vmov s6;
	s6 =	sadd.s32 $0x5, s4;
	[tilespmem:s19+$0x110] =	vst v4;
	v7 =	vmul.f32 v7, v2;
	v17 =	vld [tilespmem:s19+$0x190]  }
.Ltmp7:
0x4c9: {  	v4 =	vbroadcast v11, $0x0;
	v11 =	vmov s6;
	[tilespmem:s19+$0x120] =	vst v5;
	v10 =	vmul.f32 v10, v2;
	v6 =	vld [tilespmem:s19+$0x1A0];
	(pc) =	sbr.rel @p2 .LBB2_16-.Ltmp7, $4  }
0x4ca: {  	v5 =	vand.u32 $0xFFFFFFF9, v13;
	v13 =	vand.u32 $0xFFFFFFFA, v14;
	[tilespmem:s19+$0x130] =	vst v7;
	v14 =	vmul.f32 v8, v2;
	v7 =	vld [tilespmem:s19+$0x1B0]  }
0x4cb: {  	v18 =	vand.u32 $0xFFFFFFFB, v15;
	v5 =	vbroadcast v5, $0x0;
	[tilespmem:s19+$0x140] =	vst v10;
	v19 =	vmul.f32 v12, v2;
	v8 =	vld [tilespmem:s19+$0x1C0]  }
0x4cc: {  	v10 =	vbroadcast v13, $0x0;
	v2 =	vand.u32 $0xFFFFFFFC, v16;
	[tilespmem:s19+$0x150] =	vst v14;
	v15 =	vmul.f32 v9, v1;
	v9 =	vld [tilespmem:s19+$0x1D0]  }
0x4cd: {  	s9 =	sadd.s32 $0x6, s4;
	s4 =	sadd.s32 $0x8, s4;
	v12 =	vbroadcast v18, $0x0;
	v14 =	vand.u32 $0xFFFFFFFD, v11;
	[tilespmem:s19+$0x160] =	vst v19;
	v13 =	vmul.f32 v17, v1;
	v11 =	vld [tilespmem:s19+$0x1E0]  }
0x4ce: {  	_ =	sdelay $0x2  }
0x4cf: {  	v16 =	vld [tilespmem:s19+$0x1F0]  }
0x4d0: {  	v18 =	vld.idx.msk [tilespmem:v4+s5+$0x0], $0xffff  }
0x4d1: {  	v23 =	vld.idx.msk [tilespmem:v5+s5+$0x0], $0xffff  }
0x4d2: {  	v22 =	vbroadcast v2, $0x0;
	v2 =	vmov s9;
	v10 =	vld.idx.msk [tilespmem:v10+s5+$0x0], $0xffff  }
0x4d3: {  	v17 =	vand.u32 $0xFFFFFFFE, v2;
	v2 =	vld.idx.msk [tilespmem:v3+s5+$0x0], $0xffff  }
0x4d4: {  	s4 =	sadd.s32 $0x400, s19;
	v12 =	vld.idx.msk [tilespmem:v12+s5+$0x0], $0xffff  }
0x4d5: {  	v24 =	vld [tilespmem:s4+$0x170]  }
0x4d6: {  	v26 =	vld [tilespmem:s4+$0xFFFFFE00]  }
0x4d7: {  	v28 =	vld [tilespmem:s4+$0xFFFFFE10]  }
0x4d8: {  	[tilespmem:s19+$0x180] =	vst v15;
	v6 =	vmul.f32 v6, v1;
	v30 =	vld [tilespmem:s4+$0xFFFFFE20]  }
0x4d9: {  	[tilespmem:s19+$0x190] =	vst v13;
	v7 =	vmul.f32 v7, v1;
	v31 =	vld [tilespmem:s4+$0xFFFFFE30]  }
0x4da: {  	v32 =	vld [tilespmem:s4+$0xFFFFFE40];
	[tilespmem:s19+$0x1A0] =	vst v6;
	v25 =	vmul.f32 v8, v1  }
0x4db: {  	v33 =	vld [tilespmem:s4+$0xFFFFFE50];
	[tilespmem:s19+$0x1B0] =	vst v7;
	v27 =	vmul.f32 v9, v1  }
0x4dc: {  	v34 =	vld [tilespmem:s4+$0xFFFFFE60];
	[tilespmem:s19+$0x1C0] =	vst v25;
	v29 =	vmul.f32 v11, v1  }
0x4dd: {  	v35 =	vld [tilespmem:s4+$0xFFFFFE70];
	[tilespmem:s19+$0x1D0] =	vst v27;
	v1 =	vmul.f32 v16, v1  }
0x4de: {  	v36 =	vld [tilespmem:s4+$0xFFFFFE80];
	[tilespmem:s19+$0x1E0] =	vst v29;
	v9 =	vmul.f32 v28, v18  }
0x4df: {  	v37 =	vld [tilespmem:s4+$0xFFFFFE90];
	[tilespmem:s19+$0x1F0] =	vst v1;
	v1 =	vmul.f32 v26, v18  }
0x4e0: {  	v39 =	vld [tilespmem:s4+$0xFFFFFEA0];
	v7 =	vmul.f32 v31, v18;
	[tilespmem:s4+$0xFFFFFE10] =	vst v9  }
0x4e1: {  	v40 =	vld [tilespmem:s4+$0xFFFFFEB0];
	[tilespmem:s4+$0xFFFFFE00] =	vst v1;
	v1 =	vmul.f32 v30, v18  }
0x4e2: {  	v42 =	vld [tilespmem:s4+$0xFFFFFEC0];
	v38 =	vmul.f32 v33, v18;
	[tilespmem:s4+$0xFFFFFE30] =	vst v7  }
0x4e3: {  	v43 =	vld [tilespmem:s4+$0xFFFFFED0];
	[tilespmem:s4+$0xFFFFFE20] =	vst v1;
	v1 =	vmul.f32 v32, v18  }
0x4e4: {  	v44 =	vld [tilespmem:s4+$0xFFFFFEE0];
	v41 =	vmul.f32 v35, v18;
	[tilespmem:s4+$0xFFFFFE50] =	vst v38  }
0x4e5: {  	v45 =	vld [tilespmem:s4+$0xFFFFFEF0];
	[tilespmem:s4+$0xFFFFFE40] =	vst v1;
	v1 =	vmul.f32 v34, v18  }
0x4e6: {  	v47 =	vld [tilespmem:s4+$0xFFFFFF00];
	v6 =	vmul.f32 v37, v23;
	[tilespmem:s4+$0xFFFFFE70] =	vst v41  }
0x4e7: {  	v48 =	vld [tilespmem:s4+$0xFFFFFF10];
	[tilespmem:s4+$0xFFFFFE60] =	vst v1;
	v1 =	vmul.f32 v36, v23  }
0x4e8: {  	v50 =	vld [tilespmem:s4+$0xFFFFFF20];
	v46 =	vmul.f32 v40, v23;
	[tilespmem:s4+$0xFFFFFE90] =	vst v6  }
0x4e9: {  	v51 =	vld [tilespmem:s4+$0xFFFFFF30];
	[tilespmem:s4+$0xFFFFFE80] =	vst v1;
	v1 =	vmul.f32 v39, v23  }
0x4ea: {  	v53 =	vld [tilespmem:s4+$0xFFFFFF40];
	v49 =	vmul.f32 v43, v23;
	[tilespmem:s4+$0xFFFFFEB0] =	vst v46  }
0x4eb: {  	v54 =	vld [tilespmem:s4+$0xFFFFFF50];
	[tilespmem:s4+$0xFFFFFEA0] =	vst v1;
	v1 =	vmul.f32 v42, v23  }
0x4ec: {  	v56 =	vld [tilespmem:s4+$0xFFFFFF60];
	v52 =	vmul.f32 v45, v23;
	[tilespmem:s4+$0xFFFFFED0] =	vst v49  }
0x4ed: {  	v57 =	vld [tilespmem:s4+$0xFFFFFF70];
	[tilespmem:s4+$0xFFFFFEC0] =	vst v1;
	v1 =	vmul.f32 v44, v23  }
0x4ee: {  	v14 =	vbroadcast v14, $0x0;
	v59 =	vld [tilespmem:s4+$0xFFFFFF80];
	v55 =	vmul.f32 v48, v10;
	[tilespmem:s4+$0xFFFFFEF0] =	vst v52  }
0x4ef: {  	v60 =	vld [tilespmem:s4+$0xFFFFFF90];
	[tilespmem:s4+$0xFFFFFEE0] =	vst v1;
	v1 =	vmul.f32 v47, v10  }
0x4f0: {  	v62 =	vld [tilespmem:s4+$0xFFFFFFA0];
	v58 =	vmul.f32 v51, v10;
	[tilespmem:s4+$0xFFFFFF10] =	vst v55  }
0x4f1: {  	v63 =	vld [tilespmem:s4+$0xFFFFFFB0];
	v3 =	vbroadcast v17, $0x0;
	[tilespmem:s4+$0xFFFFFF00] =	vst v1;
	v1 =	vmul.f32 v50, v10  }
0x4f2: {  	v15 =	vld [tilespmem:s4+$0xFFFFFFC0];
	v61 =	vmul.f32 v54, v10;
	[tilespmem:s4+$0xFFFFFF30] =	vst v58  }
0x4f3: {  	v19 =	vld [tilespmem:s4+$0xFFFFFFF0];
	[tilespmem:s4+$0xFFFFFF20] =	vst v1;
	v1 =	vmul.f32 v53, v10  }
0x4f4: {  	v4 =	vld.idx.msk [tilespmem:v14+s5+$0x0], $0xffff;
	v14 =	vmul.f32 v57, v10;
	[tilespmem:s4+$0xFFFFFF50] =	vst v61  }
0x4f5: {  	v5 =	vld.idx.msk [tilespmem:v22+s5+$0x0], $0xffff;
	[tilespmem:s4+$0xFFFFFF40] =	vst v1;
	v1 =	vmul.f32 v56, v10  }
0x4f6: {  	v17 =	vmul.f32 v60, v12;
	v22 =	vld [tilespmem:s4+$0x10];
	[tilespmem:s4+$0xFFFFFF70] =	vst v14  }
0x4f7: {  	v3 =	vld.idx.msk [tilespmem:v3+s5+$0x0], $0xffff;
	[tilespmem:s4+$0xFFFFFF60] =	vst v1;
	v1 =	vmul.f32 v59, v12  }
0x4f8: {  	v20 =	vmul.f32 v63, v12;
	[tilespmem:s4+$0xFFFFFF90] =	vst v17;
	v18 =	vld [tilespmem:s4+$0xFFFFFFE0]  }
0x4f9: {  	v25 =	vld [tilespmem:s4+$0x30];
	[tilespmem:s4+$0xFFFFFF80] =	vst v1;
	v1 =	vmul.f32 v62, v12  }
0x4fa: {  	v21 =	vld [tilespmem:s4+$0x0];
	v26 =	vmul.f32 v19, v12;
	[tilespmem:s4+$0xFFFFFFB0] =	vst v20  }
0x4fb: {  	v28 =	vld [tilespmem:s4+$0x50];
	[tilespmem:s4+$0xFFFFFFA0] =	vst v1;
	v1 =	vmul.f32 v15, v12  }
0x4fc: {  	[tilespmem:s4+$0xFFFFFFF0] =	vst v26;
	v29 =	vmul.f32 v22, v5;
	v13 =	vmul.f32 v24, v3;
	v24 =	vld [tilespmem:s4+$0x20]  }
0x4fd: {  	v37 =	vld [tilespmem:s4+$0xB0];
	[tilespmem:s4+$0xFFFFFFC0] =	vst v1;
	v1 =	vmul.f32 v18, v12  }
0x4fe: {  	v27 =	vld [tilespmem:s4+$0x40];
	v32 =	vmul.f32 v25, v5;
	[tilespmem:s4+$0x10] =	vst v29  }
0x4ff: {  	[tilespmem:s4+$0xFFFFFFE0] =	vst v1;
	v1 =	vmul.f32 v21, v5  }
0x500: {  	v30 =	vld [tilespmem:s4+$0x60];
	v35 =	vmul.f32 v28, v5;
	[tilespmem:s4+$0x30] =	vst v32  }
0x501: {  	v45 =	vld [tilespmem:s4+$0x110];
	[tilespmem:s4+$0x0] =	vst v1;
	v1 =	vmul.f32 v24, v5  }
0x502: {  	v33 =	vld [tilespmem:s4+$0x80];
	v43 =	vmul.f32 v37, v4;
	[tilespmem:s4+$0x50] =	vst v35  }
0x503: {  	v48 =	vld [tilespmem:s4+$0x130];
	[tilespmem:s4+$0x20] =	vst v1;
	v1 =	vmul.f32 v27, v5  }
0x504: {  	[tilespmem:s4+$0xB0] =	vst v43;
	v36 =	vld [tilespmem:s4+$0xA0]  }
0x505: {  	v34 =	vld [tilespmem:s4+$0x90];
	[tilespmem:s4+$0x40] =	vst v1;
	v1 =	vmul.f32 v30, v5  }
0x506: {  	v38 =	vld [tilespmem:s4+$0xC0];
	v51 =	vmul.f32 v45, v3;
	[tilespmem:s4+$0x170] =	vst v13  }
0x507: {  	v16 =	vld [tilespmem:s4+$0xFFFFFFD0];
	[tilespmem:s4+$0x60] =	vst v1;
	v1 =	vmul.f32 v33, v4  }
0x508: {  	v41 =	vld [tilespmem:s4+$0xE0];
	v54 =	vmul.f32 v48, v3;
	[tilespmem:s4+$0x110] =	vst v51  }
0x509: {  	v39 =	vld [tilespmem:s4+$0xD0];
	[tilespmem:s4+$0x80] =	vst v1;
	v1 =	vmul.f32 v36, v4  }
0x50a: {  	[tilespmem:s4+$0x130] =	vst v54;
	v40 =	vmul.f32 v34, v4;
	v44 =	vld [tilespmem:s4+$0x100]  }
0x50b: {  	v50 =	vld [tilespmem:s4+$0x150];
	[tilespmem:s4+$0xA0] =	vst v1;
	v1 =	vmul.f32 v38, v4  }
0x50c: {  	[tilespmem:s4+$0x90] =	vst v40;
	v23 =	vmul.f32 v16, v12;
	v47 =	vld [tilespmem:s4+$0x120]  }
0x50d: {  	v53 =	vld [tilespmem:s4+$0x180];
	[tilespmem:s4+$0xC0] =	vst v1;
	v1 =	vmul.f32 v41, v4  }
0x50e: {  	v49 =	vld [tilespmem:s4+$0x140];
	v46 =	vmul.f32 v39, v4;
	[tilespmem:s4+$0xFFFFFFD0] =	vst v23  }
0x50f: {  	v56 =	vld [tilespmem:s4+$0x1A0];
	[tilespmem:s4+$0xE0] =	vst v1;
	v1 =	vmul.f32 v44, v3  }
0x510: {  	v52 =	vld [tilespmem:s4+$0x160];
	[tilespmem:s4+$0xD0] =	vst v46;
	v57 =	vmul.f32 v50, v3  }
0x511: {  	v31 =	vld [tilespmem:s4+$0x70];
	[tilespmem:s4+$0x100] =	vst v1;
	v1 =	vmul.f32 v47, v3  }
0x512: {  	v55 =	vld [tilespmem:s4+$0x190];
	[tilespmem:s4+$0x150] =	vst v57;
	v59 =	vmul.f32 v53, v2  }
0x513: {  	v42 =	vld [tilespmem:s4+$0xF0];
	[tilespmem:s4+$0x120] =	vst v1;
	v1 =	vmul.f32 v49, v3  }
0x514: {  	v58 =	vld [tilespmem:s4+$0x1B0];
	[tilespmem:s4+$0x180] =	vst v59;
	v62 =	vmul.f32 v56, v2  }
0x515: {  	[tilespmem:s4+$0x140] =	vst v1;
	v1 =	vmul.f32 v52, v3;
	v3 =	vld [tilespmem:s4+$0x1C0]  }
0x516: {  	v60 =	vld [tilespmem:s4+$0x1D0];
	[tilespmem:s4+$0x1A0] =	vst v62;
	v5 =	vmul.f32 v31, v5  }
0x517: {  	v61 =	vld [tilespmem:s4+$0x1E0];
	[tilespmem:s4+$0x160] =	vst v1;
	v1 =	vmul.f32 v55, v2  }
0x518: {  	v63 =	vld [tilespmem:s4+$0x1F0];
	[tilespmem:s4+$0x70] =	vst v5;
	v4 =	vmul.f32 v42, v4  }
0x519: {  	[tilespmem:s4+$0x190] =	vst v1;
	v1 =	vmul.f32 v58, v2  }
0x51a: {  	[tilespmem:s4+$0xF0] =	vst v4;
	v3 =	vmul.f32 v3, v2  }
0x51b: {  	[tilespmem:s4+$0x1B0] =	vst v1;
	v1 =	vmul.f32 v60, v2  }
0x51c: {  	[tilespmem:s4+$0x1C0] =	vst v3;
	v3 =	vmul.f32 v61, v2  }
0x51d: {  	[tilespmem:s4+$0x1D0] =	vst v1;
	v1 =	vmul.f32 v63, v2  }
0x51e: {  	[tilespmem:s4+$0x1E0] =	vst v3  }
0x51f: {  	[tilespmem:s4+$0x1F0] =	vst v1  }
0x520: {  	[spmem:s14] =	stream.indirect.scatter.add.f32 [tilespmem:s5], [sflag:$0xC], $0x1, s25, s15, $0xb8;
	[tilespmem:$0x1FB00] =	vst v63  }
0x521: {  	s4 =	simm.s32 @!p0 $0x6  }
0x522: {  	[spmem:s13] =	stream.indirect.scatter.add.f32 [tilespmem:s22], [sflag:$0x8], $0x80, s25, s15, $0xb8;
	[tilespmem:$0x1FB00] =	vst v63  }
0x523: {  	_ =	swait.ge @!p0 [sflag:s4], $0x2800  }
0x524: {  	[sflag:s4] =	ssyncset.done @!p0 $0x0  }
0x525: {  	[sflag:s4] =	ssyncadd.s32 @!p0 $0xFFFFD800;
	s4 =	simm.s32 @!p0 $0xA  }
0x526: {  	_ =	swait.ge @!p0 [sflag:s4], $0x50  }
0x527: {  	s6 =	sadd.s32 @!p1 s31, s29;
	[sflag:s4] =	ssyncset.done @!p0 $0x0  }
0x528: {  	[sflag:s4] =	ssyncadd.s32 @!p0 $0xFFFFFFB0;
	s4 =	sshrl.u32 @!p1 s6, $0x3  }
0x529: {  	s9 =	simm.s32 @!p1 $0x0;
	s16 =	simm.s32 @!p1 $0x2D80;
	s6 =	sadd.s32 @!p1 s17, s4  }
0x52a: {  	[tilespmem:s16], [sflag:$0xD] =	stream.linear.gather @!p1 [hbm4b:s6+s9], $0x180, $0x38;
	[tilespmem:$0x1FB00] =	vst v63  }
0x52b: {  	s6 =	simm.s32 @!p1 $0xD  }
0x52c: {  	_ =	swait.ge @!p1 [sflag:s6], $0x180  }
0x52d: {  	[sflag:s6] =	ssyncset.done @!p1 $0x0  }
0x52e: {  	s4 =	sadd.s32 @!p1 s18, s4;
	s16 =	simm.s32 @!p1 $0x2F80;
	[sflag:s6] =	ssyncadd.s32 @!p1 $0xFFFFFE80  }
0x52f: {  	[tilespmem:s16], [sflag:$0xD] =	stream.linear.gather @!p1 [hbm4b:s4+s9], $0x180, $0x38;
	[tilespmem:$0x1FB00] =	vst v63  }
0x530: {  	_ =	swait.ge @!p1 [sflag:s6], $0x180  }
0x531: {  	s4 =	sadd.s32 @!p0 $0x2D80, s7;
	[sflag:s6] =	ssyncset.done @!p1 $0x0  }
0x532: {  	s9 =	simm.s32 @!p0 $0x3300;
	[sflag:s6] =	ssyncadd.s32 @!p1 $0xFFFFFE80;
	s6 =	simm.s32 @!p0 $0x50  }
0x533: {  	[tilespmem:s9], [sflag:$0x2] =	stream.indirect.gather @!p0 [hbm4b:s0+s6], $0x80, s4, s6, $0xb8;
	[tilespmem:$0x1FB00] =	vst v63  }
0x534: {  	s9 =	simm.s32 @!p0 $0x3180  }
0x535: {  	[tilespmem:s9], [sflag:$0x2] =	stream.indirect.gather @!p0 [hbm4b:s1+s6], $0x1, s4, s6, $0xb8;
	[tilespmem:$0x1FB00] =	vst v63  }
0x536: {  	p1 =	sne.s32 @!p0 s24, $0x21;
	s4 =	sadd.s32 @!p0 $0x2F80, s7;
	s7 =	simm.s32 @!p0 $0x3200  }
0x537: {  	[tilespmem:s7], [sflag:$0x2] =	stream.indirect.gather @!p0 [hbm4b:s2+s6], $0x1, s4, s6, $0xb8;
	[tilespmem:$0x1FB00] =	vst v63  }
0x538: {  	p0 =	por p0, !p1  }
.Ltmp8:
0x539: {  	_ = 	snop;
	(pc) =	sbr.rel @!p0 .LBB2_4-.Ltmp8, $2  }
0x53a: {  	_ =	sdelay $0x2  }
0x53b: {  	s31 =	smov.u32 s24  }
0x53c: {  	s4 =	simm.s32 $0x5  }
0x53d: {  	_ =	swait.ge [sflag:s4], $0x2800  }
0x53e: {  	[sflag:s4] =	ssyncset.done $0x0  }
0x53f: {  	s6 =	simm.s32 $0x9;
	[sflag:s4] =	ssyncadd.s32 $0xFFFFD800  }
0x540: {  	_ =	swait.ge [sflag:s6], $0x50  }
0x541: {  	[sflag:s6] =	ssyncset.done $0x0  }
0x542: {  	s7 =	simm.s32 $0x6;
	[sflag:s6] =	ssyncadd.s32 $0xFFFFFFB0  }
0x543: {  	_ =	swait.ge [sflag:s7], $0x2800  }
0x544: {  	[sflag:s7] =	ssyncset.done $0x0  }
0x545: {  	s9 =	simm.s32 $0xA;
	[sflag:s7] =	ssyncadd.s32 $0xFFFFD800  }
0x546: {  	_ =	swait.ge [sflag:s9], $0x50  }
0x547: {  	[sflag:s9] =	ssyncset.done $0x0  }
0x548: {  	s11 =	simm.s32 $0x7;
	[sflag:s9] =	ssyncadd.s32 $0xFFFFFFB0  }
0x549: {  	_ =	swait.ge [sflag:s11], $0x2800  }
0x54a: {  	[sflag:s11] =	ssyncset.done $0x0  }
0x54b: {  	s16 =	simm.s32 $0xB;
	[sflag:s11] =	ssyncadd.s32 $0xFFFFD800  }
0x54c: {  	_ =	swait.ge [sflag:s16], $0x50  }
0x54d: {  	[sflag:s16] =	ssyncset.done $0x0  }
0x54e: {  	s19 =	simm.s32 $0x8;
	[sflag:s16] =	ssyncadd.s32 $0xFFFFFFB0  }
0x54f: {  	_ =	swait.ge [sflag:s19], $0x2800  }
0x550: {  	[sflag:s19] =	ssyncset.done $0x0  }
0x551: {  	s22 =	simm.s32 $0xC;
	[sflag:s19] =	ssyncadd.s32 $0xFFFFD800  }
0x552: {  	_ =	swait.ge [sflag:s22], $0x50  }
0x553: {  	[sflag:s22] =	ssyncset.done $0x0  }
0x554: {  	[sflag:s22] =	ssyncadd.s32 $0xFFFFFFB0  }
0x555: {  	[bflag:$0x0] =	sbarrier.arrive $0xFFFF  }
0x556: {  	s7 =	simm.s32 $0x580;
	s24 =	rddreg [dreg:$0x12]  }
0x557: {  	[tilespmem:s7], [sflag:$0xD] =	stream.linear.gather [spmem:s24], $0x2800, $0x38;
	[tilespmem:$0x1FB00] =	vst v63  }
0x558: {  	_ =	swait.ge [sflag:s10], $0x2800  }
0x559: {  	[sflag:s10] =	ssyncset.done $0x0  }
0x55a: {  	s4 =	simm.s32 $0x0;
	s6 =	rddreg [dreg:$0x9];
	[sflag:s10] =	ssyncadd.s32 $0xFFFFD800  }
0x55b: {  	[hbm4b:s6+s4] =	stream.linear.scatter [tilespmem:s7], [sflag:$0xD], $0x2800, $0x38;
	[tilespmem:$0x1FB00] =	vst v63  }
0x55c: {  	_ =	swait.ge [sflag:s10], $0x2800  }
0x55d: {  	[sflag:s10] =	ssyncset.done $0x0  }
0x55e: {  	s29 =	simm.s32 $0x3300;
	s25 =	rddreg [dreg:$0x13];
	[sflag:s10] =	ssyncadd.s32 $0xFFFFD800  }
0x55f: {  	[tilespmem:s29], [sflag:$0xD] =	stream.linear.gather [spmem:s25], $0x2800, $0x38;
	[tilespmem:$0x1FB00] =	vst v63  }
0x560: {  	_ =	swait.ge [sflag:s10], $0x2800  }
0x561: {  	[sflag:s10] =	ssyncset.done $0x0  }
0x562: {  	s23 =	rddreg [dreg:$0xa];
	[sflag:s10] =	ssyncadd.s32 $0xFFFFD800  }
0x563: {  	[hbm4b:s23+s4] =	stream.linear.scatter [tilespmem:s29], [sflag:$0xD], $0x2800, $0x38;
	[tilespmem:$0x1FB00] =	vst v63  }
0x564: {  	_ =	swait.ge [sflag:s10], $0x2800  }
0x565: {  	[sflag:s10] =	ssyncset.done $0x0  }
0x566: {  	s31 =	rddreg [dreg:$0x14];
	[sflag:s10] =	ssyncadd.s32 $0xFFFFD800  }
0x567: {  	[tilespmem:s7], [sflag:$0xD] =	stream.linear.gather [spmem:s31], $0x2800, $0x38;
	[tilespmem:$0x1FB00] =	vst v63  }
0x568: {  	_ =	swait.ge [sflag:s10], $0x2800  }
0x569: {  	[sflag:s10] =	ssyncset.done $0x0  }
0x56a: {  	s9 =	rddreg [dreg:$0xb];
	[sflag:s10] =	ssyncadd.s32 $0xFFFFD800  }
0x56b: {  	[hbm4b:s9+s4] =	stream.linear.scatter [tilespmem:s7], [sflag:$0xD], $0x2800, $0x38;
	[tilespmem:$0x1FB00] =	vst v63  }
0x56c: {  	_ =	swait.ge [sflag:s10], $0x2800  }
0x56d: {  	[sflag:s10] =	ssyncset.done $0x0  }
0x56e: {  	s11 =	rddreg [dreg:$0x15];
	[sflag:s10] =	ssyncadd.s32 $0xFFFFD800  }
0x56f: {  	[tilespmem:s29], [sflag:$0xD] =	stream.linear.gather [spmem:s11], $0x2800, $0x38;
	[tilespmem:$0x1FB00] =	vst v63  }
0x570: {  	_ =	swait.ge [sflag:s10], $0x2800  }
0x571: {  	[sflag:s10] =	ssyncset.done $0x0  }
0x572: {  	s16 =	rddreg [dreg:$0xc];
	[sflag:s10] =	ssyncadd.s32 $0xFFFFD800  }
0x573: {  	[hbm4b:s16+s4] =	stream.linear.scatter [tilespmem:s29], [sflag:$0xD], $0x2800, $0x38;
	[tilespmem:$0x1FB00] =	vst v63  }
0x574: {  	_ =	swait.ge [sflag:s10], $0x2800  }
0x575: {  	[sflag:s10] =	ssyncset.done $0x0  }
0x576: {  	s9 =	rddreg [dreg:$0x16];
	[sflag:s10] =	ssyncadd.s32 $0xFFFFD800  }
0x577: {  	[tilespmem:s7], [sflag:$0xD] =	stream.linear.gather [spmem:s9], $0x2800, $0x38;
	[tilespmem:$0x1FB00] =	vst v63  }
0x578: {  	_ =	swait.ge [sflag:s10], $0x2800  }
0x579: {  	[sflag:s10] =	ssyncset.done $0x0  }
0x57a: {  	s19 =	rddreg [dreg:$0xd];
	[sflag:s10] =	ssyncadd.s32 $0xFFFFD800  }
0x57b: {  	[hbm4b:s19+s4] =	stream.linear.scatter [tilespmem:s7], [sflag:$0xD], $0x2800, $0x38;
	[tilespmem:$0x1FB00] =	vst v63  }
0x57c: {  	_ =	swait.ge [sflag:s10], $0x2800  }
0x57d: {  	[sflag:s10] =	ssyncset.done $0x0  }
0x57e: {  	s16 =	rddreg [dreg:$0x17];
	[sflag:s10] =	ssyncadd.s32 $0xFFFFD800  }
0x57f: {  	[tilespmem:s29], [sflag:$0xD] =	stream.linear.gather [spmem:s16], $0x2800, $0x38;
	[tilespmem:$0x1FB00] =	vst v63  }
0x580: {  	_ =	swait.ge [sflag:s10], $0x2800  }
0x581: {  	[sflag:s10] =	ssyncset.done $0x0  }
0x582: {  	s22 =	rddreg [dreg:$0xe];
	[sflag:s10] =	ssyncadd.s32 $0xFFFFD800  }
0x583: {  	[hbm4b:s22+s4] =	stream.linear.scatter [tilespmem:s29], [sflag:$0xD], $0x2800, $0x38;
	[tilespmem:$0x1FB00] =	vst v63  }
0x584: {  	_ =	swait.ge [sflag:s10], $0x2800  }
0x585: {  	[sflag:s10] =	ssyncset.done $0x0  }
0x586: {  	s19 =	rddreg [dreg:$0x18];
	[sflag:s10] =	ssyncadd.s32 $0xFFFFD800  }
0x587: {  	[tilespmem:s7], [sflag:$0xD] =	stream.linear.gather [spmem:s19], $0x2800, $0x38;
	[tilespmem:$0x1FB00] =	vst v63  }
0x588: {  	_ =	swait.ge [sflag:s10], $0x2800  }
0x589: {  	[sflag:s10] =	ssyncset.done $0x0  }
0x58a: {  	s23 =	rddreg [dreg:$0xf];
	[sflag:s10] =	ssyncadd.s32 $0xFFFFD800  }
0x58b: {  	[hbm4b:s23+s4] =	stream.linear.scatter [tilespmem:s7], [sflag:$0xD], $0x2800, $0x38;
	[tilespmem:$0x1FB00] =	vst v63  }
0x58c: {  	_ =	swait.ge [sflag:s10], $0x2800  }
0x58d: {  	[sflag:s10] =	ssyncset.done $0x0  }
0x58e: {  	s11 =	rddreg [dreg:$0x19];
	[sflag:s10] =	ssyncadd.s32 $0xFFFFD800  }
0x58f: {  	[tilespmem:s29], [sflag:$0xD] =	stream.linear.gather [spmem:s11], $0x2800, $0x38;
	[tilespmem:$0x1FB00] =	vst v63  }
0x590: {  	_ =	swait.ge [sflag:s10], $0x2800  }
0x591: {  	[sflag:s10] =	ssyncset.done $0x0  }
0x592: {  	s22 =	rddreg [dreg:$0x10];
	[sflag:s10] =	ssyncadd.s32 $0xFFFFD800  }
0x593: {  	[hbm4b:s22+s4] =	stream.linear.scatter [tilespmem:s29], [sflag:$0xD], $0x2800, $0x38;
	[tilespmem:$0x1FB00] =	vst v63  }
0x594: {  	_ =	swait.ge [sflag:s10], $0x2800  }
0x595: {  	[sflag:s10] =	ssyncset.done $0x0  }
0x596: {  	s7 =	simm.s32 $0xB600;
	s6 =	rddreg [dreg:$0x1a];
	[sflag:s10] =	ssyncadd.s32 $0xFFFFD800  }
0x597: {  	[tilespmem:s7], [sflag:$0xD] =	stream.linear.gather [spmem:s6], $0x280, $0x38;
	[tilespmem:$0x1FB00] =	vst v63  }
0x598: {  	_ =	swait.ge [sflag:s10], $0x280  }
0x599: {  	s11 =	simm.s32 $0x80;
	[sflag:s10] =	ssyncset.done $0x0  }
0x59a: {  	s22 =	simm.s32 $0x100;
	s4 =	rddreg [dreg:$0x11];
	[sflag:s10] =	ssyncadd.s32 $0xFFFFFD80  }
0x59b: {  	[hbm4b:s4+s11] =	stream.strided.scatter [tilespmem:s7], [sflag:$0xD], $0x280, s22, s11, $0x38;
	[tilespmem:$0x1FB00] =	vst v63  }
0x59c: {  	_ =	swait.ge [sflag:s10], $0x280  }
0x59d: {  	s4 =	sld [smem:$0x7FA];
	_ =	sdelay $0x2  }
0x59e: {  	s7 =	sadd.s32 $0x1, s4;
	s4 =	rddreg [dreg:$0x1f]  }
0x59f: {  	p0 =	sne.s32 s7, s4  }
.Ltmp9:
0x5a0: {  	_ = 	snop;
	(pc) =	sbr.rel @p0 .LBB2_1-.Ltmp9, $3  }
0x5a1: {  	_ =	sdelay $0x1  }
0x5a2: {  	s23 =	simm.s32 $0x3300;
	s29 =	simm.s32 $0xB600;
	[sflag:s10] =	ssyncset.done $0x0  }
0x5a3: {  	s22 =	simm.s32 $0x8E00;
	s11 =	simm.s32 $0x6080;
	[sflag:s10] =	ssyncadd.s32 $0xFFFFFD80  }
0x5a4: {  	_ =	sfence.sel $0x180000  }
0x5a5: {  	[bflag:$0x0] =	sbarrier.arrive $0xFFFF  }
0x5a6: {  	_ =	strace $0x90000047  }
0x5a7: {  	s0 =	stileid.u32;
	[bflag:$0x2] =	sbarrier.arrive $0xFFFF  }
0x5a8: {  	p0 =	sne.s32 s0, $0x0;
	s0 =	rddreg [dreg:$0x8]  }
0x5a9: {  	s0 =	sadd.s32 @!p0 $0x100000, s0  }
0x5aa: {  	[sflag:s0] =	ssyncadd.tile.s32 @!p0 $0x1;
	_ =	shalt  }
.Lfunc_end2:
_tile_overlayer_lowered:
.L_overlay_start_2:
0x5ab: {  	(tag) =	ssettag $0x2  }
0x5ac: {  	s0 =	rddreg [dreg:$0x0];
	s2 =	stileid.u32  }
0x5ad: {  	s1 =	rddreg [dreg:$0x1];
	p0 =	sne.s32 s2, $0x0  }
0x5ae: {  	s3 =	rddreg [dreg:$0x2];
	[bflag:$0x3] =	sbarrier.arrive $0xFFFF;
	s2 =	simm.s32 @!p0 $0x1C0D  }
0x5af: {  	[timem:s3], [sflag:s2] =	dma.local @!p0 [hbm:s0], s1  }
0x5b0: {  	s0 =	simm.s32 @!p0 $0xD  }
0x5b1: {  	_ =	swait.ge @!p0 [sflag:s0], s1  }
0x5b2: {  	s1 =	ssub.s32 @!p0 $0x0, s1;
	[sflag:s0] =	ssyncset.done @!p0 $0x0  }
0x5b3: {  	[sflag:s0] =	ssyncadd.s32 @!p0 s1  }
0x5b4: {  	[bflag:$0x3] =	sbarrier.arrive $0xFFFF  }
0x5b5: {  	_ =	shalt  }

</sc_bundles>
